<compile_context>
chip_gen: v7x
topology: tpu7x:2x2x1
jax: 0.10.2.dev20260603
libtpu: 0.0.44.dev20260713+nightly
codegen_flags: <defaults>
</compile_context>

<pallas_src>
import functools

import jax
import jax.numpy as jnp
from jax import lax
from jax.experimental import pallas as pl
from jax.experimental.pallas import tpu as pltpu
from jax.experimental.pallas import tpu_sc as plsc

_BS = 1024
_CIN = 2
_HW = 1024
_ZD = 64
_NCH = 3
_LANES = 16
_LTILE = 128
_WAVE = 4
_NBUF = 2


def _sc_gather(idx_i32, table_t):
    info = plsc.get_sparse_core_info()
    num_cores = info.num_cores
    nw = num_cores * info.num_subcores
    bpw = _BS // nw
    mesh = plsc.VectorSubcoreMesh(core_axis_name="c", subcore_axis_name="s")

    @functools.partial(
        pl.kernel,
        mesh=mesh,
        out_type=jax.ShapeDtypeStruct((_BS, _ZD), jnp.float32),
        compiler_params=pltpu.CompilerParams(needs_layout_passes=False),
        scratch_types=[
            pltpu.VMEM((bpw,), jnp.int32),
            pltpu.VMEM((_NBUF, _WAVE, _ZD, _LTILE), jnp.float32),
            pltpu.VMEM((bpw, _ZD), jnp.float32),
            pltpu.SemaphoreType.DMA,
        ],
    )
    def gather_kernel(idx_hbm, table_hbm, out_hbm, idx_v, slab_v, rows_v,
                      sem):
        wid = lax.axis_index("s") * num_cores + lax.axis_index("c")
        base = wid * bpw
        pltpu.sync_copy(idx_hbm.at[pl.ds(base, bpw)], idx_v)
        lane = lax.broadcasted_iota(jnp.int32, (_LANES,), 0)
        zlane = lax.broadcasted_iota(jnp.int32, (_LANES,), 0)
        n_waves = bpw // _WAVE

        def fire(wave):
            entries = []
            for s in range(_WAVE):
                j = wave * _WAVE + s
                vals = idx_v[pl.ds((j // _LANES) * _LANES, _LANES)]
                r = jnp.max(jnp.where(lane == (j % _LANES), vals, 0))
                cp = pltpu.async_copy(
                    table_hbm.at[:, pl.ds((r // _LTILE) * _LTILE, _LTILE)],
                    slab_v.at[wave % _NBUF, s],
                    sem,
                )
                entries.append((r, cp))
            return entries

        def extract(wave, entries):
            for s in range(_WAVE):
                j = wave * _WAVE + s
                r, _ = entries[s]
                bvec = jnp.full((_LANES,), wave % _NBUF, jnp.int32)
                svec = jnp.full((_LANES,), s, jnp.int32)
                lvec = jnp.full((_LANES,), r % _LTILE, jnp.int32)
                for k in range(_ZD // _LANES):
                    feats = plsc.load_gather(
                        slab_v, [bvec, svec, zlane + k * _LANES, lvec])
                    rows_v[j, pl.ds(k * _LANES, _LANES)] = feats

        prev = fire(0)
        for wave in range(1, n_waves):
            cur = fire(wave)
            for _, cp in prev:
                cp.wait()
            extract(wave - 1, prev)
            prev = cur
        for _, cp in prev:
            cp.wait()
        extract(n_waves - 1, prev)
        pltpu.sync_copy(rows_v, out_hbm.at[pl.ds(base, bpw)])

    return gather_kernel(idx_i32, table_t)


def _dense_body(lc_ref, lat_ref, wt_ref, ws_ref, b_ref, out_ref):
    v = lax.dot_general(
        wt_ref[:, 2:], lat_ref[...],
        dimension_numbers=(((1,), (1,)), ((), ())),
        preferred_element_type=jnp.float32,
    )
    lc0 = lc_ref[0, :, :]
    lc1 = lc_ref[1, :, :]
    for ch in range(_NCH):
        out_ref[ch, :, :] = (
            lc0 * ws_ref[ch, 0]
            + lc1 * ws_ref[ch, 1]
            + (v[ch, :] + b_ref[ch])[None, :]
        )


def _dense(lc_t, lat, w_t, b_syn, block_hw=512):
    grid = (_HW // block_hw,)
    return pl.pallas_call(
        _dense_body,
        grid=grid,
        in_specs=[
            pl.BlockSpec((_CIN, block_hw, _BS), lambda i: (0, i, 0)),
            pl.BlockSpec((_BS, _ZD), lambda i: (0, 0)),
            pl.BlockSpec((_NCH, _CIN + _ZD), lambda i: (0, 0)),
            pl.BlockSpec(memory_space=pltpu.SMEM),
            pl.BlockSpec(memory_space=pltpu.SMEM),
        ],
        out_specs=pl.BlockSpec((_NCH, block_hw, _BS), lambda i: (0, i, 0)),
        out_shape=jax.ShapeDtypeStruct((_NCH, _HW, _BS), jnp.float32),
    )(lc_t, lat, w_t, w_t, b_syn)


def kernel(local_coords, idx, latent_codes, W_syn, b_syn):
    bs, c, h, w = local_coords.shape
    lc_t = jnp.transpose(local_coords, (1, 2, 3, 0)).reshape(c, h * w, bs)
    table_t = jnp.transpose(latent_codes, (1, 0))
    lat = _sc_gather(idx.astype(jnp.int32), table_t)
    w_t = jnp.transpose(W_syn, (1, 0))
    out_t = _dense(lc_t, lat, w_t, b_syn)
    return jnp.transpose(out_t.reshape(_NCH, h, w, bs), (3, 0, 1, 2))

# --- scband reference (transcript-rebuilt; emitter-appended) ---
"""Pipeline reference for scband-local-model-58987080843912 (READ-ONLY COPY).

The authoritative reference and input builder live on the scoring server;
editing this copy changes nothing except your own understanding.
"""

import jax, jax.numpy as jnp
import numpy as np

NUM_CELLS = 1000000
Z_DIM = 64
BS, C, H, W = 1024, 2, 32, 32
NC = 3

def setup_inputs(seed: int = 0) -> dict:
    key = jax.random.key(seed)
    k1, k2, k3, k4, k5 = jax.random.split(key, 5)
    local_coords = jax.random.normal(k1, (BS, C, H, W), dtype=jnp.float32)
    idx = jax.random.randint(k2, (BS,), 0, NUM_CELLS, dtype=jnp.int64)
    latent_codes = jax.random.normal(k3, (NUM_CELLS, Z_DIM), dtype=jnp.float32)
    W_syn = jax.random.normal(k4, (C + Z_DIM, NC), dtype=jnp.float32) * 0.05
    b_syn = jnp.zeros((NC,), dtype=jnp.float32)
    return {"local_coords": local_coords, "idx": idx, "latent_codes": latent_codes, "W_syn": W_syn, "b_syn": b_syn}

def reference(local_coords, idx, latent_codes, W_syn, b_syn):
    bs, c, h, w = local_coords.shape
    # embedding lookup: gather latent codes by cell index
    latent = jnp.take(latent_codes, idx, axis=0)            # [bs, z]
    zdim = latent.shape[1]
    latent = latent[:, :, None, None]                        # [bs, z, 1, 1]
    latent = jnp.broadcast_to(latent, (bs, zdim, h, w))      # repeat over h, w
    lcoords = jnp.transpose(local_coords, (0, 2, 3, 1)).reshape(-1, c)
    latent = jnp.transpose(latent, (0, 2, 3, 1)).reshape(-1, zdim)
    feat = jnp.concatenate([lcoords, latent], axis=1)        # [bs*h*w, c+z]
    out = feat @ W_syn + b_syn                               # synthesizer (linear head)
    nc = out.shape[1]
    out = out.reshape(bs, h, w, nc)
    out = jnp.transpose(out, (0, 3, 1, 2))                   # [bs, nc, h, w]
    return out

if __name__ == "__main__":
    import jax
    _d = setup_inputs()
    print(jax.jit(kernel)(*tuple(_d.values())))

</pallas_src>

<mosaic_0001>
#map = affine_map<(d0, d1) -> (0)>
#map1 = affine_map<(d0, d1) -> (0, 0)>
module attributes {stable_mosaic.version = 14 : i64} {
  func.func @gather_kernel(%arg0: i32, %arg1: i32, %arg2: memref<1024xi32, #tpu.memory_space<hbm>>, %arg3: memref<64x1000000xf32, #tpu.memory_space<hbm>>, %arg4: memref<1024x64xf32, #tpu.memory_space<hbm>>, %arg5: memref<32xi32, #tpu.memory_space<vmem>>, %arg6: memref<2x4x64x128xf32, #tpu.memory_space<vmem>>, %arg7: memref<32x64xf32, #tpu.memory_space<vmem>>, %arg8: memref<!tpu.dma_semaphore, #tpu.memory_space<semaphore_mem>>) attributes {dimension_semantics = [#tpu.dimension_semantics<core_parallel>, #tpu.dimension_semantics<subcore_parallel>], iteration_bounds = array<i64: 2, 16>, scalar_prefetch = 0 : i64, scratch_operands = 4 : i64, tpu.core_type = #tpu.core_type<sc_vector_subcore>, window_params = [{transform_indices = #map}, {transform_indices = #map1}, {transform_indices = #map1}]} {
    %mul3A = arith.constant 2 : i32
    %mul3A_0 = arith.muli %arg1, %mul3A : i32
    %add3A = arith.addi %mul3A_0, %arg0 : i32
    %mul3A_1 = arith.constant 32 : i32
    %mul3A_2 = arith.muli %add3A, %mul3A_1 : i32
    "tpu.region"() ({
      %run_scoped3A = tpu.sem_alloc : memref<!tpu.dma_semaphore, #tpu.memory_space<semaphore_mem>>
      %dma_start3A_3923 = tpu.memref_slice %arg2[%mul3A_2] : memref<1024xi32, #tpu.memory_space<hbm>> -> memref<32xi32, #tpu.memory_space<hbm>>
      %dma_start3A_3924 = tpu.memref_slice %arg2[%mul3A_2] : memref<1024xi32, #tpu.memory_space<hbm>> -> memref<32xi32, #tpu.memory_space<hbm>>
      tpu.enqueue_dma source(%dma_start3A_3924 : memref<32xi32, #tpu.memory_space<hbm>>) target(%arg5 : memref<32xi32, #tpu.memory_space<vmem>>) target_semaphore(%run_scoped3A : memref<!tpu.dma_semaphore, #tpu.memory_space<semaphore_mem>>)
      %dma_wait3A_3925 = tpu.memref_slice %arg2[%mul3A_2] : memref<1024xi32, #tpu.memory_space<hbm>> -> memref<32xi32, #tpu.memory_space<hbm>>
      %dma_wait3A_3926 = tpu.memref_slice %arg2[%mul3A_2] : memref<1024xi32, #tpu.memory_space<hbm>> -> memref<32xi32, #tpu.memory_space<hbm>>
      tpu.wait_dma2 semaphore(%run_scoped3A : memref<!tpu.dma_semaphore, #tpu.memory_space<semaphore_mem>>) src(%dma_wait3A_3926 : memref<32xi32, #tpu.memory_space<hbm>>) dst(%arg5 : memref<32xi32, #tpu.memory_space<vmem>>)
      tpu.yield
    }) : () -> ()
    %iota3A = tpu.iota {dimensions = array<i32: 0>} : vector<16xi32>
    %iota3A_3 = tpu.iota {dimensions = array<i32: 0>} : vector<16xi32>
    %get3A = arith.constant 0 : index
    %get3A_4 = tpu.vector_load %arg5[%get3A] {strides = array<i32>} : memref<32xi32, #tpu.memory_space<vmem>>, vector<16xi32>,
    %eq3A = arith.constant 0 : i32
    %eq3A_5 = vector.broadcast %eq3A : i32 to vector<16xi32>
    %eq3A_6 = arith.cmpi eq, %iota3A, %eq3A_5 : vector<16xi32>
    %jit3A = arith.constant 0 : i32
    %broadcast_in_dim3A = vector.broadcast %jit3A : i32 to vector<16xi32>
    %select_n3A = arith.select %eq3A_6, %get3A_4, %broadcast_in_dim3A : vector<16xi1>, vector<16xi32>
    %reduce_max3A = arith.constant true
    %reduce_max3A_7 = vector.broadcast %reduce_max3A : i1 to vector<16xi1>
    %reduce_max3A_8 = arith.constant -2147483648 : i32
    %reduce_max3A_9 = vector.broadcast %reduce_max3A_8 : i32 to vector<16xi32>
    %reduce_max3A_10 = arith.xori %select_n3A, %reduce_max3A_9 : vector<16xi32>
    %reduce_max3A_11 = tpu.scan <max>, %reduce_max3A_10 masked %reduce_max3A_7 : vector<16xi32>, vector<16xi1> -> vector<16xi32>
    %reduce_max3A_12 = arith.xori %reduce_max3A_11, %reduce_max3A_9 : vector<16xi32>
    %reduce_max3A_13 = vector.extract %reduce_max3A_12[15] : i32 from vector<16xi32>
    %jit3A_14 = arith.constant 128 : i32
    %div3A = arith.divsi %reduce_max3A_13, %jit3A_14 : i32
    %sign3A = arith.constant 0 : i32
    %sign3A_15 = arith.cmpi sgt, %reduce_max3A_13, %sign3A : i32
    %sign3A_16 = arith.extui %sign3A_15 : i1 to i32
    %sign3A_17 = arith.constant 0 : i32
    %sign3A_18 = arith.cmpi slt, %reduce_max3A_13, %sign3A_17 : i32
    %sign3A_19 = arith.extui %sign3A_18 : i1 to i32
    %sign3A_20 = arith.subi %sign3A_16, %sign3A_19 : i32
    %sign3A_21 = arith.constant 0 : i32
    %sign3A_22 = arith.cmpi sgt, %jit3A_14, %sign3A_21 : i32
    %sign3A_23 = arith.extui %sign3A_22 : i1 to i32
    %sign3A_24 = arith.constant 0 : i32
    %sign3A_25 = arith.cmpi slt, %jit3A_14, %sign3A_24 : i32
    %sign3A_26 = arith.extui %sign3A_25 : i1 to i32
    %sign3A_27 = arith.subi %sign3A_23, %sign3A_26 : i32
    %ne3A = arith.cmpi ne, %sign3A_20, %sign3A_27 : i32
    %rem3A = arith.remsi %reduce_max3A_13, %jit3A_14 : i32
    %ne3A_28 = arith.constant 0 : i32
    %ne3A_29 = arith.cmpi ne, %rem3A, %ne3A_28 : i32
    %and3A = arith.andi %ne3A, %ne3A_29 : i1
    %sub3A = arith.constant 1 : i32
    %sub3A_30 = arith.subi %div3A, %sub3A : i32
    %select_n3A_31 = arith.select %and3A, %sub3A_30, %div3A : i32
    %mul3A_32 = arith.constant 128 : i32
    %mul3A_33 = arith.muli %select_n3A_31, %mul3A_32 : i32
    %dma_start3A = arith.constant 0 : i32
    %dma_start3A_34 = arith.constant 0 : i32
    %dma_start3A_35 = arith.constant 0 : i32
    %dma_start3A_36 = arith.constant 0 : i32
    %dma_start3A_37 = tpu.memref_slice %arg6[%dma_start3A, %dma_start3A_34, %dma_start3A_35, %dma_start3A_36] : memref<2x4x64x128xf32, #tpu.memory_space<vmem>> -> memref<1x1x64x128xf32, #tpu.memory_space<vmem>>
    %dma_start3A_38 = tpu.memref_squeeze %dma_start3A_37 : memref<1x1x64x128xf32, #tpu.memory_space<vmem>> -> memref<64x128xf32, #tpu.memory_space<vmem>>
    %dma_start3A_39 = arith.constant 0 : i32
    %dma_start3A_40 = tpu.memref_slice %arg3[%dma_start3A_39, %mul3A_33] : memref<64x1000000xf32, #tpu.memory_space<hbm>> -> memref<64x128xf32, #tpu.memory_space<hbm>>
    %dma_start3A_41 = arith.constant 0 : i32
    %dma_start3A_42 = arith.constant 0 : i32
    %dma_start3A_43 = tpu.memref_slice %arg6[%dma_start3A, %dma_start3A_34, %dma_start3A_41, %dma_start3A_42] : memref<2x4x64x128xf32, #tpu.memory_space<vmem>> -> memref<1x1x64x128xf32, #tpu.memory_space<vmem>>
    %dma_start3A_44 = tpu.memref_squeeze %dma_start3A_43 : memref<1x1x64x128xf32, #tpu.memory_space<vmem>> -> memref<64x128xf32, #tpu.memory_space<vmem>>
    %dma_start3A_45 = arith.constant 0 : i32
    %dma_start3A_46 = tpu.memref_slice %arg3[%dma_start3A_45, %mul3A_33] : memref<64x1000000xf32, #tpu.memory_space<hbm>> -> memref<64x128xf32, #tpu.memory_space<hbm>>
    tpu.enqueue_dma source(%dma_start3A_46 : memref<64x128xf32, #tpu.memory_space<hbm>>) target(%dma_start3A_44 : memref<64x128xf32, #tpu.memory_space<vmem>>) target_semaphore(%arg8 : memref<!tpu.dma_semaphore, #tpu.memory_space<semaphore_mem>>)
    %get3A_47 = arith.constant 0 : index
    %get3A_48 = tpu.vector_load %arg5[%get3A_47] {strides = array<i32>} : memref<32xi32, #tpu.memory_space<vmem>>, vector<16xi32>,
    %eq3A_49 = arith.constant 1 : i32
    %eq3A_50 = vector.broadcast %eq3A_49 : i32 to vector<16xi32>
    %eq3A_51 = arith.cmpi eq, %iota3A, %eq3A_50 : vector<16xi32>
    %jit3A_52 = arith.constant 0 : i32
    %broadcast_in_dim3A_53 = vector.broadcast %jit3A_52 : i32 to vector<16xi32>
    %select_n3A_54 = arith.select %eq3A_51, %get3A_48, %broadcast_in_dim3A_53 : vector<16xi1>, vector<16xi32>
    %reduce_max3A_55 = arith.constant true
    %reduce_max3A_56 = vector.broadcast %reduce_max3A_55 : i1 to vector<16xi1>
    %reduce_max3A_57 = arith.constant -2147483648 : i32
    %reduce_max3A_58 = vector.broadcast %reduce_max3A_57 : i32 to vector<16xi32>
    %reduce_max3A_59 = arith.xori %select_n3A_54, %reduce_max3A_58 : vector<16xi32>
    %reduce_max3A_60 = tpu.scan <max>, %reduce_max3A_59 masked %reduce_max3A_56 : vector<16xi32>, vector<16xi1> -> vector<16xi32>
    %reduce_max3A_61 = arith.xori %reduce_max3A_60, %reduce_max3A_58 : vector<16xi32>
    %reduce_max3A_62 = vector.extract %reduce_max3A_61[15] : i32 from vector<16xi32>
    %jit3A_63 = arith.constant 128 : i32
    %div3A_64 = arith.divsi %reduce_max3A_62, %jit3A_63 : i32
    %sign3A_65 = arith.constant 0 : i32
    %sign3A_66 = arith.cmpi sgt, %reduce_max3A_62, %sign3A_65 : i32
    %sign3A_67 = arith.extui %sign3A_66 : i1 to i32
    %sign3A_68 = arith.constant 0 : i32
    %sign3A_69 = arith.cmpi slt, %reduce_max3A_62, %sign3A_68 : i32
    %sign3A_70 = arith.extui %sign3A_69 : i1 to i32
    %sign3A_71 = arith.subi %sign3A_67, %sign3A_70 : i32
    %sign3A_72 = arith.constant 0 : i32
    %sign3A_73 = arith.cmpi sgt, %jit3A_63, %sign3A_72 : i32
    %sign3A_74 = arith.extui %sign3A_73 : i1 to i32
    %sign3A_75 = arith.constant 0 : i32
    %sign3A_76 = arith.cmpi slt, %jit3A_63, %sign3A_75 : i32
    %sign3A_77 = arith.extui %sign3A_76 : i1 to i32
    %sign3A_78 = arith.subi %sign3A_74, %sign3A_77 : i32
    %ne3A_79 = arith.cmpi ne, %sign3A_71, %sign3A_78 : i32
    %rem3A_80 = arith.remsi %reduce_max3A_62, %jit3A_63 : i32
    %ne3A_81 = arith.constant 0 : i32
    %ne3A_82 = arith.cmpi ne, %rem3A_80, %ne3A_81 : i32
    %and3A_83 = arith.andi %ne3A_79, %ne3A_82 : i1
    %sub3A_84 = arith.constant 1 : i32
    %sub3A_85 = arith.subi %div3A_64, %sub3A_84 : i32
    %select_n3A_86 = arith.select %and3A_83, %sub3A_85, %div3A_64 : i32
    %mul3A_87 = arith.constant 128 : i32
    %mul3A_88 = arith.muli %select_n3A_86, %mul3A_87 : i32
    %dma_start3A_89 = arith.constant 0 : i32
    %dma_start3A_90 = arith.constant 1 : i32
    %dma_start3A_91 = arith.constant 0 : i32
    %dma_start3A_92 = arith.constant 0 : i32
    %dma_start3A_93 = tpu.memref_slice %arg6[%dma_start3A_89, %dma_start3A_90, %dma_start3A_91, %dma_start3A_92] : memref<2x4x64x128xf32, #tpu.memory_space<vmem>> -> memref<1x1x64x128xf32, #tpu.memory_space<vmem>>
    %dma_start3A_94 = tpu.memref_squeeze %dma_start3A_93 : memref<1x1x64x128xf32, #tpu.memory_space<vmem>> -> memref<64x128xf32, #tpu.memory_space<vmem>>
    %dma_start3A_95 = arith.constant 0 : i32
    %dma_start3A_96 = tpu.memref_slice %arg3[%dma_start3A_95, %mul3A_88] : memref<64x1000000xf32, #tpu.memory_space<hbm>> -> memref<64x128xf32, #tpu.memory_space<hbm>>
    %dma_start3A_97 = arith.constant 0 : i32
    %dma_start3A_98 = arith.constant 0 : i32
    %dma_start3A_99 = tpu.memref_slice %arg6[%dma_start3A_89, %dma_start3A_90, %dma_start3A_97, %dma_start3A_98] : memref<2x4x64x128xf32, #tpu.memory_space<vmem>> -> memref<1x1x64x128xf32, #tpu.memory_space<vmem>>
    %dma_start3A_100 = tpu.memref_squeeze %dma_start3A_99 : memref<1x1x64x128xf32, #tpu.memory_space<vmem>> -> memref<64x128xf32, #tpu.memory_space<vmem>>
    %dma_start3A_101 = arith.constant 0 : i32
    %dma_start3A_102 = tpu.memref_slice %arg3[%dma_start3A_101, %mul3A_88] : memref<64x1000000xf32, #tpu.memory_space<hbm>> -> memref<64x128xf32, #tpu.memory_space<hbm>>
    tpu.enqueue_dma source(%dma_start3A_102 : memref<64x128xf32, #tpu.memory_space<hbm>>) target(%dma_start3A_100 : memref<64x128xf32, #tpu.memory_space<vmem>>) target_semaphore(%arg8 : memref<!tpu.dma_semaphore, #tpu.memory_space<semaphore_mem>>)
    %get3A_103 = arith.constant 0 : index
    %get3A_104 = tpu.vector_load %arg5[%get3A_103] {strides = array<i32>} : memref<32xi32, #tpu.memory_space<vmem>>, vector<16xi32>,
    %eq3A_105 = arith.constant 2 : i32
    %eq3A_106 = vector.broadcast %eq3A_105 : i32 to vector<16xi32>
    %eq3A_107 = arith.cmpi eq, %iota3A, %eq3A_106 : vector<16xi32>
    %jit3A_108 = arith.constant 0 : i32
    %broadcast_in_dim3A_109 = vector.broadcast %jit3A_108 : i32 to vector<16xi32>
    %select_n3A_110 = arith.select %eq3A_107, %get3A_104, %broadcast_in_dim3A_109 : vector<16xi1>, vector<16xi32>
    %reduce_max3A_111 = arith.constant true
    %reduce_max3A_112 = vector.broadcast %reduce_max3A_111 : i1 to vector<16xi1>
    %reduce_max3A_113 = arith.constant -2147483648 : i32
    %reduce_max3A_114 = vector.broadcast %reduce_max3A_113 : i32 to vector<16xi32>
    %reduce_max3A_115 = arith.xori %select_n3A_110, %reduce_max3A_114 : vector<16xi32>
    %reduce_max3A_116 = tpu.scan <max>, %reduce_max3A_115 masked %reduce_max3A_112 : vector<16xi32>, vector<16xi1> -> vector<16xi32>
    %reduce_max3A_117 = arith.xori %reduce_max3A_116, %reduce_max3A_114 : vector<16xi32>
    %reduce_max3A_118 = vector.extract %reduce_max3A_117[15] : i32 from vector<16xi32>
    %jit3A_119 = arith.constant 128 : i32
    %div3A_120 = arith.divsi %reduce_max3A_118, %jit3A_119 : i32
    %sign3A_121 = arith.constant 0 : i32
    %sign3A_122 = arith.cmpi sgt, %reduce_max3A_118, %sign3A_121 : i32
    %sign3A_123 = arith.extui %sign3A_122 : i1 to i32
    %sign3A_124 = arith.constant 0 : i32
    %sign3A_125 = arith.cmpi slt, %reduce_max3A_118, %sign3A_124 : i32
    %sign3A_126 = arith.extui %sign3A_125 : i1 to i32
    %sign3A_127 = arith.subi %sign3A_123, %sign3A_126 : i32
    %sign3A_128 = arith.constant 0 : i32
    %sign3A_129 = arith.cmpi sgt, %jit3A_119, %sign3A_128 : i32
    %sign3A_130 = arith.extui %sign3A_129 : i1 to i32
    %sign3A_131 = arith.constant 0 : i32
    %sign3A_132 = arith.cmpi slt, %jit3A_119, %sign3A_131 : i32
    %sign3A_133 = arith.extui %sign3A_132 : i1 to i32
    %sign3A_134 = arith.subi %sign3A_130, %sign3A_133 : i32
    %ne3A_135 = arith.cmpi ne, %sign3A_127, %sign3A_134 : i32
    %rem3A_136 = arith.remsi %reduce_max3A_118, %jit3A_119 : i32
    %ne3A_137 = arith.constant 0 : i32
    %ne3A_138 = arith.cmpi ne, %rem3A_136, %ne3A_137 : i32
    %and3A_139 = arith.andi %ne3A_135, %ne3A_138 : i1
    %sub3A_140 = arith.constant 1 : i32
    %sub3A_141 = arith.subi %div3A_120, %sub3A_140 : i32
    %select_n3A_142 = arith.select %and3A_139, %sub3A_141, %div3A_120 : i32
    %mul3A_143 = arith.constant 128 : i32
    %mul3A_144 = arith.muli %select_n3A_142, %mul3A_143 : i32
    %dma_start3A_145 = arith.constant 0 : i32
    %dma_start3A_146 = arith.constant 2 : i32
    %dma_start3A_147 = arith.constant 0 : i32
    %dma_start3A_148 = arith.constant 0 : i32
    %dma_start3A_149 = tpu.memref_slice %arg6[%dma_start3A_145, %dma_start3A_146, %dma_start3A_147, %dma_start3A_148] : memref<2x4x64x128xf32, #tpu.memory_space<vmem>> -> memref<1x1x64x128xf32, #tpu.memory_space<vmem>>
    %dma_start3A_150 = tpu.memref_squeeze %dma_start3A_149 : memref<1x1x64x128xf32, #tpu.memory_space<vmem>> -> memref<64x128xf32, #tpu.memory_space<vmem>>
    %dma_start3A_151 = arith.constant 0 : i32
    %dma_start3A_152 = tpu.memref_slice %arg3[%dma_start3A_151, %mul3A_144] : memref<64x1000000xf32, #tpu.memory_space<hbm>> -> memref<64x128xf32, #tpu.memory_space<hbm>>
    %dma_start3A_153 = arith.constant 0 : i32
    %dma_start3A_154 = arith.constant 0 : i32
    %dma_start3A_155 = tpu.memref_slice %arg6[%dma_start3A_145, %dma_start3A_146, %dma_start3A_153, %dma_start3A_154] : memref<2x4x64x128xf32, #tpu.memory_space<vmem>> -> memref<1x1x64x128xf32, #tpu.memory_space<vmem>>
    %dma_start3A_156 = tpu.memref_squeeze %dma_start3A_155 : memref<1x1x64x128xf32, #tpu.memory_space<vmem>> -> memref<64x128xf32, #tpu.memory_space<vmem>>
    %dma_start3A_157 = arith.constant 0 : i32
    %dma_start3A_158 = tpu.memref_slice %arg3[%dma_start3A_157, %mul3A_144] : memref<64x1000000xf32, #tpu.memory_space<hbm>> -> memref<64x128xf32, #tpu.memory_space<hbm>>
    tpu.enqueue_dma source(%dma_start3A_158 : memref<64x128xf32, #tpu.memory_space<hbm>>) target(%dma_start3A_156 : memref<64x128xf32, #tpu.memory_space<vmem>>) target_semaphore(%arg8 : memref<!tpu.dma_semaphore, #tpu.memory_space<semaphore_mem>>)
    %get3A_159 = arith.constant 0 : index
    %get3A_160 = tpu.vector_load %arg5[%get3A_159] {strides = array<i32>} : memref<32xi32, #tpu.memory_space<vmem>>, vector<16xi32>,
    %eq3A_161 = arith.constant 3 : i32
    %eq3A_162 = vector.broadcast %eq3A_161 : i32 to vector<16xi32>
    %eq3A_163 = arith.cmpi eq, %iota3A, %eq3A_162 : vector<16xi32>
    %jit3A_164 = arith.constant 0 : i32
    %broadcast_in_dim3A_165 = vector.broadcast %jit3A_164 : i32 to vector<16xi32>
    %select_n3A_166 = arith.select %eq3A_163, %get3A_160, %broadcast_in_dim3A_165 : vector<16xi1>, vector<16xi32>
    %reduce_max3A_167 = arith.constant true
    %reduce_max3A_168 = vector.broadcast %reduce_max3A_167 : i1 to vector<16xi1>
    %reduce_max3A_169 = arith.constant -2147483648 : i32
    %reduce_max3A_170 = vector.broadcast %reduce_max3A_169 : i32 to vector<16xi32>
    %reduce_max3A_171 = arith.xori %select_n3A_166, %reduce_max3A_170 : vector<16xi32>
    %reduce_max3A_172 = tpu.scan <max>, %reduce_max3A_171 masked %reduce_max3A_168 : vector<16xi32>, vector<16xi1> -> vector<16xi32>
    %reduce_max3A_173 = arith.xori %reduce_max3A_172, %reduce_max3A_170 : vector<16xi32>
    %reduce_max3A_174 = vector.extract %reduce_max3A_173[15] : i32 from vector<16xi32>
    %jit3A_175 = arith.constant 128 : i32
    %div3A_176 = arith.divsi %reduce_max3A_174, %jit3A_175 : i32
    %sign3A_177 = arith.constant 0 : i32
    %sign3A_178 = arith.cmpi sgt, %reduce_max3A_174, %sign3A_177 : i32
    %sign3A_179 = arith.extui %sign3A_178 : i1 to i32
    %sign3A_180 = arith.constant 0 : i32
    %sign3A_181 = arith.cmpi slt, %reduce_max3A_174, %sign3A_180 : i32
    %sign3A_182 = arith.extui %sign3A_181 : i1 to i32
    %sign3A_183 = arith.subi %sign3A_179, %sign3A_182 : i32
    %sign3A_184 = arith.constant 0 : i32
    %sign3A_185 = arith.cmpi sgt, %jit3A_175, %sign3A_184 : i32
    %sign3A_186 = arith.extui %sign3A_185 : i1 to i32
    %sign3A_187 = arith.constant 0 : i32
    %sign3A_188 = arith.cmpi slt, %jit3A_175, %sign3A_187 : i32
    %sign3A_189 = arith.extui %sign3A_188 : i1 to i32
    %sign3A_190 = arith.subi %sign3A_186, %sign3A_189 : i32
    %ne3A_191 = arith.cmpi ne, %sign3A_183, %sign3A_190 : i32
    %rem3A_192 = arith.remsi %reduce_max3A_174, %jit3A_175 : i32
    %ne3A_193 = arith.constant 0 : i32
    %ne3A_194 = arith.cmpi ne, %rem3A_192, %ne3A_193 : i32
    %and3A_195 = arith.andi %ne3A_191, %ne3A_194 : i1
    %sub3A_196 = arith.constant 1 : i32
    %sub3A_197 = arith.subi %div3A_176, %sub3A_196 : i32
    %select_n3A_198 = arith.select %and3A_195, %sub3A_197, %div3A_176 : i32
    %mul3A_199 = arith.constant 128 : i32
    %mul3A_200 = arith.muli %select_n3A_198, %mul3A_199 : i32
    %dma_start3A_201 = arith.constant 0 : i32
    %dma_start3A_202 = arith.constant 3 : i32
    %dma_start3A_203 = arith.constant 0 : i32
    %dma_start3A_204 = arith.constant 0 : i32
    %dma_start3A_205 = tpu.memref_slice %arg6[%dma_start3A_201, %dma_start3A_202, %dma_start3A_203, %dma_start3A_204] : memref<2x4x64x128xf32, #tpu.memory_space<vmem>> -> memref<1x1x64x128xf32, #tpu.memory_space<vmem>>
    %dma_start3A_206 = tpu.memref_squeeze %dma_start3A_205 : memref<1x1x64x128xf32, #tpu.memory_space<vmem>> -> memref<64x128xf32, #tpu.memory_space<vmem>>
    %dma_start3A_207 = arith.constant 0 : i32
    %dma_start3A_208 = tpu.memref_slice %arg3[%dma_start3A_207, %mul3A_200] : memref<64x1000000xf32, #tpu.memory_space<hbm>> -> memref<64x128xf32, #tpu.memory_space<hbm>>
    %dma_start3A_209 = arith.constant 0 : i32
    %dma_start3A_210 = arith.constant 0 : i32
    %dma_start3A_211 = tpu.memref_slice %arg6[%dma_start3A_201, %dma_start3A_202, %dma_start3A_209, %dma_start3A_210] : memref<2x4x64x128xf32, #tpu.memory_space<vmem>> -> memref<1x1x64x128xf32, #tpu.memory_space<vmem>>
    %dma_start3A_212 = tpu.memref_squeeze %dma_start3A_211 : memref<1x1x64x128xf32, #tpu.memory_space<vmem>> -> memref<64x128xf32, #tpu.memory_space<vmem>>
    %dma_start3A_213 = arith.constant 0 : i32
    %dma_start3A_214 = tpu.memref_slice %arg3[%dma_start3A_213, %mul3A_200] : memref<64x1000000xf32, #tpu.memory_space<hbm>> -> memref<64x128xf32, #tpu.memory_space<hbm>>
    tpu.enqueue_dma source(%dma_start3A_214 : memref<64x128xf32, #tpu.memory_space<hbm>>) target(%dma_start3A_212 : memref<64x128xf32, #tpu.memory_space<vmem>>) target_semaphore(%arg8 : memref<!tpu.dma_semaphore, #tpu.memory_space<semaphore_mem>>)
    %get3A_215 = arith.constant 0 : index
    %get3A_216 = tpu.vector_load %arg5[%get3A_215] {strides = array<i32>} : memref<32xi32, #tpu.memory_space<vmem>>, vector<16xi32>,
    %eq3A_217 = arith.constant 4 : i32
    %eq3A_218 = vector.broadcast %eq3A_217 : i32 to vector<16xi32>
    %eq3A_219 = arith.cmpi eq, %iota3A, %eq3A_218 : vector<16xi32>
    %jit3A_220 = arith.constant 0 : i32
    %broadcast_in_dim3A_221 = vector.broadcast %jit3A_220 : i32 to vector<16xi32>
    %select_n3A_222 = arith.select %eq3A_219, %get3A_216, %broadcast_in_dim3A_221 : vector<16xi1>, vector<16xi32>
    %reduce_max3A_223 = arith.constant true
    %reduce_max3A_224 = vector.broadcast %reduce_max3A_223 : i1 to vector<16xi1>
    %reduce_max3A_225 = arith.constant -2147483648 : i32
    %reduce_max3A_226 = vector.broadcast %reduce_max3A_225 : i32 to vector<16xi32>
    %reduce_max3A_227 = arith.xori %select_n3A_222, %reduce_max3A_226 : vector<16xi32>
    %reduce_max3A_228 = tpu.scan <max>, %reduce_max3A_227 masked %reduce_max3A_224 : vector<16xi32>, vector<16xi1> -> vector<16xi32>
    %reduce_max3A_229 = arith.xori %reduce_max3A_228, %reduce_max3A_226 : vector<16xi32>
    %reduce_max3A_230 = vector.extract %reduce_max3A_229[15] : i32 from vector<16xi32>
    %jit3A_231 = arith.constant 128 : i32
    %div3A_232 = arith.divsi %reduce_max3A_230, %jit3A_231 : i32
    %sign3A_233 = arith.constant 0 : i32
    %sign3A_234 = arith.cmpi sgt, %reduce_max3A_230, %sign3A_233 : i32
    %sign3A_235 = arith.extui %sign3A_234 : i1 to i32
    %sign3A_236 = arith.constant 0 : i32
    %sign3A_237 = arith.cmpi slt, %reduce_max3A_230, %sign3A_236 : i32
    %sign3A_238 = arith.extui %sign3A_237 : i1 to i32
    %sign3A_239 = arith.subi %sign3A_235, %sign3A_238 : i32
    %sign3A_240 = arith.constant 0 : i32
    %sign3A_241 = arith.cmpi sgt, %jit3A_231, %sign3A_240 : i32
    %sign3A_242 = arith.extui %sign3A_241 : i1 to i32
    %sign3A_243 = arith.constant 0 : i32
    %sign3A_244 = arith.cmpi slt, %jit3A_231, %sign3A_243 : i32
    %sign3A_245 = arith.extui %sign3A_244 : i1 to i32
    %sign3A_246 = arith.subi %sign3A_242, %sign3A_245 : i32
    %ne3A_247 = arith.cmpi ne, %sign3A_239, %sign3A_246 : i32
    %rem3A_248 = arith.remsi %reduce_max3A_230, %jit3A_231 : i32
    %ne3A_249 = arith.constant 0 : i32
    %ne3A_250 = arith.cmpi ne, %rem3A_248, %ne3A_249 : i32
    %and3A_251 = arith.andi %ne3A_247, %ne3A_250 : i1
    %sub3A_252 = arith.constant 1 : i32
    %sub3A_253 = arith.subi %div3A_232, %sub3A_252 : i32
    %select_n3A_254 = arith.select %and3A_251, %sub3A_253, %div3A_232 : i32
    %mul3A_255 = arith.constant 128 : i32
    %mul3A_256 = arith.muli %select_n3A_254, %mul3A_255 : i32
    %dma_start3A_257 = arith.constant 1 : i32
    %dma_start3A_258 = arith.constant 0 : i32
    %dma_start3A_259 = arith.constant 0 : i32
    %dma_start3A_260 = arith.constant 0 : i32
    %dma_start3A_261 = tpu.memref_slice %arg6[%dma_start3A_257, %dma_start3A_258, %dma_start3A_259, %dma_start3A_260] : memref<2x4x64x128xf32, #tpu.memory_space<vmem>> -> memref<1x1x64x128xf32, #tpu.memory_space<vmem>>
    %dma_start3A_262 = tpu.memref_squeeze %dma_start3A_261 : memref<1x1x64x128xf32, #tpu.memory_space<vmem>> -> memref<64x128xf32, #tpu.memory_space<vmem>>
    %dma_start3A_263 = arith.constant 0 : i32
    %dma_start3A_264 = tpu.memref_slice %arg3[%dma_start3A_263, %mul3A_256] : memref<64x1000000xf32, #tpu.memory_space<hbm>> -> memref<64x128xf32, #tpu.memory_space<hbm>>
    %dma_start3A_265 = arith.constant 0 : i32
    %dma_start3A_266 = arith.constant 0 : i32
    %dma_start3A_267 = tpu.memref_slice %arg6[%dma_start3A_257, %dma_start3A_258, %dma_start3A_265, %dma_start3A_266] : memref<2x4x64x128xf32, #tpu.memory_space<vmem>> -> memref<1x1x64x128xf32, #tpu.memory_space<vmem>>
    %dma_start3A_268 = tpu.memref_squeeze %dma_start3A_267 : memref<1x1x64x128xf32, #tpu.memory_space<vmem>> -> memref<64x128xf32, #tpu.memory_space<vmem>>
    %dma_start3A_269 = arith.constant 0 : i32
    %dma_start3A_270 = tpu.memref_slice %arg3[%dma_start3A_269, %mul3A_256] : memref<64x1000000xf32, #tpu.memory_space<hbm>> -> memref<64x128xf32, #tpu.memory_space<hbm>>
    tpu.enqueue_dma source(%dma_start3A_270 : memref<64x128xf32, #tpu.memory_space<hbm>>) target(%dma_start3A_268 : memref<64x128xf32, #tpu.memory_space<vmem>>) target_semaphore(%arg8 : memref<!tpu.dma_semaphore, #tpu.memory_space<semaphore_mem>>)
    %get3A_271 = arith.constant 0 : index
    %get3A_272 = tpu.vector_load %arg5[%get3A_271] {strides = array<i32>} : memref<32xi32, #tpu.memory_space<vmem>>, vector<16xi32>,
    %eq3A_273 = arith.constant 5 : i32
    %eq3A_274 = vector.broadcast %eq3A_273 : i32 to vector<16xi32>
    %eq3A_275 = arith.cmpi eq, %iota3A, %eq3A_274 : vector<16xi32>
    %jit3A_276 = arith.constant 0 : i32
    %broadcast_in_dim3A_277 = vector.broadcast %jit3A_276 : i32 to vector<16xi32>
    %select_n3A_278 = arith.select %eq3A_275, %get3A_272, %broadcast_in_dim3A_277 : vector<16xi1>, vector<16xi32>
    %reduce_max3A_279 = arith.constant true
    %reduce_max3A_280 = vector.broadcast %reduce_max3A_279 : i1 to vector<16xi1>
    %reduce_max3A_281 = arith.constant -2147483648 : i32
    %reduce_max3A_282 = vector.broadcast %reduce_max3A_281 : i32 to vector<16xi32>
    %reduce_max3A_283 = arith.xori %select_n3A_278, %reduce_max3A_282 : vector<16xi32>
    %reduce_max3A_284 = tpu.scan <max>, %reduce_max3A_283 masked %reduce_max3A_280 : vector<16xi32>, vector<16xi1> -> vector<16xi32>
    %reduce_max3A_285 = arith.xori %reduce_max3A_284, %reduce_max3A_282 : vector<16xi32>
    %reduce_max3A_286 = vector.extract %reduce_max3A_285[15] : i32 from vector<16xi32>
    %jit3A_287 = arith.constant 128 : i32
    %div3A_288 = arith.divsi %reduce_max3A_286, %jit3A_287 : i32
    %sign3A_289 = arith.constant 0 : i32
    %sign3A_290 = arith.cmpi sgt, %reduce_max3A_286, %sign3A_289 : i32
    %sign3A_291 = arith.extui %sign3A_290 : i1 to i32
    %sign3A_292 = arith.constant 0 : i32
    %sign3A_293 = arith.cmpi slt, %reduce_max3A_286, %sign3A_292 : i32
    %sign3A_294 = arith.extui %sign3A_293 : i1 to i32
    %sign3A_295 = arith.subi %sign3A_291, %sign3A_294 : i32
    %sign3A_296 = arith.constant 0 : i32
    %sign3A_297 = arith.cmpi sgt, %jit3A_287, %sign3A_296 : i32
    %sign3A_298 = arith.extui %sign3A_297 : i1 to i32
    %sign3A_299 = arith.constant 0 : i32
    %sign3A_300 = arith.cmpi slt, %jit3A_287, %sign3A_299 : i32
    %sign3A_301 = arith.extui %sign3A_300 : i1 to i32
    %sign3A_302 = arith.subi %sign3A_298, %sign3A_301 : i32
    %ne3A_303 = arith.cmpi ne, %sign3A_295, %sign3A_302 : i32
    %rem3A_304 = arith.remsi %reduce_max3A_286, %jit3A_287 : i32
    %ne3A_305 = arith.constant 0 : i32
    %ne3A_306 = arith.cmpi ne, %rem3A_304, %ne3A_305 : i32
    %and3A_307 = arith.andi %ne3A_303, %ne3A_306 : i1
    %sub3A_308 = arith.constant 1 : i32
    %sub3A_309 = arith.subi %div3A_288, %sub3A_308 : i32
    %select_n3A_310 = arith.select %and3A_307, %sub3A_309, %div3A_288 : i32
    %mul3A_311 = arith.constant 128 : i32
    %mul3A_312 = arith.muli %select_n3A_310, %mul3A_311 : i32
    %dma_start3A_313 = arith.constant 1 : i32
    %dma_start3A_314 = arith.constant 1 : i32
    %dma_start3A_315 = arith.constant 0 : i32
    %dma_start3A_316 = arith.constant 0 : i32
    %dma_start3A_317 = tpu.memref_slice %arg6[%dma_start3A_313, %dma_start3A_314, %dma_start3A_315, %dma_start3A_316] : memref<2x4x64x128xf32, #tpu.memory_space<vmem>> -> memref<1x1x64x128xf32, #tpu.memory_space<vmem>>
    %dma_start3A_318 = tpu.memref_squeeze %dma_start3A_317 : memref<1x1x64x128xf32, #tpu.memory_space<vmem>> -> memref<64x128xf32, #tpu.memory_space<vmem>>
    %dma_start3A_319 = arith.constant 0 : i32
    %dma_start3A_320 = tpu.memref_slice %arg3[%dma_start3A_319, %mul3A_312] : memref<64x1000000xf32, #tpu.memory_space<hbm>> -> memref<64x128xf32, #tpu.memory_space<hbm>>
    %dma_start3A_321 = arith.constant 0 : i32
    %dma_start3A_322 = arith.constant 0 : i32
    %dma_start3A_323 = tpu.memref_slice %arg6[%dma_start3A_313, %dma_start3A_314, %dma_start3A_321, %dma_start3A_322] : memref<2x4x64x128xf32, #tpu.memory_space<vmem>> -> memref<1x1x64x128xf32, #tpu.memory_space<vmem>>
    %dma_start3A_324 = tpu.memref_squeeze %dma_start3A_323 : memref<1x1x64x128xf32, #tpu.memory_space<vmem>> -> memref<64x128xf32, #tpu.memory_space<vmem>>
    %dma_start3A_325 = arith.constant 0 : i32
    %dma_start3A_326 = tpu.memref_slice %arg3[%dma_start3A_325, %mul3A_312] : memref<64x1000000xf32, #tpu.memory_space<hbm>> -> memref<64x128xf32, #tpu.memory_space<hbm>>
    tpu.enqueue_dma source(%dma_start3A_326 : memref<64x128xf32, #tpu.memory_space<hbm>>) target(%dma_start3A_324 : memref<64x128xf32, #tpu.memory_space<vmem>>) target_semaphore(%arg8 : memref<!tpu.dma_semaphore, #tpu.memory_space<semaphore_mem>>)
    %get3A_327 = arith.constant 0 : index
    %get3A_328 = tpu.vector_load %arg5[%get3A_327] {strides = array<i32>} : memref<32xi32, #tpu.memory_space<vmem>>, vector<16xi32>,
    %eq3A_329 = arith.constant 6 : i32
    %eq3A_330 = vector.broadcast %eq3A_329 : i32 to vector<16xi32>
    %eq3A_331 = arith.cmpi eq, %iota3A, %eq3A_330 : vector<16xi32>
    %jit3A_332 = arith.constant 0 : i32
    %broadcast_in_dim3A_333 = vector.broadcast %jit3A_332 : i32 to vector<16xi32>
    %select_n3A_334 = arith.select %eq3A_331, %get3A_328, %broadcast_in_dim3A_333 : vector<16xi1>, vector<16xi32>
    %reduce_max3A_335 = arith.constant true
    %reduce_max3A_336 = vector.broadcast %reduce_max3A_335 : i1 to vector<16xi1>
    %reduce_max3A_337 = arith.constant -2147483648 : i32
    %reduce_max3A_338 = vector.broadcast %reduce_max3A_337 : i32 to vector<16xi32>
    %reduce_max3A_339 = arith.xori %select_n3A_334, %reduce_max3A_338 : vector<16xi32>
    %reduce_max3A_340 = tpu.scan <max>, %reduce_max3A_339 masked %reduce_max3A_336 : vector<16xi32>, vector<16xi1> -> vector<16xi32>
    %reduce_max3A_341 = arith.xori %reduce_max3A_340, %reduce_max3A_338 : vector<16xi32>
    %reduce_max3A_342 = vector.extract %reduce_max3A_341[15] : i32 from vector<16xi32>
    %jit3A_343 = arith.constant 128 : i32
    %div3A_344 = arith.divsi %reduce_max3A_342, %jit3A_343 : i32
    %sign3A_345 = arith.constant 0 : i32
    %sign3A_346 = arith.cmpi sgt, %reduce_max3A_342, %sign3A_345 : i32
    %sign3A_347 = arith.extui %sign3A_346 : i1 to i32
    %sign3A_348 = arith.constant 0 : i32
    %sign3A_349 = arith.cmpi slt, %reduce_max3A_342, %sign3A_348 : i32
    %sign3A_350 = arith.extui %sign3A_349 : i1 to i32
    %sign3A_351 = arith.subi %sign3A_347, %sign3A_350 : i32
    %sign3A_352 = arith.constant 0 : i32
    %sign3A_353 = arith.cmpi sgt, %jit3A_343, %sign3A_352 : i32
    %sign3A_354 = arith.extui %sign3A_353 : i1 to i32
    %sign3A_355 = arith.constant 0 : i32
    %sign3A_356 = arith.cmpi slt, %jit3A_343, %sign3A_355 : i32
    %sign3A_357 = arith.extui %sign3A_356 : i1 to i32
    %sign3A_358 = arith.subi %sign3A_354, %sign3A_357 : i32
    %ne3A_359 = arith.cmpi ne, %sign3A_351, %sign3A_358 : i32
    %rem3A_360 = arith.remsi %reduce_max3A_342, %jit3A_343 : i32
    %ne3A_361 = arith.constant 0 : i32
    %ne3A_362 = arith.cmpi ne, %rem3A_360, %ne3A_361 : i32
    %and3A_363 = arith.andi %ne3A_359, %ne3A_362 : i1
    %sub3A_364 = arith.constant 1 : i32
    %sub3A_365 = arith.subi %div3A_344, %sub3A_364 : i32
    %select_n3A_366 = arith.select %and3A_363, %sub3A_365, %div3A_344 : i32
    %mul3A_367 = arith.constant 128 : i32
    %mul3A_368 = arith.muli %select_n3A_366, %mul3A_367 : i32
    %dma_start3A_369 = arith.constant 1 : i32
    %dma_start3A_370 = arith.constant 2 : i32
    %dma_start3A_371 = arith.constant 0 : i32
    %dma_start3A_372 = arith.constant 0 : i32
    %dma_start3A_373 = tpu.memref_slice %arg6[%dma_start3A_369, %dma_start3A_370, %dma_start3A_371, %dma_start3A_372] : memref<2x4x64x128xf32, #tpu.memory_space<vmem>> -> memref<1x1x64x128xf32, #tpu.memory_space<vmem>>
    %dma_start3A_374 = tpu.memref_squeeze %dma_start3A_373 : memref<1x1x64x128xf32, #tpu.memory_space<vmem>> -> memref<64x128xf32, #tpu.memory_space<vmem>>
    %dma_start3A_375 = arith.constant 0 : i32
    %dma_start3A_376 = tpu.memref_slice %arg3[%dma_start3A_375, %mul3A_368] : memref<64x1000000xf32, #tpu.memory_space<hbm>> -> memref<64x128xf32, #tpu.memory_space<hbm>>
    %dma_start3A_377 = arith.constant 0 : i32
    %dma_start3A_378 = arith.constant 0 : i32
    %dma_start3A_379 = tpu.memref_slice %arg6[%dma_start3A_369, %dma_start3A_370, %dma_start3A_377, %dma_start3A_378] : memref<2x4x64x128xf32, #tpu.memory_space<vmem>> -> memref<1x1x64x128xf32, #tpu.memory_space<vmem>>
    %dma_start3A_380 = tpu.memref_squeeze %dma_start3A_379 : memref<1x1x64x128xf32, #tpu.memory_space<vmem>> -> memref<64x128xf32, #tpu.memory_space<vmem>>
    %dma_start3A_381 = arith.constant 0 : i32
    %dma_start3A_382 = tpu.memref_slice %arg3[%dma_start3A_381, %mul3A_368] : memref<64x1000000xf32, #tpu.memory_space<hbm>> -> memref<64x128xf32, #tpu.memory_space<hbm>>
    tpu.enqueue_dma source(%dma_start3A_382 : memref<64x128xf32, #tpu.memory_space<hbm>>) target(%dma_start3A_380 : memref<64x128xf32, #tpu.memory_space<vmem>>) target_semaphore(%arg8 : memref<!tpu.dma_semaphore, #tpu.memory_space<semaphore_mem>>)
    %get3A_383 = arith.constant 0 : index
    %get3A_384 = tpu.vector_load %arg5[%get3A_383] {strides = array<i32>} : memref<32xi32, #tpu.memory_space<vmem>>, vector<16xi32>,
    %eq3A_385 = arith.constant 7 : i32
    %eq3A_386 = vector.broadcast %eq3A_385 : i32 to vector<16xi32>
    %eq3A_387 = arith.cmpi eq, %iota3A, %eq3A_386 : vector<16xi32>
    %jit3A_388 = arith.constant 0 : i32
    %broadcast_in_dim3A_389 = vector.broadcast %jit3A_388 : i32 to vector<16xi32>
    %select_n3A_390 = arith.select %eq3A_387, %get3A_384, %broadcast_in_dim3A_389 : vector<16xi1>, vector<16xi32>
    %reduce_max3A_391 = arith.constant true
    %reduce_max3A_392 = vector.broadcast %reduce_max3A_391 : i1 to vector<16xi1>
    %reduce_max3A_393 = arith.constant -2147483648 : i32
    %reduce_max3A_394 = vector.broadcast %reduce_max3A_393 : i32 to vector<16xi32>
    %reduce_max3A_395 = arith.xori %select_n3A_390, %reduce_max3A_394 : vector<16xi32>
    %reduce_max3A_396 = tpu.scan <max>, %reduce_max3A_395 masked %reduce_max3A_392 : vector<16xi32>, vector<16xi1> -> vector<16xi32>
    %reduce_max3A_397 = arith.xori %reduce_max3A_396, %reduce_max3A_394 : vector<16xi32>
    %reduce_max3A_398 = vector.extract %reduce_max3A_397[15] : i32 from vector<16xi32>
    %jit3A_399 = arith.constant 128 : i32
    %div3A_400 = arith.divsi %reduce_max3A_398, %jit3A_399 : i32
    %sign3A_401 = arith.constant 0 : i32
    %sign3A_402 = arith.cmpi sgt, %reduce_max3A_398, %sign3A_401 : i32
    %sign3A_403 = arith.extui %sign3A_402 : i1 to i32
    %sign3A_404 = arith.constant 0 : i32
    %sign3A_405 = arith.cmpi slt, %reduce_max3A_398, %sign3A_404 : i32
    %sign3A_406 = arith.extui %sign3A_405 : i1 to i32
    %sign3A_407 = arith.subi %sign3A_403, %sign3A_406 : i32
    %sign3A_408 = arith.constant 0 : i32
    %sign3A_409 = arith.cmpi sgt, %jit3A_399, %sign3A_408 : i32
    %sign3A_410 = arith.extui %sign3A_409 : i1 to i32
    %sign3A_411 = arith.constant 0 : i32
    %sign3A_412 = arith.cmpi slt, %jit3A_399, %sign3A_411 : i32
    %sign3A_413 = arith.extui %sign3A_412 : i1 to i32
    %sign3A_414 = arith.subi %sign3A_410, %sign3A_413 : i32
    %ne3A_415 = arith.cmpi ne, %sign3A_407, %sign3A_414 : i32
    %rem3A_416 = arith.remsi %reduce_max3A_398, %jit3A_399 : i32
    %ne3A_417 = arith.constant 0 : i32
    %ne3A_418 = arith.cmpi ne, %rem3A_416, %ne3A_417 : i32
    %and3A_419 = arith.andi %ne3A_415, %ne3A_418 : i1
    %sub3A_420 = arith.constant 1 : i32
    %sub3A_421 = arith.subi %div3A_400, %sub3A_420 : i32
    %select_n3A_422 = arith.select %and3A_419, %sub3A_421, %div3A_400 : i32
    %mul3A_423 = arith.constant 128 : i32
    %mul3A_424 = arith.muli %select_n3A_422, %mul3A_423 : i32
    %dma_start3A_425 = arith.constant 1 : i32
    %dma_start3A_426 = arith.constant 3 : i32
    %dma_start3A_427 = arith.constant 0 : i32
    %dma_start3A_428 = arith.constant 0 : i32
    %dma_start3A_429 = tpu.memref_slice %arg6[%dma_start3A_425, %dma_start3A_426, %dma_start3A_427, %dma_start3A_428] : memref<2x4x64x128xf32, #tpu.memory_space<vmem>> -> memref<1x1x64x128xf32, #tpu.memory_space<vmem>>
    %dma_start3A_430 = tpu.memref_squeeze %dma_start3A_429 : memref<1x1x64x128xf32, #tpu.memory_space<vmem>> -> memref<64x128xf32, #tpu.memory_space<vmem>>
    %dma_start3A_431 = arith.constant 0 : i32
    %dma_start3A_432 = tpu.memref_slice %arg3[%dma_start3A_431, %mul3A_424] : memref<64x1000000xf32, #tpu.memory_space<hbm>> -> memref<64x128xf32, #tpu.memory_space<hbm>>
    %dma_start3A_433 = arith.constant 0 : i32
    %dma_start3A_434 = arith.constant 0 : i32
    %dma_start3A_435 = tpu.memref_slice %arg6[%dma_start3A_425, %dma_start3A_426, %dma_start3A_433, %dma_start3A_434] : memref<2x4x64x128xf32, #tpu.memory_space<vmem>> -> memref<1x1x64x128xf32, #tpu.memory_space<vmem>>
    %dma_start3A_436 = tpu.memref_squeeze %dma_start3A_435 : memref<1x1x64x128xf32, #tpu.memory_space<vmem>> -> memref<64x128xf32, #tpu.memory_space<vmem>>
    %dma_start3A_437 = arith.constant 0 : i32
    %dma_start3A_438 = tpu.memref_slice %arg3[%dma_start3A_437, %mul3A_424] : memref<64x1000000xf32, #tpu.memory_space<hbm>> -> memref<64x128xf32, #tpu.memory_space<hbm>>
    tpu.enqueue_dma source(%dma_start3A_438 : memref<64x128xf32, #tpu.memory_space<hbm>>) target(%dma_start3A_436 : memref<64x128xf32, #tpu.memory_space<vmem>>) target_semaphore(%arg8 : memref<!tpu.dma_semaphore, #tpu.memory_space<semaphore_mem>>)
    %dma_wait3A = arith.constant 0 : i32
    %dma_wait3A_439 = arith.constant 0 : i32
    %dma_wait3A_440 = arith.constant 0 : i32
    %dma_wait3A_441 = arith.constant 0 : i32
    %dma_wait3A_442 = tpu.memref_slice %arg6[%dma_wait3A, %dma_wait3A_439, %dma_wait3A_440, %dma_wait3A_441] : memref<2x4x64x128xf32, #tpu.memory_space<vmem>> -> memref<1x1x64x128xf32, #tpu.memory_space<vmem>>
    %dma_wait3A_443 = tpu.memref_squeeze %dma_wait3A_442 : memref<1x1x64x128xf32, #tpu.memory_space<vmem>> -> memref<64x128xf32, #tpu.memory_space<vmem>>
    %dma_wait3A_444 = arith.constant 0 : i32
    %dma_wait3A_445 = tpu.memref_slice %arg3[%dma_wait3A_444, %mul3A_33] : memref<64x1000000xf32, #tpu.memory_space<hbm>> -> memref<64x128xf32, #tpu.memory_space<hbm>>
    %dma_wait3A_446 = arith.constant 0 : i32
    %dma_wait3A_447 = arith.constant 0 : i32
    %dma_wait3A_448 = tpu.memref_slice %arg6[%dma_wait3A, %dma_wait3A_439, %dma_wait3A_446, %dma_wait3A_447] : memref<2x4x64x128xf32, #tpu.memory_space<vmem>> -> memref<1x1x64x128xf32, #tpu.memory_space<vmem>>
    %dma_wait3A_449 = tpu.memref_squeeze %dma_wait3A_448 : memref<1x1x64x128xf32, #tpu.memory_space<vmem>> -> memref<64x128xf32, #tpu.memory_space<vmem>>
    %dma_wait3A_450 = arith.constant 0 : i32
    %dma_wait3A_451 = tpu.memref_slice %arg3[%dma_wait3A_450, %mul3A_33] : memref<64x1000000xf32, #tpu.memory_space<hbm>> -> memref<64x128xf32, #tpu.memory_space<hbm>>
    tpu.wait_dma2 semaphore(%arg8 : memref<!tpu.dma_semaphore, #tpu.memory_space<semaphore_mem>>) src(%dma_wait3A_451 : memref<64x128xf32, #tpu.memory_space<hbm>>) dst(%dma_wait3A_449 : memref<64x128xf32, #tpu.memory_space<vmem>>)
    %dma_wait3A_452 = arith.constant 0 : i32
    %dma_wait3A_453 = arith.constant 1 : i32
    %dma_wait3A_454 = arith.constant 0 : i32
    %dma_wait3A_455 = arith.constant 0 : i32
    %dma_wait3A_456 = tpu.memref_slice %arg6[%dma_wait3A_452, %dma_wait3A_453, %dma_wait3A_454, %dma_wait3A_455] : memref<2x4x64x128xf32, #tpu.memory_space<vmem>> -> memref<1x1x64x128xf32, #tpu.memory_space<vmem>>
    %dma_wait3A_457 = tpu.memref_squeeze %dma_wait3A_456 : memref<1x1x64x128xf32, #tpu.memory_space<vmem>> -> memref<64x128xf32, #tpu.memory_space<vmem>>
    %dma_wait3A_458 = arith.constant 0 : i32
    %dma_wait3A_459 = tpu.memref_slice %arg3[%dma_wait3A_458, %mul3A_88] : memref<64x1000000xf32, #tpu.memory_space<hbm>> -> memref<64x128xf32, #tpu.memory_space<hbm>>
    %dma_wait3A_460 = arith.constant 0 : i32
    %dma_wait3A_461 = arith.constant 0 : i32
    %dma_wait3A_462 = tpu.memref_slice %arg6[%dma_wait3A_452, %dma_wait3A_453, %dma_wait3A_460, %dma_wait3A_461] : memref<2x4x64x128xf32, #tpu.memory_space<vmem>> -> memref<1x1x64x128xf32, #tpu.memory_space<vmem>>
    %dma_wait3A_463 = tpu.memref_squeeze %dma_wait3A_462 : memref<1x1x64x128xf32, #tpu.memory_space<vmem>> -> memref<64x128xf32, #tpu.memory_space<vmem>>
    %dma_wait3A_464 = arith.constant 0 : i32
    %dma_wait3A_465 = tpu.memref_slice %arg3[%dma_wait3A_464, %mul3A_88] : memref<64x1000000xf32, #tpu.memory_space<hbm>> -> memref<64x128xf32, #tpu.memory_space<hbm>>
    tpu.wait_dma2 semaphore(%arg8 : memref<!tpu.dma_semaphore, #tpu.memory_space<semaphore_mem>>) src(%dma_wait3A_465 : memref<64x128xf32, #tpu.memory_space<hbm>>) dst(%dma_wait3A_463 : memref<64x128xf32, #tpu.memory_space<vmem>>)
    %dma_wait3A_466 = arith.constant 0 : i32
    %dma_wait3A_467 = arith.constant 2 : i32
    %dma_wait3A_468 = arith.constant 0 : i32
    %dma_wait3A_469 = arith.constant 0 : i32
    %dma_wait3A_470 = tpu.memref_slice %arg6[%dma_wait3A_466, %dma_wait3A_467, %dma_wait3A_468, %dma_wait3A_469] : memref<2x4x64x128xf32, #tpu.memory_space<vmem>> -> memref<1x1x64x128xf32, #tpu.memory_space<vmem>>
    %dma_wait3A_471 = tpu.memref_squeeze %dma_wait3A_470 : memref<1x1x64x128xf32, #tpu.memory_space<vmem>> -> memref<64x128xf32, #tpu.memory_space<vmem>>
    %dma_wait3A_472 = arith.constant 0 : i32
    %dma_wait3A_473 = tpu.memref_slice %arg3[%dma_wait3A_472, %mul3A_144] : memref<64x1000000xf32, #tpu.memory_space<hbm>> -> memref<64x128xf32, #tpu.memory_space<hbm>>
    %dma_wait3A_474 = arith.constant 0 : i32
    %dma_wait3A_475 = arith.constant 0 : i32
    %dma_wait3A_476 = tpu.memref_slice %arg6[%dma_wait3A_466, %dma_wait3A_467, %dma_wait3A_474, %dma_wait3A_475] : memref<2x4x64x128xf32, #tpu.memory_space<vmem>> -> memref<1x1x64x128xf32, #tpu.memory_space<vmem>>
    %dma_wait3A_477 = tpu.memref_squeeze %dma_wait3A_476 : memref<1x1x64x128xf32, #tpu.memory_space<vmem>> -> memref<64x128xf32, #tpu.memory_space<vmem>>
    %dma_wait3A_478 = arith.constant 0 : i32
    %dma_wait3A_479 = tpu.memref_slice %arg3[%dma_wait3A_478, %mul3A_144] : memref<64x1000000xf32, #tpu.memory_space<hbm>> -> memref<64x128xf32, #tpu.memory_space<hbm>>
    tpu.wait_dma2 semaphore(%arg8 : memref<!tpu.dma_semaphore, #tpu.memory_space<semaphore_mem>>) src(%dma_wait3A_479 : memref<64x128xf32, #tpu.memory_space<hbm>>) dst(%dma_wait3A_477 : memref<64x128xf32, #tpu.memory_space<vmem>>)
    %dma_wait3A_480 = arith.constant 0 : i32
    %dma_wait3A_481 = arith.constant 3 : i32
    %dma_wait3A_482 = arith.constant 0 : i32
    %dma_wait3A_483 = arith.constant 0 : i32
    %dma_wait3A_484 = tpu.memref_slice %arg6[%dma_wait3A_480, %dma_wait3A_481, %dma_wait3A_482, %dma_wait3A_483] : memref<2x4x64x128xf32, #tpu.memory_space<vmem>> -> memref<1x1x64x128xf32, #tpu.memory_space<vmem>>
    %dma_wait3A_485 = tpu.memref_squeeze %dma_wait3A_484 : memref<1x1x64x128xf32, #tpu.memory_space<vmem>> -> memref<64x128xf32, #tpu.memory_space<vmem>>
    %dma_wait3A_486 = arith.constant 0 : i32
    %dma_wait3A_487 = tpu.memref_slice %arg3[%dma_wait3A_486, %mul3A_200] : memref<64x1000000xf32, #tpu.memory_space<hbm>> -> memref<64x128xf32, #tpu.memory_space<hbm>>
    %dma_wait3A_488 = arith.constant 0 : i32
    %dma_wait3A_489 = arith.constant 0 : i32
    %dma_wait3A_490 = tpu.memref_slice %arg6[%dma_wait3A_480, %dma_wait3A_481, %dma_wait3A_488, %dma_wait3A_489] : memref<2x4x64x128xf32, #tpu.memory_space<vmem>> -> memref<1x1x64x128xf32, #tpu.memory_space<vmem>>
    %dma_wait3A_491 = tpu.memref_squeeze %dma_wait3A_490 : memref<1x1x64x128xf32, #tpu.memory_space<vmem>> -> memref<64x128xf32, #tpu.memory_space<vmem>>
    %dma_wait3A_492 = arith.constant 0 : i32
    %dma_wait3A_493 = tpu.memref_slice %arg3[%dma_wait3A_492, %mul3A_200] : memref<64x1000000xf32, #tpu.memory_space<hbm>> -> memref<64x128xf32, #tpu.memory_space<hbm>>
    tpu.wait_dma2 semaphore(%arg8 : memref<!tpu.dma_semaphore, #tpu.memory_space<semaphore_mem>>) src(%dma_wait3A_493 : memref<64x128xf32, #tpu.memory_space<hbm>>) dst(%dma_wait3A_491 : memref<64x128xf32, #tpu.memory_space<vmem>>)
    %broadcast_in_dim3A_494 = arith.constant 0 : i32
    %broadcast_in_dim3A_495 = vector.broadcast %broadcast_in_dim3A_494 : i32 to vector<16xi32>
    %broadcast_in_dim3A_496 = arith.constant 0 : i32
    %broadcast_in_dim3A_497 = vector.broadcast %broadcast_in_dim3A_496 : i32 to vector<16xi32>
    %jit3A_498 = arith.constant 128 : i32
    %eq3A_499 = arith.constant 0 : i32
    %eq3A_500 = arith.cmpi eq, %jit3A_498, %eq3A_499 : i32
    %jit3A_501 = arith.constant 1 : i32
    %select_n3A_502 = arith.select %eq3A_500, %jit3A_501, %jit3A_498 : i32
    %rem3A_503 = arith.remsi %reduce_max3A_13, %select_n3A_502 : i32
    %ne3A_504 = arith.constant 0 : i32
    %ne3A_505 = arith.cmpi ne, %rem3A_503, %ne3A_504 : i32
    %lt3A = arith.constant 0 : i32
    %lt3A_506 = arith.cmpi slt, %rem3A_503, %lt3A : i32
    %lt3A_507 = arith.constant 0 : i32
    %lt3A_508 = arith.cmpi slt, %select_n3A_502, %lt3A_507 : i32
    %ne3A_509 = arith.xori %lt3A_506, %lt3A_508 : i1
    %and3A_510 = arith.andi %ne3A_509, %ne3A_505 : i1
    %add3A_511 = arith.addi %rem3A_503, %select_n3A_502 : i32
    %select_n3A_512 = arith.select %and3A_510, %add3A_511, %rem3A_503 : i32
    %broadcast_in_dim3A_513 = vector.broadcast %select_n3A_512 : i32 to vector<16xi32>
    %add3A_514 = arith.constant 0 : i32
    %add3A_515 = vector.broadcast %add3A_514 : i32 to vector<16xi32>
    %add3A_516 = arith.addi %iota3A_3, %add3A_515 : vector<16xi32>
    %gather3A = tpu.vector_load_idx %arg6[%broadcast_in_dim3A_495, %broadcast_in_dim3A_497, %add3A_516, %broadcast_in_dim3A_513] : memref<2x4x64x128xf32, #tpu.memory_space<vmem>>[vector<16xi32>, vector<16xi32>, vector<16xi32>, vector<16xi32>], vector<16xf32>,
    %swap3A = arith.constant 0 : i32
    %swap3A_517 = arith.index_cast %swap3A : i32 to index
    %swap3A_518 = arith.constant 0 : index
    %swap3A_519 = tpu.vector_load %arg7[%swap3A_517, %swap3A_518] {strides = array<i32>} : memref<32x64xf32, #tpu.memory_space<vmem>>, vector<16xf32>,
    tpu.vector_store %arg7[%swap3A_517, %swap3A_518], %gather3A {strides = array<i32>} : memref<32x64xf32, #tpu.memory_space<vmem>>, vector<16xf32>,
    %add3A_520 = arith.constant 16 : i32
    %add3A_521 = vector.broadcast %add3A_520 : i32 to vector<16xi32>
    %add3A_522 = arith.addi %iota3A_3, %add3A_521 : vector<16xi32>
    %gather3A_523 = tpu.vector_load_idx %arg6[%broadcast_in_dim3A_495, %broadcast_in_dim3A_497, %add3A_522, %broadcast_in_dim3A_513] : memref<2x4x64x128xf32, #tpu.memory_space<vmem>>[vector<16xi32>, vector<16xi32>, vector<16xi32>, vector<16xi32>], vector<16xf32>,
    %swap3A_524 = arith.constant 0 : i32
    %swap3A_525 = arith.index_cast %swap3A_524 : i32 to index
    %swap3A_526 = arith.constant 16 : index
    %swap3A_527 = tpu.vector_load %arg7[%swap3A_525, %swap3A_526] {strides = array<i32>} : memref<32x64xf32, #tpu.memory_space<vmem>>, vector<16xf32>,
    tpu.vector_store %arg7[%swap3A_525, %swap3A_526], %gather3A_523 {strides = array<i32>} : memref<32x64xf32, #tpu.memory_space<vmem>>, vector<16xf32>,
    %add3A_528 = arith.constant 32 : i32
    %add3A_529 = vector.broadcast %add3A_528 : i32 to vector<16xi32>
    %add3A_530 = arith.addi %iota3A_3, %add3A_529 : vector<16xi32>
    %gather3A_531 = tpu.vector_load_idx %arg6[%broadcast_in_dim3A_495, %broadcast_in_dim3A_497, %add3A_530, %broadcast_in_dim3A_513] : memref<2x4x64x128xf32, #tpu.memory_space<vmem>>[vector<16xi32>, vector<16xi32>, vector<16xi32>, vector<16xi32>], vector<16xf32>,
    %swap3A_532 = arith.constant 0 : i32
    %swap3A_533 = arith.index_cast %swap3A_532 : i32 to index
    %swap3A_534 = arith.constant 32 : index
    %swap3A_535 = tpu.vector_load %arg7[%swap3A_533, %swap3A_534] {strides = array<i32>} : memref<32x64xf32, #tpu.memory_space<vmem>>, vector<16xf32>,
    tpu.vector_store %arg7[%swap3A_533, %swap3A_534], %gather3A_531 {strides = array<i32>} : memref<32x64xf32, #tpu.memory_space<vmem>>, vector<16xf32>,
    %add3A_536 = arith.constant 48 : i32
    %add3A_537 = vector.broadcast %add3A_536 : i32 to vector<16xi32>
    %add3A_538 = arith.addi %iota3A_3, %add3A_537 : vector<16xi32>
    %gather3A_539 = tpu.vector_load_idx %arg6[%broadcast_in_dim3A_495, %broadcast_in_dim3A_497, %add3A_538, %broadcast_in_dim3A_513] : memref<2x4x64x128xf32, #tpu.memory_space<vmem>>[vector<16xi32>, vector<16xi32>, vector<16xi32>, vector<16xi32>], vector<16xf32>,
    %swap3A_540 = arith.constant 0 : i32
    %swap3A_541 = arith.index_cast %swap3A_540 : i32 to index
    %swap3A_542 = arith.constant 48 : index
    %swap3A_543 = tpu.vector_load %arg7[%swap3A_541, %swap3A_542] {strides = array<i32>} : memref<32x64xf32, #tpu.memory_space<vmem>>, vector<16xf32>,
    tpu.vector_store %arg7[%swap3A_541, %swap3A_542], %gather3A_539 {strides = array<i32>} : memref<32x64xf32, #tpu.memory_space<vmem>>, vector<16xf32>,
    %broadcast_in_dim3A_544 = arith.constant 0 : i32
    %broadcast_in_dim3A_545 = vector.broadcast %broadcast_in_dim3A_544 : i32 to vector<16xi32>
    %broadcast_in_dim3A_546 = arith.constant 1 : i32
    %broadcast_in_dim3A_547 = vector.broadcast %broadcast_in_dim3A_546 : i32 to vector<16xi32>
    %jit3A_548 = arith.constant 128 : i32
    %eq3A_549 = arith.constant 0 : i32
    %eq3A_550 = arith.cmpi eq, %jit3A_548, %eq3A_549 : i32
    %jit3A_551 = arith.constant 1 : i32
    %select_n3A_552 = arith.select %eq3A_550, %jit3A_551, %jit3A_548 : i32
    %rem3A_553 = arith.remsi %reduce_max3A_62, %select_n3A_552 : i32
    %ne3A_554 = arith.constant 0 : i32
    %ne3A_555 = arith.cmpi ne, %rem3A_553, %ne3A_554 : i32
    %lt3A_556 = arith.constant 0 : i32
    %lt3A_557 = arith.cmpi slt, %rem3A_553, %lt3A_556 : i32
    %lt3A_558 = arith.constant 0 : i32
    %lt3A_559 = arith.cmpi slt, %select_n3A_552, %lt3A_558 : i32
    %ne3A_560 = arith.xori %lt3A_557, %lt3A_559 : i1
    %and3A_561 = arith.andi %ne3A_560, %ne3A_555 : i1
    %add3A_562 = arith.addi %rem3A_553, %select_n3A_552 : i32
    %select_n3A_563 = arith.select %and3A_561, %add3A_562, %rem3A_553 : i32
    %broadcast_in_dim3A_564 = vector.broadcast %select_n3A_563 : i32 to vector<16xi32>
    %add3A_565 = arith.constant 0 : i32
    %add3A_566 = vector.broadcast %add3A_565 : i32 to vector<16xi32>
    %add3A_567 = arith.addi %iota3A_3, %add3A_566 : vector<16xi32>
    %gather3A_568 = tpu.vector_load_idx %arg6[%broadcast_in_dim3A_545, %broadcast_in_dim3A_547, %add3A_567, %broadcast_in_dim3A_564] : memref<2x4x64x128xf32, #tpu.memory_space<vmem>>[vector<16xi32>, vector<16xi32>, vector<16xi32>, vector<16xi32>], vector<16xf32>,
    %swap3A_569 = arith.constant 1 : i32
    %swap3A_570 = arith.index_cast %swap3A_569 : i32 to index
    %swap3A_571 = arith.constant 0 : index
    %swap3A_572 = tpu.vector_load %arg7[%swap3A_570, %swap3A_571] {strides = array<i32>} : memref<32x64xf32, #tpu.memory_space<vmem>>, vector<16xf32>,
    tpu.vector_store %arg7[%swap3A_570, %swap3A_571], %gather3A_568 {strides = array<i32>} : memref<32x64xf32, #tpu.memory_space<vmem>>, vector<16xf32>,
    %add3A_573 = arith.constant 16 : i32
    %add3A_574 = vector.broadcast %add3A_573 : i32 to vector<16xi32>
    %add3A_575 = arith.addi %iota3A_3, %add3A_574 : vector<16xi32>
    %gather3A_576 = tpu.vector_load_idx %arg6[%broadcast_in_dim3A_545, %broadcast_in_dim3A_547, %add3A_575, %broadcast_in_dim3A_564] : memref<2x4x64x128xf32, #tpu.memory_space<vmem>>[vector<16xi32>, vector<16xi32>, vector<16xi32>, vector<16xi32>], vector<16xf32>,
    %swap3A_577 = arith.constant 1 : i32
    %swap3A_578 = arith.index_cast %swap3A_577 : i32 to index
    %swap3A_579 = arith.constant 16 : index
    %swap3A_580 = tpu.vector_load %arg7[%swap3A_578, %swap3A_579] {strides = array<i32>} : memref<32x64xf32, #tpu.memory_space<vmem>>, vector<16xf32>,
    tpu.vector_store %arg7[%swap3A_578, %swap3A_579], %gather3A_576 {strides = array<i32>} : memref<32x64xf32, #tpu.memory_space<vmem>>, vector<16xf32>,
    %add3A_581 = arith.constant 32 : i32
    %add3A_582 = vector.broadcast %add3A_581 : i32 to vector<16xi32>
    %add3A_583 = arith.addi %iota3A_3, %add3A_582 : vector<16xi32>
    %gather3A_584 = tpu.vector_load_idx %arg6[%broadcast_in_dim3A_545, %broadcast_in_dim3A_547, %add3A_583, %broadcast_in_dim3A_564] : memref<2x4x64x128xf32, #tpu.memory_space<vmem>>[vector<16xi32>, vector<16xi32>, vector<16xi32>, vector<16xi32>], vector<16xf32>,
    %swap3A_585 = arith.constant 1 : i32
    %swap3A_586 = arith.index_cast %swap3A_585 : i32 to index
    %swap3A_587 = arith.constant 32 : index
    %swap3A_588 = tpu.vector_load %arg7[%swap3A_586, %swap3A_587] {strides = array<i32>} : memref<32x64xf32, #tpu.memory_space<vmem>>, vector<16xf32>,
    tpu.vector_store %arg7[%swap3A_586, %swap3A_587], %gather3A_584 {strides = array<i32>} : memref<32x64xf32, #tpu.memory_space<vmem>>, vector<16xf32>,
    %add3A_589 = arith.constant 48 : i32
    %add3A_590 = vector.broadcast %add3A_589 : i32 to vector<16xi32>
    %add3A_591 = arith.addi %iota3A_3, %add3A_590 : vector<16xi32>
    %gather3A_592 = tpu.vector_load_idx %arg6[%broadcast_in_dim3A_545, %broadcast_in_dim3A_547, %add3A_591, %broadcast_in_dim3A_564] : memref<2x4x64x128xf32, #tpu.memory_space<vmem>>[vector<16xi32>, vector<16xi32>, vector<16xi32>, vector<16xi32>], vector<16xf32>,
    %swap3A_593 = arith.constant 1 : i32
    %swap3A_594 = arith.index_cast %swap3A_593 : i32 to index
    %swap3A_595 = arith.constant 48 : index
    %swap3A_596 = tpu.vector_load %arg7[%swap3A_594, %swap3A_595] {strides = array<i32>} : memref<32x64xf32, #tpu.memory_space<vmem>>, vector<16xf32>,
    tpu.vector_store %arg7[%swap3A_594, %swap3A_595], %gather3A_592 {strides = array<i32>} : memref<32x64xf32, #tpu.memory_space<vmem>>, vector<16xf32>,
    %broadcast_in_dim3A_597 = arith.constant 0 : i32
    %broadcast_in_dim3A_598 = vector.broadcast %broadcast_in_dim3A_597 : i32 to vector<16xi32>
    %broadcast_in_dim3A_599 = arith.constant 2 : i32
    %broadcast_in_dim3A_600 = vector.broadcast %broadcast_in_dim3A_599 : i32 to vector<16xi32>
    %jit3A_601 = arith.constant 128 : i32
    %eq3A_602 = arith.constant 0 : i32
    %eq3A_603 = arith.cmpi eq, %jit3A_601, %eq3A_602 : i32
    %jit3A_604 = arith.constant 1 : i32
    %select_n3A_605 = arith.select %eq3A_603, %jit3A_604, %jit3A_601 : i32
    %rem3A_606 = arith.remsi %reduce_max3A_118, %select_n3A_605 : i32
    %ne3A_607 = arith.constant 0 : i32
    %ne3A_608 = arith.cmpi ne, %rem3A_606, %ne3A_607 : i32
    %lt3A_609 = arith.constant 0 : i32
    %lt3A_610 = arith.cmpi slt, %rem3A_606, %lt3A_609 : i32
    %lt3A_611 = arith.constant 0 : i32
    %lt3A_612 = arith.cmpi slt, %select_n3A_605, %lt3A_611 : i32
    %ne3A_613 = arith.xori %lt3A_610, %lt3A_612 : i1
    %and3A_614 = arith.andi %ne3A_613, %ne3A_608 : i1
    %add3A_615 = arith.addi %rem3A_606, %select_n3A_605 : i32
    %select_n3A_616 = arith.select %and3A_614, %add3A_615, %rem3A_606 : i32
    %broadcast_in_dim3A_617 = vector.broadcast %select_n3A_616 : i32 to vector<16xi32>
    %add3A_618 = arith.constant 0 : i32
    %add3A_619 = vector.broadcast %add3A_618 : i32 to vector<16xi32>
    %add3A_620 = arith.addi %iota3A_3, %add3A_619 : vector<16xi32>
    %gather3A_621 = tpu.vector_load_idx %arg6[%broadcast_in_dim3A_598, %broadcast_in_dim3A_600, %add3A_620, %broadcast_in_dim3A_617] : memref<2x4x64x128xf32, #tpu.memory_space<vmem>>[vector<16xi32>, vector<16xi32>, vector<16xi32>, vector<16xi32>], vector<16xf32>,
    %swap3A_622 = arith.constant 2 : i32
    %swap3A_623 = arith.index_cast %swap3A_622 : i32 to index
    %swap3A_624 = arith.constant 0 : index
    %swap3A_625 = tpu.vector_load %arg7[%swap3A_623, %swap3A_624] {strides = array<i32>} : memref<32x64xf32, #tpu.memory_space<vmem>>, vector<16xf32>,
    tpu.vector_store %arg7[%swap3A_623, %swap3A_624], %gather3A_621 {strides = array<i32>} : memref<32x64xf32, #tpu.memory_space<vmem>>, vector<16xf32>,
    %add3A_626 = arith.constant 16 : i32
    %add3A_627 = vector.broadcast %add3A_626 : i32 to vector<16xi32>
    %add3A_628 = arith.addi %iota3A_3, %add3A_627 : vector<16xi32>
    %gather3A_629 = tpu.vector_load_idx %arg6[%broadcast_in_dim3A_598, %broadcast_in_dim3A_600, %add3A_628, %broadcast_in_dim3A_617] : memref<2x4x64x128xf32, #tpu.memory_space<vmem>>[vector<16xi32>, vector<16xi32>, vector<16xi32>, vector<16xi32>], vector<16xf32>,
    %swap3A_630 = arith.constant 2 : i32
    %swap3A_631 = arith.index_cast %swap3A_630 : i32 to index
    %swap3A_632 = arith.constant 16 : index
    %swap3A_633 = tpu.vector_load %arg7[%swap3A_631, %swap3A_632] {strides = array<i32>} : memref<32x64xf32, #tpu.memory_space<vmem>>, vector<16xf32>,
    tpu.vector_store %arg7[%swap3A_631, %swap3A_632], %gather3A_629 {strides = array<i32>} : memref<32x64xf32, #tpu.memory_space<vmem>>, vector<16xf32>,
    %add3A_634 = arith.constant 32 : i32
    %add3A_635 = vector.broadcast %add3A_634 : i32 to vector<16xi32>
    %add3A_636 = arith.addi %iota3A_3, %add3A_635 : vector<16xi32>
    %gather3A_637 = tpu.vector_load_idx %arg6[%broadcast_in_dim3A_598, %broadcast_in_dim3A_600, %add3A_636, %broadcast_in_dim3A_617] : memref<2x4x64x128xf32, #tpu.memory_space<vmem>>[vector<16xi32>, vector<16xi32>, vector<16xi32>, vector<16xi32>], vector<16xf32>,
    %swap3A_638 = arith.constant 2 : i32
    %swap3A_639 = arith.index_cast %swap3A_638 : i32 to index
    %swap3A_640 = arith.constant 32 : index
    %swap3A_641 = tpu.vector_load %arg7[%swap3A_639, %swap3A_640] {strides = array<i32>} : memref<32x64xf32, #tpu.memory_space<vmem>>, vector<16xf32>,
    tpu.vector_store %arg7[%swap3A_639, %swap3A_640], %gather3A_637 {strides = array<i32>} : memref<32x64xf32, #tpu.memory_space<vmem>>, vector<16xf32>,
    %add3A_642 = arith.constant 48 : i32
    %add3A_643 = vector.broadcast %add3A_642 : i32 to vector<16xi32>
    %add3A_644 = arith.addi %iota3A_3, %add3A_643 : vector<16xi32>
    %gather3A_645 = tpu.vector_load_idx %arg6[%broadcast_in_dim3A_598, %broadcast_in_dim3A_600, %add3A_644, %broadcast_in_dim3A_617] : memref<2x4x64x128xf32, #tpu.memory_space<vmem>>[vector<16xi32>, vector<16xi32>, vector<16xi32>, vector<16xi32>], vector<16xf32>,
    %swap3A_646 = arith.constant 2 : i32
    %swap3A_647 = arith.index_cast %swap3A_646 : i32 to index
    %swap3A_648 = arith.constant 48 : index
    %swap3A_649 = tpu.vector_load %arg7[%swap3A_647, %swap3A_648] {strides = array<i32>} : memref<32x64xf32, #tpu.memory_space<vmem>>, vector<16xf32>,
    tpu.vector_store %arg7[%swap3A_647, %swap3A_648], %gather3A_645 {strides = array<i32>} : memref<32x64xf32, #tpu.memory_space<vmem>>, vector<16xf32>,
    %broadcast_in_dim3A_650 = arith.constant 0 : i32
    %broadcast_in_dim3A_651 = vector.broadcast %broadcast_in_dim3A_650 : i32 to vector<16xi32>
    %broadcast_in_dim3A_652 = arith.constant 3 : i32
    %broadcast_in_dim3A_653 = vector.broadcast %broadcast_in_dim3A_652 : i32 to vector<16xi32>
    %jit3A_654 = arith.constant 128 : i32
    %eq3A_655 = arith.constant 0 : i32
    %eq3A_656 = arith.cmpi eq, %jit3A_654, %eq3A_655 : i32
    %jit3A_657 = arith.constant 1 : i32
    %select_n3A_658 = arith.select %eq3A_656, %jit3A_657, %jit3A_654 : i32
    %rem3A_659 = arith.remsi %reduce_max3A_174, %select_n3A_658 : i32
    %ne3A_660 = arith.constant 0 : i32
    %ne3A_661 = arith.cmpi ne, %rem3A_659, %ne3A_660 : i32
    %lt3A_662 = arith.constant 0 : i32
    %lt3A_663 = arith.cmpi slt, %rem3A_659, %lt3A_662 : i32
    %lt3A_664 = arith.constant 0 : i32
    %lt3A_665 = arith.cmpi slt, %select_n3A_658, %lt3A_664 : i32
    %ne3A_666 = arith.xori %lt3A_663, %lt3A_665 : i1
    %and3A_667 = arith.andi %ne3A_666, %ne3A_661 : i1
    %add3A_668 = arith.addi %rem3A_659, %select_n3A_658 : i32
    %select_n3A_669 = arith.select %and3A_667, %add3A_668, %rem3A_659 : i32
    %broadcast_in_dim3A_670 = vector.broadcast %select_n3A_669 : i32 to vector<16xi32>
    %add3A_671 = arith.constant 0 : i32
    %add3A_672 = vector.broadcast %add3A_671 : i32 to vector<16xi32>
    %add3A_673 = arith.addi %iota3A_3, %add3A_672 : vector<16xi32>
    %gather3A_674 = tpu.vector_load_idx %arg6[%broadcast_in_dim3A_651, %broadcast_in_dim3A_653, %add3A_673, %broadcast_in_dim3A_670] : memref<2x4x64x128xf32, #tpu.memory_space<vmem>>[vector<16xi32>, vector<16xi32>, vector<16xi32>, vector<16xi32>], vector<16xf32>,
    %swap3A_675 = arith.constant 3 : i32
    %swap3A_676 = arith.index_cast %swap3A_675 : i32 to index
    %swap3A_677 = arith.constant 0 : index
    %swap3A_678 = tpu.vector_load %arg7[%swap3A_676, %swap3A_677] {strides = array<i32>} : memref<32x64xf32, #tpu.memory_space<vmem>>, vector<16xf32>,
    tpu.vector_store %arg7[%swap3A_676, %swap3A_677], %gather3A_674 {strides = array<i32>} : memref<32x64xf32, #tpu.memory_space<vmem>>, vector<16xf32>,
    %add3A_679 = arith.constant 16 : i32
    %add3A_680 = vector.broadcast %add3A_679 : i32 to vector<16xi32>
    %add3A_681 = arith.addi %iota3A_3, %add3A_680 : vector<16xi32>
    %gather3A_682 = tpu.vector_load_idx %arg6[%broadcast_in_dim3A_651, %broadcast_in_dim3A_653, %add3A_681, %broadcast_in_dim3A_670] : memref<2x4x64x128xf32, #tpu.memory_space<vmem>>[vector<16xi32>, vector<16xi32>, vector<16xi32>, vector<16xi32>], vector<16xf32>,
    %swap3A_683 = arith.constant 3 : i32
    %swap3A_684 = arith.index_cast %swap3A_683 : i32 to index
    %swap3A_685 = arith.constant 16 : index
    %swap3A_686 = tpu.vector_load %arg7[%swap3A_684, %swap3A_685] {strides = array<i32>} : memref<32x64xf32, #tpu.memory_space<vmem>>, vector<16xf32>,
    tpu.vector_store %arg7[%swap3A_684, %swap3A_685], %gather3A_682 {strides = array<i32>} : memref<32x64xf32, #tpu.memory_space<vmem>>, vector<16xf32>,
    %add3A_687 = arith.constant 32 : i32
    %add3A_688 = vector.broadcast %add3A_687 : i32 to vector<16xi32>
    %add3A_689 = arith.addi %iota3A_3, %add3A_688 : vector<16xi32>
    %gather3A_690 = tpu.vector_load_idx %arg6[%broadcast_in_dim3A_651, %broadcast_in_dim3A_653, %add3A_689, %broadcast_in_dim3A_670] : memref<2x4x64x128xf32, #tpu.memory_space<vmem>>[vector<16xi32>, vector<16xi32>, vector<16xi32>, vector<16xi32>], vector<16xf32>,
    %swap3A_691 = arith.constant 3 : i32
    %swap3A_692 = arith.index_cast %swap3A_691 : i32 to index
    %swap3A_693 = arith.constant 32 : index
    %swap3A_694 = tpu.vector_load %arg7[%swap3A_692, %swap3A_693] {strides = array<i32>} : memref<32x64xf32, #tpu.memory_space<vmem>>, vector<16xf32>,
    tpu.vector_store %arg7[%swap3A_692, %swap3A_693], %gather3A_690 {strides = array<i32>} : memref<32x64xf32, #tpu.memory_space<vmem>>, vector<16xf32>,
    %add3A_695 = arith.constant 48 : i32
    %add3A_696 = vector.broadcast %add3A_695 : i32 to vector<16xi32>
    %add3A_697 = arith.addi %iota3A_3, %add3A_696 : vector<16xi32>
    %gather3A_698 = tpu.vector_load_idx %arg6[%broadcast_in_dim3A_651, %broadcast_in_dim3A_653, %add3A_697, %broadcast_in_dim3A_670] : memref<2x4x64x128xf32, #tpu.memory_space<vmem>>[vector<16xi32>, vector<16xi32>, vector<16xi32>, vector<16xi32>], vector<16xf32>,
    %swap3A_699 = arith.constant 3 : i32
    %swap3A_700 = arith.index_cast %swap3A_699 : i32 to index
    %swap3A_701 = arith.constant 48 : index
    %swap3A_702 = tpu.vector_load %arg7[%swap3A_700, %swap3A_701] {strides = array<i32>} : memref<32x64xf32, #tpu.memory_space<vmem>>, vector<16xf32>,
    tpu.vector_store %arg7[%swap3A_700, %swap3A_701], %gather3A_698 {strides = array<i32>} : memref<32x64xf32, #tpu.memory_space<vmem>>, vector<16xf32>,
    %get3A_703 = arith.constant 0 : index
    %get3A_704 = tpu.vector_load %arg5[%get3A_703] {strides = array<i32>} : memref<32xi32, #tpu.memory_space<vmem>>, vector<16xi32>,
    %eq3A_705 = arith.constant 8 : i32
    %eq3A_706 = vector.broadcast %eq3A_705 : i32 to vector<16xi32>
    %eq3A_707 = arith.cmpi eq, %iota3A, %eq3A_706 : vector<16xi32>
    %jit3A_708 = arith.constant 0 : i32
    %broadcast_in_dim3A_709 = vector.broadcast %jit3A_708 : i32 to vector<16xi32>
    %select_n3A_710 = arith.select %eq3A_707, %get3A_704, %broadcast_in_dim3A_709 : vector<16xi1>, vector<16xi32>
    %reduce_max3A_711 = arith.constant true
    %reduce_max3A_712 = vector.broadcast %reduce_max3A_711 : i1 to vector<16xi1>
    %reduce_max3A_713 = arith.constant -2147483648 : i32
    %reduce_max3A_714 = vector.broadcast %reduce_max3A_713 : i32 to vector<16xi32>
    %reduce_max3A_715 = arith.xori %select_n3A_710, %reduce_max3A_714 : vector<16xi32>
    %reduce_max3A_716 = tpu.scan <max>, %reduce_max3A_715 masked %reduce_max3A_712 : vector<16xi32>, vector<16xi1> -> vector<16xi32>
    %reduce_max3A_717 = arith.xori %reduce_max3A_716, %reduce_max3A_714 : vector<16xi32>
    %reduce_max3A_718 = vector.extract %reduce_max3A_717[15] : i32 from vector<16xi32>
    %jit3A_719 = arith.constant 128 : i32
    %div3A_720 = arith.divsi %reduce_max3A_718, %jit3A_719 : i32
    %sign3A_721 = arith.constant 0 : i32
    %sign3A_722 = arith.cmpi sgt, %reduce_max3A_718, %sign3A_721 : i32
    %sign3A_723 = arith.extui %sign3A_722 : i1 to i32
    %sign3A_724 = arith.constant 0 : i32
    %sign3A_725 = arith.cmpi slt, %reduce_max3A_718, %sign3A_724 : i32
    %sign3A_726 = arith.extui %sign3A_725 : i1 to i32
    %sign3A_727 = arith.subi %sign3A_723, %sign3A_726 : i32
    %sign3A_728 = arith.constant 0 : i32
    %sign3A_729 = arith.cmpi sgt, %jit3A_719, %sign3A_728 : i32
    %sign3A_730 = arith.extui %sign3A_729 : i1 to i32
    %sign3A_731 = arith.constant 0 : i32
    %sign3A_732 = arith.cmpi slt, %jit3A_719, %sign3A_731 : i32
    %sign3A_733 = arith.extui %sign3A_732 : i1 to i32
    %sign3A_734 = arith.subi %sign3A_730, %sign3A_733 : i32
    %ne3A_735 = arith.cmpi ne, %sign3A_727, %sign3A_734 : i32
    %rem3A_736 = arith.remsi %reduce_max3A_718, %jit3A_719 : i32
    %ne3A_737 = arith.constant 0 : i32
    %ne3A_738 = arith.cmpi ne, %rem3A_736, %ne3A_737 : i32
    %and3A_739 = arith.andi %ne3A_735, %ne3A_738 : i1
    %sub3A_740 = arith.constant 1 : i32
    %sub3A_741 = arith.subi %div3A_720, %sub3A_740 : i32
    %select_n3A_742 = arith.select %and3A_739, %sub3A_741, %div3A_720 : i32
    %mul3A_743 = arith.constant 128 : i32
    %mul3A_744 = arith.muli %select_n3A_742, %mul3A_743 : i32
    %dma_start3A_745 = arith.constant 0 : i32
    %dma_start3A_746 = arith.constant 0 : i32
    %dma_start3A_747 = arith.constant 0 : i32
    %dma_start3A_748 = arith.constant 0 : i32
    %dma_start3A_749 = tpu.memref_slice %arg6[%dma_start3A_745, %dma_start3A_746, %dma_start3A_747, %dma_start3A_748] : memref<2x4x64x128xf32, #tpu.memory_space<vmem>> -> memref<1x1x64x128xf32, #tpu.memory_space<vmem>>
    %dma_start3A_750 = tpu.memref_squeeze %dma_start3A_749 : memref<1x1x64x128xf32, #tpu.memory_space<vmem>> -> memref<64x128xf32, #tpu.memory_space<vmem>>
    %dma_start3A_751 = arith.constant 0 : i32
    %dma_start3A_752 = tpu.memref_slice %arg3[%dma_start3A_751, %mul3A_744] : memref<64x1000000xf32, #tpu.memory_space<hbm>> -> memref<64x128xf32, #tpu.memory_space<hbm>>
    %dma_start3A_753 = arith.constant 0 : i32
    %dma_start3A_754 = arith.constant 0 : i32
    %dma_start3A_755 = tpu.memref_slice %arg6[%dma_start3A_745, %dma_start3A_746, %dma_start3A_753, %dma_start3A_754] : memref<2x4x64x128xf32, #tpu.memory_space<vmem>> -> memref<1x1x64x128xf32, #tpu.memory_space<vmem>>
    %dma_start3A_756 = tpu.memref_squeeze %dma_start3A_755 : memref<1x1x64x128xf32, #tpu.memory_space<vmem>> -> memref<64x128xf32, #tpu.memory_space<vmem>>
    %dma_start3A_757 = arith.constant 0 : i32
    %dma_start3A_758 = tpu.memref_slice %arg3[%dma_start3A_757, %mul3A_744] : memref<64x1000000xf32, #tpu.memory_space<hbm>> -> memref<64x128xf32, #tpu.memory_space<hbm>>
    tpu.enqueue_dma source(%dma_start3A_758 : memref<64x128xf32, #tpu.memory_space<hbm>>) target(%dma_start3A_756 : memref<64x128xf32, #tpu.memory_space<vmem>>) target_semaphore(%arg8 : memref<!tpu.dma_semaphore, #tpu.memory_space<semaphore_mem>>)
    %get3A_759 = arith.constant 0 : index
    %get3A_760 = tpu.vector_load %arg5[%get3A_759] {strides = array<i32>} : memref<32xi32, #tpu.memory_space<vmem>>, vector<16xi32>,
    %eq3A_761 = arith.constant 9 : i32
    %eq3A_762 = vector.broadcast %eq3A_761 : i32 to vector<16xi32>
    %eq3A_763 = arith.cmpi eq, %iota3A, %eq3A_762 : vector<16xi32>
    %jit3A_764 = arith.constant 0 : i32
    %broadcast_in_dim3A_765 = vector.broadcast %jit3A_764 : i32 to vector<16xi32>
    %select_n3A_766 = arith.select %eq3A_763, %get3A_760, %broadcast_in_dim3A_765 : vector<16xi1>, vector<16xi32>
    %reduce_max3A_767 = arith.constant true
    %reduce_max3A_768 = vector.broadcast %reduce_max3A_767 : i1 to vector<16xi1>
    %reduce_max3A_769 = arith.constant -2147483648 : i32
    %reduce_max3A_770 = vector.broadcast %reduce_max3A_769 : i32 to vector<16xi32>
    %reduce_max3A_771 = arith.xori %select_n3A_766, %reduce_max3A_770 : vector<16xi32>
    %reduce_max3A_772 = tpu.scan <max>, %reduce_max3A_771 masked %reduce_max3A_768 : vector<16xi32>, vector<16xi1> -> vector<16xi32>
    %reduce_max3A_773 = arith.xori %reduce_max3A_772, %reduce_max3A_770 : vector<16xi32>
    %reduce_max3A_774 = vector.extract %reduce_max3A_773[15] : i32 from vector<16xi32>
    %jit3A_775 = arith.constant 128 : i32
    %div3A_776 = arith.divsi %reduce_max3A_774, %jit3A_775 : i32
    %sign3A_777 = arith.constant 0 : i32
    %sign3A_778 = arith.cmpi sgt, %reduce_max3A_774, %sign3A_777 : i32
    %sign3A_779 = arith.extui %sign3A_778 : i1 to i32
    %sign3A_780 = arith.constant 0 : i32
    %sign3A_781 = arith.cmpi slt, %reduce_max3A_774, %sign3A_780 : i32
    %sign3A_782 = arith.extui %sign3A_781 : i1 to i32
    %sign3A_783 = arith.subi %sign3A_779, %sign3A_782 : i32
    %sign3A_784 = arith.constant 0 : i32
    %sign3A_785 = arith.cmpi sgt, %jit3A_775, %sign3A_784 : i32
    %sign3A_786 = arith.extui %sign3A_785 : i1 to i32
    %sign3A_787 = arith.constant 0 : i32
    %sign3A_788 = arith.cmpi slt, %jit3A_775, %sign3A_787 : i32
    %sign3A_789 = arith.extui %sign3A_788 : i1 to i32
    %sign3A_790 = arith.subi %sign3A_786, %sign3A_789 : i32
    %ne3A_791 = arith.cmpi ne, %sign3A_783, %sign3A_790 : i32
    %rem3A_792 = arith.remsi %reduce_max3A_774, %jit3A_775 : i32
    %ne3A_793 = arith.constant 0 : i32
    %ne3A_794 = arith.cmpi ne, %rem3A_792, %ne3A_793 : i32
    %and3A_795 = arith.andi %ne3A_791, %ne3A_794 : i1
    %sub3A_796 = arith.constant 1 : i32
    %sub3A_797 = arith.subi %div3A_776, %sub3A_796 : i32
    %select_n3A_798 = arith.select %and3A_795, %sub3A_797, %div3A_776 : i32
    %mul3A_799 = arith.constant 128 : i32
    %mul3A_800 = arith.muli %select_n3A_798, %mul3A_799 : i32
    %dma_start3A_801 = arith.constant 0 : i32
    %dma_start3A_802 = arith.constant 1 : i32
    %dma_start3A_803 = arith.constant 0 : i32
    %dma_start3A_804 = arith.constant 0 : i32
    %dma_start3A_805 = tpu.memref_slice %arg6[%dma_start3A_801, %dma_start3A_802, %dma_start3A_803, %dma_start3A_804] : memref<2x4x64x128xf32, #tpu.memory_space<vmem>> -> memref<1x1x64x128xf32, #tpu.memory_space<vmem>>
    %dma_start3A_806 = tpu.memref_squeeze %dma_start3A_805 : memref<1x1x64x128xf32, #tpu.memory_space<vmem>> -> memref<64x128xf32, #tpu.memory_space<vmem>>
    %dma_start3A_807 = arith.constant 0 : i32
    %dma_start3A_808 = tpu.memref_slice %arg3[%dma_start3A_807, %mul3A_800] : memref<64x1000000xf32, #tpu.memory_space<hbm>> -> memref<64x128xf32, #tpu.memory_space<hbm>>
    %dma_start3A_809 = arith.constant 0 : i32
    %dma_start3A_810 = arith.constant 0 : i32
    %dma_start3A_811 = tpu.memref_slice %arg6[%dma_start3A_801, %dma_start3A_802, %dma_start3A_809, %dma_start3A_810] : memref<2x4x64x128xf32, #tpu.memory_space<vmem>> -> memref<1x1x64x128xf32, #tpu.memory_space<vmem>>
    %dma_start3A_812 = tpu.memref_squeeze %dma_start3A_811 : memref<1x1x64x128xf32, #tpu.memory_space<vmem>> -> memref<64x128xf32, #tpu.memory_space<vmem>>
    %dma_start3A_813 = arith.constant 0 : i32
    %dma_start3A_814 = tpu.memref_slice %arg3[%dma_start3A_813, %mul3A_800] : memref<64x1000000xf32, #tpu.memory_space<hbm>> -> memref<64x128xf32, #tpu.memory_space<hbm>>
    tpu.enqueue_dma source(%dma_start3A_814 : memref<64x128xf32, #tpu.memory_space<hbm>>) target(%dma_start3A_812 : memref<64x128xf32, #tpu.memory_space<vmem>>) target_semaphore(%arg8 : memref<!tpu.dma_semaphore, #tpu.memory_space<semaphore_mem>>)
    %get3A_815 = arith.constant 0 : index
    %get3A_816 = tpu.vector_load %arg5[%get3A_815] {strides = array<i32>} : memref<32xi32, #tpu.memory_space<vmem>>, vector<16xi32>,
    %eq3A_817 = arith.constant 10 : i32
    %eq3A_818 = vector.broadcast %eq3A_817 : i32 to vector<16xi32>
    %eq3A_819 = arith.cmpi eq, %iota3A, %eq3A_818 : vector<16xi32>
    %jit3A_820 = arith.constant 0 : i32
    %broadcast_in_dim3A_821 = vector.broadcast %jit3A_820 : i32 to vector<16xi32>
    %select_n3A_822 = arith.select %eq3A_819, %get3A_816, %broadcast_in_dim3A_821 : vector<16xi1>, vector<16xi32>
    %reduce_max3A_823 = arith.constant true
    %reduce_max3A_824 = vector.broadcast %reduce_max3A_823 : i1 to vector<16xi1>
    %reduce_max3A_825 = arith.constant -2147483648 : i32
    %reduce_max3A_826 = vector.broadcast %reduce_max3A_825 : i32 to vector<16xi32>
    %reduce_max3A_827 = arith.xori %select_n3A_822, %reduce_max3A_826 : vector<16xi32>
    %reduce_max3A_828 = tpu.scan <max>, %reduce_max3A_827 masked %reduce_max3A_824 : vector<16xi32>, vector<16xi1> -> vector<16xi32>
    %reduce_max3A_829 = arith.xori %reduce_max3A_828, %reduce_max3A_826 : vector<16xi32>
    %reduce_max3A_830 = vector.extract %reduce_max3A_829[15] : i32 from vector<16xi32>
    %jit3A_831 = arith.constant 128 : i32
    %div3A_832 = arith.divsi %reduce_max3A_830, %jit3A_831 : i32
    %sign3A_833 = arith.constant 0 : i32
    %sign3A_834 = arith.cmpi sgt, %reduce_max3A_830, %sign3A_833 : i32
    %sign3A_835 = arith.extui %sign3A_834 : i1 to i32
    %sign3A_836 = arith.constant 0 : i32
    %sign3A_837 = arith.cmpi slt, %reduce_max3A_830, %sign3A_836 : i32
    %sign3A_838 = arith.extui %sign3A_837 : i1 to i32
    %sign3A_839 = arith.subi %sign3A_835, %sign3A_838 : i32
    %sign3A_840 = arith.constant 0 : i32
    %sign3A_841 = arith.cmpi sgt, %jit3A_831, %sign3A_840 : i32
    %sign3A_842 = arith.extui %sign3A_841 : i1 to i32
    %sign3A_843 = arith.constant 0 : i32
    %sign3A_844 = arith.cmpi slt, %jit3A_831, %sign3A_843 : i32
    %sign3A_845 = arith.extui %sign3A_844 : i1 to i32
    %sign3A_846 = arith.subi %sign3A_842, %sign3A_845 : i32
    %ne3A_847 = arith.cmpi ne, %sign3A_839, %sign3A_846 : i32
    %rem3A_848 = arith.remsi %reduce_max3A_830, %jit3A_831 : i32
    %ne3A_849 = arith.constant 0 : i32
    %ne3A_850 = arith.cmpi ne, %rem3A_848, %ne3A_849 : i32
    %and3A_851 = arith.andi %ne3A_847, %ne3A_850 : i1
    %sub3A_852 = arith.constant 1 : i32
    %sub3A_853 = arith.subi %div3A_832, %sub3A_852 : i32
    %select_n3A_854 = arith.select %and3A_851, %sub3A_853, %div3A_832 : i32
    %mul3A_855 = arith.constant 128 : i32
    %mul3A_856 = arith.muli %select_n3A_854, %mul3A_855 : i32
    %dma_start3A_857 = arith.constant 0 : i32
    %dma_start3A_858 = arith.constant 2 : i32
    %dma_start3A_859 = arith.constant 0 : i32
    %dma_start3A_860 = arith.constant 0 : i32
    %dma_start3A_861 = tpu.memref_slice %arg6[%dma_start3A_857, %dma_start3A_858, %dma_start3A_859, %dma_start3A_860] : memref<2x4x64x128xf32, #tpu.memory_space<vmem>> -> memref<1x1x64x128xf32, #tpu.memory_space<vmem>>
    %dma_start3A_862 = tpu.memref_squeeze %dma_start3A_861 : memref<1x1x64x128xf32, #tpu.memory_space<vmem>> -> memref<64x128xf32, #tpu.memory_space<vmem>>
    %dma_start3A_863 = arith.constant 0 : i32
    %dma_start3A_864 = tpu.memref_slice %arg3[%dma_start3A_863, %mul3A_856] : memref<64x1000000xf32, #tpu.memory_space<hbm>> -> memref<64x128xf32, #tpu.memory_space<hbm>>
    %dma_start3A_865 = arith.constant 0 : i32
    %dma_start3A_866 = arith.constant 0 : i32
    %dma_start3A_867 = tpu.memref_slice %arg6[%dma_start3A_857, %dma_start3A_858, %dma_start3A_865, %dma_start3A_866] : memref<2x4x64x128xf32, #tpu.memory_space<vmem>> -> memref<1x1x64x128xf32, #tpu.memory_space<vmem>>
    %dma_start3A_868 = tpu.memref_squeeze %dma_start3A_867 : memref<1x1x64x128xf32, #tpu.memory_space<vmem>> -> memref<64x128xf32, #tpu.memory_space<vmem>>
    %dma_start3A_869 = arith.constant 0 : i32
    %dma_start3A_870 = tpu.memref_slice %arg3[%dma_start3A_869, %mul3A_856] : memref<64x1000000xf32, #tpu.memory_space<hbm>> -> memref<64x128xf32, #tpu.memory_space<hbm>>
    tpu.enqueue_dma source(%dma_start3A_870 : memref<64x128xf32, #tpu.memory_space<hbm>>) target(%dma_start3A_868 : memref<64x128xf32, #tpu.memory_space<vmem>>) target_semaphore(%arg8 : memref<!tpu.dma_semaphore, #tpu.memory_space<semaphore_mem>>)
    %get3A_871 = arith.constant 0 : index
    %get3A_872 = tpu.vector_load %arg5[%get3A_871] {strides = array<i32>} : memref<32xi32, #tpu.memory_space<vmem>>, vector<16xi32>,
    %eq3A_873 = arith.constant 11 : i32
    %eq3A_874 = vector.broadcast %eq3A_873 : i32 to vector<16xi32>
    %eq3A_875 = arith.cmpi eq, %iota3A, %eq3A_874 : vector<16xi32>
    %jit3A_876 = arith.constant 0 : i32
    %broadcast_in_dim3A_877 = vector.broadcast %jit3A_876 : i32 to vector<16xi32>
    %select_n3A_878 = arith.select %eq3A_875, %get3A_872, %broadcast_in_dim3A_877 : vector<16xi1>, vector<16xi32>
    %reduce_max3A_879 = arith.constant true
    %reduce_max3A_880 = vector.broadcast %reduce_max3A_879 : i1 to vector<16xi1>
    %reduce_max3A_881 = arith.constant -2147483648 : i32
    %reduce_max3A_882 = vector.broadcast %reduce_max3A_881 : i32 to vector<16xi32>
    %reduce_max3A_883 = arith.xori %select_n3A_878, %reduce_max3A_882 : vector<16xi32>
    %reduce_max3A_884 = tpu.scan <max>, %reduce_max3A_883 masked %reduce_max3A_880 : vector<16xi32>, vector<16xi1> -> vector<16xi32>
    %reduce_max3A_885 = arith.xori %reduce_max3A_884, %reduce_max3A_882 : vector<16xi32>
    %reduce_max3A_886 = vector.extract %reduce_max3A_885[15] : i32 from vector<16xi32>
    %jit3A_887 = arith.constant 128 : i32
    %div3A_888 = arith.divsi %reduce_max3A_886, %jit3A_887 : i32
    %sign3A_889 = arith.constant 0 : i32
    %sign3A_890 = arith.cmpi sgt, %reduce_max3A_886, %sign3A_889 : i32
    %sign3A_891 = arith.extui %sign3A_890 : i1 to i32
    %sign3A_892 = arith.constant 0 : i32
    %sign3A_893 = arith.cmpi slt, %reduce_max3A_886, %sign3A_892 : i32
    %sign3A_894 = arith.extui %sign3A_893 : i1 to i32
    %sign3A_895 = arith.subi %sign3A_891, %sign3A_894 : i32
    %sign3A_896 = arith.constant 0 : i32
    %sign3A_897 = arith.cmpi sgt, %jit3A_887, %sign3A_896 : i32
    %sign3A_898 = arith.extui %sign3A_897 : i1 to i32
    %sign3A_899 = arith.constant 0 : i32
    %sign3A_900 = arith.cmpi slt, %jit3A_887, %sign3A_899 : i32
    %sign3A_901 = arith.extui %sign3A_900 : i1 to i32
    %sign3A_902 = arith.subi %sign3A_898, %sign3A_901 : i32
    %ne3A_903 = arith.cmpi ne, %sign3A_895, %sign3A_902 : i32
    %rem3A_904 = arith.remsi %reduce_max3A_886, %jit3A_887 : i32
    %ne3A_905 = arith.constant 0 : i32
    %ne3A_906 = arith.cmpi ne, %rem3A_904, %ne3A_905 : i32
    %and3A_907 = arith.andi %ne3A_903, %ne3A_906 : i1
    %sub3A_908 = arith.constant 1 : i32
    %sub3A_909 = arith.subi %div3A_888, %sub3A_908 : i32
    %select_n3A_910 = arith.select %and3A_907, %sub3A_909, %div3A_888 : i32
    %mul3A_911 = arith.constant 128 : i32
    %mul3A_912 = arith.muli %select_n3A_910, %mul3A_911 : i32
    %dma_start3A_913 = arith.constant 0 : i32
    %dma_start3A_914 = arith.constant 3 : i32
    %dma_start3A_915 = arith.constant 0 : i32
    %dma_start3A_916 = arith.constant 0 : i32
    %dma_start3A_917 = tpu.memref_slice %arg6[%dma_start3A_913, %dma_start3A_914, %dma_start3A_915, %dma_start3A_916] : memref<2x4x64x128xf32, #tpu.memory_space<vmem>> -> memref<1x1x64x128xf32, #tpu.memory_space<vmem>>
    %dma_start3A_918 = tpu.memref_squeeze %dma_start3A_917 : memref<1x1x64x128xf32, #tpu.memory_space<vmem>> -> memref<64x128xf32, #tpu.memory_space<vmem>>
    %dma_start3A_919 = arith.constant 0 : i32
    %dma_start3A_920 = tpu.memref_slice %arg3[%dma_start3A_919, %mul3A_912] : memref<64x1000000xf32, #tpu.memory_space<hbm>> -> memref<64x128xf32, #tpu.memory_space<hbm>>
    %dma_start3A_921 = arith.constant 0 : i32
    %dma_start3A_922 = arith.constant 0 : i32
    %dma_start3A_923 = tpu.memref_slice %arg6[%dma_start3A_913, %dma_start3A_914, %dma_start3A_921, %dma_start3A_922] : memref<2x4x64x128xf32, #tpu.memory_space<vmem>> -> memref<1x1x64x128xf32, #tpu.memory_space<vmem>>
    %dma_start3A_924 = tpu.memref_squeeze %dma_start3A_923 : memref<1x1x64x128xf32, #tpu.memory_space<vmem>> -> memref<64x128xf32, #tpu.memory_space<vmem>>
    %dma_start3A_925 = arith.constant 0 : i32
    %dma_start3A_926 = tpu.memref_slice %arg3[%dma_start3A_925, %mul3A_912] : memref<64x1000000xf32, #tpu.memory_space<hbm>> -> memref<64x128xf32, #tpu.memory_space<hbm>>
    tpu.enqueue_dma source(%dma_start3A_926 : memref<64x128xf32, #tpu.memory_space<hbm>>) target(%dma_start3A_924 : memref<64x128xf32, #tpu.memory_space<vmem>>) target_semaphore(%arg8 : memref<!tpu.dma_semaphore, #tpu.memory_space<semaphore_mem>>)
    %dma_wait3A_927 = arith.constant 1 : i32
    %dma_wait3A_928 = arith.constant 0 : i32
    %dma_wait3A_929 = arith.constant 0 : i32
    %dma_wait3A_930 = arith.constant 0 : i32
    %dma_wait3A_931 = tpu.memref_slice %arg6[%dma_wait3A_927, %dma_wait3A_928, %dma_wait3A_929, %dma_wait3A_930] : memref<2x4x64x128xf32, #tpu.memory_space<vmem>> -> memref<1x1x64x128xf32, #tpu.memory_space<vmem>>
    %dma_wait3A_932 = tpu.memref_squeeze %dma_wait3A_931 : memref<1x1x64x128xf32, #tpu.memory_space<vmem>> -> memref<64x128xf32, #tpu.memory_space<vmem>>
    %dma_wait3A_933 = arith.constant 0 : i32
    %dma_wait3A_934 = tpu.memref_slice %arg3[%dma_wait3A_933, %mul3A_256] : memref<64x1000000xf32, #tpu.memory_space<hbm>> -> memref<64x128xf32, #tpu.memory_space<hbm>>
    %dma_wait3A_935 = arith.constant 0 : i32
    %dma_wait3A_936 = arith.constant 0 : i32
    %dma_wait3A_937 = tpu.memref_slice %arg6[%dma_wait3A_927, %dma_wait3A_928, %dma_wait3A_935, %dma_wait3A_936] : memref<2x4x64x128xf32, #tpu.memory_space<vmem>> -> memref<1x1x64x128xf32, #tpu.memory_space<vmem>>
    %dma_wait3A_938 = tpu.memref_squeeze %dma_wait3A_937 : memref<1x1x64x128xf32, #tpu.memory_space<vmem>> -> memref<64x128xf32, #tpu.memory_space<vmem>>
    %dma_wait3A_939 = arith.constant 0 : i32
    %dma_wait3A_940 = tpu.memref_slice %arg3[%dma_wait3A_939, %mul3A_256] : memref<64x1000000xf32, #tpu.memory_space<hbm>> -> memref<64x128xf32, #tpu.memory_space<hbm>>
    tpu.wait_dma2 semaphore(%arg8 : memref<!tpu.dma_semaphore, #tpu.memory_space<semaphore_mem>>) src(%dma_wait3A_940 : memref<64x128xf32, #tpu.memory_space<hbm>>) dst(%dma_wait3A_938 : memref<64x128xf32, #tpu.memory_space<vmem>>)
    %dma_wait3A_941 = arith.constant 1 : i32
    %dma_wait3A_942 = arith.constant 1 : i32
    %dma_wait3A_943 = arith.constant 0 : i32
    %dma_wait3A_944 = arith.constant 0 : i32
    %dma_wait3A_945 = tpu.memref_slice %arg6[%dma_wait3A_941, %dma_wait3A_942, %dma_wait3A_943, %dma_wait3A_944] : memref<2x4x64x128xf32, #tpu.memory_space<vmem>> -> memref<1x1x64x128xf32, #tpu.memory_space<vmem>>
    %dma_wait3A_946 = tpu.memref_squeeze %dma_wait3A_945 : memref<1x1x64x128xf32, #tpu.memory_space<vmem>> -> memref<64x128xf32, #tpu.memory_space<vmem>>
    %dma_wait3A_947 = arith.constant 0 : i32
    %dma_wait3A_948 = tpu.memref_slice %arg3[%dma_wait3A_947, %mul3A_312] : memref<64x1000000xf32, #tpu.memory_space<hbm>> -> memref<64x128xf32, #tpu.memory_space<hbm>>
    %dma_wait3A_949 = arith.constant 0 : i32
    %dma_wait3A_950 = arith.constant 0 : i32
    %dma_wait3A_951 = tpu.memref_slice %arg6[%dma_wait3A_941, %dma_wait3A_942, %dma_wait3A_949, %dma_wait3A_950] : memref<2x4x64x128xf32, #tpu.memory_space<vmem>> -> memref<1x1x64x128xf32, #tpu.memory_space<vmem>>
    %dma_wait3A_952 = tpu.memref_squeeze %dma_wait3A_951 : memref<1x1x64x128xf32, #tpu.memory_space<vmem>> -> memref<64x128xf32, #tpu.memory_space<vmem>>
    %dma_wait3A_953 = arith.constant 0 : i32
    %dma_wait3A_954 = tpu.memref_slice %arg3[%dma_wait3A_953, %mul3A_312] : memref<64x1000000xf32, #tpu.memory_space<hbm>> -> memref<64x128xf32, #tpu.memory_space<hbm>>
    tpu.wait_dma2 semaphore(%arg8 : memref<!tpu.dma_semaphore, #tpu.memory_space<semaphore_mem>>) src(%dma_wait3A_954 : memref<64x128xf32, #tpu.memory_space<hbm>>) dst(%dma_wait3A_952 : memref<64x128xf32, #tpu.memory_space<vmem>>)
    %dma_wait3A_955 = arith.constant 1 : i32
    %dma_wait3A_956 = arith.constant 2 : i32
    %dma_wait3A_957 = arith.constant 0 : i32
    %dma_wait3A_958 = arith.constant 0 : i32
    %dma_wait3A_959 = tpu.memref_slice %arg6[%dma_wait3A_955, %dma_wait3A_956, %dma_wait3A_957, %dma_wait3A_958] : memref<2x4x64x128xf32, #tpu.memory_space<vmem>> -> memref<1x1x64x128xf32, #tpu.memory_space<vmem>>
    %dma_wait3A_960 = tpu.memref_squeeze %dma_wait3A_959 : memref<1x1x64x128xf32, #tpu.memory_space<vmem>> -> memref<64x128xf32, #tpu.memory_space<vmem>>
    %dma_wait3A_961 = arith.constant 0 : i32
    %dma_wait3A_962 = tpu.memref_slice %arg3[%dma_wait3A_961, %mul3A_368] : memref<64x1000000xf32, #tpu.memory_space<hbm>> -> memref<64x128xf32, #tpu.memory_space<hbm>>
    %dma_wait3A_963 = arith.constant 0 : i32
    %dma_wait3A_964 = arith.constant 0 : i32
    %dma_wait3A_965 = tpu.memref_slice %arg6[%dma_wait3A_955, %dma_wait3A_956, %dma_wait3A_963, %dma_wait3A_964] : memref<2x4x64x128xf32, #tpu.memory_space<vmem>> -> memref<1x1x64x128xf32, #tpu.memory_space<vmem>>
    %dma_wait3A_966 = tpu.memref_squeeze %dma_wait3A_965 : memref<1x1x64x128xf32, #tpu.memory_space<vmem>> -> memref<64x128xf32, #tpu.memory_space<vmem>>
    %dma_wait3A_967 = arith.constant 0 : i32
    %dma_wait3A_968 = tpu.memref_slice %arg3[%dma_wait3A_967, %mul3A_368] : memref<64x1000000xf32, #tpu.memory_space<hbm>> -> memref<64x128xf32, #tpu.memory_space<hbm>>
    tpu.wait_dma2 semaphore(%arg8 : memref<!tpu.dma_semaphore, #tpu.memory_space<semaphore_mem>>) src(%dma_wait3A_968 : memref<64x128xf32, #tpu.memory_space<hbm>>) dst(%dma_wait3A_966 : memref<64x128xf32, #tpu.memory_space<vmem>>)
    %dma_wait3A_969 = arith.constant 1 : i32
    %dma_wait3A_970 = arith.constant 3 : i32
    %dma_wait3A_971 = arith.constant 0 : i32
    %dma_wait3A_972 = arith.constant 0 : i32
    %dma_wait3A_973 = tpu.memref_slice %arg6[%dma_wait3A_969, %dma_wait3A_970, %dma_wait3A_971, %dma_wait3A_972] : memref<2x4x64x128xf32, #tpu.memory_space<vmem>> -> memref<1x1x64x128xf32, #tpu.memory_space<vmem>>
    %dma_wait3A_974 = tpu.memref_squeeze %dma_wait3A_973 : memref<1x1x64x128xf32, #tpu.memory_space<vmem>> -> memref<64x128xf32, #tpu.memory_space<vmem>>
    %dma_wait3A_975 = arith.constant 0 : i32
    %dma_wait3A_976 = tpu.memref_slice %arg3[%dma_wait3A_975, %mul3A_424] : memref<64x1000000xf32, #tpu.memory_space<hbm>> -> memref<64x128xf32, #tpu.memory_space<hbm>>
    %dma_wait3A_977 = arith.constant 0 : i32
    %dma_wait3A_978 = arith.constant 0 : i32
    %dma_wait3A_979 = tpu.memref_slice %arg6[%dma_wait3A_969, %dma_wait3A_970, %dma_wait3A_977, %dma_wait3A_978] : memref<2x4x64x128xf32, #tpu.memory_space<vmem>> -> memref<1x1x64x128xf32, #tpu.memory_space<vmem>>
    %dma_wait3A_980 = tpu.memref_squeeze %dma_wait3A_979 : memref<1x1x64x128xf32, #tpu.memory_space<vmem>> -> memref<64x128xf32, #tpu.memory_space<vmem>>
    %dma_wait3A_981 = arith.constant 0 : i32
    %dma_wait3A_982 = tpu.memref_slice %arg3[%dma_wait3A_981, %mul3A_424] : memref<64x1000000xf32, #tpu.memory_space<hbm>> -> memref<64x128xf32, #tpu.memory_space<hbm>>
    tpu.wait_dma2 semaphore(%arg8 : memref<!tpu.dma_semaphore, #tpu.memory_space<semaphore_mem>>) src(%dma_wait3A_982 : memref<64x128xf32, #tpu.memory_space<hbm>>) dst(%dma_wait3A_980 : memref<64x128xf32, #tpu.memory_space<vmem>>)
    %broadcast_in_dim3A_983 = arith.constant 1 : i32
    %broadcast_in_dim3A_984 = vector.broadcast %broadcast_in_dim3A_983 : i32 to vector<16xi32>
    %broadcast_in_dim3A_985 = arith.constant 0 : i32
    %broadcast_in_dim3A_986 = vector.broadcast %broadcast_in_dim3A_985 : i32 to vector<16xi32>
    %jit3A_987 = arith.constant 128 : i32
    %eq3A_988 = arith.constant 0 : i32
    %eq3A_989 = arith.cmpi eq, %jit3A_987, %eq3A_988 : i32
    %jit3A_990 = arith.constant 1 : i32
    %select_n3A_991 = arith.select %eq3A_989, %jit3A_990, %jit3A_987 : i32
    %rem3A_992 = arith.remsi %reduce_max3A_230, %select_n3A_991 : i32
    %ne3A_993 = arith.constant 0 : i32
    %ne3A_994 = arith.cmpi ne, %rem3A_992, %ne3A_993 : i32
    %lt3A_995 = arith.constant 0 : i32
    %lt3A_996 = arith.cmpi slt, %rem3A_992, %lt3A_995 : i32
    %lt3A_997 = arith.constant 0 : i32
    %lt3A_998 = arith.cmpi slt, %select_n3A_991, %lt3A_997 : i32
    %ne3A_999 = arith.xori %lt3A_996, %lt3A_998 : i1
    %and3A_1000 = arith.andi %ne3A_999, %ne3A_994 : i1
    %add3A_1001 = arith.addi %rem3A_992, %select_n3A_991 : i32
    %select_n3A_1002 = arith.select %and3A_1000, %add3A_1001, %rem3A_992 : i32
    %broadcast_in_dim3A_1003 = vector.broadcast %select_n3A_1002 : i32 to vector<16xi32>
    %add3A_1004 = arith.constant 0 : i32
    %add3A_1005 = vector.broadcast %add3A_1004 : i32 to vector<16xi32>
    %add3A_1006 = arith.addi %iota3A_3, %add3A_1005 : vector<16xi32>
    %gather3A_1007 = tpu.vector_load_idx %arg6[%broadcast_in_dim3A_984, %broadcast_in_dim3A_986, %add3A_1006, %broadcast_in_dim3A_1003] : memref<2x4x64x128xf32, #tpu.memory_space<vmem>>[vector<16xi32>, vector<16xi32>, vector<16xi32>, vector<16xi32>], vector<16xf32>,
    %swap3A_1008 = arith.constant 4 : i32
    %swap3A_1009 = arith.index_cast %swap3A_1008 : i32 to index
    %swap3A_1010 = arith.constant 0 : index
    %swap3A_1011 = tpu.vector_load %arg7[%swap3A_1009, %swap3A_1010] {strides = array<i32>} : memref<32x64xf32, #tpu.memory_space<vmem>>, vector<16xf32>,
    tpu.vector_store %arg7[%swap3A_1009, %swap3A_1010], %gather3A_1007 {strides = array<i32>} : memref<32x64xf32, #tpu.memory_space<vmem>>, vector<16xf32>,
    %add3A_1012 = arith.constant 16 : i32
    %add3A_1013 = vector.broadcast %add3A_1012 : i32 to vector<16xi32>
    %add3A_1014 = arith.addi %iota3A_3, %add3A_1013 : vector<16xi32>
    %gather3A_1015 = tpu.vector_load_idx %arg6[%broadcast_in_dim3A_984, %broadcast_in_dim3A_986, %add3A_1014, %broadcast_in_dim3A_1003] : memref<2x4x64x128xf32, #tpu.memory_space<vmem>>[vector<16xi32>, vector<16xi32>, vector<16xi32>, vector<16xi32>], vector<16xf32>,
    %swap3A_1016 = arith.constant 4 : i32
    %swap3A_1017 = arith.index_cast %swap3A_1016 : i32 to index
    %swap3A_1018 = arith.constant 16 : index
    %swap3A_1019 = tpu.vector_load %arg7[%swap3A_1017, %swap3A_1018] {strides = array<i32>} : memref<32x64xf32, #tpu.memory_space<vmem>>, vector<16xf32>,
    tpu.vector_store %arg7[%swap3A_1017, %swap3A_1018], %gather3A_1015 {strides = array<i32>} : memref<32x64xf32, #tpu.memory_space<vmem>>, vector<16xf32>,
    %add3A_1020 = arith.constant 32 : i32
    %add3A_1021 = vector.broadcast %add3A_1020 : i32 to vector<16xi32>
    %add3A_1022 = arith.addi %iota3A_3, %add3A_1021 : vector<16xi32>
    %gather3A_1023 = tpu.vector_load_idx %arg6[%broadcast_in_dim3A_984, %broadcast_in_dim3A_986, %add3A_1022, %broadcast_in_dim3A_1003] : memref<2x4x64x128xf32, #tpu.memory_space<vmem>>[vector<16xi32>, vector<16xi32>, vector<16xi32>, vector<16xi32>], vector<16xf32>,
    %swap3A_1024 = arith.constant 4 : i32
    %swap3A_1025 = arith.index_cast %swap3A_1024 : i32 to index
    %swap3A_1026 = arith.constant 32 : index
    %swap3A_1027 = tpu.vector_load %arg7[%swap3A_1025, %swap3A_1026] {strides = array<i32>} : memref<32x64xf32, #tpu.memory_space<vmem>>, vector<16xf32>,
    tpu.vector_store %arg7[%swap3A_1025, %swap3A_1026], %gather3A_1023 {strides = array<i32>} : memref<32x64xf32, #tpu.memory_space<vmem>>, vector<16xf32>,
    %add3A_1028 = arith.constant 48 : i32
    %add3A_1029 = vector.broadcast %add3A_1028 : i32 to vector<16xi32>
    %add3A_1030 = arith.addi %iota3A_3, %add3A_1029 : vector<16xi32>
    %gather3A_1031 = tpu.vector_load_idx %arg6[%broadcast_in_dim3A_984, %broadcast_in_dim3A_986, %add3A_1030, %broadcast_in_dim3A_1003] : memref<2x4x64x128xf32, #tpu.memory_space<vmem>>[vector<16xi32>, vector<16xi32>, vector<16xi32>, vector<16xi32>], vector<16xf32>,
    %swap3A_1032 = arith.constant 4 : i32
    %swap3A_1033 = arith.index_cast %swap3A_1032 : i32 to index
    %swap3A_1034 = arith.constant 48 : index
    %swap3A_1035 = tpu.vector_load %arg7[%swap3A_1033, %swap3A_1034] {strides = array<i32>} : memref<32x64xf32, #tpu.memory_space<vmem>>, vector<16xf32>,
    tpu.vector_store %arg7[%swap3A_1033, %swap3A_1034], %gather3A_1031 {strides = array<i32>} : memref<32x64xf32, #tpu.memory_space<vmem>>, vector<16xf32>,
    %broadcast_in_dim3A_1036 = arith.constant 1 : i32
    %broadcast_in_dim3A_1037 = vector.broadcast %broadcast_in_dim3A_1036 : i32 to vector<16xi32>
    %broadcast_in_dim3A_1038 = arith.constant 1 : i32
    %broadcast_in_dim3A_1039 = vector.broadcast %broadcast_in_dim3A_1038 : i32 to vector<16xi32>
    %jit3A_1040 = arith.constant 128 : i32
    %eq3A_1041 = arith.constant 0 : i32
    %eq3A_1042 = arith.cmpi eq, %jit3A_1040, %eq3A_1041 : i32
    %jit3A_1043 = arith.constant 1 : i32
    %select_n3A_1044 = arith.select %eq3A_1042, %jit3A_1043, %jit3A_1040 : i32
    %rem3A_1045 = arith.remsi %reduce_max3A_286, %select_n3A_1044 : i32
    %ne3A_1046 = arith.constant 0 : i32
    %ne3A_1047 = arith.cmpi ne, %rem3A_1045, %ne3A_1046 : i32
    %lt3A_1048 = arith.constant 0 : i32
    %lt3A_1049 = arith.cmpi slt, %rem3A_1045, %lt3A_1048 : i32
    %lt3A_1050 = arith.constant 0 : i32
    %lt3A_1051 = arith.cmpi slt, %select_n3A_1044, %lt3A_1050 : i32
    %ne3A_1052 = arith.xori %lt3A_1049, %lt3A_1051 : i1
    %and3A_1053 = arith.andi %ne3A_1052, %ne3A_1047 : i1
    %add3A_1054 = arith.addi %rem3A_1045, %select_n3A_1044 : i32
    %select_n3A_1055 = arith.select %and3A_1053, %add3A_1054, %rem3A_1045 : i32
    %broadcast_in_dim3A_1056 = vector.broadcast %select_n3A_1055 : i32 to vector<16xi32>
    %add3A_1057 = arith.constant 0 : i32
    %add3A_1058 = vector.broadcast %add3A_1057 : i32 to vector<16xi32>
    %add3A_1059 = arith.addi %iota3A_3, %add3A_1058 : vector<16xi32>
    %gather3A_1060 = tpu.vector_load_idx %arg6[%broadcast_in_dim3A_1037, %broadcast_in_dim3A_1039, %add3A_1059, %broadcast_in_dim3A_1056] : memref<2x4x64x128xf32, #tpu.memory_space<vmem>>[vector<16xi32>, vector<16xi32>, vector<16xi32>, vector<16xi32>], vector<16xf32>,
    %swap3A_1061 = arith.constant 5 : i32
    %swap3A_1062 = arith.index_cast %swap3A_1061 : i32 to index
    %swap3A_1063 = arith.constant 0 : index
    %swap3A_1064 = tpu.vector_load %arg7[%swap3A_1062, %swap3A_1063] {strides = array<i32>} : memref<32x64xf32, #tpu.memory_space<vmem>>, vector<16xf32>,
    tpu.vector_store %arg7[%swap3A_1062, %swap3A_1063], %gather3A_1060 {strides = array<i32>} : memref<32x64xf32, #tpu.memory_space<vmem>>, vector<16xf32>,
    %add3A_1065 = arith.constant 16 : i32
    %add3A_1066 = vector.broadcast %add3A_1065 : i32 to vector<16xi32>
    %add3A_1067 = arith.addi %iota3A_3, %add3A_1066 : vector<16xi32>
    %gather3A_1068 = tpu.vector_load_idx %arg6[%broadcast_in_dim3A_1037, %broadcast_in_dim3A_1039, %add3A_1067, %broadcast_in_dim3A_1056] : memref<2x4x64x128xf32, #tpu.memory_space<vmem>>[vector<16xi32>, vector<16xi32>, vector<16xi32>, vector<16xi32>], vector<16xf32>,
    %swap3A_1069 = arith.constant 5 : i32
    %swap3A_1070 = arith.index_cast %swap3A_1069 : i32 to index
    %swap3A_1071 = arith.constant 16 : index
    %swap3A_1072 = tpu.vector_load %arg7[%swap3A_1070, %swap3A_1071] {strides = array<i32>} : memref<32x64xf32, #tpu.memory_space<vmem>>, vector<16xf32>,
    tpu.vector_store %arg7[%swap3A_1070, %swap3A_1071], %gather3A_1068 {strides = array<i32>} : memref<32x64xf32, #tpu.memory_space<vmem>>, vector<16xf32>,
    %add3A_1073 = arith.constant 32 : i32
    %add3A_1074 = vector.broadcast %add3A_1073 : i32 to vector<16xi32>
    %add3A_1075 = arith.addi %iota3A_3, %add3A_1074 : vector<16xi32>
    %gather3A_1076 = tpu.vector_load_idx %arg6[%broadcast_in_dim3A_1037, %broadcast_in_dim3A_1039, %add3A_1075, %broadcast_in_dim3A_1056] : memref<2x4x64x128xf32, #tpu.memory_space<vmem>>[vector<16xi32>, vector<16xi32>, vector<16xi32>, vector<16xi32>], vector<16xf32>,
    %swap3A_1077 = arith.constant 5 : i32
    %swap3A_1078 = arith.index_cast %swap3A_1077 : i32 to index
    %swap3A_1079 = arith.constant 32 : index
    %swap3A_1080 = tpu.vector_load %arg7[%swap3A_1078, %swap3A_1079] {strides = array<i32>} : memref<32x64xf32, #tpu.memory_space<vmem>>, vector<16xf32>,
    tpu.vector_store %arg7[%swap3A_1078, %swap3A_1079], %gather3A_1076 {strides = array<i32>} : memref<32x64xf32, #tpu.memory_space<vmem>>, vector<16xf32>,
    %add3A_1081 = arith.constant 48 : i32
    %add3A_1082 = vector.broadcast %add3A_1081 : i32 to vector<16xi32>
    %add3A_1083 = arith.addi %iota3A_3, %add3A_1082 : vector<16xi32>
    %gather3A_1084 = tpu.vector_load_idx %arg6[%broadcast_in_dim3A_1037, %broadcast_in_dim3A_1039, %add3A_1083, %broadcast_in_dim3A_1056] : memref<2x4x64x128xf32, #tpu.memory_space<vmem>>[vector<16xi32>, vector<16xi32>, vector<16xi32>, vector<16xi32>], vector<16xf32>,
    %swap3A_1085 = arith.constant 5 : i32
    %swap3A_1086 = arith.index_cast %swap3A_1085 : i32 to index
    %swap3A_1087 = arith.constant 48 : index
    %swap3A_1088 = tpu.vector_load %arg7[%swap3A_1086, %swap3A_1087] {strides = array<i32>} : memref<32x64xf32, #tpu.memory_space<vmem>>, vector<16xf32>,
    tpu.vector_store %arg7[%swap3A_1086, %swap3A_1087], %gather3A_1084 {strides = array<i32>} : memref<32x64xf32, #tpu.memory_space<vmem>>, vector<16xf32>,
    %broadcast_in_dim3A_1089 = arith.constant 1 : i32
    %broadcast_in_dim3A_1090 = vector.broadcast %broadcast_in_dim3A_1089 : i32 to vector<16xi32>
    %broadcast_in_dim3A_1091 = arith.constant 2 : i32
    %broadcast_in_dim3A_1092 = vector.broadcast %broadcast_in_dim3A_1091 : i32 to vector<16xi32>
    %jit3A_1093 = arith.constant 128 : i32
    %eq3A_1094 = arith.constant 0 : i32
    %eq3A_1095 = arith.cmpi eq, %jit3A_1093, %eq3A_1094 : i32
    %jit3A_1096 = arith.constant 1 : i32
    %select_n3A_1097 = arith.select %eq3A_1095, %jit3A_1096, %jit3A_1093 : i32
    %rem3A_1098 = arith.remsi %reduce_max3A_342, %select_n3A_1097 : i32
    %ne3A_1099 = arith.constant 0 : i32
    %ne3A_1100 = arith.cmpi ne, %rem3A_1098, %ne3A_1099 : i32
    %lt3A_1101 = arith.constant 0 : i32
    %lt3A_1102 = arith.cmpi slt, %rem3A_1098, %lt3A_1101 : i32
    %lt3A_1103 = arith.constant 0 : i32
    %lt3A_1104 = arith.cmpi slt, %select_n3A_1097, %lt3A_1103 : i32
    %ne3A_1105 = arith.xori %lt3A_1102, %lt3A_1104 : i1
    %and3A_1106 = arith.andi %ne3A_1105, %ne3A_1100 : i1
    %add3A_1107 = arith.addi %rem3A_1098, %select_n3A_1097 : i32
    %select_n3A_1108 = arith.select %and3A_1106, %add3A_1107, %rem3A_1098 : i32
    %broadcast_in_dim3A_1109 = vector.broadcast %select_n3A_1108 : i32 to vector<16xi32>
    %add3A_1110 = arith.constant 0 : i32
    %add3A_1111 = vector.broadcast %add3A_1110 : i32 to vector<16xi32>
    %add3A_1112 = arith.addi %iota3A_3, %add3A_1111 : vector<16xi32>
    %gather3A_1113 = tpu.vector_load_idx %arg6[%broadcast_in_dim3A_1090, %broadcast_in_dim3A_1092, %add3A_1112, %broadcast_in_dim3A_1109] : memref<2x4x64x128xf32, #tpu.memory_space<vmem>>[vector<16xi32>, vector<16xi32>, vector<16xi32>, vector<16xi32>], vector<16xf32>,
    %swap3A_1114 = arith.constant 6 : i32
    %swap3A_1115 = arith.index_cast %swap3A_1114 : i32 to index
    %swap3A_1116 = arith.constant 0 : index
    %swap3A_1117 = tpu.vector_load %arg7[%swap3A_1115, %swap3A_1116] {strides = array<i32>} : memref<32x64xf32, #tpu.memory_space<vmem>>, vector<16xf32>,
    tpu.vector_store %arg7[%swap3A_1115, %swap3A_1116], %gather3A_1113 {strides = array<i32>} : memref<32x64xf32, #tpu.memory_space<vmem>>, vector<16xf32>,
    %add3A_1118 = arith.constant 16 : i32
    %add3A_1119 = vector.broadcast %add3A_1118 : i32 to vector<16xi32>
    %add3A_1120 = arith.addi %iota3A_3, %add3A_1119 : vector<16xi32>
    %gather3A_1121 = tpu.vector_load_idx %arg6[%broadcast_in_dim3A_1090, %broadcast_in_dim3A_1092, %add3A_1120, %broadcast_in_dim3A_1109] : memref<2x4x64x128xf32, #tpu.memory_space<vmem>>[vector<16xi32>, vector<16xi32>, vector<16xi32>, vector<16xi32>], vector<16xf32>,
    %swap3A_1122 = arith.constant 6 : i32
    %swap3A_1123 = arith.index_cast %swap3A_1122 : i32 to index
    %swap3A_1124 = arith.constant 16 : index
    %swap3A_1125 = tpu.vector_load %arg7[%swap3A_1123, %swap3A_1124] {strides = array<i32>} : memref<32x64xf32, #tpu.memory_space<vmem>>, vector<16xf32>,
    tpu.vector_store %arg7[%swap3A_1123, %swap3A_1124], %gather3A_1121 {strides = array<i32>} : memref<32x64xf32, #tpu.memory_space<vmem>>, vector<16xf32>,
    %add3A_1126 = arith.constant 32 : i32
    %add3A_1127 = vector.broadcast %add3A_1126 : i32 to vector<16xi32>
    %add3A_1128 = arith.addi %iota3A_3, %add3A_1127 : vector<16xi32>
    %gather3A_1129 = tpu.vector_load_idx %arg6[%broadcast_in_dim3A_1090, %broadcast_in_dim3A_1092, %add3A_1128, %broadcast_in_dim3A_1109] : memref<2x4x64x128xf32, #tpu.memory_space<vmem>>[vector<16xi32>, vector<16xi32>, vector<16xi32>, vector<16xi32>], vector<16xf32>,
    %swap3A_1130 = arith.constant 6 : i32
    %swap3A_1131 = arith.index_cast %swap3A_1130 : i32 to index
    %swap3A_1132 = arith.constant 32 : index
    %swap3A_1133 = tpu.vector_load %arg7[%swap3A_1131, %swap3A_1132] {strides = array<i32>} : memref<32x64xf32, #tpu.memory_space<vmem>>, vector<16xf32>,
    tpu.vector_store %arg7[%swap3A_1131, %swap3A_1132], %gather3A_1129 {strides = array<i32>} : memref<32x64xf32, #tpu.memory_space<vmem>>, vector<16xf32>,
    %add3A_1134 = arith.constant 48 : i32
    %add3A_1135 = vector.broadcast %add3A_1134 : i32 to vector<16xi32>
    %add3A_1136 = arith.addi %iota3A_3, %add3A_1135 : vector<16xi32>
    %gather3A_1137 = tpu.vector_load_idx %arg6[%broadcast_in_dim3A_1090, %broadcast_in_dim3A_1092, %add3A_1136, %broadcast_in_dim3A_1109] : memref<2x4x64x128xf32, #tpu.memory_space<vmem>>[vector<16xi32>, vector<16xi32>, vector<16xi32>, vector<16xi32>], vector<16xf32>,
    %swap3A_1138 = arith.constant 6 : i32
    %swap3A_1139 = arith.index_cast %swap3A_1138 : i32 to index
    %swap3A_1140 = arith.constant 48 : index
    %swap3A_1141 = tpu.vector_load %arg7[%swap3A_1139, %swap3A_1140] {strides = array<i32>} : memref<32x64xf32, #tpu.memory_space<vmem>>, vector<16xf32>,
    tpu.vector_store %arg7[%swap3A_1139, %swap3A_1140], %gather3A_1137 {strides = array<i32>} : memref<32x64xf32, #tpu.memory_space<vmem>>, vector<16xf32>,
    %broadcast_in_dim3A_1142 = arith.constant 1 : i32
    %broadcast_in_dim3A_1143 = vector.broadcast %broadcast_in_dim3A_1142 : i32 to vector<16xi32>
    %broadcast_in_dim3A_1144 = arith.constant 3 : i32
    %broadcast_in_dim3A_1145 = vector.broadcast %broadcast_in_dim3A_1144 : i32 to vector<16xi32>
    %jit3A_1146 = arith.constant 128 : i32
    %eq3A_1147 = arith.constant 0 : i32
    %eq3A_1148 = arith.cmpi eq, %jit3A_1146, %eq3A_1147 : i32
    %jit3A_1149 = arith.constant 1 : i32
    %select_n3A_1150 = arith.select %eq3A_1148, %jit3A_1149, %jit3A_1146 : i32
    %rem3A_1151 = arith.remsi %reduce_max3A_398, %select_n3A_1150 : i32
    %ne3A_1152 = arith.constant 0 : i32
    %ne3A_1153 = arith.cmpi ne, %rem3A_1151, %ne3A_1152 : i32
    %lt3A_1154 = arith.constant 0 : i32
    %lt3A_1155 = arith.cmpi slt, %rem3A_1151, %lt3A_1154 : i32
    %lt3A_1156 = arith.constant 0 : i32
    %lt3A_1157 = arith.cmpi slt, %select_n3A_1150, %lt3A_1156 : i32
    %ne3A_1158 = arith.xori %lt3A_1155, %lt3A_1157 : i1
    %and3A_1159 = arith.andi %ne3A_1158, %ne3A_1153 : i1
    %add3A_1160 = arith.addi %rem3A_1151, %select_n3A_1150 : i32
    %select_n3A_1161 = arith.select %and3A_1159, %add3A_1160, %rem3A_1151 : i32
    %broadcast_in_dim3A_1162 = vector.broadcast %select_n3A_1161 : i32 to vector<16xi32>
    %add3A_1163 = arith.constant 0 : i32
    %add3A_1164 = vector.broadcast %add3A_1163 : i32 to vector<16xi32>
    %add3A_1165 = arith.addi %iota3A_3, %add3A_1164 : vector<16xi32>
    %gather3A_1166 = tpu.vector_load_idx %arg6[%broadcast_in_dim3A_1143, %broadcast_in_dim3A_1145, %add3A_1165, %broadcast_in_dim3A_1162] : memref<2x4x64x128xf32, #tpu.memory_space<vmem>>[vector<16xi32>, vector<16xi32>, vector<16xi32>, vector<16xi32>], vector<16xf32>,
    %swap3A_1167 = arith.constant 7 : i32
    %swap3A_1168 = arith.index_cast %swap3A_1167 : i32 to index
    %swap3A_1169 = arith.constant 0 : index
    %swap3A_1170 = tpu.vector_load %arg7[%swap3A_1168, %swap3A_1169] {strides = array<i32>} : memref<32x64xf32, #tpu.memory_space<vmem>>, vector<16xf32>,
    tpu.vector_store %arg7[%swap3A_1168, %swap3A_1169], %gather3A_1166 {strides = array<i32>} : memref<32x64xf32, #tpu.memory_space<vmem>>, vector<16xf32>,
    %add3A_1171 = arith.constant 16 : i32
    %add3A_1172 = vector.broadcast %add3A_1171 : i32 to vector<16xi32>
    %add3A_1173 = arith.addi %iota3A_3, %add3A_1172 : vector<16xi32>
    %gather3A_1174 = tpu.vector_load_idx %arg6[%broadcast_in_dim3A_1143, %broadcast_in_dim3A_1145, %add3A_1173, %broadcast_in_dim3A_1162] : memref<2x4x64x128xf32, #tpu.memory_space<vmem>>[vector<16xi32>, vector<16xi32>, vector<16xi32>, vector<16xi32>], vector<16xf32>,
    %swap3A_1175 = arith.constant 7 : i32
    %swap3A_1176 = arith.index_cast %swap3A_1175 : i32 to index
    %swap3A_1177 = arith.constant 16 : index
    %swap3A_1178 = tpu.vector_load %arg7[%swap3A_1176, %swap3A_1177] {strides = array<i32>} : memref<32x64xf32, #tpu.memory_space<vmem>>, vector<16xf32>,
    tpu.vector_store %arg7[%swap3A_1176, %swap3A_1177], %gather3A_1174 {strides = array<i32>} : memref<32x64xf32, #tpu.memory_space<vmem>>, vector<16xf32>,
    %add3A_1179 = arith.constant 32 : i32
    %add3A_1180 = vector.broadcast %add3A_1179 : i32 to vector<16xi32>
    %add3A_1181 = arith.addi %iota3A_3, %add3A_1180 : vector<16xi32>
    %gather3A_1182 = tpu.vector_load_idx %arg6[%broadcast_in_dim3A_1143, %broadcast_in_dim3A_1145, %add3A_1181, %broadcast_in_dim3A_1162] : memref<2x4x64x128xf32, #tpu.memory_space<vmem>>[vector<16xi32>, vector<16xi32>, vector<16xi32>, vector<16xi32>], vector<16xf32>,
    %swap3A_1183 = arith.constant 7 : i32
    %swap3A_1184 = arith.index_cast %swap3A_1183 : i32 to index
    %swap3A_1185 = arith.constant 32 : index
    %swap3A_1186 = tpu.vector_load %arg7[%swap3A_1184, %swap3A_1185] {strides = array<i32>} : memref<32x64xf32, #tpu.memory_space<vmem>>, vector<16xf32>,
    tpu.vector_store %arg7[%swap3A_1184, %swap3A_1185], %gather3A_1182 {strides = array<i32>} : memref<32x64xf32, #tpu.memory_space<vmem>>, vector<16xf32>,
    %add3A_1187 = arith.constant 48 : i32
    %add3A_1188 = vector.broadcast %add3A_1187 : i32 to vector<16xi32>
    %add3A_1189 = arith.addi %iota3A_3, %add3A_1188 : vector<16xi32>
    %gather3A_1190 = tpu.vector_load_idx %arg6[%broadcast_in_dim3A_1143, %broadcast_in_dim3A_1145, %add3A_1189, %broadcast_in_dim3A_1162] : memref<2x4x64x128xf32, #tpu.memory_space<vmem>>[vector<16xi32>, vector<16xi32>, vector<16xi32>, vector<16xi32>], vector<16xf32>,
    %swap3A_1191 = arith.constant 7 : i32
    %swap3A_1192 = arith.index_cast %swap3A_1191 : i32 to index
    %swap3A_1193 = arith.constant 48 : index
    %swap3A_1194 = tpu.vector_load %arg7[%swap3A_1192, %swap3A_1193] {strides = array<i32>} : memref<32x64xf32, #tpu.memory_space<vmem>>, vector<16xf32>,
    tpu.vector_store %arg7[%swap3A_1192, %swap3A_1193], %gather3A_1190 {strides = array<i32>} : memref<32x64xf32, #tpu.memory_space<vmem>>, vector<16xf32>,
    %get3A_1195 = arith.constant 0 : index
    %get3A_1196 = tpu.vector_load %arg5[%get3A_1195] {strides = array<i32>} : memref<32xi32, #tpu.memory_space<vmem>>, vector<16xi32>,
    %eq3A_1197 = arith.constant 12 : i32
    %eq3A_1198 = vector.broadcast %eq3A_1197 : i32 to vector<16xi32>
    %eq3A_1199 = arith.cmpi eq, %iota3A, %eq3A_1198 : vector<16xi32>
    %jit3A_1200 = arith.constant 0 : i32
    %broadcast_in_dim3A_1201 = vector.broadcast %jit3A_1200 : i32 to vector<16xi32>
    %select_n3A_1202 = arith.select %eq3A_1199, %get3A_1196, %broadcast_in_dim3A_1201 : vector<16xi1>, vector<16xi32>
    %reduce_max3A_1203 = arith.constant true
    %reduce_max3A_1204 = vector.broadcast %reduce_max3A_1203 : i1 to vector<16xi1>
    %reduce_max3A_1205 = arith.constant -2147483648 : i32
    %reduce_max3A_1206 = vector.broadcast %reduce_max3A_1205 : i32 to vector<16xi32>
    %reduce_max3A_1207 = arith.xori %select_n3A_1202, %reduce_max3A_1206 : vector<16xi32>
    %reduce_max3A_1208 = tpu.scan <max>, %reduce_max3A_1207 masked %reduce_max3A_1204 : vector<16xi32>, vector<16xi1> -> vector<16xi32>
    %reduce_max3A_1209 = arith.xori %reduce_max3A_1208, %reduce_max3A_1206 : vector<16xi32>
    %reduce_max3A_1210 = vector.extract %reduce_max3A_1209[15] : i32 from vector<16xi32>
    %jit3A_1211 = arith.constant 128 : i32
    %div3A_1212 = arith.divsi %reduce_max3A_1210, %jit3A_1211 : i32
    %sign3A_1213 = arith.constant 0 : i32
    %sign3A_1214 = arith.cmpi sgt, %reduce_max3A_1210, %sign3A_1213 : i32
    %sign3A_1215 = arith.extui %sign3A_1214 : i1 to i32
    %sign3A_1216 = arith.constant 0 : i32
    %sign3A_1217 = arith.cmpi slt, %reduce_max3A_1210, %sign3A_1216 : i32
    %sign3A_1218 = arith.extui %sign3A_1217 : i1 to i32
    %sign3A_1219 = arith.subi %sign3A_1215, %sign3A_1218 : i32
    %sign3A_1220 = arith.constant 0 : i32
    %sign3A_1221 = arith.cmpi sgt, %jit3A_1211, %sign3A_1220 : i32
    %sign3A_1222 = arith.extui %sign3A_1221 : i1 to i32
    %sign3A_1223 = arith.constant 0 : i32
    %sign3A_1224 = arith.cmpi slt, %jit3A_1211, %sign3A_1223 : i32
    %sign3A_1225 = arith.extui %sign3A_1224 : i1 to i32
    %sign3A_1226 = arith.subi %sign3A_1222, %sign3A_1225 : i32
    %ne3A_1227 = arith.cmpi ne, %sign3A_1219, %sign3A_1226 : i32
    %rem3A_1228 = arith.remsi %reduce_max3A_1210, %jit3A_1211 : i32
    %ne3A_1229 = arith.constant 0 : i32
    %ne3A_1230 = arith.cmpi ne, %rem3A_1228, %ne3A_1229 : i32
    %and3A_1231 = arith.andi %ne3A_1227, %ne3A_1230 : i1
    %sub3A_1232 = arith.constant 1 : i32
    %sub3A_1233 = arith.subi %div3A_1212, %sub3A_1232 : i32
    %select_n3A_1234 = arith.select %and3A_1231, %sub3A_1233, %div3A_1212 : i32
    %mul3A_1235 = arith.constant 128 : i32
    %mul3A_1236 = arith.muli %select_n3A_1234, %mul3A_1235 : i32
    %dma_start3A_1237 = arith.constant 1 : i32
    %dma_start3A_1238 = arith.constant 0 : i32
    %dma_start3A_1239 = arith.constant 0 : i32
    %dma_start3A_1240 = arith.constant 0 : i32
    %dma_start3A_1241 = tpu.memref_slice %arg6[%dma_start3A_1237, %dma_start3A_1238, %dma_start3A_1239, %dma_start3A_1240] : memref<2x4x64x128xf32, #tpu.memory_space<vmem>> -> memref<1x1x64x128xf32, #tpu.memory_space<vmem>>
    %dma_start3A_1242 = tpu.memref_squeeze %dma_start3A_1241 : memref<1x1x64x128xf32, #tpu.memory_space<vmem>> -> memref<64x128xf32, #tpu.memory_space<vmem>>
    %dma_start3A_1243 = arith.constant 0 : i32
    %dma_start3A_1244 = tpu.memref_slice %arg3[%dma_start3A_1243, %mul3A_1236] : memref<64x1000000xf32, #tpu.memory_space<hbm>> -> memref<64x128xf32, #tpu.memory_space<hbm>>
    %dma_start3A_1245 = arith.constant 0 : i32
    %dma_start3A_1246 = arith.constant 0 : i32
    %dma_start3A_1247 = tpu.memref_slice %arg6[%dma_start3A_1237, %dma_start3A_1238, %dma_start3A_1245, %dma_start3A_1246] : memref<2x4x64x128xf32, #tpu.memory_space<vmem>> -> memref<1x1x64x128xf32, #tpu.memory_space<vmem>>
    %dma_start3A_1248 = tpu.memref_squeeze %dma_start3A_1247 : memref<1x1x64x128xf32, #tpu.memory_space<vmem>> -> memref<64x128xf32, #tpu.memory_space<vmem>>
    %dma_start3A_1249 = arith.constant 0 : i32
    %dma_start3A_1250 = tpu.memref_slice %arg3[%dma_start3A_1249, %mul3A_1236] : memref<64x1000000xf32, #tpu.memory_space<hbm>> -> memref<64x128xf32, #tpu.memory_space<hbm>>
    tpu.enqueue_dma source(%dma_start3A_1250 : memref<64x128xf32, #tpu.memory_space<hbm>>) target(%dma_start3A_1248 : memref<64x128xf32, #tpu.memory_space<vmem>>) target_semaphore(%arg8 : memref<!tpu.dma_semaphore, #tpu.memory_space<semaphore_mem>>)
    %get3A_1251 = arith.constant 0 : index
    %get3A_1252 = tpu.vector_load %arg5[%get3A_1251] {strides = array<i32>} : memref<32xi32, #tpu.memory_space<vmem>>, vector<16xi32>,
    %eq3A_1253 = arith.constant 13 : i32
    %eq3A_1254 = vector.broadcast %eq3A_1253 : i32 to vector<16xi32>
    %eq3A_1255 = arith.cmpi eq, %iota3A, %eq3A_1254 : vector<16xi32>
    %jit3A_1256 = arith.constant 0 : i32
    %broadcast_in_dim3A_1257 = vector.broadcast %jit3A_1256 : i32 to vector<16xi32>
    %select_n3A_1258 = arith.select %eq3A_1255, %get3A_1252, %broadcast_in_dim3A_1257 : vector<16xi1>, vector<16xi32>
    %reduce_max3A_1259 = arith.constant true
    %reduce_max3A_1260 = vector.broadcast %reduce_max3A_1259 : i1 to vector<16xi1>
    %reduce_max3A_1261 = arith.constant -2147483648 : i32
    %reduce_max3A_1262 = vector.broadcast %reduce_max3A_1261 : i32 to vector<16xi32>
    %reduce_max3A_1263 = arith.xori %select_n3A_1258, %reduce_max3A_1262 : vector<16xi32>
    %reduce_max3A_1264 = tpu.scan <max>, %reduce_max3A_1263 masked %reduce_max3A_1260 : vector<16xi32>, vector<16xi1> -> vector<16xi32>
    %reduce_max3A_1265 = arith.xori %reduce_max3A_1264, %reduce_max3A_1262 : vector<16xi32>
    %reduce_max3A_1266 = vector.extract %reduce_max3A_1265[15] : i32 from vector<16xi32>
    %jit3A_1267 = arith.constant 128 : i32
    %div3A_1268 = arith.divsi %reduce_max3A_1266, %jit3A_1267 : i32
    %sign3A_1269 = arith.constant 0 : i32
    %sign3A_1270 = arith.cmpi sgt, %reduce_max3A_1266, %sign3A_1269 : i32
    %sign3A_1271 = arith.extui %sign3A_1270 : i1 to i32
    %sign3A_1272 = arith.constant 0 : i32
    %sign3A_1273 = arith.cmpi slt, %reduce_max3A_1266, %sign3A_1272 : i32
    %sign3A_1274 = arith.extui %sign3A_1273 : i1 to i32
    %sign3A_1275 = arith.subi %sign3A_1271, %sign3A_1274 : i32
    %sign3A_1276 = arith.constant 0 : i32
    %sign3A_1277 = arith.cmpi sgt, %jit3A_1267, %sign3A_1276 : i32
    %sign3A_1278 = arith.extui %sign3A_1277 : i1 to i32
    %sign3A_1279 = arith.constant 0 : i32
    %sign3A_1280 = arith.cmpi slt, %jit3A_1267, %sign3A_1279 : i32
    %sign3A_1281 = arith.extui %sign3A_1280 : i1 to i32
    %sign3A_1282 = arith.subi %sign3A_1278, %sign3A_1281 : i32
    %ne3A_1283 = arith.cmpi ne, %sign3A_1275, %sign3A_1282 : i32
    %rem3A_1284 = arith.remsi %reduce_max3A_1266, %jit3A_1267 : i32
    %ne3A_1285 = arith.constant 0 : i32
    %ne3A_1286 = arith.cmpi ne, %rem3A_1284, %ne3A_1285 : i32
    %and3A_1287 = arith.andi %ne3A_1283, %ne3A_1286 : i1
    %sub3A_1288 = arith.constant 1 : i32
    %sub3A_1289 = arith.subi %div3A_1268, %sub3A_1288 : i32
    %select_n3A_1290 = arith.select %and3A_1287, %sub3A_1289, %div3A_1268 : i32
    %mul3A_1291 = arith.constant 128 : i32
    %mul3A_1292 = arith.muli %select_n3A_1290, %mul3A_1291 : i32
    %dma_start3A_1293 = arith.constant 1 : i32
    %dma_start3A_1294 = arith.constant 1 : i32
    %dma_start3A_1295 = arith.constant 0 : i32
    %dma_start3A_1296 = arith.constant 0 : i32
    %dma_start3A_1297 = tpu.memref_slice %arg6[%dma_start3A_1293, %dma_start3A_1294, %dma_start3A_1295, %dma_start3A_1296] : memref<2x4x64x128xf32, #tpu.memory_space<vmem>> -> memref<1x1x64x128xf32, #tpu.memory_space<vmem>>
    %dma_start3A_1298 = tpu.memref_squeeze %dma_start3A_1297 : memref<1x1x64x128xf32, #tpu.memory_space<vmem>> -> memref<64x128xf32, #tpu.memory_space<vmem>>
    %dma_start3A_1299 = arith.constant 0 : i32
    %dma_start3A_1300 = tpu.memref_slice %arg3[%dma_start3A_1299, %mul3A_1292] : memref<64x1000000xf32, #tpu.memory_space<hbm>> -> memref<64x128xf32, #tpu.memory_space<hbm>>
    %dma_start3A_1301 = arith.constant 0 : i32
    %dma_start3A_1302 = arith.constant 0 : i32
    %dma_start3A_1303 = tpu.memref_slice %arg6[%dma_start3A_1293, %dma_start3A_1294, %dma_start3A_1301, %dma_start3A_1302] : memref<2x4x64x128xf32, #tpu.memory_space<vmem>> -> memref<1x1x64x128xf32, #tpu.memory_space<vmem>>
    %dma_start3A_1304 = tpu.memref_squeeze %dma_start3A_1303 : memref<1x1x64x128xf32, #tpu.memory_space<vmem>> -> memref<64x128xf32, #tpu.memory_space<vmem>>
    %dma_start3A_1305 = arith.constant 0 : i32
    %dma_start3A_1306 = tpu.memref_slice %arg3[%dma_start3A_1305, %mul3A_1292] : memref<64x1000000xf32, #tpu.memory_space<hbm>> -> memref<64x128xf32, #tpu.memory_space<hbm>>
    tpu.enqueue_dma source(%dma_start3A_1306 : memref<64x128xf32, #tpu.memory_space<hbm>>) target(%dma_start3A_1304 : memref<64x128xf32, #tpu.memory_space<vmem>>) target_semaphore(%arg8 : memref<!tpu.dma_semaphore, #tpu.memory_space<semaphore_mem>>)
    %get3A_1307 = arith.constant 0 : index
    %get3A_1308 = tpu.vector_load %arg5[%get3A_1307] {strides = array<i32>} : memref<32xi32, #tpu.memory_space<vmem>>, vector<16xi32>,
    %eq3A_1309 = arith.constant 14 : i32
    %eq3A_1310 = vector.broadcast %eq3A_1309 : i32 to vector<16xi32>
    %eq3A_1311 = arith.cmpi eq, %iota3A, %eq3A_1310 : vector<16xi32>
    %jit3A_1312 = arith.constant 0 : i32
    %broadcast_in_dim3A_1313 = vector.broadcast %jit3A_1312 : i32 to vector<16xi32>
    %select_n3A_1314 = arith.select %eq3A_1311, %get3A_1308, %broadcast_in_dim3A_1313 : vector<16xi1>, vector<16xi32>
    %reduce_max3A_1315 = arith.constant true
    %reduce_max3A_1316 = vector.broadcast %reduce_max3A_1315 : i1 to vector<16xi1>
    %reduce_max3A_1317 = arith.constant -2147483648 : i32
    %reduce_max3A_1318 = vector.broadcast %reduce_max3A_1317 : i32 to vector<16xi32>
    %reduce_max3A_1319 = arith.xori %select_n3A_1314, %reduce_max3A_1318 : vector<16xi32>
    %reduce_max3A_1320 = tpu.scan <max>, %reduce_max3A_1319 masked %reduce_max3A_1316 : vector<16xi32>, vector<16xi1> -> vector<16xi32>
    %reduce_max3A_1321 = arith.xori %reduce_max3A_1320, %reduce_max3A_1318 : vector<16xi32>
    %reduce_max3A_1322 = vector.extract %reduce_max3A_1321[15] : i32 from vector<16xi32>
    %jit3A_1323 = arith.constant 128 : i32
    %div3A_1324 = arith.divsi %reduce_max3A_1322, %jit3A_1323 : i32
    %sign3A_1325 = arith.constant 0 : i32
    %sign3A_1326 = arith.cmpi sgt, %reduce_max3A_1322, %sign3A_1325 : i32
    %sign3A_1327 = arith.extui %sign3A_1326 : i1 to i32
    %sign3A_1328 = arith.constant 0 : i32
    %sign3A_1329 = arith.cmpi slt, %reduce_max3A_1322, %sign3A_1328 : i32
    %sign3A_1330 = arith.extui %sign3A_1329 : i1 to i32
    %sign3A_1331 = arith.subi %sign3A_1327, %sign3A_1330 : i32
    %sign3A_1332 = arith.constant 0 : i32
    %sign3A_1333 = arith.cmpi sgt, %jit3A_1323, %sign3A_1332 : i32
    %sign3A_1334 = arith.extui %sign3A_1333 : i1 to i32
    %sign3A_1335 = arith.constant 0 : i32
    %sign3A_1336 = arith.cmpi slt, %jit3A_1323, %sign3A_1335 : i32
    %sign3A_1337 = arith.extui %sign3A_1336 : i1 to i32
    %sign3A_1338 = arith.subi %sign3A_1334, %sign3A_1337 : i32
    %ne3A_1339 = arith.cmpi ne, %sign3A_1331, %sign3A_1338 : i32
    %rem3A_1340 = arith.remsi %reduce_max3A_1322, %jit3A_1323 : i32
    %ne3A_1341 = arith.constant 0 : i32
    %ne3A_1342 = arith.cmpi ne, %rem3A_1340, %ne3A_1341 : i32
    %and3A_1343 = arith.andi %ne3A_1339, %ne3A_1342 : i1
    %sub3A_1344 = arith.constant 1 : i32
    %sub3A_1345 = arith.subi %div3A_1324, %sub3A_1344 : i32
    %select_n3A_1346 = arith.select %and3A_1343, %sub3A_1345, %div3A_1324 : i32
    %mul3A_1347 = arith.constant 128 : i32
    %mul3A_1348 = arith.muli %select_n3A_1346, %mul3A_1347 : i32
    %dma_start3A_1349 = arith.constant 1 : i32
    %dma_start3A_1350 = arith.constant 2 : i32
    %dma_start3A_1351 = arith.constant 0 : i32
    %dma_start3A_1352 = arith.constant 0 : i32
    %dma_start3A_1353 = tpu.memref_slice %arg6[%dma_start3A_1349, %dma_start3A_1350, %dma_start3A_1351, %dma_start3A_1352] : memref<2x4x64x128xf32, #tpu.memory_space<vmem>> -> memref<1x1x64x128xf32, #tpu.memory_space<vmem>>
    %dma_start3A_1354 = tpu.memref_squeeze %dma_start3A_1353 : memref<1x1x64x128xf32, #tpu.memory_space<vmem>> -> memref<64x128xf32, #tpu.memory_space<vmem>>
    %dma_start3A_1355 = arith.constant 0 : i32
    %dma_start3A_1356 = tpu.memref_slice %arg3[%dma_start3A_1355, %mul3A_1348] : memref<64x1000000xf32, #tpu.memory_space<hbm>> -> memref<64x128xf32, #tpu.memory_space<hbm>>
    %dma_start3A_1357 = arith.constant 0 : i32
    %dma_start3A_1358 = arith.constant 0 : i32
    %dma_start3A_1359 = tpu.memref_slice %arg6[%dma_start3A_1349, %dma_start3A_1350, %dma_start3A_1357, %dma_start3A_1358] : memref<2x4x64x128xf32, #tpu.memory_space<vmem>> -> memref<1x1x64x128xf32, #tpu.memory_space<vmem>>
    %dma_start3A_1360 = tpu.memref_squeeze %dma_start3A_1359 : memref<1x1x64x128xf32, #tpu.memory_space<vmem>> -> memref<64x128xf32, #tpu.memory_space<vmem>>
    %dma_start3A_1361 = arith.constant 0 : i32
    %dma_start3A_1362 = tpu.memref_slice %arg3[%dma_start3A_1361, %mul3A_1348] : memref<64x1000000xf32, #tpu.memory_space<hbm>> -> memref<64x128xf32, #tpu.memory_space<hbm>>
    tpu.enqueue_dma source(%dma_start3A_1362 : memref<64x128xf32, #tpu.memory_space<hbm>>) target(%dma_start3A_1360 : memref<64x128xf32, #tpu.memory_space<vmem>>) target_semaphore(%arg8 : memref<!tpu.dma_semaphore, #tpu.memory_space<semaphore_mem>>)
    %get3A_1363 = arith.constant 0 : index
    %get3A_1364 = tpu.vector_load %arg5[%get3A_1363] {strides = array<i32>} : memref<32xi32, #tpu.memory_space<vmem>>, vector<16xi32>,
    %eq3A_1365 = arith.constant 15 : i32
    %eq3A_1366 = vector.broadcast %eq3A_1365 : i32 to vector<16xi32>
    %eq3A_1367 = arith.cmpi eq, %iota3A, %eq3A_1366 : vector<16xi32>
    %jit3A_1368 = arith.constant 0 : i32
    %broadcast_in_dim3A_1369 = vector.broadcast %jit3A_1368 : i32 to vector<16xi32>
    %select_n3A_1370 = arith.select %eq3A_1367, %get3A_1364, %broadcast_in_dim3A_1369 : vector<16xi1>, vector<16xi32>
    %reduce_max3A_1371 = arith.constant true
    %reduce_max3A_1372 = vector.broadcast %reduce_max3A_1371 : i1 to vector<16xi1>
    %reduce_max3A_1373 = arith.constant -2147483648 : i32
    %reduce_max3A_1374 = vector.broadcast %reduce_max3A_1373 : i32 to vector<16xi32>
    %reduce_max3A_1375 = arith.xori %select_n3A_1370, %reduce_max3A_1374 : vector<16xi32>
    %reduce_max3A_1376 = tpu.scan <max>, %reduce_max3A_1375 masked %reduce_max3A_1372 : vector<16xi32>, vector<16xi1> -> vector<16xi32>
    %reduce_max3A_1377 = arith.xori %reduce_max3A_1376, %reduce_max3A_1374 : vector<16xi32>
    %reduce_max3A_1378 = vector.extract %reduce_max3A_1377[15] : i32 from vector<16xi32>
    %jit3A_1379 = arith.constant 128 : i32
    %div3A_1380 = arith.divsi %reduce_max3A_1378, %jit3A_1379 : i32
    %sign3A_1381 = arith.constant 0 : i32
    %sign3A_1382 = arith.cmpi sgt, %reduce_max3A_1378, %sign3A_1381 : i32
    %sign3A_1383 = arith.extui %sign3A_1382 : i1 to i32
    %sign3A_1384 = arith.constant 0 : i32
    %sign3A_1385 = arith.cmpi slt, %reduce_max3A_1378, %sign3A_1384 : i32
    %sign3A_1386 = arith.extui %sign3A_1385 : i1 to i32
    %sign3A_1387 = arith.subi %sign3A_1383, %sign3A_1386 : i32
    %sign3A_1388 = arith.constant 0 : i32
    %sign3A_1389 = arith.cmpi sgt, %jit3A_1379, %sign3A_1388 : i32
    %sign3A_1390 = arith.extui %sign3A_1389 : i1 to i32
    %sign3A_1391 = arith.constant 0 : i32
    %sign3A_1392 = arith.cmpi slt, %jit3A_1379, %sign3A_1391 : i32
    %sign3A_1393 = arith.extui %sign3A_1392 : i1 to i32
    %sign3A_1394 = arith.subi %sign3A_1390, %sign3A_1393 : i32
    %ne3A_1395 = arith.cmpi ne, %sign3A_1387, %sign3A_1394 : i32
    %rem3A_1396 = arith.remsi %reduce_max3A_1378, %jit3A_1379 : i32
    %ne3A_1397 = arith.constant 0 : i32
    %ne3A_1398 = arith.cmpi ne, %rem3A_1396, %ne3A_1397 : i32
    %and3A_1399 = arith.andi %ne3A_1395, %ne3A_1398 : i1
    %sub3A_1400 = arith.constant 1 : i32
    %sub3A_1401 = arith.subi %div3A_1380, %sub3A_1400 : i32
    %select_n3A_1402 = arith.select %and3A_1399, %sub3A_1401, %div3A_1380 : i32
    %mul3A_1403 = arith.constant 128 : i32
    %mul3A_1404 = arith.muli %select_n3A_1402, %mul3A_1403 : i32
    %dma_start3A_1405 = arith.constant 1 : i32
    %dma_start3A_1406 = arith.constant 3 : i32
    %dma_start3A_1407 = arith.constant 0 : i32
    %dma_start3A_1408 = arith.constant 0 : i32
    %dma_start3A_1409 = tpu.memref_slice %arg6[%dma_start3A_1405, %dma_start3A_1406, %dma_start3A_1407, %dma_start3A_1408] : memref<2x4x64x128xf32, #tpu.memory_space<vmem>> -> memref<1x1x64x128xf32, #tpu.memory_space<vmem>>
    %dma_start3A_1410 = tpu.memref_squeeze %dma_start3A_1409 : memref<1x1x64x128xf32, #tpu.memory_space<vmem>> -> memref<64x128xf32, #tpu.memory_space<vmem>>
    %dma_start3A_1411 = arith.constant 0 : i32
    %dma_start3A_1412 = tpu.memref_slice %arg3[%dma_start3A_1411, %mul3A_1404] : memref<64x1000000xf32, #tpu.memory_space<hbm>> -> memref<64x128xf32, #tpu.memory_space<hbm>>
    %dma_start3A_1413 = arith.constant 0 : i32
    %dma_start3A_1414 = arith.constant 0 : i32
    %dma_start3A_1415 = tpu.memref_slice %arg6[%dma_start3A_1405, %dma_start3A_1406, %dma_start3A_1413, %dma_start3A_1414] : memref<2x4x64x128xf32, #tpu.memory_space<vmem>> -> memref<1x1x64x128xf32, #tpu.memory_space<vmem>>
    %dma_start3A_1416 = tpu.memref_squeeze %dma_start3A_1415 : memref<1x1x64x128xf32, #tpu.memory_space<vmem>> -> memref<64x128xf32, #tpu.memory_space<vmem>>
    %dma_start3A_1417 = arith.constant 0 : i32
    %dma_start3A_1418 = tpu.memref_slice %arg3[%dma_start3A_1417, %mul3A_1404] : memref<64x1000000xf32, #tpu.memory_space<hbm>> -> memref<64x128xf32, #tpu.memory_space<hbm>>
    tpu.enqueue_dma source(%dma_start3A_1418 : memref<64x128xf32, #tpu.memory_space<hbm>>) target(%dma_start3A_1416 : memref<64x128xf32, #tpu.memory_space<vmem>>) target_semaphore(%arg8 : memref<!tpu.dma_semaphore, #tpu.memory_space<semaphore_mem>>)
    %dma_wait3A_1419 = arith.constant 0 : i32
    %dma_wait3A_1420 = arith.constant 0 : i32
    %dma_wait3A_1421 = arith.constant 0 : i32
    %dma_wait3A_1422 = arith.constant 0 : i32
    %dma_wait3A_1423 = tpu.memref_slice %arg6[%dma_wait3A_1419, %dma_wait3A_1420, %dma_wait3A_1421, %dma_wait3A_1422] : memref<2x4x64x128xf32, #tpu.memory_space<vmem>> -> memref<1x1x64x128xf32, #tpu.memory_space<vmem>>
    %dma_wait3A_1424 = tpu.memref_squeeze %dma_wait3A_1423 : memref<1x1x64x128xf32, #tpu.memory_space<vmem>> -> memref<64x128xf32, #tpu.memory_space<vmem>>
    %dma_wait3A_1425 = arith.constant 0 : i32
    %dma_wait3A_1426 = tpu.memref_slice %arg3[%dma_wait3A_1425, %mul3A_744] : memref<64x1000000xf32, #tpu.memory_space<hbm>> -> memref<64x128xf32, #tpu.memory_space<hbm>>
    %dma_wait3A_1427 = arith.constant 0 : i32
    %dma_wait3A_1428 = arith.constant 0 : i32
    %dma_wait3A_1429 = tpu.memref_slice %arg6[%dma_wait3A_1419, %dma_wait3A_1420, %dma_wait3A_1427, %dma_wait3A_1428] : memref<2x4x64x128xf32, #tpu.memory_space<vmem>> -> memref<1x1x64x128xf32, #tpu.memory_space<vmem>>
    %dma_wait3A_1430 = tpu.memref_squeeze %dma_wait3A_1429 : memref<1x1x64x128xf32, #tpu.memory_space<vmem>> -> memref<64x128xf32, #tpu.memory_space<vmem>>
    %dma_wait3A_1431 = arith.constant 0 : i32
    %dma_wait3A_1432 = tpu.memref_slice %arg3[%dma_wait3A_1431, %mul3A_744] : memref<64x1000000xf32, #tpu.memory_space<hbm>> -> memref<64x128xf32, #tpu.memory_space<hbm>>
    tpu.wait_dma2 semaphore(%arg8 : memref<!tpu.dma_semaphore, #tpu.memory_space<semaphore_mem>>) src(%dma_wait3A_1432 : memref<64x128xf32, #tpu.memory_space<hbm>>) dst(%dma_wait3A_1430 : memref<64x128xf32, #tpu.memory_space<vmem>>)
    %dma_wait3A_1433 = arith.constant 0 : i32
    %dma_wait3A_1434 = arith.constant 1 : i32
    %dma_wait3A_1435 = arith.constant 0 : i32
    %dma_wait3A_1436 = arith.constant 0 : i32
    %dma_wait3A_1437 = tpu.memref_slice %arg6[%dma_wait3A_1433, %dma_wait3A_1434, %dma_wait3A_1435, %dma_wait3A_1436] : memref<2x4x64x128xf32, #tpu.memory_space<vmem>> -> memref<1x1x64x128xf32, #tpu.memory_space<vmem>>
    %dma_wait3A_1438 = tpu.memref_squeeze %dma_wait3A_1437 : memref<1x1x64x128xf32, #tpu.memory_space<vmem>> -> memref<64x128xf32, #tpu.memory_space<vmem>>
    %dma_wait3A_1439 = arith.constant 0 : i32
    %dma_wait3A_1440 = tpu.memref_slice %arg3[%dma_wait3A_1439, %mul3A_800] : memref<64x1000000xf32, #tpu.memory_space<hbm>> -> memref<64x128xf32, #tpu.memory_space<hbm>>
    %dma_wait3A_1441 = arith.constant 0 : i32
    %dma_wait3A_1442 = arith.constant 0 : i32
    %dma_wait3A_1443 = tpu.memref_slice %arg6[%dma_wait3A_1433, %dma_wait3A_1434, %dma_wait3A_1441, %dma_wait3A_1442] : memref<2x4x64x128xf32, #tpu.memory_space<vmem>> -> memref<1x1x64x128xf32, #tpu.memory_space<vmem>>
    %dma_wait3A_1444 = tpu.memref_squeeze %dma_wait3A_1443 : memref<1x1x64x128xf32, #tpu.memory_space<vmem>> -> memref<64x128xf32, #tpu.memory_space<vmem>>
    %dma_wait3A_1445 = arith.constant 0 : i32
    %dma_wait3A_1446 = tpu.memref_slice %arg3[%dma_wait3A_1445, %mul3A_800] : memref<64x1000000xf32, #tpu.memory_space<hbm>> -> memref<64x128xf32, #tpu.memory_space<hbm>>
    tpu.wait_dma2 semaphore(%arg8 : memref<!tpu.dma_semaphore, #tpu.memory_space<semaphore_mem>>) src(%dma_wait3A_1446 : memref<64x128xf32, #tpu.memory_space<hbm>>) dst(%dma_wait3A_1444 : memref<64x128xf32, #tpu.memory_space<vmem>>)
    %dma_wait3A_1447 = arith.constant 0 : i32
    %dma_wait3A_1448 = arith.constant 2 : i32
    %dma_wait3A_1449 = arith.constant 0 : i32
    %dma_wait3A_1450 = arith.constant 0 : i32
    %dma_wait3A_1451 = tpu.memref_slice %arg6[%dma_wait3A_1447, %dma_wait3A_1448, %dma_wait3A_1449, %dma_wait3A_1450] : memref<2x4x64x128xf32, #tpu.memory_space<vmem>> -> memref<1x1x64x128xf32, #tpu.memory_space<vmem>>
    %dma_wait3A_1452 = tpu.memref_squeeze %dma_wait3A_1451 : memref<1x1x64x128xf32, #tpu.memory_space<vmem>> -> memref<64x128xf32, #tpu.memory_space<vmem>>
    %dma_wait3A_1453 = arith.constant 0 : i32
    %dma_wait3A_1454 = tpu.memref_slice %arg3[%dma_wait3A_1453, %mul3A_856] : memref<64x1000000xf32, #tpu.memory_space<hbm>> -> memref<64x128xf32, #tpu.memory_space<hbm>>
    %dma_wait3A_1455 = arith.constant 0 : i32
    %dma_wait3A_1456 = arith.constant 0 : i32
    %dma_wait3A_1457 = tpu.memref_slice %arg6[%dma_wait3A_1447, %dma_wait3A_1448, %dma_wait3A_1455, %dma_wait3A_1456] : memref<2x4x64x128xf32, #tpu.memory_space<vmem>> -> memref<1x1x64x128xf32, #tpu.memory_space<vmem>>
    %dma_wait3A_1458 = tpu.memref_squeeze %dma_wait3A_1457 : memref<1x1x64x128xf32, #tpu.memory_space<vmem>> -> memref<64x128xf32, #tpu.memory_space<vmem>>
    %dma_wait3A_1459 = arith.constant 0 : i32
    %dma_wait3A_1460 = tpu.memref_slice %arg3[%dma_wait3A_1459, %mul3A_856] : memref<64x1000000xf32, #tpu.memory_space<hbm>> -> memref<64x128xf32, #tpu.memory_space<hbm>>
    tpu.wait_dma2 semaphore(%arg8 : memref<!tpu.dma_semaphore, #tpu.memory_space<semaphore_mem>>) src(%dma_wait3A_1460 : memref<64x128xf32, #tpu.memory_space<hbm>>) dst(%dma_wait3A_1458 : memref<64x128xf32, #tpu.memory_space<vmem>>)
    %dma_wait3A_1461 = arith.constant 0 : i32
    %dma_wait3A_1462 = arith.constant 3 : i32
    %dma_wait3A_1463 = arith.constant 0 : i32
    %dma_wait3A_1464 = arith.constant 0 : i32
    %dma_wait3A_1465 = tpu.memref_slice %arg6[%dma_wait3A_1461, %dma_wait3A_1462, %dma_wait3A_1463, %dma_wait3A_1464] : memref<2x4x64x128xf32, #tpu.memory_space<vmem>> -> memref<1x1x64x128xf32, #tpu.memory_space<vmem>>
    %dma_wait3A_1466 = tpu.memref_squeeze %dma_wait3A_1465 : memref<1x1x64x128xf32, #tpu.memory_space<vmem>> -> memref<64x128xf32, #tpu.memory_space<vmem>>
    %dma_wait3A_1467 = arith.constant 0 : i32
    %dma_wait3A_1468 = tpu.memref_slice %arg3[%dma_wait3A_1467, %mul3A_912] : memref<64x1000000xf32, #tpu.memory_space<hbm>> -> memref<64x128xf32, #tpu.memory_space<hbm>>
    %dma_wait3A_1469 = arith.constant 0 : i32
    %dma_wait3A_1470 = arith.constant 0 : i32
    %dma_wait3A_1471 = tpu.memref_slice %arg6[%dma_wait3A_1461, %dma_wait3A_1462, %dma_wait3A_1469, %dma_wait3A_1470] : memref<2x4x64x128xf32, #tpu.memory_space<vmem>> -> memref<1x1x64x128xf32, #tpu.memory_space<vmem>>
    %dma_wait3A_1472 = tpu.memref_squeeze %dma_wait3A_1471 : memref<1x1x64x128xf32, #tpu.memory_space<vmem>> -> memref<64x128xf32, #tpu.memory_space<vmem>>
    %dma_wait3A_1473 = arith.constant 0 : i32
    %dma_wait3A_1474 = tpu.memref_slice %arg3[%dma_wait3A_1473, %mul3A_912] : memref<64x1000000xf32, #tpu.memory_space<hbm>> -> memref<64x128xf32, #tpu.memory_space<hbm>>
    tpu.wait_dma2 semaphore(%arg8 : memref<!tpu.dma_semaphore, #tpu.memory_space<semaphore_mem>>) src(%dma_wait3A_1474 : memref<64x128xf32, #tpu.memory_space<hbm>>) dst(%dma_wait3A_1472 : memref<64x128xf32, #tpu.memory_space<vmem>>)
    %broadcast_in_dim3A_1475 = arith.constant 0 : i32
    %broadcast_in_dim3A_1476 = vector.broadcast %broadcast_in_dim3A_1475 : i32 to vector<16xi32>
    %broadcast_in_dim3A_1477 = arith.constant 0 : i32
    %broadcast_in_dim3A_1478 = vector.broadcast %broadcast_in_dim3A_1477 : i32 to vector<16xi32>
    %jit3A_1479 = arith.constant 128 : i32
    %eq3A_1480 = arith.constant 0 : i32
    %eq3A_1481 = arith.cmpi eq, %jit3A_1479, %eq3A_1480 : i32
    %jit3A_1482 = arith.constant 1 : i32
    %select_n3A_1483 = arith.select %eq3A_1481, %jit3A_1482, %jit3A_1479 : i32
    %rem3A_1484 = arith.remsi %reduce_max3A_718, %select_n3A_1483 : i32
    %ne3A_1485 = arith.constant 0 : i32
    %ne3A_1486 = arith.cmpi ne, %rem3A_1484, %ne3A_1485 : i32
    %lt3A_1487 = arith.constant 0 : i32
    %lt3A_1488 = arith.cmpi slt, %rem3A_1484, %lt3A_1487 : i32
    %lt3A_1489 = arith.constant 0 : i32
    %lt3A_1490 = arith.cmpi slt, %select_n3A_1483, %lt3A_1489 : i32
    %ne3A_1491 = arith.xori %lt3A_1488, %lt3A_1490 : i1
    %and3A_1492 = arith.andi %ne3A_1491, %ne3A_1486 : i1
    %add3A_1493 = arith.addi %rem3A_1484, %select_n3A_1483 : i32
    %select_n3A_1494 = arith.select %and3A_1492, %add3A_1493, %rem3A_1484 : i32
    %broadcast_in_dim3A_1495 = vector.broadcast %select_n3A_1494 : i32 to vector<16xi32>
    %add3A_1496 = arith.constant 0 : i32
    %add3A_1497 = vector.broadcast %add3A_1496 : i32 to vector<16xi32>
    %add3A_1498 = arith.addi %iota3A_3, %add3A_1497 : vector<16xi32>
    %gather3A_1499 = tpu.vector_load_idx %arg6[%broadcast_in_dim3A_1476, %broadcast_in_dim3A_1478, %add3A_1498, %broadcast_in_dim3A_1495] : memref<2x4x64x128xf32, #tpu.memory_space<vmem>>[vector<16xi32>, vector<16xi32>, vector<16xi32>, vector<16xi32>], vector<16xf32>,
    %swap3A_1500 = arith.constant 8 : i32
    %swap3A_1501 = arith.index_cast %swap3A_1500 : i32 to index
    %swap3A_1502 = arith.constant 0 : index
    %swap3A_1503 = tpu.vector_load %arg7[%swap3A_1501, %swap3A_1502] {strides = array<i32>} : memref<32x64xf32, #tpu.memory_space<vmem>>, vector<16xf32>,
    tpu.vector_store %arg7[%swap3A_1501, %swap3A_1502], %gather3A_1499 {strides = array<i32>} : memref<32x64xf32, #tpu.memory_space<vmem>>, vector<16xf32>,
    %add3A_1504 = arith.constant 16 : i32
    %add3A_1505 = vector.broadcast %add3A_1504 : i32 to vector<16xi32>
    %add3A_1506 = arith.addi %iota3A_3, %add3A_1505 : vector<16xi32>
    %gather3A_1507 = tpu.vector_load_idx %arg6[%broadcast_in_dim3A_1476, %broadcast_in_dim3A_1478, %add3A_1506, %broadcast_in_dim3A_1495] : memref<2x4x64x128xf32, #tpu.memory_space<vmem>>[vector<16xi32>, vector<16xi32>, vector<16xi32>, vector<16xi32>], vector<16xf32>,
    %swap3A_1508 = arith.constant 8 : i32
    %swap3A_1509 = arith.index_cast %swap3A_1508 : i32 to index
    %swap3A_1510 = arith.constant 16 : index
    %swap3A_1511 = tpu.vector_load %arg7[%swap3A_1509, %swap3A_1510] {strides = array<i32>} : memref<32x64xf32, #tpu.memory_space<vmem>>, vector<16xf32>,
    tpu.vector_store %arg7[%swap3A_1509, %swap3A_1510], %gather3A_1507 {strides = array<i32>} : memref<32x64xf32, #tpu.memory_space<vmem>>, vector<16xf32>,
    %add3A_1512 = arith.constant 32 : i32
    %add3A_1513 = vector.broadcast %add3A_1512 : i32 to vector<16xi32>
    %add3A_1514 = arith.addi %iota3A_3, %add3A_1513 : vector<16xi32>
    %gather3A_1515 = tpu.vector_load_idx %arg6[%broadcast_in_dim3A_1476, %broadcast_in_dim3A_1478, %add3A_1514, %broadcast_in_dim3A_1495] : memref<2x4x64x128xf32, #tpu.memory_space<vmem>>[vector<16xi32>, vector<16xi32>, vector<16xi32>, vector<16xi32>], vector<16xf32>,
    %swap3A_1516 = arith.constant 8 : i32
    %swap3A_1517 = arith.index_cast %swap3A_1516 : i32 to index
    %swap3A_1518 = arith.constant 32 : index
    %swap3A_1519 = tpu.vector_load %arg7[%swap3A_1517, %swap3A_1518] {strides = array<i32>} : memref<32x64xf32, #tpu.memory_space<vmem>>, vector<16xf32>,
    tpu.vector_store %arg7[%swap3A_1517, %swap3A_1518], %gather3A_1515 {strides = array<i32>} : memref<32x64xf32, #tpu.memory_space<vmem>>, vector<16xf32>,
    %add3A_1520 = arith.constant 48 : i32
    %add3A_1521 = vector.broadcast %add3A_1520 : i32 to vector<16xi32>
    %add3A_1522 = arith.addi %iota3A_3, %add3A_1521 : vector<16xi32>
    %gather3A_1523 = tpu.vector_load_idx %arg6[%broadcast_in_dim3A_1476, %broadcast_in_dim3A_1478, %add3A_1522, %broadcast_in_dim3A_1495] : memref<2x4x64x128xf32, #tpu.memory_space<vmem>>[vector<16xi32>, vector<16xi32>, vector<16xi32>, vector<16xi32>], vector<16xf32>,
    %swap3A_1524 = arith.constant 8 : i32
    %swap3A_1525 = arith.index_cast %swap3A_1524 : i32 to index
    %swap3A_1526 = arith.constant 48 : index
    %swap3A_1527 = tpu.vector_load %arg7[%swap3A_1525, %swap3A_1526] {strides = array<i32>} : memref<32x64xf32, #tpu.memory_space<vmem>>, vector<16xf32>,
    tpu.vector_store %arg7[%swap3A_1525, %swap3A_1526], %gather3A_1523 {strides = array<i32>} : memref<32x64xf32, #tpu.memory_space<vmem>>, vector<16xf32>,
    %broadcast_in_dim3A_1528 = arith.constant 0 : i32
    %broadcast_in_dim3A_1529 = vector.broadcast %broadcast_in_dim3A_1528 : i32 to vector<16xi32>
    %broadcast_in_dim3A_1530 = arith.constant 1 : i32
    %broadcast_in_dim3A_1531 = vector.broadcast %broadcast_in_dim3A_1530 : i32 to vector<16xi32>
    %jit3A_1532 = arith.constant 128 : i32
    %eq3A_1533 = arith.constant 0 : i32
    %eq3A_1534 = arith.cmpi eq, %jit3A_1532, %eq3A_1533 : i32
    %jit3A_1535 = arith.constant 1 : i32
    %select_n3A_1536 = arith.select %eq3A_1534, %jit3A_1535, %jit3A_1532 : i32
    %rem3A_1537 = arith.remsi %reduce_max3A_774, %select_n3A_1536 : i32
    %ne3A_1538 = arith.constant 0 : i32
    %ne3A_1539 = arith.cmpi ne, %rem3A_1537, %ne3A_1538 : i32
    %lt3A_1540 = arith.constant 0 : i32
    %lt3A_1541 = arith.cmpi slt, %rem3A_1537, %lt3A_1540 : i32
    %lt3A_1542 = arith.constant 0 : i32
    %lt3A_1543 = arith.cmpi slt, %select_n3A_1536, %lt3A_1542 : i32
    %ne3A_1544 = arith.xori %lt3A_1541, %lt3A_1543 : i1
    %and3A_1545 = arith.andi %ne3A_1544, %ne3A_1539 : i1
    %add3A_1546 = arith.addi %rem3A_1537, %select_n3A_1536 : i32
    %select_n3A_1547 = arith.select %and3A_1545, %add3A_1546, %rem3A_1537 : i32
    %broadcast_in_dim3A_1548 = vector.broadcast %select_n3A_1547 : i32 to vector<16xi32>
    %add3A_1549 = arith.constant 0 : i32
    %add3A_1550 = vector.broadcast %add3A_1549 : i32 to vector<16xi32>
    %add3A_1551 = arith.addi %iota3A_3, %add3A_1550 : vector<16xi32>
    %gather3A_1552 = tpu.vector_load_idx %arg6[%broadcast_in_dim3A_1529, %broadcast_in_dim3A_1531, %add3A_1551, %broadcast_in_dim3A_1548] : memref<2x4x64x128xf32, #tpu.memory_space<vmem>>[vector<16xi32>, vector<16xi32>, vector<16xi32>, vector<16xi32>], vector<16xf32>,
    %swap3A_1553 = arith.constant 9 : i32
    %swap3A_1554 = arith.index_cast %swap3A_1553 : i32 to index
    %swap3A_1555 = arith.constant 0 : index
    %swap3A_1556 = tpu.vector_load %arg7[%swap3A_1554, %swap3A_1555] {strides = array<i32>} : memref<32x64xf32, #tpu.memory_space<vmem>>, vector<16xf32>,
    tpu.vector_store %arg7[%swap3A_1554, %swap3A_1555], %gather3A_1552 {strides = array<i32>} : memref<32x64xf32, #tpu.memory_space<vmem>>, vector<16xf32>,
    %add3A_1557 = arith.constant 16 : i32
    %add3A_1558 = vector.broadcast %add3A_1557 : i32 to vector<16xi32>
    %add3A_1559 = arith.addi %iota3A_3, %add3A_1558 : vector<16xi32>
    %gather3A_1560 = tpu.vector_load_idx %arg6[%broadcast_in_dim3A_1529, %broadcast_in_dim3A_1531, %add3A_1559, %broadcast_in_dim3A_1548] : memref<2x4x64x128xf32, #tpu.memory_space<vmem>>[vector<16xi32>, vector<16xi32>, vector<16xi32>, vector<16xi32>], vector<16xf32>,
    %swap3A_1561 = arith.constant 9 : i32
    %swap3A_1562 = arith.index_cast %swap3A_1561 : i32 to index
    %swap3A_1563 = arith.constant 16 : index
    %swap3A_1564 = tpu.vector_load %arg7[%swap3A_1562, %swap3A_1563] {strides = array<i32>} : memref<32x64xf32, #tpu.memory_space<vmem>>, vector<16xf32>,
    tpu.vector_store %arg7[%swap3A_1562, %swap3A_1563], %gather3A_1560 {strides = array<i32>} : memref<32x64xf32, #tpu.memory_space<vmem>>, vector<16xf32>,
    %add3A_1565 = arith.constant 32 : i32
    %add3A_1566 = vector.broadcast %add3A_1565 : i32 to vector<16xi32>
    %add3A_1567 = arith.addi %iota3A_3, %add3A_1566 : vector<16xi32>
    %gather3A_1568 = tpu.vector_load_idx %arg6[%broadcast_in_dim3A_1529, %broadcast_in_dim3A_1531, %add3A_1567, %broadcast_in_dim3A_1548] : memref<2x4x64x128xf32, #tpu.memory_space<vmem>>[vector<16xi32>, vector<16xi32>, vector<16xi32>, vector<16xi32>], vector<16xf32>,
    %swap3A_1569 = arith.constant 9 : i32
    %swap3A_1570 = arith.index_cast %swap3A_1569 : i32 to index
    %swap3A_1571 = arith.constant 32 : index
    %swap3A_1572 = tpu.vector_load %arg7[%swap3A_1570, %swap3A_1571] {strides = array<i32>} : memref<32x64xf32, #tpu.memory_space<vmem>>, vector<16xf32>,
    tpu.vector_store %arg7[%swap3A_1570, %swap3A_1571], %gather3A_1568 {strides = array<i32>} : memref<32x64xf32, #tpu.memory_space<vmem>>, vector<16xf32>,
    %add3A_1573 = arith.constant 48 : i32
    %add3A_1574 = vector.broadcast %add3A_1573 : i32 to vector<16xi32>
    %add3A_1575 = arith.addi %iota3A_3, %add3A_1574 : vector<16xi32>
    %gather3A_1576 = tpu.vector_load_idx %arg6[%broadcast_in_dim3A_1529, %broadcast_in_dim3A_1531, %add3A_1575, %broadcast_in_dim3A_1548] : memref<2x4x64x128xf32, #tpu.memory_space<vmem>>[vector<16xi32>, vector<16xi32>, vector<16xi32>, vector<16xi32>], vector<16xf32>,
    %swap3A_1577 = arith.constant 9 : i32
    %swap3A_1578 = arith.index_cast %swap3A_1577 : i32 to index
    %swap3A_1579 = arith.constant 48 : index
    %swap3A_1580 = tpu.vector_load %arg7[%swap3A_1578, %swap3A_1579] {strides = array<i32>} : memref<32x64xf32, #tpu.memory_space<vmem>>, vector<16xf32>,
    tpu.vector_store %arg7[%swap3A_1578, %swap3A_1579], %gather3A_1576 {strides = array<i32>} : memref<32x64xf32, #tpu.memory_space<vmem>>, vector<16xf32>,
    %broadcast_in_dim3A_1581 = arith.constant 0 : i32
    %broadcast_in_dim3A_1582 = vector.broadcast %broadcast_in_dim3A_1581 : i32 to vector<16xi32>
    %broadcast_in_dim3A_1583 = arith.constant 2 : i32
    %broadcast_in_dim3A_1584 = vector.broadcast %broadcast_in_dim3A_1583 : i32 to vector<16xi32>
    %jit3A_1585 = arith.constant 128 : i32
    %eq3A_1586 = arith.constant 0 : i32
    %eq3A_1587 = arith.cmpi eq, %jit3A_1585, %eq3A_1586 : i32
    %jit3A_1588 = arith.constant 1 : i32
    %select_n3A_1589 = arith.select %eq3A_1587, %jit3A_1588, %jit3A_1585 : i32
    %rem3A_1590 = arith.remsi %reduce_max3A_830, %select_n3A_1589 : i32
    %ne3A_1591 = arith.constant 0 : i32
    %ne3A_1592 = arith.cmpi ne, %rem3A_1590, %ne3A_1591 : i32
    %lt3A_1593 = arith.constant 0 : i32
    %lt3A_1594 = arith.cmpi slt, %rem3A_1590, %lt3A_1593 : i32
    %lt3A_1595 = arith.constant 0 : i32
    %lt3A_1596 = arith.cmpi slt, %select_n3A_1589, %lt3A_1595 : i32
    %ne3A_1597 = arith.xori %lt3A_1594, %lt3A_1596 : i1
    %and3A_1598 = arith.andi %ne3A_1597, %ne3A_1592 : i1
    %add3A_1599 = arith.addi %rem3A_1590, %select_n3A_1589 : i32
    %select_n3A_1600 = arith.select %and3A_1598, %add3A_1599, %rem3A_1590 : i32
    %broadcast_in_dim3A_1601 = vector.broadcast %select_n3A_1600 : i32 to vector<16xi32>
    %add3A_1602 = arith.constant 0 : i32
    %add3A_1603 = vector.broadcast %add3A_1602 : i32 to vector<16xi32>
    %add3A_1604 = arith.addi %iota3A_3, %add3A_1603 : vector<16xi32>
    %gather3A_1605 = tpu.vector_load_idx %arg6[%broadcast_in_dim3A_1582, %broadcast_in_dim3A_1584, %add3A_1604, %broadcast_in_dim3A_1601] : memref<2x4x64x128xf32, #tpu.memory_space<vmem>>[vector<16xi32>, vector<16xi32>, vector<16xi32>, vector<16xi32>], vector<16xf32>,
    %swap3A_1606 = arith.constant 10 : i32
    %swap3A_1607 = arith.index_cast %swap3A_1606 : i32 to index
    %swap3A_1608 = arith.constant 0 : index
    %swap3A_1609 = tpu.vector_load %arg7[%swap3A_1607, %swap3A_1608] {strides = array<i32>} : memref<32x64xf32, #tpu.memory_space<vmem>>, vector<16xf32>,
    tpu.vector_store %arg7[%swap3A_1607, %swap3A_1608], %gather3A_1605 {strides = array<i32>} : memref<32x64xf32, #tpu.memory_space<vmem>>, vector<16xf32>,
    %add3A_1610 = arith.constant 16 : i32
    %add3A_1611 = vector.broadcast %add3A_1610 : i32 to vector<16xi32>
    %add3A_1612 = arith.addi %iota3A_3, %add3A_1611 : vector<16xi32>
    %gather3A_1613 = tpu.vector_load_idx %arg6[%broadcast_in_dim3A_1582, %broadcast_in_dim3A_1584, %add3A_1612, %broadcast_in_dim3A_1601] : memref<2x4x64x128xf32, #tpu.memory_space<vmem>>[vector<16xi32>, vector<16xi32>, vector<16xi32>, vector<16xi32>], vector<16xf32>,
    %swap3A_1614 = arith.constant 10 : i32
    %swap3A_1615 = arith.index_cast %swap3A_1614 : i32 to index
    %swap3A_1616 = arith.constant 16 : index
    %swap3A_1617 = tpu.vector_load %arg7[%swap3A_1615, %swap3A_1616] {strides = array<i32>} : memref<32x64xf32, #tpu.memory_space<vmem>>, vector<16xf32>,
    tpu.vector_store %arg7[%swap3A_1615, %swap3A_1616], %gather3A_1613 {strides = array<i32>} : memref<32x64xf32, #tpu.memory_space<vmem>>, vector<16xf32>,
    %add3A_1618 = arith.constant 32 : i32
    %add3A_1619 = vector.broadcast %add3A_1618 : i32 to vector<16xi32>
    %add3A_1620 = arith.addi %iota3A_3, %add3A_1619 : vector<16xi32>
    %gather3A_1621 = tpu.vector_load_idx %arg6[%broadcast_in_dim3A_1582, %broadcast_in_dim3A_1584, %add3A_1620, %broadcast_in_dim3A_1601] : memref<2x4x64x128xf32, #tpu.memory_space<vmem>>[vector<16xi32>, vector<16xi32>, vector<16xi32>, vector<16xi32>], vector<16xf32>,
    %swap3A_1622 = arith.constant 10 : i32
    %swap3A_1623 = arith.index_cast %swap3A_1622 : i32 to index
    %swap3A_1624 = arith.constant 32 : index
    %swap3A_1625 = tpu.vector_load %arg7[%swap3A_1623, %swap3A_1624] {strides = array<i32>} : memref<32x64xf32, #tpu.memory_space<vmem>>, vector<16xf32>,
    tpu.vector_store %arg7[%swap3A_1623, %swap3A_1624], %gather3A_1621 {strides = array<i32>} : memref<32x64xf32, #tpu.memory_space<vmem>>, vector<16xf32>,
    %add3A_1626 = arith.constant 48 : i32
    %add3A_1627 = vector.broadcast %add3A_1626 : i32 to vector<16xi32>
    %add3A_1628 = arith.addi %iota3A_3, %add3A_1627 : vector<16xi32>
    %gather3A_1629 = tpu.vector_load_idx %arg6[%broadcast_in_dim3A_1582, %broadcast_in_dim3A_1584, %add3A_1628, %broadcast_in_dim3A_1601] : memref<2x4x64x128xf32, #tpu.memory_space<vmem>>[vector<16xi32>, vector<16xi32>, vector<16xi32>, vector<16xi32>], vector<16xf32>,
    %swap3A_1630 = arith.constant 10 : i32
    %swap3A_1631 = arith.index_cast %swap3A_1630 : i32 to index
    %swap3A_1632 = arith.constant 48 : index
    %swap3A_1633 = tpu.vector_load %arg7[%swap3A_1631, %swap3A_1632] {strides = array<i32>} : memref<32x64xf32, #tpu.memory_space<vmem>>, vector<16xf32>,
    tpu.vector_store %arg7[%swap3A_1631, %swap3A_1632], %gather3A_1629 {strides = array<i32>} : memref<32x64xf32, #tpu.memory_space<vmem>>, vector<16xf32>,
    %broadcast_in_dim3A_1634 = arith.constant 0 : i32
    %broadcast_in_dim3A_1635 = vector.broadcast %broadcast_in_dim3A_1634 : i32 to vector<16xi32>
    %broadcast_in_dim3A_1636 = arith.constant 3 : i32
    %broadcast_in_dim3A_1637 = vector.broadcast %broadcast_in_dim3A_1636 : i32 to vector<16xi32>
    %jit3A_1638 = arith.constant 128 : i32
    %eq3A_1639 = arith.constant 0 : i32
    %eq3A_1640 = arith.cmpi eq, %jit3A_1638, %eq3A_1639 : i32
    %jit3A_1641 = arith.constant 1 : i32
    %select_n3A_1642 = arith.select %eq3A_1640, %jit3A_1641, %jit3A_1638 : i32
    %rem3A_1643 = arith.remsi %reduce_max3A_886, %select_n3A_1642 : i32
    %ne3A_1644 = arith.constant 0 : i32
    %ne3A_1645 = arith.cmpi ne, %rem3A_1643, %ne3A_1644 : i32
    %lt3A_1646 = arith.constant 0 : i32
    %lt3A_1647 = arith.cmpi slt, %rem3A_1643, %lt3A_1646 : i32
    %lt3A_1648 = arith.constant 0 : i32
    %lt3A_1649 = arith.cmpi slt, %select_n3A_1642, %lt3A_1648 : i32
    %ne3A_1650 = arith.xori %lt3A_1647, %lt3A_1649 : i1
    %and3A_1651 = arith.andi %ne3A_1650, %ne3A_1645 : i1
    %add3A_1652 = arith.addi %rem3A_1643, %select_n3A_1642 : i32
    %select_n3A_1653 = arith.select %and3A_1651, %add3A_1652, %rem3A_1643 : i32
    %broadcast_in_dim3A_1654 = vector.broadcast %select_n3A_1653 : i32 to vector<16xi32>
    %add3A_1655 = arith.constant 0 : i32
    %add3A_1656 = vector.broadcast %add3A_1655 : i32 to vector<16xi32>
    %add3A_1657 = arith.addi %iota3A_3, %add3A_1656 : vector<16xi32>
    %gather3A_1658 = tpu.vector_load_idx %arg6[%broadcast_in_dim3A_1635, %broadcast_in_dim3A_1637, %add3A_1657, %broadcast_in_dim3A_1654] : memref<2x4x64x128xf32, #tpu.memory_space<vmem>>[vector<16xi32>, vector<16xi32>, vector<16xi32>, vector<16xi32>], vector<16xf32>,
    %swap3A_1659 = arith.constant 11 : i32
    %swap3A_1660 = arith.index_cast %swap3A_1659 : i32 to index
    %swap3A_1661 = arith.constant 0 : index
    %swap3A_1662 = tpu.vector_load %arg7[%swap3A_1660, %swap3A_1661] {strides = array<i32>} : memref<32x64xf32, #tpu.memory_space<vmem>>, vector<16xf32>,
    tpu.vector_store %arg7[%swap3A_1660, %swap3A_1661], %gather3A_1658 {strides = array<i32>} : memref<32x64xf32, #tpu.memory_space<vmem>>, vector<16xf32>,
    %add3A_1663 = arith.constant 16 : i32
    %add3A_1664 = vector.broadcast %add3A_1663 : i32 to vector<16xi32>
    %add3A_1665 = arith.addi %iota3A_3, %add3A_1664 : vector<16xi32>
    %gather3A_1666 = tpu.vector_load_idx %arg6[%broadcast_in_dim3A_1635, %broadcast_in_dim3A_1637, %add3A_1665, %broadcast_in_dim3A_1654] : memref<2x4x64x128xf32, #tpu.memory_space<vmem>>[vector<16xi32>, vector<16xi32>, vector<16xi32>, vector<16xi32>], vector<16xf32>,
    %swap3A_1667 = arith.constant 11 : i32
    %swap3A_1668 = arith.index_cast %swap3A_1667 : i32 to index
    %swap3A_1669 = arith.constant 16 : index
    %swap3A_1670 = tpu.vector_load %arg7[%swap3A_1668, %swap3A_1669] {strides = array<i32>} : memref<32x64xf32, #tpu.memory_space<vmem>>, vector<16xf32>,
    tpu.vector_store %arg7[%swap3A_1668, %swap3A_1669], %gather3A_1666 {strides = array<i32>} : memref<32x64xf32, #tpu.memory_space<vmem>>, vector<16xf32>,
    %add3A_1671 = arith.constant 32 : i32
    %add3A_1672 = vector.broadcast %add3A_1671 : i32 to vector<16xi32>
    %add3A_1673 = arith.addi %iota3A_3, %add3A_1672 : vector<16xi32>
    %gather3A_1674 = tpu.vector_load_idx %arg6[%broadcast_in_dim3A_1635, %broadcast_in_dim3A_1637, %add3A_1673, %broadcast_in_dim3A_1654] : memref<2x4x64x128xf32, #tpu.memory_space<vmem>>[vector<16xi32>, vector<16xi32>, vector<16xi32>, vector<16xi32>], vector<16xf32>,
    %swap3A_1675 = arith.constant 11 : i32
    %swap3A_1676 = arith.index_cast %swap3A_1675 : i32 to index
    %swap3A_1677 = arith.constant 32 : index
    %swap3A_1678 = tpu.vector_load %arg7[%swap3A_1676, %swap3A_1677] {strides = array<i32>} : memref<32x64xf32, #tpu.memory_space<vmem>>, vector<16xf32>,
    tpu.vector_store %arg7[%swap3A_1676, %swap3A_1677], %gather3A_1674 {strides = array<i32>} : memref<32x64xf32, #tpu.memory_space<vmem>>, vector<16xf32>,
    %add3A_1679 = arith.constant 48 : i32
    %add3A_1680 = vector.broadcast %add3A_1679 : i32 to vector<16xi32>
    %add3A_1681 = arith.addi %iota3A_3, %add3A_1680 : vector<16xi32>
    %gather3A_1682 = tpu.vector_load_idx %arg6[%broadcast_in_dim3A_1635, %broadcast_in_dim3A_1637, %add3A_1681, %broadcast_in_dim3A_1654] : memref<2x4x64x128xf32, #tpu.memory_space<vmem>>[vector<16xi32>, vector<16xi32>, vector<16xi32>, vector<16xi32>], vector<16xf32>,
    %swap3A_1683 = arith.constant 11 : i32
    %swap3A_1684 = arith.index_cast %swap3A_1683 : i32 to index
    %swap3A_1685 = arith.constant 48 : index
    %swap3A_1686 = tpu.vector_load %arg7[%swap3A_1684, %swap3A_1685] {strides = array<i32>} : memref<32x64xf32, #tpu.memory_space<vmem>>, vector<16xf32>,
    tpu.vector_store %arg7[%swap3A_1684, %swap3A_1685], %gather3A_1682 {strides = array<i32>} : memref<32x64xf32, #tpu.memory_space<vmem>>, vector<16xf32>,
    %get3A_1687 = arith.constant 16 : index
    %get3A_1688 = tpu.vector_load %arg5[%get3A_1687] {strides = array<i32>} : memref<32xi32, #tpu.memory_space<vmem>>, vector<16xi32>,
    %eq3A_1689 = arith.constant 0 : i32
    %eq3A_1690 = vector.broadcast %eq3A_1689 : i32 to vector<16xi32>
    %eq3A_1691 = arith.cmpi eq, %iota3A, %eq3A_1690 : vector<16xi32>
    %jit3A_1692 = arith.constant 0 : i32
    %broadcast_in_dim3A_1693 = vector.broadcast %jit3A_1692 : i32 to vector<16xi32>
    %select_n3A_1694 = arith.select %eq3A_1691, %get3A_1688, %broadcast_in_dim3A_1693 : vector<16xi1>, vector<16xi32>
    %reduce_max3A_1695 = arith.constant true
    %reduce_max3A_1696 = vector.broadcast %reduce_max3A_1695 : i1 to vector<16xi1>
    %reduce_max3A_1697 = arith.constant -2147483648 : i32
    %reduce_max3A_1698 = vector.broadcast %reduce_max3A_1697 : i32 to vector<16xi32>
    %reduce_max3A_1699 = arith.xori %select_n3A_1694, %reduce_max3A_1698 : vector<16xi32>
    %reduce_max3A_1700 = tpu.scan <max>, %reduce_max3A_1699 masked %reduce_max3A_1696 : vector<16xi32>, vector<16xi1> -> vector<16xi32>
    %reduce_max3A_1701 = arith.xori %reduce_max3A_1700, %reduce_max3A_1698 : vector<16xi32>
    %reduce_max3A_1702 = vector.extract %reduce_max3A_1701[15] : i32 from vector<16xi32>
    %jit3A_1703 = arith.constant 128 : i32
    %div3A_1704 = arith.divsi %reduce_max3A_1702, %jit3A_1703 : i32
    %sign3A_1705 = arith.constant 0 : i32
    %sign3A_1706 = arith.cmpi sgt, %reduce_max3A_1702, %sign3A_1705 : i32
    %sign3A_1707 = arith.extui %sign3A_1706 : i1 to i32
    %sign3A_1708 = arith.constant 0 : i32
    %sign3A_1709 = arith.cmpi slt, %reduce_max3A_1702, %sign3A_1708 : i32
    %sign3A_1710 = arith.extui %sign3A_1709 : i1 to i32
    %sign3A_1711 = arith.subi %sign3A_1707, %sign3A_1710 : i32
    %sign3A_1712 = arith.constant 0 : i32
    %sign3A_1713 = arith.cmpi sgt, %jit3A_1703, %sign3A_1712 : i32
    %sign3A_1714 = arith.extui %sign3A_1713 : i1 to i32
    %sign3A_1715 = arith.constant 0 : i32
    %sign3A_1716 = arith.cmpi slt, %jit3A_1703, %sign3A_1715 : i32
    %sign3A_1717 = arith.extui %sign3A_1716 : i1 to i32
    %sign3A_1718 = arith.subi %sign3A_1714, %sign3A_1717 : i32
    %ne3A_1719 = arith.cmpi ne, %sign3A_1711, %sign3A_1718 : i32
    %rem3A_1720 = arith.remsi %reduce_max3A_1702, %jit3A_1703 : i32
    %ne3A_1721 = arith.constant 0 : i32
    %ne3A_1722 = arith.cmpi ne, %rem3A_1720, %ne3A_1721 : i32
    %and3A_1723 = arith.andi %ne3A_1719, %ne3A_1722 : i1
    %sub3A_1724 = arith.constant 1 : i32
    %sub3A_1725 = arith.subi %div3A_1704, %sub3A_1724 : i32
    %select_n3A_1726 = arith.select %and3A_1723, %sub3A_1725, %div3A_1704 : i32
    %mul3A_1727 = arith.constant 128 : i32
    %mul3A_1728 = arith.muli %select_n3A_1726, %mul3A_1727 : i32
    %dma_start3A_1729 = arith.constant 0 : i32
    %dma_start3A_1730 = arith.constant 0 : i32
    %dma_start3A_1731 = arith.constant 0 : i32
    %dma_start3A_1732 = arith.constant 0 : i32
    %dma_start3A_1733 = tpu.memref_slice %arg6[%dma_start3A_1729, %dma_start3A_1730, %dma_start3A_1731, %dma_start3A_1732] : memref<2x4x64x128xf32, #tpu.memory_space<vmem>> -> memref<1x1x64x128xf32, #tpu.memory_space<vmem>>
    %dma_start3A_1734 = tpu.memref_squeeze %dma_start3A_1733 : memref<1x1x64x128xf32, #tpu.memory_space<vmem>> -> memref<64x128xf32, #tpu.memory_space<vmem>>
    %dma_start3A_1735 = arith.constant 0 : i32
    %dma_start3A_1736 = tpu.memref_slice %arg3[%dma_start3A_1735, %mul3A_1728] : memref<64x1000000xf32, #tpu.memory_space<hbm>> -> memref<64x128xf32, #tpu.memory_space<hbm>>
    %dma_start3A_1737 = arith.constant 0 : i32
    %dma_start3A_1738 = arith.constant 0 : i32
    %dma_start3A_1739 = tpu.memref_slice %arg6[%dma_start3A_1729, %dma_start3A_1730, %dma_start3A_1737, %dma_start3A_1738] : memref<2x4x64x128xf32, #tpu.memory_space<vmem>> -> memref<1x1x64x128xf32, #tpu.memory_space<vmem>>
    %dma_start3A_1740 = tpu.memref_squeeze %dma_start3A_1739 : memref<1x1x64x128xf32, #tpu.memory_space<vmem>> -> memref<64x128xf32, #tpu.memory_space<vmem>>
    %dma_start3A_1741 = arith.constant 0 : i32
    %dma_start3A_1742 = tpu.memref_slice %arg3[%dma_start3A_1741, %mul3A_1728] : memref<64x1000000xf32, #tpu.memory_space<hbm>> -> memref<64x128xf32, #tpu.memory_space<hbm>>
    tpu.enqueue_dma source(%dma_start3A_1742 : memref<64x128xf32, #tpu.memory_space<hbm>>) target(%dma_start3A_1740 : memref<64x128xf32, #tpu.memory_space<vmem>>) target_semaphore(%arg8 : memref<!tpu.dma_semaphore, #tpu.memory_space<semaphore_mem>>)
    %get3A_1743 = arith.constant 16 : index
    %get3A_1744 = tpu.vector_load %arg5[%get3A_1743] {strides = array<i32>} : memref<32xi32, #tpu.memory_space<vmem>>, vector<16xi32>,
    %eq3A_1745 = arith.constant 1 : i32
    %eq3A_1746 = vector.broadcast %eq3A_1745 : i32 to vector<16xi32>
    %eq3A_1747 = arith.cmpi eq, %iota3A, %eq3A_1746 : vector<16xi32>
    %jit3A_1748 = arith.constant 0 : i32
    %broadcast_in_dim3A_1749 = vector.broadcast %jit3A_1748 : i32 to vector<16xi32>
    %select_n3A_1750 = arith.select %eq3A_1747, %get3A_1744, %broadcast_in_dim3A_1749 : vector<16xi1>, vector<16xi32>
    %reduce_max3A_1751 = arith.constant true
    %reduce_max3A_1752 = vector.broadcast %reduce_max3A_1751 : i1 to vector<16xi1>
    %reduce_max3A_1753 = arith.constant -2147483648 : i32
    %reduce_max3A_1754 = vector.broadcast %reduce_max3A_1753 : i32 to vector<16xi32>
    %reduce_max3A_1755 = arith.xori %select_n3A_1750, %reduce_max3A_1754 : vector<16xi32>
    %reduce_max3A_1756 = tpu.scan <max>, %reduce_max3A_1755 masked %reduce_max3A_1752 : vector<16xi32>, vector<16xi1> -> vector<16xi32>
    %reduce_max3A_1757 = arith.xori %reduce_max3A_1756, %reduce_max3A_1754 : vector<16xi32>
    %reduce_max3A_1758 = vector.extract %reduce_max3A_1757[15] : i32 from vector<16xi32>
    %jit3A_1759 = arith.constant 128 : i32
    %div3A_1760 = arith.divsi %reduce_max3A_1758, %jit3A_1759 : i32
    %sign3A_1761 = arith.constant 0 : i32
    %sign3A_1762 = arith.cmpi sgt, %reduce_max3A_1758, %sign3A_1761 : i32
    %sign3A_1763 = arith.extui %sign3A_1762 : i1 to i32
    %sign3A_1764 = arith.constant 0 : i32
    %sign3A_1765 = arith.cmpi slt, %reduce_max3A_1758, %sign3A_1764 : i32
    %sign3A_1766 = arith.extui %sign3A_1765 : i1 to i32
    %sign3A_1767 = arith.subi %sign3A_1763, %sign3A_1766 : i32
    %sign3A_1768 = arith.constant 0 : i32
    %sign3A_1769 = arith.cmpi sgt, %jit3A_1759, %sign3A_1768 : i32
    %sign3A_1770 = arith.extui %sign3A_1769 : i1 to i32
    %sign3A_1771 = arith.constant 0 : i32
    %sign3A_1772 = arith.cmpi slt, %jit3A_1759, %sign3A_1771 : i32
    %sign3A_1773 = arith.extui %sign3A_1772 : i1 to i32
    %sign3A_1774 = arith.subi %sign3A_1770, %sign3A_1773 : i32
    %ne3A_1775 = arith.cmpi ne, %sign3A_1767, %sign3A_1774 : i32
    %rem3A_1776 = arith.remsi %reduce_max3A_1758, %jit3A_1759 : i32
    %ne3A_1777 = arith.constant 0 : i32
    %ne3A_1778 = arith.cmpi ne, %rem3A_1776, %ne3A_1777 : i32
    %and3A_1779 = arith.andi %ne3A_1775, %ne3A_1778 : i1
    %sub3A_1780 = arith.constant 1 : i32
    %sub3A_1781 = arith.subi %div3A_1760, %sub3A_1780 : i32
    %select_n3A_1782 = arith.select %and3A_1779, %sub3A_1781, %div3A_1760 : i32
    %mul3A_1783 = arith.constant 128 : i32
    %mul3A_1784 = arith.muli %select_n3A_1782, %mul3A_1783 : i32
    %dma_start3A_1785 = arith.constant 0 : i32
    %dma_start3A_1786 = arith.constant 1 : i32
    %dma_start3A_1787 = arith.constant 0 : i32
    %dma_start3A_1788 = arith.constant 0 : i32
    %dma_start3A_1789 = tpu.memref_slice %arg6[%dma_start3A_1785, %dma_start3A_1786, %dma_start3A_1787, %dma_start3A_1788] : memref<2x4x64x128xf32, #tpu.memory_space<vmem>> -> memref<1x1x64x128xf32, #tpu.memory_space<vmem>>
    %dma_start3A_1790 = tpu.memref_squeeze %dma_start3A_1789 : memref<1x1x64x128xf32, #tpu.memory_space<vmem>> -> memref<64x128xf32, #tpu.memory_space<vmem>>
    %dma_start3A_1791 = arith.constant 0 : i32
    %dma_start3A_1792 = tpu.memref_slice %arg3[%dma_start3A_1791, %mul3A_1784] : memref<64x1000000xf32, #tpu.memory_space<hbm>> -> memref<64x128xf32, #tpu.memory_space<hbm>>
    %dma_start3A_1793 = arith.constant 0 : i32
    %dma_start3A_1794 = arith.constant 0 : i32
    %dma_start3A_1795 = tpu.memref_slice %arg6[%dma_start3A_1785, %dma_start3A_1786, %dma_start3A_1793, %dma_start3A_1794] : memref<2x4x64x128xf32, #tpu.memory_space<vmem>> -> memref<1x1x64x128xf32, #tpu.memory_space<vmem>>
    %dma_start3A_1796 = tpu.memref_squeeze %dma_start3A_1795 : memref<1x1x64x128xf32, #tpu.memory_space<vmem>> -> memref<64x128xf32, #tpu.memory_space<vmem>>
    %dma_start3A_1797 = arith.constant 0 : i32
    %dma_start3A_1798 = tpu.memref_slice %arg3[%dma_start3A_1797, %mul3A_1784] : memref<64x1000000xf32, #tpu.memory_space<hbm>> -> memref<64x128xf32, #tpu.memory_space<hbm>>
    tpu.enqueue_dma source(%dma_start3A_1798 : memref<64x128xf32, #tpu.memory_space<hbm>>) target(%dma_start3A_1796 : memref<64x128xf32, #tpu.memory_space<vmem>>) target_semaphore(%arg8 : memref<!tpu.dma_semaphore, #tpu.memory_space<semaphore_mem>>)
    %get3A_1799 = arith.constant 16 : index
    %get3A_1800 = tpu.vector_load %arg5[%get3A_1799] {strides = array<i32>} : memref<32xi32, #tpu.memory_space<vmem>>, vector<16xi32>,
    %eq3A_1801 = arith.constant 2 : i32
    %eq3A_1802 = vector.broadcast %eq3A_1801 : i32 to vector<16xi32>
    %eq3A_1803 = arith.cmpi eq, %iota3A, %eq3A_1802 : vector<16xi32>
    %jit3A_1804 = arith.constant 0 : i32
    %broadcast_in_dim3A_1805 = vector.broadcast %jit3A_1804 : i32 to vector<16xi32>
    %select_n3A_1806 = arith.select %eq3A_1803, %get3A_1800, %broadcast_in_dim3A_1805 : vector<16xi1>, vector<16xi32>
    %reduce_max3A_1807 = arith.constant true
    %reduce_max3A_1808 = vector.broadcast %reduce_max3A_1807 : i1 to vector<16xi1>
    %reduce_max3A_1809 = arith.constant -2147483648 : i32
    %reduce_max3A_1810 = vector.broadcast %reduce_max3A_1809 : i32 to vector<16xi32>
    %reduce_max3A_1811 = arith.xori %select_n3A_1806, %reduce_max3A_1810 : vector<16xi32>
    %reduce_max3A_1812 = tpu.scan <max>, %reduce_max3A_1811 masked %reduce_max3A_1808 : vector<16xi32>, vector<16xi1> -> vector<16xi32>
    %reduce_max3A_1813 = arith.xori %reduce_max3A_1812, %reduce_max3A_1810 : vector<16xi32>
    %reduce_max3A_1814 = vector.extract %reduce_max3A_1813[15] : i32 from vector<16xi32>
    %jit3A_1815 = arith.constant 128 : i32
    %div3A_1816 = arith.divsi %reduce_max3A_1814, %jit3A_1815 : i32
    %sign3A_1817 = arith.constant 0 : i32
    %sign3A_1818 = arith.cmpi sgt, %reduce_max3A_1814, %sign3A_1817 : i32
    %sign3A_1819 = arith.extui %sign3A_1818 : i1 to i32
    %sign3A_1820 = arith.constant 0 : i32
    %sign3A_1821 = arith.cmpi slt, %reduce_max3A_1814, %sign3A_1820 : i32
    %sign3A_1822 = arith.extui %sign3A_1821 : i1 to i32
    %sign3A_1823 = arith.subi %sign3A_1819, %sign3A_1822 : i32
    %sign3A_1824 = arith.constant 0 : i32
    %sign3A_1825 = arith.cmpi sgt, %jit3A_1815, %sign3A_1824 : i32
    %sign3A_1826 = arith.extui %sign3A_1825 : i1 to i32
    %sign3A_1827 = arith.constant 0 : i32
    %sign3A_1828 = arith.cmpi slt, %jit3A_1815, %sign3A_1827 : i32
    %sign3A_1829 = arith.extui %sign3A_1828 : i1 to i32
    %sign3A_1830 = arith.subi %sign3A_1826, %sign3A_1829 : i32
    %ne3A_1831 = arith.cmpi ne, %sign3A_1823, %sign3A_1830 : i32
    %rem3A_1832 = arith.remsi %reduce_max3A_1814, %jit3A_1815 : i32
    %ne3A_1833 = arith.constant 0 : i32
    %ne3A_1834 = arith.cmpi ne, %rem3A_1832, %ne3A_1833 : i32
    %and3A_1835 = arith.andi %ne3A_1831, %ne3A_1834 : i1
    %sub3A_1836 = arith.constant 1 : i32
    %sub3A_1837 = arith.subi %div3A_1816, %sub3A_1836 : i32
    %select_n3A_1838 = arith.select %and3A_1835, %sub3A_1837, %div3A_1816 : i32
    %mul3A_1839 = arith.constant 128 : i32
    %mul3A_1840 = arith.muli %select_n3A_1838, %mul3A_1839 : i32
    %dma_start3A_1841 = arith.constant 0 : i32
    %dma_start3A_1842 = arith.constant 2 : i32
    %dma_start3A_1843 = arith.constant 0 : i32
    %dma_start3A_1844 = arith.constant 0 : i32
    %dma_start3A_1845 = tpu.memref_slice %arg6[%dma_start3A_1841, %dma_start3A_1842, %dma_start3A_1843, %dma_start3A_1844] : memref<2x4x64x128xf32, #tpu.memory_space<vmem>> -> memref<1x1x64x128xf32, #tpu.memory_space<vmem>>
    %dma_start3A_1846 = tpu.memref_squeeze %dma_start3A_1845 : memref<1x1x64x128xf32, #tpu.memory_space<vmem>> -> memref<64x128xf32, #tpu.memory_space<vmem>>
    %dma_start3A_1847 = arith.constant 0 : i32
    %dma_start3A_1848 = tpu.memref_slice %arg3[%dma_start3A_1847, %mul3A_1840] : memref<64x1000000xf32, #tpu.memory_space<hbm>> -> memref<64x128xf32, #tpu.memory_space<hbm>>
    %dma_start3A_1849 = arith.constant 0 : i32
    %dma_start3A_1850 = arith.constant 0 : i32
    %dma_start3A_1851 = tpu.memref_slice %arg6[%dma_start3A_1841, %dma_start3A_1842, %dma_start3A_1849, %dma_start3A_1850] : memref<2x4x64x128xf32, #tpu.memory_space<vmem>> -> memref<1x1x64x128xf32, #tpu.memory_space<vmem>>
    %dma_start3A_1852 = tpu.memref_squeeze %dma_start3A_1851 : memref<1x1x64x128xf32, #tpu.memory_space<vmem>> -> memref<64x128xf32, #tpu.memory_space<vmem>>
    %dma_start3A_1853 = arith.constant 0 : i32
    %dma_start3A_1854 = tpu.memref_slice %arg3[%dma_start3A_1853, %mul3A_1840] : memref<64x1000000xf32, #tpu.memory_space<hbm>> -> memref<64x128xf32, #tpu.memory_space<hbm>>
    tpu.enqueue_dma source(%dma_start3A_1854 : memref<64x128xf32, #tpu.memory_space<hbm>>) target(%dma_start3A_1852 : memref<64x128xf32, #tpu.memory_space<vmem>>) target_semaphore(%arg8 : memref<!tpu.dma_semaphore, #tpu.memory_space<semaphore_mem>>)
    %get3A_1855 = arith.constant 16 : index
    %get3A_1856 = tpu.vector_load %arg5[%get3A_1855] {strides = array<i32>} : memref<32xi32, #tpu.memory_space<vmem>>, vector<16xi32>,
    %eq3A_1857 = arith.constant 3 : i32
    %eq3A_1858 = vector.broadcast %eq3A_1857 : i32 to vector<16xi32>
    %eq3A_1859 = arith.cmpi eq, %iota3A, %eq3A_1858 : vector<16xi32>
    %jit3A_1860 = arith.constant 0 : i32
    %broadcast_in_dim3A_1861 = vector.broadcast %jit3A_1860 : i32 to vector<16xi32>
    %select_n3A_1862 = arith.select %eq3A_1859, %get3A_1856, %broadcast_in_dim3A_1861 : vector<16xi1>, vector<16xi32>
    %reduce_max3A_1863 = arith.constant true
    %reduce_max3A_1864 = vector.broadcast %reduce_max3A_1863 : i1 to vector<16xi1>
    %reduce_max3A_1865 = arith.constant -2147483648 : i32
    %reduce_max3A_1866 = vector.broadcast %reduce_max3A_1865 : i32 to vector<16xi32>
    %reduce_max3A_1867 = arith.xori %select_n3A_1862, %reduce_max3A_1866 : vector<16xi32>
    %reduce_max3A_1868 = tpu.scan <max>, %reduce_max3A_1867 masked %reduce_max3A_1864 : vector<16xi32>, vector<16xi1> -> vector<16xi32>
    %reduce_max3A_1869 = arith.xori %reduce_max3A_1868, %reduce_max3A_1866 : vector<16xi32>
    %reduce_max3A_1870 = vector.extract %reduce_max3A_1869[15] : i32 from vector<16xi32>
    %jit3A_1871 = arith.constant 128 : i32
    %div3A_1872 = arith.divsi %reduce_max3A_1870, %jit3A_1871 : i32
    %sign3A_1873 = arith.constant 0 : i32
    %sign3A_1874 = arith.cmpi sgt, %reduce_max3A_1870, %sign3A_1873 : i32
    %sign3A_1875 = arith.extui %sign3A_1874 : i1 to i32
    %sign3A_1876 = arith.constant 0 : i32
    %sign3A_1877 = arith.cmpi slt, %reduce_max3A_1870, %sign3A_1876 : i32
    %sign3A_1878 = arith.extui %sign3A_1877 : i1 to i32
    %sign3A_1879 = arith.subi %sign3A_1875, %sign3A_1878 : i32
    %sign3A_1880 = arith.constant 0 : i32
    %sign3A_1881 = arith.cmpi sgt, %jit3A_1871, %sign3A_1880 : i32
    %sign3A_1882 = arith.extui %sign3A_1881 : i1 to i32
    %sign3A_1883 = arith.constant 0 : i32
    %sign3A_1884 = arith.cmpi slt, %jit3A_1871, %sign3A_1883 : i32
    %sign3A_1885 = arith.extui %sign3A_1884 : i1 to i32
    %sign3A_1886 = arith.subi %sign3A_1882, %sign3A_1885 : i32
    %ne3A_1887 = arith.cmpi ne, %sign3A_1879, %sign3A_1886 : i32
    %rem3A_1888 = arith.remsi %reduce_max3A_1870, %jit3A_1871 : i32
    %ne3A_1889 = arith.constant 0 : i32
    %ne3A_1890 = arith.cmpi ne, %rem3A_1888, %ne3A_1889 : i32
    %and3A_1891 = arith.andi %ne3A_1887, %ne3A_1890 : i1
    %sub3A_1892 = arith.constant 1 : i32
    %sub3A_1893 = arith.subi %div3A_1872, %sub3A_1892 : i32
    %select_n3A_1894 = arith.select %and3A_1891, %sub3A_1893, %div3A_1872 : i32
    %mul3A_1895 = arith.constant 128 : i32
    %mul3A_1896 = arith.muli %select_n3A_1894, %mul3A_1895 : i32
    %dma_start3A_1897 = arith.constant 0 : i32
    %dma_start3A_1898 = arith.constant 3 : i32
    %dma_start3A_1899 = arith.constant 0 : i32
    %dma_start3A_1900 = arith.constant 0 : i32
    %dma_start3A_1901 = tpu.memref_slice %arg6[%dma_start3A_1897, %dma_start3A_1898, %dma_start3A_1899, %dma_start3A_1900] : memref<2x4x64x128xf32, #tpu.memory_space<vmem>> -> memref<1x1x64x128xf32, #tpu.memory_space<vmem>>
    %dma_start3A_1902 = tpu.memref_squeeze %dma_start3A_1901 : memref<1x1x64x128xf32, #tpu.memory_space<vmem>> -> memref<64x128xf32, #tpu.memory_space<vmem>>
    %dma_start3A_1903 = arith.constant 0 : i32
    %dma_start3A_1904 = tpu.memref_slice %arg3[%dma_start3A_1903, %mul3A_1896] : memref<64x1000000xf32, #tpu.memory_space<hbm>> -> memref<64x128xf32, #tpu.memory_space<hbm>>
    %dma_start3A_1905 = arith.constant 0 : i32
    %dma_start3A_1906 = arith.constant 0 : i32
    %dma_start3A_1907 = tpu.memref_slice %arg6[%dma_start3A_1897, %dma_start3A_1898, %dma_start3A_1905, %dma_start3A_1906] : memref<2x4x64x128xf32, #tpu.memory_space<vmem>> -> memref<1x1x64x128xf32, #tpu.memory_space<vmem>>
    %dma_start3A_1908 = tpu.memref_squeeze %dma_start3A_1907 : memref<1x1x64x128xf32, #tpu.memory_space<vmem>> -> memref<64x128xf32, #tpu.memory_space<vmem>>
    %dma_start3A_1909 = arith.constant 0 : i32
    %dma_start3A_1910 = tpu.memref_slice %arg3[%dma_start3A_1909, %mul3A_1896] : memref<64x1000000xf32, #tpu.memory_space<hbm>> -> memref<64x128xf32, #tpu.memory_space<hbm>>
    tpu.enqueue_dma source(%dma_start3A_1910 : memref<64x128xf32, #tpu.memory_space<hbm>>) target(%dma_start3A_1908 : memref<64x128xf32, #tpu.memory_space<vmem>>) target_semaphore(%arg8 : memref<!tpu.dma_semaphore, #tpu.memory_space<semaphore_mem>>)
    %dma_wait3A_1911 = arith.constant 1 : i32
    %dma_wait3A_1912 = arith.constant 0 : i32
    %dma_wait3A_1913 = arith.constant 0 : i32
    %dma_wait3A_1914 = arith.constant 0 : i32
    %dma_wait3A_1915 = tpu.memref_slice %arg6[%dma_wait3A_1911, %dma_wait3A_1912, %dma_wait3A_1913, %dma_wait3A_1914] : memref<2x4x64x128xf32, #tpu.memory_space<vmem>> -> memref<1x1x64x128xf32, #tpu.memory_space<vmem>>
    %dma_wait3A_1916 = tpu.memref_squeeze %dma_wait3A_1915 : memref<1x1x64x128xf32, #tpu.memory_space<vmem>> -> memref<64x128xf32, #tpu.memory_space<vmem>>
    %dma_wait3A_1917 = arith.constant 0 : i32
    %dma_wait3A_1918 = tpu.memref_slice %arg3[%dma_wait3A_1917, %mul3A_1236] : memref<64x1000000xf32, #tpu.memory_space<hbm>> -> memref<64x128xf32, #tpu.memory_space<hbm>>
    %dma_wait3A_1919 = arith.constant 0 : i32
    %dma_wait3A_1920 = arith.constant 0 : i32
    %dma_wait3A_1921 = tpu.memref_slice %arg6[%dma_wait3A_1911, %dma_wait3A_1912, %dma_wait3A_1919, %dma_wait3A_1920] : memref<2x4x64x128xf32, #tpu.memory_space<vmem>> -> memref<1x1x64x128xf32, #tpu.memory_space<vmem>>
    %dma_wait3A_1922 = tpu.memref_squeeze %dma_wait3A_1921 : memref<1x1x64x128xf32, #tpu.memory_space<vmem>> -> memref<64x128xf32, #tpu.memory_space<vmem>>
    %dma_wait3A_1923 = arith.constant 0 : i32
    %dma_wait3A_1924 = tpu.memref_slice %arg3[%dma_wait3A_1923, %mul3A_1236] : memref<64x1000000xf32, #tpu.memory_space<hbm>> -> memref<64x128xf32, #tpu.memory_space<hbm>>
    tpu.wait_dma2 semaphore(%arg8 : memref<!tpu.dma_semaphore, #tpu.memory_space<semaphore_mem>>) src(%dma_wait3A_1924 : memref<64x128xf32, #tpu.memory_space<hbm>>) dst(%dma_wait3A_1922 : memref<64x128xf32, #tpu.memory_space<vmem>>)
    %dma_wait3A_1925 = arith.constant 1 : i32
    %dma_wait3A_1926 = arith.constant 1 : i32
    %dma_wait3A_1927 = arith.constant 0 : i32
    %dma_wait3A_1928 = arith.constant 0 : i32
    %dma_wait3A_1929 = tpu.memref_slice %arg6[%dma_wait3A_1925, %dma_wait3A_1926, %dma_wait3A_1927, %dma_wait3A_1928] : memref<2x4x64x128xf32, #tpu.memory_space<vmem>> -> memref<1x1x64x128xf32, #tpu.memory_space<vmem>>
    %dma_wait3A_1930 = tpu.memref_squeeze %dma_wait3A_1929 : memref<1x1x64x128xf32, #tpu.memory_space<vmem>> -> memref<64x128xf32, #tpu.memory_space<vmem>>
    %dma_wait3A_1931 = arith.constant 0 : i32
    %dma_wait3A_1932 = tpu.memref_slice %arg3[%dma_wait3A_1931, %mul3A_1292] : memref<64x1000000xf32, #tpu.memory_space<hbm>> -> memref<64x128xf32, #tpu.memory_space<hbm>>
    %dma_wait3A_1933 = arith.constant 0 : i32
    %dma_wait3A_1934 = arith.constant 0 : i32
    %dma_wait3A_1935 = tpu.memref_slice %arg6[%dma_wait3A_1925, %dma_wait3A_1926, %dma_wait3A_1933, %dma_wait3A_1934] : memref<2x4x64x128xf32, #tpu.memory_space<vmem>> -> memref<1x1x64x128xf32, #tpu.memory_space<vmem>>
    %dma_wait3A_1936 = tpu.memref_squeeze %dma_wait3A_1935 : memref<1x1x64x128xf32, #tpu.memory_space<vmem>> -> memref<64x128xf32, #tpu.memory_space<vmem>>
    %dma_wait3A_1937 = arith.constant 0 : i32
    %dma_wait3A_1938 = tpu.memref_slice %arg3[%dma_wait3A_1937, %mul3A_1292] : memref<64x1000000xf32, #tpu.memory_space<hbm>> -> memref<64x128xf32, #tpu.memory_space<hbm>>
    tpu.wait_dma2 semaphore(%arg8 : memref<!tpu.dma_semaphore, #tpu.memory_space<semaphore_mem>>) src(%dma_wait3A_1938 : memref<64x128xf32, #tpu.memory_space<hbm>>) dst(%dma_wait3A_1936 : memref<64x128xf32, #tpu.memory_space<vmem>>)
    %dma_wait3A_1939 = arith.constant 1 : i32
    %dma_wait3A_1940 = arith.constant 2 : i32
    %dma_wait3A_1941 = arith.constant 0 : i32
    %dma_wait3A_1942 = arith.constant 0 : i32
    %dma_wait3A_1943 = tpu.memref_slice %arg6[%dma_wait3A_1939, %dma_wait3A_1940, %dma_wait3A_1941, %dma_wait3A_1942] : memref<2x4x64x128xf32, #tpu.memory_space<vmem>> -> memref<1x1x64x128xf32, #tpu.memory_space<vmem>>
    %dma_wait3A_1944 = tpu.memref_squeeze %dma_wait3A_1943 : memref<1x1x64x128xf32, #tpu.memory_space<vmem>> -> memref<64x128xf32, #tpu.memory_space<vmem>>
    %dma_wait3A_1945 = arith.constant 0 : i32
    %dma_wait3A_1946 = tpu.memref_slice %arg3[%dma_wait3A_1945, %mul3A_1348] : memref<64x1000000xf32, #tpu.memory_space<hbm>> -> memref<64x128xf32, #tpu.memory_space<hbm>>
    %dma_wait3A_1947 = arith.constant 0 : i32
    %dma_wait3A_1948 = arith.constant 0 : i32
    %dma_wait3A_1949 = tpu.memref_slice %arg6[%dma_wait3A_1939, %dma_wait3A_1940, %dma_wait3A_1947, %dma_wait3A_1948] : memref<2x4x64x128xf32, #tpu.memory_space<vmem>> -> memref<1x1x64x128xf32, #tpu.memory_space<vmem>>
    %dma_wait3A_1950 = tpu.memref_squeeze %dma_wait3A_1949 : memref<1x1x64x128xf32, #tpu.memory_space<vmem>> -> memref<64x128xf32, #tpu.memory_space<vmem>>
    %dma_wait3A_1951 = arith.constant 0 : i32
    %dma_wait3A_1952 = tpu.memref_slice %arg3[%dma_wait3A_1951, %mul3A_1348] : memref<64x1000000xf32, #tpu.memory_space<hbm>> -> memref<64x128xf32, #tpu.memory_space<hbm>>
    tpu.wait_dma2 semaphore(%arg8 : memref<!tpu.dma_semaphore, #tpu.memory_space<semaphore_mem>>) src(%dma_wait3A_1952 : memref<64x128xf32, #tpu.memory_space<hbm>>) dst(%dma_wait3A_1950 : memref<64x128xf32, #tpu.memory_space<vmem>>)
    %dma_wait3A_1953 = arith.constant 1 : i32
    %dma_wait3A_1954 = arith.constant 3 : i32
    %dma_wait3A_1955 = arith.constant 0 : i32
    %dma_wait3A_1956 = arith.constant 0 : i32
    %dma_wait3A_1957 = tpu.memref_slice %arg6[%dma_wait3A_1953, %dma_wait3A_1954, %dma_wait3A_1955, %dma_wait3A_1956] : memref<2x4x64x128xf32, #tpu.memory_space<vmem>> -> memref<1x1x64x128xf32, #tpu.memory_space<vmem>>
    %dma_wait3A_1958 = tpu.memref_squeeze %dma_wait3A_1957 : memref<1x1x64x128xf32, #tpu.memory_space<vmem>> -> memref<64x128xf32, #tpu.memory_space<vmem>>
    %dma_wait3A_1959 = arith.constant 0 : i32
    %dma_wait3A_1960 = tpu.memref_slice %arg3[%dma_wait3A_1959, %mul3A_1404] : memref<64x1000000xf32, #tpu.memory_space<hbm>> -> memref<64x128xf32, #tpu.memory_space<hbm>>
    %dma_wait3A_1961 = arith.constant 0 : i32
    %dma_wait3A_1962 = arith.constant 0 : i32
    %dma_wait3A_1963 = tpu.memref_slice %arg6[%dma_wait3A_1953, %dma_wait3A_1954, %dma_wait3A_1961, %dma_wait3A_1962] : memref<2x4x64x128xf32, #tpu.memory_space<vmem>> -> memref<1x1x64x128xf32, #tpu.memory_space<vmem>>
    %dma_wait3A_1964 = tpu.memref_squeeze %dma_wait3A_1963 : memref<1x1x64x128xf32, #tpu.memory_space<vmem>> -> memref<64x128xf32, #tpu.memory_space<vmem>>
    %dma_wait3A_1965 = arith.constant 0 : i32
    %dma_wait3A_1966 = tpu.memref_slice %arg3[%dma_wait3A_1965, %mul3A_1404] : memref<64x1000000xf32, #tpu.memory_space<hbm>> -> memref<64x128xf32, #tpu.memory_space<hbm>>
    tpu.wait_dma2 semaphore(%arg8 : memref<!tpu.dma_semaphore, #tpu.memory_space<semaphore_mem>>) src(%dma_wait3A_1966 : memref<64x128xf32, #tpu.memory_space<hbm>>) dst(%dma_wait3A_1964 : memref<64x128xf32, #tpu.memory_space<vmem>>)
    %broadcast_in_dim3A_1967 = arith.constant 1 : i32
    %broadcast_in_dim3A_1968 = vector.broadcast %broadcast_in_dim3A_1967 : i32 to vector<16xi32>
    %broadcast_in_dim3A_1969 = arith.constant 0 : i32
    %broadcast_in_dim3A_1970 = vector.broadcast %broadcast_in_dim3A_1969 : i32 to vector<16xi32>
    %jit3A_1971 = arith.constant 128 : i32
    %eq3A_1972 = arith.constant 0 : i32
    %eq3A_1973 = arith.cmpi eq, %jit3A_1971, %eq3A_1972 : i32
    %jit3A_1974 = arith.constant 1 : i32
    %select_n3A_1975 = arith.select %eq3A_1973, %jit3A_1974, %jit3A_1971 : i32
    %rem3A_1976 = arith.remsi %reduce_max3A_1210, %select_n3A_1975 : i32
    %ne3A_1977 = arith.constant 0 : i32
    %ne3A_1978 = arith.cmpi ne, %rem3A_1976, %ne3A_1977 : i32
    %lt3A_1979 = arith.constant 0 : i32
    %lt3A_1980 = arith.cmpi slt, %rem3A_1976, %lt3A_1979 : i32
    %lt3A_1981 = arith.constant 0 : i32
    %lt3A_1982 = arith.cmpi slt, %select_n3A_1975, %lt3A_1981 : i32
    %ne3A_1983 = arith.xori %lt3A_1980, %lt3A_1982 : i1
    %and3A_1984 = arith.andi %ne3A_1983, %ne3A_1978 : i1
    %add3A_1985 = arith.addi %rem3A_1976, %select_n3A_1975 : i32
    %select_n3A_1986 = arith.select %and3A_1984, %add3A_1985, %rem3A_1976 : i32
    %broadcast_in_dim3A_1987 = vector.broadcast %select_n3A_1986 : i32 to vector<16xi32>
    %add3A_1988 = arith.constant 0 : i32
    %add3A_1989 = vector.broadcast %add3A_1988 : i32 to vector<16xi32>
    %add3A_1990 = arith.addi %iota3A_3, %add3A_1989 : vector<16xi32>
    %gather3A_1991 = tpu.vector_load_idx %arg6[%broadcast_in_dim3A_1968, %broadcast_in_dim3A_1970, %add3A_1990, %broadcast_in_dim3A_1987] : memref<2x4x64x128xf32, #tpu.memory_space<vmem>>[vector<16xi32>, vector<16xi32>, vector<16xi32>, vector<16xi32>], vector<16xf32>,
    %swap3A_1992 = arith.constant 12 : i32
    %swap3A_1993 = arith.index_cast %swap3A_1992 : i32 to index
    %swap3A_1994 = arith.constant 0 : index
    %swap3A_1995 = tpu.vector_load %arg7[%swap3A_1993, %swap3A_1994] {strides = array<i32>} : memref<32x64xf32, #tpu.memory_space<vmem>>, vector<16xf32>,
    tpu.vector_store %arg7[%swap3A_1993, %swap3A_1994], %gather3A_1991 {strides = array<i32>} : memref<32x64xf32, #tpu.memory_space<vmem>>, vector<16xf32>,
    %add3A_1996 = arith.constant 16 : i32
    %add3A_1997 = vector.broadcast %add3A_1996 : i32 to vector<16xi32>
    %add3A_1998 = arith.addi %iota3A_3, %add3A_1997 : vector<16xi32>
    %gather3A_1999 = tpu.vector_load_idx %arg6[%broadcast_in_dim3A_1968, %broadcast_in_dim3A_1970, %add3A_1998, %broadcast_in_dim3A_1987] : memref<2x4x64x128xf32, #tpu.memory_space<vmem>>[vector<16xi32>, vector<16xi32>, vector<16xi32>, vector<16xi32>], vector<16xf32>,
    %swap3A_2000 = arith.constant 12 : i32
    %swap3A_2001 = arith.index_cast %swap3A_2000 : i32 to index
    %swap3A_2002 = arith.constant 16 : index
    %swap3A_2003 = tpu.vector_load %arg7[%swap3A_2001, %swap3A_2002] {strides = array<i32>} : memref<32x64xf32, #tpu.memory_space<vmem>>, vector<16xf32>,
    tpu.vector_store %arg7[%swap3A_2001, %swap3A_2002], %gather3A_1999 {strides = array<i32>} : memref<32x64xf32, #tpu.memory_space<vmem>>, vector<16xf32>,
    %add3A_2004 = arith.constant 32 : i32
    %add3A_2005 = vector.broadcast %add3A_2004 : i32 to vector<16xi32>
    %add3A_2006 = arith.addi %iota3A_3, %add3A_2005 : vector<16xi32>
    %gather3A_2007 = tpu.vector_load_idx %arg6[%broadcast_in_dim3A_1968, %broadcast_in_dim3A_1970, %add3A_2006, %broadcast_in_dim3A_1987] : memref<2x4x64x128xf32, #tpu.memory_space<vmem>>[vector<16xi32>, vector<16xi32>, vector<16xi32>, vector<16xi32>], vector<16xf32>,
    %swap3A_2008 = arith.constant 12 : i32
    %swap3A_2009 = arith.index_cast %swap3A_2008 : i32 to index
    %swap3A_2010 = arith.constant 32 : index
    %swap3A_2011 = tpu.vector_load %arg7[%swap3A_2009, %swap3A_2010] {strides = array<i32>} : memref<32x64xf32, #tpu.memory_space<vmem>>, vector<16xf32>,
    tpu.vector_store %arg7[%swap3A_2009, %swap3A_2010], %gather3A_2007 {strides = array<i32>} : memref<32x64xf32, #tpu.memory_space<vmem>>, vector<16xf32>,
    %add3A_2012 = arith.constant 48 : i32
    %add3A_2013 = vector.broadcast %add3A_2012 : i32 to vector<16xi32>
    %add3A_2014 = arith.addi %iota3A_3, %add3A_2013 : vector<16xi32>
    %gather3A_2015 = tpu.vector_load_idx %arg6[%broadcast_in_dim3A_1968, %broadcast_in_dim3A_1970, %add3A_2014, %broadcast_in_dim3A_1987] : memref<2x4x64x128xf32, #tpu.memory_space<vmem>>[vector<16xi32>, vector<16xi32>, vector<16xi32>, vector<16xi32>], vector<16xf32>,
    %swap3A_2016 = arith.constant 12 : i32
    %swap3A_2017 = arith.index_cast %swap3A_2016 : i32 to index
    %swap3A_2018 = arith.constant 48 : index
    %swap3A_2019 = tpu.vector_load %arg7[%swap3A_2017, %swap3A_2018] {strides = array<i32>} : memref<32x64xf32, #tpu.memory_space<vmem>>, vector<16xf32>,
    tpu.vector_store %arg7[%swap3A_2017, %swap3A_2018], %gather3A_2015 {strides = array<i32>} : memref<32x64xf32, #tpu.memory_space<vmem>>, vector<16xf32>,
    %broadcast_in_dim3A_2020 = arith.constant 1 : i32
    %broadcast_in_dim3A_2021 = vector.broadcast %broadcast_in_dim3A_2020 : i32 to vector<16xi32>
    %broadcast_in_dim3A_2022 = arith.constant 1 : i32
    %broadcast_in_dim3A_2023 = vector.broadcast %broadcast_in_dim3A_2022 : i32 to vector<16xi32>
    %jit3A_2024 = arith.constant 128 : i32
    %eq3A_2025 = arith.constant 0 : i32
    %eq3A_2026 = arith.cmpi eq, %jit3A_2024, %eq3A_2025 : i32
    %jit3A_2027 = arith.constant 1 : i32
    %select_n3A_2028 = arith.select %eq3A_2026, %jit3A_2027, %jit3A_2024 : i32
    %rem3A_2029 = arith.remsi %reduce_max3A_1266, %select_n3A_2028 : i32
    %ne3A_2030 = arith.constant 0 : i32
    %ne3A_2031 = arith.cmpi ne, %rem3A_2029, %ne3A_2030 : i32
    %lt3A_2032 = arith.constant 0 : i32
    %lt3A_2033 = arith.cmpi slt, %rem3A_2029, %lt3A_2032 : i32
    %lt3A_2034 = arith.constant 0 : i32
    %lt3A_2035 = arith.cmpi slt, %select_n3A_2028, %lt3A_2034 : i32
    %ne3A_2036 = arith.xori %lt3A_2033, %lt3A_2035 : i1
    %and3A_2037 = arith.andi %ne3A_2036, %ne3A_2031 : i1
    %add3A_2038 = arith.addi %rem3A_2029, %select_n3A_2028 : i32
    %select_n3A_2039 = arith.select %and3A_2037, %add3A_2038, %rem3A_2029 : i32
    %broadcast_in_dim3A_2040 = vector.broadcast %select_n3A_2039 : i32 to vector<16xi32>
    %add3A_2041 = arith.constant 0 : i32
    %add3A_2042 = vector.broadcast %add3A_2041 : i32 to vector<16xi32>
    %add3A_2043 = arith.addi %iota3A_3, %add3A_2042 : vector<16xi32>
    %gather3A_2044 = tpu.vector_load_idx %arg6[%broadcast_in_dim3A_2021, %broadcast_in_dim3A_2023, %add3A_2043, %broadcast_in_dim3A_2040] : memref<2x4x64x128xf32, #tpu.memory_space<vmem>>[vector<16xi32>, vector<16xi32>, vector<16xi32>, vector<16xi32>], vector<16xf32>,
    %swap3A_2045 = arith.constant 13 : i32
    %swap3A_2046 = arith.index_cast %swap3A_2045 : i32 to index
    %swap3A_2047 = arith.constant 0 : index
    %swap3A_2048 = tpu.vector_load %arg7[%swap3A_2046, %swap3A_2047] {strides = array<i32>} : memref<32x64xf32, #tpu.memory_space<vmem>>, vector<16xf32>,
    tpu.vector_store %arg7[%swap3A_2046, %swap3A_2047], %gather3A_2044 {strides = array<i32>} : memref<32x64xf32, #tpu.memory_space<vmem>>, vector<16xf32>,
    %add3A_2049 = arith.constant 16 : i32
    %add3A_2050 = vector.broadcast %add3A_2049 : i32 to vector<16xi32>
    %add3A_2051 = arith.addi %iota3A_3, %add3A_2050 : vector<16xi32>
    %gather3A_2052 = tpu.vector_load_idx %arg6[%broadcast_in_dim3A_2021, %broadcast_in_dim3A_2023, %add3A_2051, %broadcast_in_dim3A_2040] : memref<2x4x64x128xf32, #tpu.memory_space<vmem>>[vector<16xi32>, vector<16xi32>, vector<16xi32>, vector<16xi32>], vector<16xf32>,
    %swap3A_2053 = arith.constant 13 : i32
    %swap3A_2054 = arith.index_cast %swap3A_2053 : i32 to index
    %swap3A_2055 = arith.constant 16 : index
    %swap3A_2056 = tpu.vector_load %arg7[%swap3A_2054, %swap3A_2055] {strides = array<i32>} : memref<32x64xf32, #tpu.memory_space<vmem>>, vector<16xf32>,
    tpu.vector_store %arg7[%swap3A_2054, %swap3A_2055], %gather3A_2052 {strides = array<i32>} : memref<32x64xf32, #tpu.memory_space<vmem>>, vector<16xf32>,
    %add3A_2057 = arith.constant 32 : i32
    %add3A_2058 = vector.broadcast %add3A_2057 : i32 to vector<16xi32>
    %add3A_2059 = arith.addi %iota3A_3, %add3A_2058 : vector<16xi32>
    %gather3A_2060 = tpu.vector_load_idx %arg6[%broadcast_in_dim3A_2021, %broadcast_in_dim3A_2023, %add3A_2059, %broadcast_in_dim3A_2040] : memref<2x4x64x128xf32, #tpu.memory_space<vmem>>[vector<16xi32>, vector<16xi32>, vector<16xi32>, vector<16xi32>], vector<16xf32>,
    %swap3A_2061 = arith.constant 13 : i32
    %swap3A_2062 = arith.index_cast %swap3A_2061 : i32 to index
    %swap3A_2063 = arith.constant 32 : index
    %swap3A_2064 = tpu.vector_load %arg7[%swap3A_2062, %swap3A_2063] {strides = array<i32>} : memref<32x64xf32, #tpu.memory_space<vmem>>, vector<16xf32>,
    tpu.vector_store %arg7[%swap3A_2062, %swap3A_2063], %gather3A_2060 {strides = array<i32>} : memref<32x64xf32, #tpu.memory_space<vmem>>, vector<16xf32>,
    %add3A_2065 = arith.constant 48 : i32
    %add3A_2066 = vector.broadcast %add3A_2065 : i32 to vector<16xi32>
    %add3A_2067 = arith.addi %iota3A_3, %add3A_2066 : vector<16xi32>
    %gather3A_2068 = tpu.vector_load_idx %arg6[%broadcast_in_dim3A_2021, %broadcast_in_dim3A_2023, %add3A_2067, %broadcast_in_dim3A_2040] : memref<2x4x64x128xf32, #tpu.memory_space<vmem>>[vector<16xi32>, vector<16xi32>, vector<16xi32>, vector<16xi32>], vector<16xf32>,
    %swap3A_2069 = arith.constant 13 : i32
    %swap3A_2070 = arith.index_cast %swap3A_2069 : i32 to index
    %swap3A_2071 = arith.constant 48 : index
    %swap3A_2072 = tpu.vector_load %arg7[%swap3A_2070, %swap3A_2071] {strides = array<i32>} : memref<32x64xf32, #tpu.memory_space<vmem>>, vector<16xf32>,
    tpu.vector_store %arg7[%swap3A_2070, %swap3A_2071], %gather3A_2068 {strides = array<i32>} : memref<32x64xf32, #tpu.memory_space<vmem>>, vector<16xf32>,
    %broadcast_in_dim3A_2073 = arith.constant 1 : i32
    %broadcast_in_dim3A_2074 = vector.broadcast %broadcast_in_dim3A_2073 : i32 to vector<16xi32>
    %broadcast_in_dim3A_2075 = arith.constant 2 : i32
    %broadcast_in_dim3A_2076 = vector.broadcast %broadcast_in_dim3A_2075 : i32 to vector<16xi32>
    %jit3A_2077 = arith.constant 128 : i32
    %eq3A_2078 = arith.constant 0 : i32
    %eq3A_2079 = arith.cmpi eq, %jit3A_2077, %eq3A_2078 : i32
    %jit3A_2080 = arith.constant 1 : i32
    %select_n3A_2081 = arith.select %eq3A_2079, %jit3A_2080, %jit3A_2077 : i32
    %rem3A_2082 = arith.remsi %reduce_max3A_1322, %select_n3A_2081 : i32
    %ne3A_2083 = arith.constant 0 : i32
    %ne3A_2084 = arith.cmpi ne, %rem3A_2082, %ne3A_2083 : i32
    %lt3A_2085 = arith.constant 0 : i32
    %lt3A_2086 = arith.cmpi slt, %rem3A_2082, %lt3A_2085 : i32
    %lt3A_2087 = arith.constant 0 : i32
    %lt3A_2088 = arith.cmpi slt, %select_n3A_2081, %lt3A_2087 : i32
    %ne3A_2089 = arith.xori %lt3A_2086, %lt3A_2088 : i1
    %and3A_2090 = arith.andi %ne3A_2089, %ne3A_2084 : i1
    %add3A_2091 = arith.addi %rem3A_2082, %select_n3A_2081 : i32
    %select_n3A_2092 = arith.select %and3A_2090, %add3A_2091, %rem3A_2082 : i32
    %broadcast_in_dim3A_2093 = vector.broadcast %select_n3A_2092 : i32 to vector<16xi32>
    %add3A_2094 = arith.constant 0 : i32
    %add3A_2095 = vector.broadcast %add3A_2094 : i32 to vector<16xi32>
    %add3A_2096 = arith.addi %iota3A_3, %add3A_2095 : vector<16xi32>
    %gather3A_2097 = tpu.vector_load_idx %arg6[%broadcast_in_dim3A_2074, %broadcast_in_dim3A_2076, %add3A_2096, %broadcast_in_dim3A_2093] : memref<2x4x64x128xf32, #tpu.memory_space<vmem>>[vector<16xi32>, vector<16xi32>, vector<16xi32>, vector<16xi32>], vector<16xf32>,
    %swap3A_2098 = arith.constant 14 : i32
    %swap3A_2099 = arith.index_cast %swap3A_2098 : i32 to index
    %swap3A_2100 = arith.constant 0 : index
    %swap3A_2101 = tpu.vector_load %arg7[%swap3A_2099, %swap3A_2100] {strides = array<i32>} : memref<32x64xf32, #tpu.memory_space<vmem>>, vector<16xf32>,
    tpu.vector_store %arg7[%swap3A_2099, %swap3A_2100], %gather3A_2097 {strides = array<i32>} : memref<32x64xf32, #tpu.memory_space<vmem>>, vector<16xf32>,
    %add3A_2102 = arith.constant 16 : i32
    %add3A_2103 = vector.broadcast %add3A_2102 : i32 to vector<16xi32>
    %add3A_2104 = arith.addi %iota3A_3, %add3A_2103 : vector<16xi32>
    %gather3A_2105 = tpu.vector_load_idx %arg6[%broadcast_in_dim3A_2074, %broadcast_in_dim3A_2076, %add3A_2104, %broadcast_in_dim3A_2093] : memref<2x4x64x128xf32, #tpu.memory_space<vmem>>[vector<16xi32>, vector<16xi32>, vector<16xi32>, vector<16xi32>], vector<16xf32>,
    %swap3A_2106 = arith.constant 14 : i32
    %swap3A_2107 = arith.index_cast %swap3A_2106 : i32 to index
    %swap3A_2108 = arith.constant 16 : index
    %swap3A_2109 = tpu.vector_load %arg7[%swap3A_2107, %swap3A_2108] {strides = array<i32>} : memref<32x64xf32, #tpu.memory_space<vmem>>, vector<16xf32>,
    tpu.vector_store %arg7[%swap3A_2107, %swap3A_2108], %gather3A_2105 {strides = array<i32>} : memref<32x64xf32, #tpu.memory_space<vmem>>, vector<16xf32>,
    %add3A_2110 = arith.constant 32 : i32
    %add3A_2111 = vector.broadcast %add3A_2110 : i32 to vector<16xi32>
    %add3A_2112 = arith.addi %iota3A_3, %add3A_2111 : vector<16xi32>
    %gather3A_2113 = tpu.vector_load_idx %arg6[%broadcast_in_dim3A_2074, %broadcast_in_dim3A_2076, %add3A_2112, %broadcast_in_dim3A_2093] : memref<2x4x64x128xf32, #tpu.memory_space<vmem>>[vector<16xi32>, vector<16xi32>, vector<16xi32>, vector<16xi32>], vector<16xf32>,
    %swap3A_2114 = arith.constant 14 : i32
    %swap3A_2115 = arith.index_cast %swap3A_2114 : i32 to index
    %swap3A_2116 = arith.constant 32 : index
    %swap3A_2117 = tpu.vector_load %arg7[%swap3A_2115, %swap3A_2116] {strides = array<i32>} : memref<32x64xf32, #tpu.memory_space<vmem>>, vector<16xf32>,
    tpu.vector_store %arg7[%swap3A_2115, %swap3A_2116], %gather3A_2113 {strides = array<i32>} : memref<32x64xf32, #tpu.memory_space<vmem>>, vector<16xf32>,
    %add3A_2118 = arith.constant 48 : i32
    %add3A_2119 = vector.broadcast %add3A_2118 : i32 to vector<16xi32>
    %add3A_2120 = arith.addi %iota3A_3, %add3A_2119 : vector<16xi32>
    %gather3A_2121 = tpu.vector_load_idx %arg6[%broadcast_in_dim3A_2074, %broadcast_in_dim3A_2076, %add3A_2120, %broadcast_in_dim3A_2093] : memref<2x4x64x128xf32, #tpu.memory_space<vmem>>[vector<16xi32>, vector<16xi32>, vector<16xi32>, vector<16xi32>], vector<16xf32>,
    %swap3A_2122 = arith.constant 14 : i32
    %swap3A_2123 = arith.index_cast %swap3A_2122 : i32 to index
    %swap3A_2124 = arith.constant 48 : index
    %swap3A_2125 = tpu.vector_load %arg7[%swap3A_2123, %swap3A_2124] {strides = array<i32>} : memref<32x64xf32, #tpu.memory_space<vmem>>, vector<16xf32>,
    tpu.vector_store %arg7[%swap3A_2123, %swap3A_2124], %gather3A_2121 {strides = array<i32>} : memref<32x64xf32, #tpu.memory_space<vmem>>, vector<16xf32>,
    %broadcast_in_dim3A_2126 = arith.constant 1 : i32
    %broadcast_in_dim3A_2127 = vector.broadcast %broadcast_in_dim3A_2126 : i32 to vector<16xi32>
    %broadcast_in_dim3A_2128 = arith.constant 3 : i32
    %broadcast_in_dim3A_2129 = vector.broadcast %broadcast_in_dim3A_2128 : i32 to vector<16xi32>
    %jit3A_2130 = arith.constant 128 : i32
    %eq3A_2131 = arith.constant 0 : i32
    %eq3A_2132 = arith.cmpi eq, %jit3A_2130, %eq3A_2131 : i32
    %jit3A_2133 = arith.constant 1 : i32
    %select_n3A_2134 = arith.select %eq3A_2132, %jit3A_2133, %jit3A_2130 : i32
    %rem3A_2135 = arith.remsi %reduce_max3A_1378, %select_n3A_2134 : i32
    %ne3A_2136 = arith.constant 0 : i32
    %ne3A_2137 = arith.cmpi ne, %rem3A_2135, %ne3A_2136 : i32
    %lt3A_2138 = arith.constant 0 : i32
    %lt3A_2139 = arith.cmpi slt, %rem3A_2135, %lt3A_2138 : i32
    %lt3A_2140 = arith.constant 0 : i32
    %lt3A_2141 = arith.cmpi slt, %select_n3A_2134, %lt3A_2140 : i32
    %ne3A_2142 = arith.xori %lt3A_2139, %lt3A_2141 : i1
    %and3A_2143 = arith.andi %ne3A_2142, %ne3A_2137 : i1
    %add3A_2144 = arith.addi %rem3A_2135, %select_n3A_2134 : i32
    %select_n3A_2145 = arith.select %and3A_2143, %add3A_2144, %rem3A_2135 : i32
    %broadcast_in_dim3A_2146 = vector.broadcast %select_n3A_2145 : i32 to vector<16xi32>
    %add3A_2147 = arith.constant 0 : i32
    %add3A_2148 = vector.broadcast %add3A_2147 : i32 to vector<16xi32>
    %add3A_2149 = arith.addi %iota3A_3, %add3A_2148 : vector<16xi32>
    %gather3A_2150 = tpu.vector_load_idx %arg6[%broadcast_in_dim3A_2127, %broadcast_in_dim3A_2129, %add3A_2149, %broadcast_in_dim3A_2146] : memref<2x4x64x128xf32, #tpu.memory_space<vmem>>[vector<16xi32>, vector<16xi32>, vector<16xi32>, vector<16xi32>], vector<16xf32>,
    %swap3A_2151 = arith.constant 15 : i32
    %swap3A_2152 = arith.index_cast %swap3A_2151 : i32 to index
    %swap3A_2153 = arith.constant 0 : index
    %swap3A_2154 = tpu.vector_load %arg7[%swap3A_2152, %swap3A_2153] {strides = array<i32>} : memref<32x64xf32, #tpu.memory_space<vmem>>, vector<16xf32>,
    tpu.vector_store %arg7[%swap3A_2152, %swap3A_2153], %gather3A_2150 {strides = array<i32>} : memref<32x64xf32, #tpu.memory_space<vmem>>, vector<16xf32>,
    %add3A_2155 = arith.constant 16 : i32
    %add3A_2156 = vector.broadcast %add3A_2155 : i32 to vector<16xi32>
    %add3A_2157 = arith.addi %iota3A_3, %add3A_2156 : vector<16xi32>
    %gather3A_2158 = tpu.vector_load_idx %arg6[%broadcast_in_dim3A_2127, %broadcast_in_dim3A_2129, %add3A_2157, %broadcast_in_dim3A_2146] : memref<2x4x64x128xf32, #tpu.memory_space<vmem>>[vector<16xi32>, vector<16xi32>, vector<16xi32>, vector<16xi32>], vector<16xf32>,
    %swap3A_2159 = arith.constant 15 : i32
    %swap3A_2160 = arith.index_cast %swap3A_2159 : i32 to index
    %swap3A_2161 = arith.constant 16 : index
    %swap3A_2162 = tpu.vector_load %arg7[%swap3A_2160, %swap3A_2161] {strides = array<i32>} : memref<32x64xf32, #tpu.memory_space<vmem>>, vector<16xf32>,
    tpu.vector_store %arg7[%swap3A_2160, %swap3A_2161], %gather3A_2158 {strides = array<i32>} : memref<32x64xf32, #tpu.memory_space<vmem>>, vector<16xf32>,
    %add3A_2163 = arith.constant 32 : i32
    %add3A_2164 = vector.broadcast %add3A_2163 : i32 to vector<16xi32>
    %add3A_2165 = arith.addi %iota3A_3, %add3A_2164 : vector<16xi32>
    %gather3A_2166 = tpu.vector_load_idx %arg6[%broadcast_in_dim3A_2127, %broadcast_in_dim3A_2129, %add3A_2165, %broadcast_in_dim3A_2146] : memref<2x4x64x128xf32, #tpu.memory_space<vmem>>[vector<16xi32>, vector<16xi32>, vector<16xi32>, vector<16xi32>], vector<16xf32>,
    %swap3A_2167 = arith.constant 15 : i32
    %swap3A_2168 = arith.index_cast %swap3A_2167 : i32 to index
    %swap3A_2169 = arith.constant 32 : index
    %swap3A_2170 = tpu.vector_load %arg7[%swap3A_2168, %swap3A_2169] {strides = array<i32>} : memref<32x64xf32, #tpu.memory_space<vmem>>, vector<16xf32>,
    tpu.vector_store %arg7[%swap3A_2168, %swap3A_2169], %gather3A_2166 {strides = array<i32>} : memref<32x64xf32, #tpu.memory_space<vmem>>, vector<16xf32>,
    %add3A_2171 = arith.constant 48 : i32
    %add3A_2172 = vector.broadcast %add3A_2171 : i32 to vector<16xi32>
    %add3A_2173 = arith.addi %iota3A_3, %add3A_2172 : vector<16xi32>
    %gather3A_2174 = tpu.vector_load_idx %arg6[%broadcast_in_dim3A_2127, %broadcast_in_dim3A_2129, %add3A_2173, %broadcast_in_dim3A_2146] : memref<2x4x64x128xf32, #tpu.memory_space<vmem>>[vector<16xi32>, vector<16xi32>, vector<16xi32>, vector<16xi32>], vector<16xf32>,
    %swap3A_2175 = arith.constant 15 : i32
    %swap3A_2176 = arith.index_cast %swap3A_2175 : i32 to index
    %swap3A_2177 = arith.constant 48 : index
    %swap3A_2178 = tpu.vector_load %arg7[%swap3A_2176, %swap3A_2177] {strides = array<i32>} : memref<32x64xf32, #tpu.memory_space<vmem>>, vector<16xf32>,
    tpu.vector_store %arg7[%swap3A_2176, %swap3A_2177], %gather3A_2174 {strides = array<i32>} : memref<32x64xf32, #tpu.memory_space<vmem>>, vector<16xf32>,
    %get3A_2179 = arith.constant 16 : index
    %get3A_2180 = tpu.vector_load %arg5[%get3A_2179] {strides = array<i32>} : memref<32xi32, #tpu.memory_space<vmem>>, vector<16xi32>,
    %eq3A_2181 = arith.constant 4 : i32
    %eq3A_2182 = vector.broadcast %eq3A_2181 : i32 to vector<16xi32>
    %eq3A_2183 = arith.cmpi eq, %iota3A, %eq3A_2182 : vector<16xi32>
    %jit3A_2184 = arith.constant 0 : i32
    %broadcast_in_dim3A_2185 = vector.broadcast %jit3A_2184 : i32 to vector<16xi32>
    %select_n3A_2186 = arith.select %eq3A_2183, %get3A_2180, %broadcast_in_dim3A_2185 : vector<16xi1>, vector<16xi32>
    %reduce_max3A_2187 = arith.constant true
    %reduce_max3A_2188 = vector.broadcast %reduce_max3A_2187 : i1 to vector<16xi1>
    %reduce_max3A_2189 = arith.constant -2147483648 : i32
    %reduce_max3A_2190 = vector.broadcast %reduce_max3A_2189 : i32 to vector<16xi32>
    %reduce_max3A_2191 = arith.xori %select_n3A_2186, %reduce_max3A_2190 : vector<16xi32>
    %reduce_max3A_2192 = tpu.scan <max>, %reduce_max3A_2191 masked %reduce_max3A_2188 : vector<16xi32>, vector<16xi1> -> vector<16xi32>
    %reduce_max3A_2193 = arith.xori %reduce_max3A_2192, %reduce_max3A_2190 : vector<16xi32>
    %reduce_max3A_2194 = vector.extract %reduce_max3A_2193[15] : i32 from vector<16xi32>
    %jit3A_2195 = arith.constant 128 : i32
    %div3A_2196 = arith.divsi %reduce_max3A_2194, %jit3A_2195 : i32
    %sign3A_2197 = arith.constant 0 : i32
    %sign3A_2198 = arith.cmpi sgt, %reduce_max3A_2194, %sign3A_2197 : i32
    %sign3A_2199 = arith.extui %sign3A_2198 : i1 to i32
    %sign3A_2200 = arith.constant 0 : i32
    %sign3A_2201 = arith.cmpi slt, %reduce_max3A_2194, %sign3A_2200 : i32
    %sign3A_2202 = arith.extui %sign3A_2201 : i1 to i32
    %sign3A_2203 = arith.subi %sign3A_2199, %sign3A_2202 : i32
    %sign3A_2204 = arith.constant 0 : i32
    %sign3A_2205 = arith.cmpi sgt, %jit3A_2195, %sign3A_2204 : i32
    %sign3A_2206 = arith.extui %sign3A_2205 : i1 to i32
    %sign3A_2207 = arith.constant 0 : i32
    %sign3A_2208 = arith.cmpi slt, %jit3A_2195, %sign3A_2207 : i32
    %sign3A_2209 = arith.extui %sign3A_2208 : i1 to i32
    %sign3A_2210 = arith.subi %sign3A_2206, %sign3A_2209 : i32
    %ne3A_2211 = arith.cmpi ne, %sign3A_2203, %sign3A_2210 : i32
    %rem3A_2212 = arith.remsi %reduce_max3A_2194, %jit3A_2195 : i32
    %ne3A_2213 = arith.constant 0 : i32
    %ne3A_2214 = arith.cmpi ne, %rem3A_2212, %ne3A_2213 : i32
    %and3A_2215 = arith.andi %ne3A_2211, %ne3A_2214 : i1
    %sub3A_2216 = arith.constant 1 : i32
    %sub3A_2217 = arith.subi %div3A_2196, %sub3A_2216 : i32
    %select_n3A_2218 = arith.select %and3A_2215, %sub3A_2217, %div3A_2196 : i32
    %mul3A_2219 = arith.constant 128 : i32
    %mul3A_2220 = arith.muli %select_n3A_2218, %mul3A_2219 : i32
    %dma_start3A_2221 = arith.constant 1 : i32
    %dma_start3A_2222 = arith.constant 0 : i32
    %dma_start3A_2223 = arith.constant 0 : i32
    %dma_start3A_2224 = arith.constant 0 : i32
    %dma_start3A_2225 = tpu.memref_slice %arg6[%dma_start3A_2221, %dma_start3A_2222, %dma_start3A_2223, %dma_start3A_2224] : memref<2x4x64x128xf32, #tpu.memory_space<vmem>> -> memref<1x1x64x128xf32, #tpu.memory_space<vmem>>
    %dma_start3A_2226 = tpu.memref_squeeze %dma_start3A_2225 : memref<1x1x64x128xf32, #tpu.memory_space<vmem>> -> memref<64x128xf32, #tpu.memory_space<vmem>>
    %dma_start3A_2227 = arith.constant 0 : i32
    %dma_start3A_2228 = tpu.memref_slice %arg3[%dma_start3A_2227, %mul3A_2220] : memref<64x1000000xf32, #tpu.memory_space<hbm>> -> memref<64x128xf32, #tpu.memory_space<hbm>>
    %dma_start3A_2229 = arith.constant 0 : i32
    %dma_start3A_2230 = arith.constant 0 : i32
    %dma_start3A_2231 = tpu.memref_slice %arg6[%dma_start3A_2221, %dma_start3A_2222, %dma_start3A_2229, %dma_start3A_2230] : memref<2x4x64x128xf32, #tpu.memory_space<vmem>> -> memref<1x1x64x128xf32, #tpu.memory_space<vmem>>
    %dma_start3A_2232 = tpu.memref_squeeze %dma_start3A_2231 : memref<1x1x64x128xf32, #tpu.memory_space<vmem>> -> memref<64x128xf32, #tpu.memory_space<vmem>>
    %dma_start3A_2233 = arith.constant 0 : i32
    %dma_start3A_2234 = tpu.memref_slice %arg3[%dma_start3A_2233, %mul3A_2220] : memref<64x1000000xf32, #tpu.memory_space<hbm>> -> memref<64x128xf32, #tpu.memory_space<hbm>>
    tpu.enqueue_dma source(%dma_start3A_2234 : memref<64x128xf32, #tpu.memory_space<hbm>>) target(%dma_start3A_2232 : memref<64x128xf32, #tpu.memory_space<vmem>>) target_semaphore(%arg8 : memref<!tpu.dma_semaphore, #tpu.memory_space<semaphore_mem>>)
    %get3A_2235 = arith.constant 16 : index
    %get3A_2236 = tpu.vector_load %arg5[%get3A_2235] {strides = array<i32>} : memref<32xi32, #tpu.memory_space<vmem>>, vector<16xi32>,
    %eq3A_2237 = arith.constant 5 : i32
    %eq3A_2238 = vector.broadcast %eq3A_2237 : i32 to vector<16xi32>
    %eq3A_2239 = arith.cmpi eq, %iota3A, %eq3A_2238 : vector<16xi32>
    %jit3A_2240 = arith.constant 0 : i32
    %broadcast_in_dim3A_2241 = vector.broadcast %jit3A_2240 : i32 to vector<16xi32>
    %select_n3A_2242 = arith.select %eq3A_2239, %get3A_2236, %broadcast_in_dim3A_2241 : vector<16xi1>, vector<16xi32>
    %reduce_max3A_2243 = arith.constant true
    %reduce_max3A_2244 = vector.broadcast %reduce_max3A_2243 : i1 to vector<16xi1>
    %reduce_max3A_2245 = arith.constant -2147483648 : i32
    %reduce_max3A_2246 = vector.broadcast %reduce_max3A_2245 : i32 to vector<16xi32>
    %reduce_max3A_2247 = arith.xori %select_n3A_2242, %reduce_max3A_2246 : vector<16xi32>
    %reduce_max3A_2248 = tpu.scan <max>, %reduce_max3A_2247 masked %reduce_max3A_2244 : vector<16xi32>, vector<16xi1> -> vector<16xi32>
    %reduce_max3A_2249 = arith.xori %reduce_max3A_2248, %reduce_max3A_2246 : vector<16xi32>
    %reduce_max3A_2250 = vector.extract %reduce_max3A_2249[15] : i32 from vector<16xi32>
    %jit3A_2251 = arith.constant 128 : i32
    %div3A_2252 = arith.divsi %reduce_max3A_2250, %jit3A_2251 : i32
    %sign3A_2253 = arith.constant 0 : i32
    %sign3A_2254 = arith.cmpi sgt, %reduce_max3A_2250, %sign3A_2253 : i32
    %sign3A_2255 = arith.extui %sign3A_2254 : i1 to i32
    %sign3A_2256 = arith.constant 0 : i32
    %sign3A_2257 = arith.cmpi slt, %reduce_max3A_2250, %sign3A_2256 : i32
    %sign3A_2258 = arith.extui %sign3A_2257 : i1 to i32
    %sign3A_2259 = arith.subi %sign3A_2255, %sign3A_2258 : i32
    %sign3A_2260 = arith.constant 0 : i32
    %sign3A_2261 = arith.cmpi sgt, %jit3A_2251, %sign3A_2260 : i32
    %sign3A_2262 = arith.extui %sign3A_2261 : i1 to i32
    %sign3A_2263 = arith.constant 0 : i32
    %sign3A_2264 = arith.cmpi slt, %jit3A_2251, %sign3A_2263 : i32
    %sign3A_2265 = arith.extui %sign3A_2264 : i1 to i32
    %sign3A_2266 = arith.subi %sign3A_2262, %sign3A_2265 : i32
    %ne3A_2267 = arith.cmpi ne, %sign3A_2259, %sign3A_2266 : i32
    %rem3A_2268 = arith.remsi %reduce_max3A_2250, %jit3A_2251 : i32
    %ne3A_2269 = arith.constant 0 : i32
    %ne3A_2270 = arith.cmpi ne, %rem3A_2268, %ne3A_2269 : i32
    %and3A_2271 = arith.andi %ne3A_2267, %ne3A_2270 : i1
    %sub3A_2272 = arith.constant 1 : i32
    %sub3A_2273 = arith.subi %div3A_2252, %sub3A_2272 : i32
    %select_n3A_2274 = arith.select %and3A_2271, %sub3A_2273, %div3A_2252 : i32
    %mul3A_2275 = arith.constant 128 : i32
    %mul3A_2276 = arith.muli %select_n3A_2274, %mul3A_2275 : i32
    %dma_start3A_2277 = arith.constant 1 : i32
    %dma_start3A_2278 = arith.constant 1 : i32
    %dma_start3A_2279 = arith.constant 0 : i32
    %dma_start3A_2280 = arith.constant 0 : i32
    %dma_start3A_2281 = tpu.memref_slice %arg6[%dma_start3A_2277, %dma_start3A_2278, %dma_start3A_2279, %dma_start3A_2280] : memref<2x4x64x128xf32, #tpu.memory_space<vmem>> -> memref<1x1x64x128xf32, #tpu.memory_space<vmem>>
    %dma_start3A_2282 = tpu.memref_squeeze %dma_start3A_2281 : memref<1x1x64x128xf32, #tpu.memory_space<vmem>> -> memref<64x128xf32, #tpu.memory_space<vmem>>
    %dma_start3A_2283 = arith.constant 0 : i32
    %dma_start3A_2284 = tpu.memref_slice %arg3[%dma_start3A_2283, %mul3A_2276] : memref<64x1000000xf32, #tpu.memory_space<hbm>> -> memref<64x128xf32, #tpu.memory_space<hbm>>
    %dma_start3A_2285 = arith.constant 0 : i32
    %dma_start3A_2286 = arith.constant 0 : i32
    %dma_start3A_2287 = tpu.memref_slice %arg6[%dma_start3A_2277, %dma_start3A_2278, %dma_start3A_2285, %dma_start3A_2286] : memref<2x4x64x128xf32, #tpu.memory_space<vmem>> -> memref<1x1x64x128xf32, #tpu.memory_space<vmem>>
    %dma_start3A_2288 = tpu.memref_squeeze %dma_start3A_2287 : memref<1x1x64x128xf32, #tpu.memory_space<vmem>> -> memref<64x128xf32, #tpu.memory_space<vmem>>
    %dma_start3A_2289 = arith.constant 0 : i32
    %dma_start3A_2290 = tpu.memref_slice %arg3[%dma_start3A_2289, %mul3A_2276] : memref<64x1000000xf32, #tpu.memory_space<hbm>> -> memref<64x128xf32, #tpu.memory_space<hbm>>
    tpu.enqueue_dma source(%dma_start3A_2290 : memref<64x128xf32, #tpu.memory_space<hbm>>) target(%dma_start3A_2288 : memref<64x128xf32, #tpu.memory_space<vmem>>) target_semaphore(%arg8 : memref<!tpu.dma_semaphore, #tpu.memory_space<semaphore_mem>>)
    %get3A_2291 = arith.constant 16 : index
    %get3A_2292 = tpu.vector_load %arg5[%get3A_2291] {strides = array<i32>} : memref<32xi32, #tpu.memory_space<vmem>>, vector<16xi32>,
    %eq3A_2293 = arith.constant 6 : i32
    %eq3A_2294 = vector.broadcast %eq3A_2293 : i32 to vector<16xi32>
    %eq3A_2295 = arith.cmpi eq, %iota3A, %eq3A_2294 : vector<16xi32>
    %jit3A_2296 = arith.constant 0 : i32
    %broadcast_in_dim3A_2297 = vector.broadcast %jit3A_2296 : i32 to vector<16xi32>
    %select_n3A_2298 = arith.select %eq3A_2295, %get3A_2292, %broadcast_in_dim3A_2297 : vector<16xi1>, vector<16xi32>
    %reduce_max3A_2299 = arith.constant true
    %reduce_max3A_2300 = vector.broadcast %reduce_max3A_2299 : i1 to vector<16xi1>
    %reduce_max3A_2301 = arith.constant -2147483648 : i32
    %reduce_max3A_2302 = vector.broadcast %reduce_max3A_2301 : i32 to vector<16xi32>
    %reduce_max3A_2303 = arith.xori %select_n3A_2298, %reduce_max3A_2302 : vector<16xi32>
    %reduce_max3A_2304 = tpu.scan <max>, %reduce_max3A_2303 masked %reduce_max3A_2300 : vector<16xi32>, vector<16xi1> -> vector<16xi32>
    %reduce_max3A_2305 = arith.xori %reduce_max3A_2304, %reduce_max3A_2302 : vector<16xi32>
    %reduce_max3A_2306 = vector.extract %reduce_max3A_2305[15] : i32 from vector<16xi32>
    %jit3A_2307 = arith.constant 128 : i32
    %div3A_2308 = arith.divsi %reduce_max3A_2306, %jit3A_2307 : i32
    %sign3A_2309 = arith.constant 0 : i32
    %sign3A_2310 = arith.cmpi sgt, %reduce_max3A_2306, %sign3A_2309 : i32
    %sign3A_2311 = arith.extui %sign3A_2310 : i1 to i32
    %sign3A_2312 = arith.constant 0 : i32
    %sign3A_2313 = arith.cmpi slt, %reduce_max3A_2306, %sign3A_2312 : i32
    %sign3A_2314 = arith.extui %sign3A_2313 : i1 to i32
    %sign3A_2315 = arith.subi %sign3A_2311, %sign3A_2314 : i32
    %sign3A_2316 = arith.constant 0 : i32
    %sign3A_2317 = arith.cmpi sgt, %jit3A_2307, %sign3A_2316 : i32
    %sign3A_2318 = arith.extui %sign3A_2317 : i1 to i32
    %sign3A_2319 = arith.constant 0 : i32
    %sign3A_2320 = arith.cmpi slt, %jit3A_2307, %sign3A_2319 : i32
    %sign3A_2321 = arith.extui %sign3A_2320 : i1 to i32
    %sign3A_2322 = arith.subi %sign3A_2318, %sign3A_2321 : i32
    %ne3A_2323 = arith.cmpi ne, %sign3A_2315, %sign3A_2322 : i32
    %rem3A_2324 = arith.remsi %reduce_max3A_2306, %jit3A_2307 : i32
    %ne3A_2325 = arith.constant 0 : i32
    %ne3A_2326 = arith.cmpi ne, %rem3A_2324, %ne3A_2325 : i32
    %and3A_2327 = arith.andi %ne3A_2323, %ne3A_2326 : i1
    %sub3A_2328 = arith.constant 1 : i32
    %sub3A_2329 = arith.subi %div3A_2308, %sub3A_2328 : i32
    %select_n3A_2330 = arith.select %and3A_2327, %sub3A_2329, %div3A_2308 : i32
    %mul3A_2331 = arith.constant 128 : i32
    %mul3A_2332 = arith.muli %select_n3A_2330, %mul3A_2331 : i32
    %dma_start3A_2333 = arith.constant 1 : i32
    %dma_start3A_2334 = arith.constant 2 : i32
    %dma_start3A_2335 = arith.constant 0 : i32
    %dma_start3A_2336 = arith.constant 0 : i32
    %dma_start3A_2337 = tpu.memref_slice %arg6[%dma_start3A_2333, %dma_start3A_2334, %dma_start3A_2335, %dma_start3A_2336] : memref<2x4x64x128xf32, #tpu.memory_space<vmem>> -> memref<1x1x64x128xf32, #tpu.memory_space<vmem>>
    %dma_start3A_2338 = tpu.memref_squeeze %dma_start3A_2337 : memref<1x1x64x128xf32, #tpu.memory_space<vmem>> -> memref<64x128xf32, #tpu.memory_space<vmem>>
    %dma_start3A_2339 = arith.constant 0 : i32
    %dma_start3A_2340 = tpu.memref_slice %arg3[%dma_start3A_2339, %mul3A_2332] : memref<64x1000000xf32, #tpu.memory_space<hbm>> -> memref<64x128xf32, #tpu.memory_space<hbm>>
    %dma_start3A_2341 = arith.constant 0 : i32
    %dma_start3A_2342 = arith.constant 0 : i32
    %dma_start3A_2343 = tpu.memref_slice %arg6[%dma_start3A_2333, %dma_start3A_2334, %dma_start3A_2341, %dma_start3A_2342] : memref<2x4x64x128xf32, #tpu.memory_space<vmem>> -> memref<1x1x64x128xf32, #tpu.memory_space<vmem>>
    %dma_start3A_2344 = tpu.memref_squeeze %dma_start3A_2343 : memref<1x1x64x128xf32, #tpu.memory_space<vmem>> -> memref<64x128xf32, #tpu.memory_space<vmem>>
    %dma_start3A_2345 = arith.constant 0 : i32
    %dma_start3A_2346 = tpu.memref_slice %arg3[%dma_start3A_2345, %mul3A_2332] : memref<64x1000000xf32, #tpu.memory_space<hbm>> -> memref<64x128xf32, #tpu.memory_space<hbm>>
    tpu.enqueue_dma source(%dma_start3A_2346 : memref<64x128xf32, #tpu.memory_space<hbm>>) target(%dma_start3A_2344 : memref<64x128xf32, #tpu.memory_space<vmem>>) target_semaphore(%arg8 : memref<!tpu.dma_semaphore, #tpu.memory_space<semaphore_mem>>)
    %get3A_2347 = arith.constant 16 : index
    %get3A_2348 = tpu.vector_load %arg5[%get3A_2347] {strides = array<i32>} : memref<32xi32, #tpu.memory_space<vmem>>, vector<16xi32>,
    %eq3A_2349 = arith.constant 7 : i32
    %eq3A_2350 = vector.broadcast %eq3A_2349 : i32 to vector<16xi32>
    %eq3A_2351 = arith.cmpi eq, %iota3A, %eq3A_2350 : vector<16xi32>
    %jit3A_2352 = arith.constant 0 : i32
    %broadcast_in_dim3A_2353 = vector.broadcast %jit3A_2352 : i32 to vector<16xi32>
    %select_n3A_2354 = arith.select %eq3A_2351, %get3A_2348, %broadcast_in_dim3A_2353 : vector<16xi1>, vector<16xi32>
    %reduce_max3A_2355 = arith.constant true
    %reduce_max3A_2356 = vector.broadcast %reduce_max3A_2355 : i1 to vector<16xi1>
    %reduce_max3A_2357 = arith.constant -2147483648 : i32
    %reduce_max3A_2358 = vector.broadcast %reduce_max3A_2357 : i32 to vector<16xi32>
    %reduce_max3A_2359 = arith.xori %select_n3A_2354, %reduce_max3A_2358 : vector<16xi32>
    %reduce_max3A_2360 = tpu.scan <max>, %reduce_max3A_2359 masked %reduce_max3A_2356 : vector<16xi32>, vector<16xi1> -> vector<16xi32>
    %reduce_max3A_2361 = arith.xori %reduce_max3A_2360, %reduce_max3A_2358 : vector<16xi32>
    %reduce_max3A_2362 = vector.extract %reduce_max3A_2361[15] : i32 from vector<16xi32>
    %jit3A_2363 = arith.constant 128 : i32
    %div3A_2364 = arith.divsi %reduce_max3A_2362, %jit3A_2363 : i32
    %sign3A_2365 = arith.constant 0 : i32
    %sign3A_2366 = arith.cmpi sgt, %reduce_max3A_2362, %sign3A_2365 : i32
    %sign3A_2367 = arith.extui %sign3A_2366 : i1 to i32
    %sign3A_2368 = arith.constant 0 : i32
    %sign3A_2369 = arith.cmpi slt, %reduce_max3A_2362, %sign3A_2368 : i32
    %sign3A_2370 = arith.extui %sign3A_2369 : i1 to i32
    %sign3A_2371 = arith.subi %sign3A_2367, %sign3A_2370 : i32
    %sign3A_2372 = arith.constant 0 : i32
    %sign3A_2373 = arith.cmpi sgt, %jit3A_2363, %sign3A_2372 : i32
    %sign3A_2374 = arith.extui %sign3A_2373 : i1 to i32
    %sign3A_2375 = arith.constant 0 : i32
    %sign3A_2376 = arith.cmpi slt, %jit3A_2363, %sign3A_2375 : i32
    %sign3A_2377 = arith.extui %sign3A_2376 : i1 to i32
    %sign3A_2378 = arith.subi %sign3A_2374, %sign3A_2377 : i32
    %ne3A_2379 = arith.cmpi ne, %sign3A_2371, %sign3A_2378 : i32
    %rem3A_2380 = arith.remsi %reduce_max3A_2362, %jit3A_2363 : i32
    %ne3A_2381 = arith.constant 0 : i32
    %ne3A_2382 = arith.cmpi ne, %rem3A_2380, %ne3A_2381 : i32
    %and3A_2383 = arith.andi %ne3A_2379, %ne3A_2382 : i1
    %sub3A_2384 = arith.constant 1 : i32
    %sub3A_2385 = arith.subi %div3A_2364, %sub3A_2384 : i32
    %select_n3A_2386 = arith.select %and3A_2383, %sub3A_2385, %div3A_2364 : i32
    %mul3A_2387 = arith.constant 128 : i32
    %mul3A_2388 = arith.muli %select_n3A_2386, %mul3A_2387 : i32
    %dma_start3A_2389 = arith.constant 1 : i32
    %dma_start3A_2390 = arith.constant 3 : i32
    %dma_start3A_2391 = arith.constant 0 : i32
    %dma_start3A_2392 = arith.constant 0 : i32
    %dma_start3A_2393 = tpu.memref_slice %arg6[%dma_start3A_2389, %dma_start3A_2390, %dma_start3A_2391, %dma_start3A_2392] : memref<2x4x64x128xf32, #tpu.memory_space<vmem>> -> memref<1x1x64x128xf32, #tpu.memory_space<vmem>>
    %dma_start3A_2394 = tpu.memref_squeeze %dma_start3A_2393 : memref<1x1x64x128xf32, #tpu.memory_space<vmem>> -> memref<64x128xf32, #tpu.memory_space<vmem>>
    %dma_start3A_2395 = arith.constant 0 : i32
    %dma_start3A_2396 = tpu.memref_slice %arg3[%dma_start3A_2395, %mul3A_2388] : memref<64x1000000xf32, #tpu.memory_space<hbm>> -> memref<64x128xf32, #tpu.memory_space<hbm>>
    %dma_start3A_2397 = arith.constant 0 : i32
    %dma_start3A_2398 = arith.constant 0 : i32
    %dma_start3A_2399 = tpu.memref_slice %arg6[%dma_start3A_2389, %dma_start3A_2390, %dma_start3A_2397, %dma_start3A_2398] : memref<2x4x64x128xf32, #tpu.memory_space<vmem>> -> memref<1x1x64x128xf32, #tpu.memory_space<vmem>>
    %dma_start3A_2400 = tpu.memref_squeeze %dma_start3A_2399 : memref<1x1x64x128xf32, #tpu.memory_space<vmem>> -> memref<64x128xf32, #tpu.memory_space<vmem>>
    %dma_start3A_2401 = arith.constant 0 : i32
    %dma_start3A_2402 = tpu.memref_slice %arg3[%dma_start3A_2401, %mul3A_2388] : memref<64x1000000xf32, #tpu.memory_space<hbm>> -> memref<64x128xf32, #tpu.memory_space<hbm>>
    tpu.enqueue_dma source(%dma_start3A_2402 : memref<64x128xf32, #tpu.memory_space<hbm>>) target(%dma_start3A_2400 : memref<64x128xf32, #tpu.memory_space<vmem>>) target_semaphore(%arg8 : memref<!tpu.dma_semaphore, #tpu.memory_space<semaphore_mem>>)
    %dma_wait3A_2403 = arith.constant 0 : i32
    %dma_wait3A_2404 = arith.constant 0 : i32
    %dma_wait3A_2405 = arith.constant 0 : i32
    %dma_wait3A_2406 = arith.constant 0 : i32
    %dma_wait3A_2407 = tpu.memref_slice %arg6[%dma_wait3A_2403, %dma_wait3A_2404, %dma_wait3A_2405, %dma_wait3A_2406] : memref<2x4x64x128xf32, #tpu.memory_space<vmem>> -> memref<1x1x64x128xf32, #tpu.memory_space<vmem>>
    %dma_wait3A_2408 = tpu.memref_squeeze %dma_wait3A_2407 : memref<1x1x64x128xf32, #tpu.memory_space<vmem>> -> memref<64x128xf32, #tpu.memory_space<vmem>>
    %dma_wait3A_2409 = arith.constant 0 : i32
    %dma_wait3A_2410 = tpu.memref_slice %arg3[%dma_wait3A_2409, %mul3A_1728] : memref<64x1000000xf32, #tpu.memory_space<hbm>> -> memref<64x128xf32, #tpu.memory_space<hbm>>
    %dma_wait3A_2411 = arith.constant 0 : i32
    %dma_wait3A_2412 = arith.constant 0 : i32
    %dma_wait3A_2413 = tpu.memref_slice %arg6[%dma_wait3A_2403, %dma_wait3A_2404, %dma_wait3A_2411, %dma_wait3A_2412] : memref<2x4x64x128xf32, #tpu.memory_space<vmem>> -> memref<1x1x64x128xf32, #tpu.memory_space<vmem>>
    %dma_wait3A_2414 = tpu.memref_squeeze %dma_wait3A_2413 : memref<1x1x64x128xf32, #tpu.memory_space<vmem>> -> memref<64x128xf32, #tpu.memory_space<vmem>>
    %dma_wait3A_2415 = arith.constant 0 : i32
    %dma_wait3A_2416 = tpu.memref_slice %arg3[%dma_wait3A_2415, %mul3A_1728] : memref<64x1000000xf32, #tpu.memory_space<hbm>> -> memref<64x128xf32, #tpu.memory_space<hbm>>
    tpu.wait_dma2 semaphore(%arg8 : memref<!tpu.dma_semaphore, #tpu.memory_space<semaphore_mem>>) src(%dma_wait3A_2416 : memref<64x128xf32, #tpu.memory_space<hbm>>) dst(%dma_wait3A_2414 : memref<64x128xf32, #tpu.memory_space<vmem>>)
    %dma_wait3A_2417 = arith.constant 0 : i32
    %dma_wait3A_2418 = arith.constant 1 : i32
    %dma_wait3A_2419 = arith.constant 0 : i32
    %dma_wait3A_2420 = arith.constant 0 : i32
    %dma_wait3A_2421 = tpu.memref_slice %arg6[%dma_wait3A_2417, %dma_wait3A_2418, %dma_wait3A_2419, %dma_wait3A_2420] : memref<2x4x64x128xf32, #tpu.memory_space<vmem>> -> memref<1x1x64x128xf32, #tpu.memory_space<vmem>>
    %dma_wait3A_2422 = tpu.memref_squeeze %dma_wait3A_2421 : memref<1x1x64x128xf32, #tpu.memory_space<vmem>> -> memref<64x128xf32, #tpu.memory_space<vmem>>
    %dma_wait3A_2423 = arith.constant 0 : i32
    %dma_wait3A_2424 = tpu.memref_slice %arg3[%dma_wait3A_2423, %mul3A_1784] : memref<64x1000000xf32, #tpu.memory_space<hbm>> -> memref<64x128xf32, #tpu.memory_space<hbm>>
    %dma_wait3A_2425 = arith.constant 0 : i32
    %dma_wait3A_2426 = arith.constant 0 : i32
    %dma_wait3A_2427 = tpu.memref_slice %arg6[%dma_wait3A_2417, %dma_wait3A_2418, %dma_wait3A_2425, %dma_wait3A_2426] : memref<2x4x64x128xf32, #tpu.memory_space<vmem>> -> memref<1x1x64x128xf32, #tpu.memory_space<vmem>>
    %dma_wait3A_2428 = tpu.memref_squeeze %dma_wait3A_2427 : memref<1x1x64x128xf32, #tpu.memory_space<vmem>> -> memref<64x128xf32, #tpu.memory_space<vmem>>
    %dma_wait3A_2429 = arith.constant 0 : i32
    %dma_wait3A_2430 = tpu.memref_slice %arg3[%dma_wait3A_2429, %mul3A_1784] : memref<64x1000000xf32, #tpu.memory_space<hbm>> -> memref<64x128xf32, #tpu.memory_space<hbm>>
    tpu.wait_dma2 semaphore(%arg8 : memref<!tpu.dma_semaphore, #tpu.memory_space<semaphore_mem>>) src(%dma_wait3A_2430 : memref<64x128xf32, #tpu.memory_space<hbm>>) dst(%dma_wait3A_2428 : memref<64x128xf32, #tpu.memory_space<vmem>>)
    %dma_wait3A_2431 = arith.constant 0 : i32
    %dma_wait3A_2432 = arith.constant 2 : i32
    %dma_wait3A_2433 = arith.constant 0 : i32
    %dma_wait3A_2434 = arith.constant 0 : i32
    %dma_wait3A_2435 = tpu.memref_slice %arg6[%dma_wait3A_2431, %dma_wait3A_2432, %dma_wait3A_2433, %dma_wait3A_2434] : memref<2x4x64x128xf32, #tpu.memory_space<vmem>> -> memref<1x1x64x128xf32, #tpu.memory_space<vmem>>
    %dma_wait3A_2436 = tpu.memref_squeeze %dma_wait3A_2435 : memref<1x1x64x128xf32, #tpu.memory_space<vmem>> -> memref<64x128xf32, #tpu.memory_space<vmem>>
    %dma_wait3A_2437 = arith.constant 0 : i32
    %dma_wait3A_2438 = tpu.memref_slice %arg3[%dma_wait3A_2437, %mul3A_1840] : memref<64x1000000xf32, #tpu.memory_space<hbm>> -> memref<64x128xf32, #tpu.memory_space<hbm>>
    %dma_wait3A_2439 = arith.constant 0 : i32
    %dma_wait3A_2440 = arith.constant 0 : i32
    %dma_wait3A_2441 = tpu.memref_slice %arg6[%dma_wait3A_2431, %dma_wait3A_2432, %dma_wait3A_2439, %dma_wait3A_2440] : memref<2x4x64x128xf32, #tpu.memory_space<vmem>> -> memref<1x1x64x128xf32, #tpu.memory_space<vmem>>
    %dma_wait3A_2442 = tpu.memref_squeeze %dma_wait3A_2441 : memref<1x1x64x128xf32, #tpu.memory_space<vmem>> -> memref<64x128xf32, #tpu.memory_space<vmem>>
    %dma_wait3A_2443 = arith.constant 0 : i32
    %dma_wait3A_2444 = tpu.memref_slice %arg3[%dma_wait3A_2443, %mul3A_1840] : memref<64x1000000xf32, #tpu.memory_space<hbm>> -> memref<64x128xf32, #tpu.memory_space<hbm>>
    tpu.wait_dma2 semaphore(%arg8 : memref<!tpu.dma_semaphore, #tpu.memory_space<semaphore_mem>>) src(%dma_wait3A_2444 : memref<64x128xf32, #tpu.memory_space<hbm>>) dst(%dma_wait3A_2442 : memref<64x128xf32, #tpu.memory_space<vmem>>)
    %dma_wait3A_2445 = arith.constant 0 : i32
    %dma_wait3A_2446 = arith.constant 3 : i32
    %dma_wait3A_2447 = arith.constant 0 : i32
    %dma_wait3A_2448 = arith.constant 0 : i32
    %dma_wait3A_2449 = tpu.memref_slice %arg6[%dma_wait3A_2445, %dma_wait3A_2446, %dma_wait3A_2447, %dma_wait3A_2448] : memref<2x4x64x128xf32, #tpu.memory_space<vmem>> -> memref<1x1x64x128xf32, #tpu.memory_space<vmem>>
    %dma_wait3A_2450 = tpu.memref_squeeze %dma_wait3A_2449 : memref<1x1x64x128xf32, #tpu.memory_space<vmem>> -> memref<64x128xf32, #tpu.memory_space<vmem>>
    %dma_wait3A_2451 = arith.constant 0 : i32
    %dma_wait3A_2452 = tpu.memref_slice %arg3[%dma_wait3A_2451, %mul3A_1896] : memref<64x1000000xf32, #tpu.memory_space<hbm>> -> memref<64x128xf32, #tpu.memory_space<hbm>>
    %dma_wait3A_2453 = arith.constant 0 : i32
    %dma_wait3A_2454 = arith.constant 0 : i32
    %dma_wait3A_2455 = tpu.memref_slice %arg6[%dma_wait3A_2445, %dma_wait3A_2446, %dma_wait3A_2453, %dma_wait3A_2454] : memref<2x4x64x128xf32, #tpu.memory_space<vmem>> -> memref<1x1x64x128xf32, #tpu.memory_space<vmem>>
    %dma_wait3A_2456 = tpu.memref_squeeze %dma_wait3A_2455 : memref<1x1x64x128xf32, #tpu.memory_space<vmem>> -> memref<64x128xf32, #tpu.memory_space<vmem>>
    %dma_wait3A_2457 = arith.constant 0 : i32
    %dma_wait3A_2458 = tpu.memref_slice %arg3[%dma_wait3A_2457, %mul3A_1896] : memref<64x1000000xf32, #tpu.memory_space<hbm>> -> memref<64x128xf32, #tpu.memory_space<hbm>>
    tpu.wait_dma2 semaphore(%arg8 : memref<!tpu.dma_semaphore, #tpu.memory_space<semaphore_mem>>) src(%dma_wait3A_2458 : memref<64x128xf32, #tpu.memory_space<hbm>>) dst(%dma_wait3A_2456 : memref<64x128xf32, #tpu.memory_space<vmem>>)
    %broadcast_in_dim3A_2459 = arith.constant 0 : i32
    %broadcast_in_dim3A_2460 = vector.broadcast %broadcast_in_dim3A_2459 : i32 to vector<16xi32>
    %broadcast_in_dim3A_2461 = arith.constant 0 : i32
    %broadcast_in_dim3A_2462 = vector.broadcast %broadcast_in_dim3A_2461 : i32 to vector<16xi32>
    %jit3A_2463 = arith.constant 128 : i32
    %eq3A_2464 = arith.constant 0 : i32
    %eq3A_2465 = arith.cmpi eq, %jit3A_2463, %eq3A_2464 : i32
    %jit3A_2466 = arith.constant 1 : i32
    %select_n3A_2467 = arith.select %eq3A_2465, %jit3A_2466, %jit3A_2463 : i32
    %rem3A_2468 = arith.remsi %reduce_max3A_1702, %select_n3A_2467 : i32
    %ne3A_2469 = arith.constant 0 : i32
    %ne3A_2470 = arith.cmpi ne, %rem3A_2468, %ne3A_2469 : i32
    %lt3A_2471 = arith.constant 0 : i32
    %lt3A_2472 = arith.cmpi slt, %rem3A_2468, %lt3A_2471 : i32
    %lt3A_2473 = arith.constant 0 : i32
    %lt3A_2474 = arith.cmpi slt, %select_n3A_2467, %lt3A_2473 : i32
    %ne3A_2475 = arith.xori %lt3A_2472, %lt3A_2474 : i1
    %and3A_2476 = arith.andi %ne3A_2475, %ne3A_2470 : i1
    %add3A_2477 = arith.addi %rem3A_2468, %select_n3A_2467 : i32
    %select_n3A_2478 = arith.select %and3A_2476, %add3A_2477, %rem3A_2468 : i32
    %broadcast_in_dim3A_2479 = vector.broadcast %select_n3A_2478 : i32 to vector<16xi32>
    %add3A_2480 = arith.constant 0 : i32
    %add3A_2481 = vector.broadcast %add3A_2480 : i32 to vector<16xi32>
    %add3A_2482 = arith.addi %iota3A_3, %add3A_2481 : vector<16xi32>
    %gather3A_2483 = tpu.vector_load_idx %arg6[%broadcast_in_dim3A_2460, %broadcast_in_dim3A_2462, %add3A_2482, %broadcast_in_dim3A_2479] : memref<2x4x64x128xf32, #tpu.memory_space<vmem>>[vector<16xi32>, vector<16xi32>, vector<16xi32>, vector<16xi32>], vector<16xf32>,
    %swap3A_2484 = arith.constant 16 : i32
    %swap3A_2485 = arith.index_cast %swap3A_2484 : i32 to index
    %swap3A_2486 = arith.constant 0 : index
    %swap3A_2487 = tpu.vector_load %arg7[%swap3A_2485, %swap3A_2486] {strides = array<i32>} : memref<32x64xf32, #tpu.memory_space<vmem>>, vector<16xf32>,
    tpu.vector_store %arg7[%swap3A_2485, %swap3A_2486], %gather3A_2483 {strides = array<i32>} : memref<32x64xf32, #tpu.memory_space<vmem>>, vector<16xf32>,
    %add3A_2488 = arith.constant 16 : i32
    %add3A_2489 = vector.broadcast %add3A_2488 : i32 to vector<16xi32>
    %add3A_2490 = arith.addi %iota3A_3, %add3A_2489 : vector<16xi32>
    %gather3A_2491 = tpu.vector_load_idx %arg6[%broadcast_in_dim3A_2460, %broadcast_in_dim3A_2462, %add3A_2490, %broadcast_in_dim3A_2479] : memref<2x4x64x128xf32, #tpu.memory_space<vmem>>[vector<16xi32>, vector<16xi32>, vector<16xi32>, vector<16xi32>], vector<16xf32>,
    %swap3A_2492 = arith.constant 16 : i32
    %swap3A_2493 = arith.index_cast %swap3A_2492 : i32 to index
    %swap3A_2494 = arith.constant 16 : index
    %swap3A_2495 = tpu.vector_load %arg7[%swap3A_2493, %swap3A_2494] {strides = array<i32>} : memref<32x64xf32, #tpu.memory_space<vmem>>, vector<16xf32>,
    tpu.vector_store %arg7[%swap3A_2493, %swap3A_2494], %gather3A_2491 {strides = array<i32>} : memref<32x64xf32, #tpu.memory_space<vmem>>, vector<16xf32>,
    %add3A_2496 = arith.constant 32 : i32
    %add3A_2497 = vector.broadcast %add3A_2496 : i32 to vector<16xi32>
    %add3A_2498 = arith.addi %iota3A_3, %add3A_2497 : vector<16xi32>
    %gather3A_2499 = tpu.vector_load_idx %arg6[%broadcast_in_dim3A_2460, %broadcast_in_dim3A_2462, %add3A_2498, %broadcast_in_dim3A_2479] : memref<2x4x64x128xf32, #tpu.memory_space<vmem>>[vector<16xi32>, vector<16xi32>, vector<16xi32>, vector<16xi32>], vector<16xf32>,
    %swap3A_2500 = arith.constant 16 : i32
    %swap3A_2501 = arith.index_cast %swap3A_2500 : i32 to index
    %swap3A_2502 = arith.constant 32 : index
    %swap3A_2503 = tpu.vector_load %arg7[%swap3A_2501, %swap3A_2502] {strides = array<i32>} : memref<32x64xf32, #tpu.memory_space<vmem>>, vector<16xf32>,
    tpu.vector_store %arg7[%swap3A_2501, %swap3A_2502], %gather3A_2499 {strides = array<i32>} : memref<32x64xf32, #tpu.memory_space<vmem>>, vector<16xf32>,
    %add3A_2504 = arith.constant 48 : i32
    %add3A_2505 = vector.broadcast %add3A_2504 : i32 to vector<16xi32>
    %add3A_2506 = arith.addi %iota3A_3, %add3A_2505 : vector<16xi32>
    %gather3A_2507 = tpu.vector_load_idx %arg6[%broadcast_in_dim3A_2460, %broadcast_in_dim3A_2462, %add3A_2506, %broadcast_in_dim3A_2479] : memref<2x4x64x128xf32, #tpu.memory_space<vmem>>[vector<16xi32>, vector<16xi32>, vector<16xi32>, vector<16xi32>], vector<16xf32>,
    %swap3A_2508 = arith.constant 16 : i32
    %swap3A_2509 = arith.index_cast %swap3A_2508 : i32 to index
    %swap3A_2510 = arith.constant 48 : index
    %swap3A_2511 = tpu.vector_load %arg7[%swap3A_2509, %swap3A_2510] {strides = array<i32>} : memref<32x64xf32, #tpu.memory_space<vmem>>, vector<16xf32>,
    tpu.vector_store %arg7[%swap3A_2509, %swap3A_2510], %gather3A_2507 {strides = array<i32>} : memref<32x64xf32, #tpu.memory_space<vmem>>, vector<16xf32>,
    %broadcast_in_dim3A_2512 = arith.constant 0 : i32
    %broadcast_in_dim3A_2513 = vector.broadcast %broadcast_in_dim3A_2512 : i32 to vector<16xi32>
    %broadcast_in_dim3A_2514 = arith.constant 1 : i32
    %broadcast_in_dim3A_2515 = vector.broadcast %broadcast_in_dim3A_2514 : i32 to vector<16xi32>
    %jit3A_2516 = arith.constant 128 : i32
    %eq3A_2517 = arith.constant 0 : i32
    %eq3A_2518 = arith.cmpi eq, %jit3A_2516, %eq3A_2517 : i32
    %jit3A_2519 = arith.constant 1 : i32
    %select_n3A_2520 = arith.select %eq3A_2518, %jit3A_2519, %jit3A_2516 : i32
    %rem3A_2521 = arith.remsi %reduce_max3A_1758, %select_n3A_2520 : i32
    %ne3A_2522 = arith.constant 0 : i32
    %ne3A_2523 = arith.cmpi ne, %rem3A_2521, %ne3A_2522 : i32
    %lt3A_2524 = arith.constant 0 : i32
    %lt3A_2525 = arith.cmpi slt, %rem3A_2521, %lt3A_2524 : i32
    %lt3A_2526 = arith.constant 0 : i32
    %lt3A_2527 = arith.cmpi slt, %select_n3A_2520, %lt3A_2526 : i32
    %ne3A_2528 = arith.xori %lt3A_2525, %lt3A_2527 : i1
    %and3A_2529 = arith.andi %ne3A_2528, %ne3A_2523 : i1
    %add3A_2530 = arith.addi %rem3A_2521, %select_n3A_2520 : i32
    %select_n3A_2531 = arith.select %and3A_2529, %add3A_2530, %rem3A_2521 : i32
    %broadcast_in_dim3A_2532 = vector.broadcast %select_n3A_2531 : i32 to vector<16xi32>
    %add3A_2533 = arith.constant 0 : i32
    %add3A_2534 = vector.broadcast %add3A_2533 : i32 to vector<16xi32>
    %add3A_2535 = arith.addi %iota3A_3, %add3A_2534 : vector<16xi32>
    %gather3A_2536 = tpu.vector_load_idx %arg6[%broadcast_in_dim3A_2513, %broadcast_in_dim3A_2515, %add3A_2535, %broadcast_in_dim3A_2532] : memref<2x4x64x128xf32, #tpu.memory_space<vmem>>[vector<16xi32>, vector<16xi32>, vector<16xi32>, vector<16xi32>], vector<16xf32>,
    %swap3A_2537 = arith.constant 17 : i32
    %swap3A_2538 = arith.index_cast %swap3A_2537 : i32 to index
    %swap3A_2539 = arith.constant 0 : index
    %swap3A_2540 = tpu.vector_load %arg7[%swap3A_2538, %swap3A_2539] {strides = array<i32>} : memref<32x64xf32, #tpu.memory_space<vmem>>, vector<16xf32>,
    tpu.vector_store %arg7[%swap3A_2538, %swap3A_2539], %gather3A_2536 {strides = array<i32>} : memref<32x64xf32, #tpu.memory_space<vmem>>, vector<16xf32>,
    %add3A_2541 = arith.constant 16 : i32
    %add3A_2542 = vector.broadcast %add3A_2541 : i32 to vector<16xi32>
    %add3A_2543 = arith.addi %iota3A_3, %add3A_2542 : vector<16xi32>
    %gather3A_2544 = tpu.vector_load_idx %arg6[%broadcast_in_dim3A_2513, %broadcast_in_dim3A_2515, %add3A_2543, %broadcast_in_dim3A_2532] : memref<2x4x64x128xf32, #tpu.memory_space<vmem>>[vector<16xi32>, vector<16xi32>, vector<16xi32>, vector<16xi32>], vector<16xf32>,
    %swap3A_2545 = arith.constant 17 : i32
    %swap3A_2546 = arith.index_cast %swap3A_2545 : i32 to index
    %swap3A_2547 = arith.constant 16 : index
    %swap3A_2548 = tpu.vector_load %arg7[%swap3A_2546, %swap3A_2547] {strides = array<i32>} : memref<32x64xf32, #tpu.memory_space<vmem>>, vector<16xf32>,
    tpu.vector_store %arg7[%swap3A_2546, %swap3A_2547], %gather3A_2544 {strides = array<i32>} : memref<32x64xf32, #tpu.memory_space<vmem>>, vector<16xf32>,
    %add3A_2549 = arith.constant 32 : i32
    %add3A_2550 = vector.broadcast %add3A_2549 : i32 to vector<16xi32>
    %add3A_2551 = arith.addi %iota3A_3, %add3A_2550 : vector<16xi32>
    %gather3A_2552 = tpu.vector_load_idx %arg6[%broadcast_in_dim3A_2513, %broadcast_in_dim3A_2515, %add3A_2551, %broadcast_in_dim3A_2532] : memref<2x4x64x128xf32, #tpu.memory_space<vmem>>[vector<16xi32>, vector<16xi32>, vector<16xi32>, vector<16xi32>], vector<16xf32>,
    %swap3A_2553 = arith.constant 17 : i32
    %swap3A_2554 = arith.index_cast %swap3A_2553 : i32 to index
    %swap3A_2555 = arith.constant 32 : index
    %swap3A_2556 = tpu.vector_load %arg7[%swap3A_2554, %swap3A_2555] {strides = array<i32>} : memref<32x64xf32, #tpu.memory_space<vmem>>, vector<16xf32>,
    tpu.vector_store %arg7[%swap3A_2554, %swap3A_2555], %gather3A_2552 {strides = array<i32>} : memref<32x64xf32, #tpu.memory_space<vmem>>, vector<16xf32>,
    %add3A_2557 = arith.constant 48 : i32
    %add3A_2558 = vector.broadcast %add3A_2557 : i32 to vector<16xi32>
    %add3A_2559 = arith.addi %iota3A_3, %add3A_2558 : vector<16xi32>
    %gather3A_2560 = tpu.vector_load_idx %arg6[%broadcast_in_dim3A_2513, %broadcast_in_dim3A_2515, %add3A_2559, %broadcast_in_dim3A_2532] : memref<2x4x64x128xf32, #tpu.memory_space<vmem>>[vector<16xi32>, vector<16xi32>, vector<16xi32>, vector<16xi32>], vector<16xf32>,
    %swap3A_2561 = arith.constant 17 : i32
    %swap3A_2562 = arith.index_cast %swap3A_2561 : i32 to index
    %swap3A_2563 = arith.constant 48 : index
    %swap3A_2564 = tpu.vector_load %arg7[%swap3A_2562, %swap3A_2563] {strides = array<i32>} : memref<32x64xf32, #tpu.memory_space<vmem>>, vector<16xf32>,
    tpu.vector_store %arg7[%swap3A_2562, %swap3A_2563], %gather3A_2560 {strides = array<i32>} : memref<32x64xf32, #tpu.memory_space<vmem>>, vector<16xf32>,
    %broadcast_in_dim3A_2565 = arith.constant 0 : i32
    %broadcast_in_dim3A_2566 = vector.broadcast %broadcast_in_dim3A_2565 : i32 to vector<16xi32>
    %broadcast_in_dim3A_2567 = arith.constant 2 : i32
    %broadcast_in_dim3A_2568 = vector.broadcast %broadcast_in_dim3A_2567 : i32 to vector<16xi32>
    %jit3A_2569 = arith.constant 128 : i32
    %eq3A_2570 = arith.constant 0 : i32
    %eq3A_2571 = arith.cmpi eq, %jit3A_2569, %eq3A_2570 : i32
    %jit3A_2572 = arith.constant 1 : i32
    %select_n3A_2573 = arith.select %eq3A_2571, %jit3A_2572, %jit3A_2569 : i32
    %rem3A_2574 = arith.remsi %reduce_max3A_1814, %select_n3A_2573 : i32
    %ne3A_2575 = arith.constant 0 : i32
    %ne3A_2576 = arith.cmpi ne, %rem3A_2574, %ne3A_2575 : i32
    %lt3A_2577 = arith.constant 0 : i32
    %lt3A_2578 = arith.cmpi slt, %rem3A_2574, %lt3A_2577 : i32
    %lt3A_2579 = arith.constant 0 : i32
    %lt3A_2580 = arith.cmpi slt, %select_n3A_2573, %lt3A_2579 : i32
    %ne3A_2581 = arith.xori %lt3A_2578, %lt3A_2580 : i1
    %and3A_2582 = arith.andi %ne3A_2581, %ne3A_2576 : i1
    %add3A_2583 = arith.addi %rem3A_2574, %select_n3A_2573 : i32
    %select_n3A_2584 = arith.select %and3A_2582, %add3A_2583, %rem3A_2574 : i32
    %broadcast_in_dim3A_2585 = vector.broadcast %select_n3A_2584 : i32 to vector<16xi32>
    %add3A_2586 = arith.constant 0 : i32
    %add3A_2587 = vector.broadcast %add3A_2586 : i32 to vector<16xi32>
    %add3A_2588 = arith.addi %iota3A_3, %add3A_2587 : vector<16xi32>
    %gather3A_2589 = tpu.vector_load_idx %arg6[%broadcast_in_dim3A_2566, %broadcast_in_dim3A_2568, %add3A_2588, %broadcast_in_dim3A_2585] : memref<2x4x64x128xf32, #tpu.memory_space<vmem>>[vector<16xi32>, vector<16xi32>, vector<16xi32>, vector<16xi32>], vector<16xf32>,
    %swap3A_2590 = arith.constant 18 : i32
    %swap3A_2591 = arith.index_cast %swap3A_2590 : i32 to index
    %swap3A_2592 = arith.constant 0 : index
    %swap3A_2593 = tpu.vector_load %arg7[%swap3A_2591, %swap3A_2592] {strides = array<i32>} : memref<32x64xf32, #tpu.memory_space<vmem>>, vector<16xf32>,
    tpu.vector_store %arg7[%swap3A_2591, %swap3A_2592], %gather3A_2589 {strides = array<i32>} : memref<32x64xf32, #tpu.memory_space<vmem>>, vector<16xf32>,
    %add3A_2594 = arith.constant 16 : i32
    %add3A_2595 = vector.broadcast %add3A_2594 : i32 to vector<16xi32>
    %add3A_2596 = arith.addi %iota3A_3, %add3A_2595 : vector<16xi32>
    %gather3A_2597 = tpu.vector_load_idx %arg6[%broadcast_in_dim3A_2566, %broadcast_in_dim3A_2568, %add3A_2596, %broadcast_in_dim3A_2585] : memref<2x4x64x128xf32, #tpu.memory_space<vmem>>[vector<16xi32>, vector<16xi32>, vector<16xi32>, vector<16xi32>], vector<16xf32>,
    %swap3A_2598 = arith.constant 18 : i32
    %swap3A_2599 = arith.index_cast %swap3A_2598 : i32 to index
    %swap3A_2600 = arith.constant 16 : index
    %swap3A_2601 = tpu.vector_load %arg7[%swap3A_2599, %swap3A_2600] {strides = array<i32>} : memref<32x64xf32, #tpu.memory_space<vmem>>, vector<16xf32>,
    tpu.vector_store %arg7[%swap3A_2599, %swap3A_2600], %gather3A_2597 {strides = array<i32>} : memref<32x64xf32, #tpu.memory_space<vmem>>, vector<16xf32>,
    %add3A_2602 = arith.constant 32 : i32
    %add3A_2603 = vector.broadcast %add3A_2602 : i32 to vector<16xi32>
    %add3A_2604 = arith.addi %iota3A_3, %add3A_2603 : vector<16xi32>
    %gather3A_2605 = tpu.vector_load_idx %arg6[%broadcast_in_dim3A_2566, %broadcast_in_dim3A_2568, %add3A_2604, %broadcast_in_dim3A_2585] : memref<2x4x64x128xf32, #tpu.memory_space<vmem>>[vector<16xi32>, vector<16xi32>, vector<16xi32>, vector<16xi32>], vector<16xf32>,
    %swap3A_2606 = arith.constant 18 : i32
    %swap3A_2607 = arith.index_cast %swap3A_2606 : i32 to index
    %swap3A_2608 = arith.constant 32 : index
    %swap3A_2609 = tpu.vector_load %arg7[%swap3A_2607, %swap3A_2608] {strides = array<i32>} : memref<32x64xf32, #tpu.memory_space<vmem>>, vector<16xf32>,
    tpu.vector_store %arg7[%swap3A_2607, %swap3A_2608], %gather3A_2605 {strides = array<i32>} : memref<32x64xf32, #tpu.memory_space<vmem>>, vector<16xf32>,
    %add3A_2610 = arith.constant 48 : i32
    %add3A_2611 = vector.broadcast %add3A_2610 : i32 to vector<16xi32>
    %add3A_2612 = arith.addi %iota3A_3, %add3A_2611 : vector<16xi32>
    %gather3A_2613 = tpu.vector_load_idx %arg6[%broadcast_in_dim3A_2566, %broadcast_in_dim3A_2568, %add3A_2612, %broadcast_in_dim3A_2585] : memref<2x4x64x128xf32, #tpu.memory_space<vmem>>[vector<16xi32>, vector<16xi32>, vector<16xi32>, vector<16xi32>], vector<16xf32>,
    %swap3A_2614 = arith.constant 18 : i32
    %swap3A_2615 = arith.index_cast %swap3A_2614 : i32 to index
    %swap3A_2616 = arith.constant 48 : index
    %swap3A_2617 = tpu.vector_load %arg7[%swap3A_2615, %swap3A_2616] {strides = array<i32>} : memref<32x64xf32, #tpu.memory_space<vmem>>, vector<16xf32>,
    tpu.vector_store %arg7[%swap3A_2615, %swap3A_2616], %gather3A_2613 {strides = array<i32>} : memref<32x64xf32, #tpu.memory_space<vmem>>, vector<16xf32>,
    %broadcast_in_dim3A_2618 = arith.constant 0 : i32
    %broadcast_in_dim3A_2619 = vector.broadcast %broadcast_in_dim3A_2618 : i32 to vector<16xi32>
    %broadcast_in_dim3A_2620 = arith.constant 3 : i32
    %broadcast_in_dim3A_2621 = vector.broadcast %broadcast_in_dim3A_2620 : i32 to vector<16xi32>
    %jit3A_2622 = arith.constant 128 : i32
    %eq3A_2623 = arith.constant 0 : i32
    %eq3A_2624 = arith.cmpi eq, %jit3A_2622, %eq3A_2623 : i32
    %jit3A_2625 = arith.constant 1 : i32
    %select_n3A_2626 = arith.select %eq3A_2624, %jit3A_2625, %jit3A_2622 : i32
    %rem3A_2627 = arith.remsi %reduce_max3A_1870, %select_n3A_2626 : i32
    %ne3A_2628 = arith.constant 0 : i32
    %ne3A_2629 = arith.cmpi ne, %rem3A_2627, %ne3A_2628 : i32
    %lt3A_2630 = arith.constant 0 : i32
    %lt3A_2631 = arith.cmpi slt, %rem3A_2627, %lt3A_2630 : i32
    %lt3A_2632 = arith.constant 0 : i32
    %lt3A_2633 = arith.cmpi slt, %select_n3A_2626, %lt3A_2632 : i32
    %ne3A_2634 = arith.xori %lt3A_2631, %lt3A_2633 : i1
    %and3A_2635 = arith.andi %ne3A_2634, %ne3A_2629 : i1
    %add3A_2636 = arith.addi %rem3A_2627, %select_n3A_2626 : i32
    %select_n3A_2637 = arith.select %and3A_2635, %add3A_2636, %rem3A_2627 : i32
    %broadcast_in_dim3A_2638 = vector.broadcast %select_n3A_2637 : i32 to vector<16xi32>
    %add3A_2639 = arith.constant 0 : i32
    %add3A_2640 = vector.broadcast %add3A_2639 : i32 to vector<16xi32>
    %add3A_2641 = arith.addi %iota3A_3, %add3A_2640 : vector<16xi32>
    %gather3A_2642 = tpu.vector_load_idx %arg6[%broadcast_in_dim3A_2619, %broadcast_in_dim3A_2621, %add3A_2641, %broadcast_in_dim3A_2638] : memref<2x4x64x128xf32, #tpu.memory_space<vmem>>[vector<16xi32>, vector<16xi32>, vector<16xi32>, vector<16xi32>], vector<16xf32>,
    %swap3A_2643 = arith.constant 19 : i32
    %swap3A_2644 = arith.index_cast %swap3A_2643 : i32 to index
    %swap3A_2645 = arith.constant 0 : index
    %swap3A_2646 = tpu.vector_load %arg7[%swap3A_2644, %swap3A_2645] {strides = array<i32>} : memref<32x64xf32, #tpu.memory_space<vmem>>, vector<16xf32>,
    tpu.vector_store %arg7[%swap3A_2644, %swap3A_2645], %gather3A_2642 {strides = array<i32>} : memref<32x64xf32, #tpu.memory_space<vmem>>, vector<16xf32>,
    %add3A_2647 = arith.constant 16 : i32
    %add3A_2648 = vector.broadcast %add3A_2647 : i32 to vector<16xi32>
    %add3A_2649 = arith.addi %iota3A_3, %add3A_2648 : vector<16xi32>
    %gather3A_2650 = tpu.vector_load_idx %arg6[%broadcast_in_dim3A_2619, %broadcast_in_dim3A_2621, %add3A_2649, %broadcast_in_dim3A_2638] : memref<2x4x64x128xf32, #tpu.memory_space<vmem>>[vector<16xi32>, vector<16xi32>, vector<16xi32>, vector<16xi32>], vector<16xf32>,
    %swap3A_2651 = arith.constant 19 : i32
    %swap3A_2652 = arith.index_cast %swap3A_2651 : i32 to index
    %swap3A_2653 = arith.constant 16 : index
    %swap3A_2654 = tpu.vector_load %arg7[%swap3A_2652, %swap3A_2653] {strides = array<i32>} : memref<32x64xf32, #tpu.memory_space<vmem>>, vector<16xf32>,
    tpu.vector_store %arg7[%swap3A_2652, %swap3A_2653], %gather3A_2650 {strides = array<i32>} : memref<32x64xf32, #tpu.memory_space<vmem>>, vector<16xf32>,
    %add3A_2655 = arith.constant 32 : i32
    %add3A_2656 = vector.broadcast %add3A_2655 : i32 to vector<16xi32>
    %add3A_2657 = arith.addi %iota3A_3, %add3A_2656 : vector<16xi32>
    %gather3A_2658 = tpu.vector_load_idx %arg6[%broadcast_in_dim3A_2619, %broadcast_in_dim3A_2621, %add3A_2657, %broadcast_in_dim3A_2638] : memref<2x4x64x128xf32, #tpu.memory_space<vmem>>[vector<16xi32>, vector<16xi32>, vector<16xi32>, vector<16xi32>], vector<16xf32>,
    %swap3A_2659 = arith.constant 19 : i32
    %swap3A_2660 = arith.index_cast %swap3A_2659 : i32 to index
    %swap3A_2661 = arith.constant 32 : index
    %swap3A_2662 = tpu.vector_load %arg7[%swap3A_2660, %swap3A_2661] {strides = array<i32>} : memref<32x64xf32, #tpu.memory_space<vmem>>, vector<16xf32>,
    tpu.vector_store %arg7[%swap3A_2660, %swap3A_2661], %gather3A_2658 {strides = array<i32>} : memref<32x64xf32, #tpu.memory_space<vmem>>, vector<16xf32>,
    %add3A_2663 = arith.constant 48 : i32
    %add3A_2664 = vector.broadcast %add3A_2663 : i32 to vector<16xi32>
    %add3A_2665 = arith.addi %iota3A_3, %add3A_2664 : vector<16xi32>
    %gather3A_2666 = tpu.vector_load_idx %arg6[%broadcast_in_dim3A_2619, %broadcast_in_dim3A_2621, %add3A_2665, %broadcast_in_dim3A_2638] : memref<2x4x64x128xf32, #tpu.memory_space<vmem>>[vector<16xi32>, vector<16xi32>, vector<16xi32>, vector<16xi32>], vector<16xf32>,
    %swap3A_2667 = arith.constant 19 : i32
    %swap3A_2668 = arith.index_cast %swap3A_2667 : i32 to index
    %swap3A_2669 = arith.constant 48 : index
    %swap3A_2670 = tpu.vector_load %arg7[%swap3A_2668, %swap3A_2669] {strides = array<i32>} : memref<32x64xf32, #tpu.memory_space<vmem>>, vector<16xf32>,
    tpu.vector_store %arg7[%swap3A_2668, %swap3A_2669], %gather3A_2666 {strides = array<i32>} : memref<32x64xf32, #tpu.memory_space<vmem>>, vector<16xf32>,
    %get3A_2671 = arith.constant 16 : index
    %get3A_2672 = tpu.vector_load %arg5[%get3A_2671] {strides = array<i32>} : memref<32xi32, #tpu.memory_space<vmem>>, vector<16xi32>,
    %eq3A_2673 = arith.constant 8 : i32
    %eq3A_2674 = vector.broadcast %eq3A_2673 : i32 to vector<16xi32>
    %eq3A_2675 = arith.cmpi eq, %iota3A, %eq3A_2674 : vector<16xi32>
    %jit3A_2676 = arith.constant 0 : i32
    %broadcast_in_dim3A_2677 = vector.broadcast %jit3A_2676 : i32 to vector<16xi32>
    %select_n3A_2678 = arith.select %eq3A_2675, %get3A_2672, %broadcast_in_dim3A_2677 : vector<16xi1>, vector<16xi32>
    %reduce_max3A_2679 = arith.constant true
    %reduce_max3A_2680 = vector.broadcast %reduce_max3A_2679 : i1 to vector<16xi1>
    %reduce_max3A_2681 = arith.constant -2147483648 : i32
    %reduce_max3A_2682 = vector.broadcast %reduce_max3A_2681 : i32 to vector<16xi32>
    %reduce_max3A_2683 = arith.xori %select_n3A_2678, %reduce_max3A_2682 : vector<16xi32>
    %reduce_max3A_2684 = tpu.scan <max>, %reduce_max3A_2683 masked %reduce_max3A_2680 : vector<16xi32>, vector<16xi1> -> vector<16xi32>
    %reduce_max3A_2685 = arith.xori %reduce_max3A_2684, %reduce_max3A_2682 : vector<16xi32>
    %reduce_max3A_2686 = vector.extract %reduce_max3A_2685[15] : i32 from vector<16xi32>
    %jit3A_2687 = arith.constant 128 : i32
    %div3A_2688 = arith.divsi %reduce_max3A_2686, %jit3A_2687 : i32
    %sign3A_2689 = arith.constant 0 : i32
    %sign3A_2690 = arith.cmpi sgt, %reduce_max3A_2686, %sign3A_2689 : i32
    %sign3A_2691 = arith.extui %sign3A_2690 : i1 to i32
    %sign3A_2692 = arith.constant 0 : i32
    %sign3A_2693 = arith.cmpi slt, %reduce_max3A_2686, %sign3A_2692 : i32
    %sign3A_2694 = arith.extui %sign3A_2693 : i1 to i32
    %sign3A_2695 = arith.subi %sign3A_2691, %sign3A_2694 : i32
    %sign3A_2696 = arith.constant 0 : i32
    %sign3A_2697 = arith.cmpi sgt, %jit3A_2687, %sign3A_2696 : i32
    %sign3A_2698 = arith.extui %sign3A_2697 : i1 to i32
    %sign3A_2699 = arith.constant 0 : i32
    %sign3A_2700 = arith.cmpi slt, %jit3A_2687, %sign3A_2699 : i32
    %sign3A_2701 = arith.extui %sign3A_2700 : i1 to i32
    %sign3A_2702 = arith.subi %sign3A_2698, %sign3A_2701 : i32
    %ne3A_2703 = arith.cmpi ne, %sign3A_2695, %sign3A_2702 : i32
    %rem3A_2704 = arith.remsi %reduce_max3A_2686, %jit3A_2687 : i32
    %ne3A_2705 = arith.constant 0 : i32
    %ne3A_2706 = arith.cmpi ne, %rem3A_2704, %ne3A_2705 : i32
    %and3A_2707 = arith.andi %ne3A_2703, %ne3A_2706 : i1
    %sub3A_2708 = arith.constant 1 : i32
    %sub3A_2709 = arith.subi %div3A_2688, %sub3A_2708 : i32
    %select_n3A_2710 = arith.select %and3A_2707, %sub3A_2709, %div3A_2688 : i32
    %mul3A_2711 = arith.constant 128 : i32
    %mul3A_2712 = arith.muli %select_n3A_2710, %mul3A_2711 : i32
    %dma_start3A_2713 = arith.constant 0 : i32
    %dma_start3A_2714 = arith.constant 0 : i32
    %dma_start3A_2715 = arith.constant 0 : i32
    %dma_start3A_2716 = arith.constant 0 : i32
    %dma_start3A_2717 = tpu.memref_slice %arg6[%dma_start3A_2713, %dma_start3A_2714, %dma_start3A_2715, %dma_start3A_2716] : memref<2x4x64x128xf32, #tpu.memory_space<vmem>> -> memref<1x1x64x128xf32, #tpu.memory_space<vmem>>
    %dma_start3A_2718 = tpu.memref_squeeze %dma_start3A_2717 : memref<1x1x64x128xf32, #tpu.memory_space<vmem>> -> memref<64x128xf32, #tpu.memory_space<vmem>>
    %dma_start3A_2719 = arith.constant 0 : i32
    %dma_start3A_2720 = tpu.memref_slice %arg3[%dma_start3A_2719, %mul3A_2712] : memref<64x1000000xf32, #tpu.memory_space<hbm>> -> memref<64x128xf32, #tpu.memory_space<hbm>>
    %dma_start3A_2721 = arith.constant 0 : i32
    %dma_start3A_2722 = arith.constant 0 : i32
    %dma_start3A_2723 = tpu.memref_slice %arg6[%dma_start3A_2713, %dma_start3A_2714, %dma_start3A_2721, %dma_start3A_2722] : memref<2x4x64x128xf32, #tpu.memory_space<vmem>> -> memref<1x1x64x128xf32, #tpu.memory_space<vmem>>
    %dma_start3A_2724 = tpu.memref_squeeze %dma_start3A_2723 : memref<1x1x64x128xf32, #tpu.memory_space<vmem>> -> memref<64x128xf32, #tpu.memory_space<vmem>>
    %dma_start3A_2725 = arith.constant 0 : i32
    %dma_start3A_2726 = tpu.memref_slice %arg3[%dma_start3A_2725, %mul3A_2712] : memref<64x1000000xf32, #tpu.memory_space<hbm>> -> memref<64x128xf32, #tpu.memory_space<hbm>>
    tpu.enqueue_dma source(%dma_start3A_2726 : memref<64x128xf32, #tpu.memory_space<hbm>>) target(%dma_start3A_2724 : memref<64x128xf32, #tpu.memory_space<vmem>>) target_semaphore(%arg8 : memref<!tpu.dma_semaphore, #tpu.memory_space<semaphore_mem>>)
    %get3A_2727 = arith.constant 16 : index
    %get3A_2728 = tpu.vector_load %arg5[%get3A_2727] {strides = array<i32>} : memref<32xi32, #tpu.memory_space<vmem>>, vector<16xi32>,
    %eq3A_2729 = arith.constant 9 : i32
    %eq3A_2730 = vector.broadcast %eq3A_2729 : i32 to vector<16xi32>
    %eq3A_2731 = arith.cmpi eq, %iota3A, %eq3A_2730 : vector<16xi32>
    %jit3A_2732 = arith.constant 0 : i32
    %broadcast_in_dim3A_2733 = vector.broadcast %jit3A_2732 : i32 to vector<16xi32>
    %select_n3A_2734 = arith.select %eq3A_2731, %get3A_2728, %broadcast_in_dim3A_2733 : vector<16xi1>, vector<16xi32>
    %reduce_max3A_2735 = arith.constant true
    %reduce_max3A_2736 = vector.broadcast %reduce_max3A_2735 : i1 to vector<16xi1>
    %reduce_max3A_2737 = arith.constant -2147483648 : i32
    %reduce_max3A_2738 = vector.broadcast %reduce_max3A_2737 : i32 to vector<16xi32>
    %reduce_max3A_2739 = arith.xori %select_n3A_2734, %reduce_max3A_2738 : vector<16xi32>
    %reduce_max3A_2740 = tpu.scan <max>, %reduce_max3A_2739 masked %reduce_max3A_2736 : vector<16xi32>, vector<16xi1> -> vector<16xi32>
    %reduce_max3A_2741 = arith.xori %reduce_max3A_2740, %reduce_max3A_2738 : vector<16xi32>
    %reduce_max3A_2742 = vector.extract %reduce_max3A_2741[15] : i32 from vector<16xi32>
    %jit3A_2743 = arith.constant 128 : i32
    %div3A_2744 = arith.divsi %reduce_max3A_2742, %jit3A_2743 : i32
    %sign3A_2745 = arith.constant 0 : i32
    %sign3A_2746 = arith.cmpi sgt, %reduce_max3A_2742, %sign3A_2745 : i32
    %sign3A_2747 = arith.extui %sign3A_2746 : i1 to i32
    %sign3A_2748 = arith.constant 0 : i32
    %sign3A_2749 = arith.cmpi slt, %reduce_max3A_2742, %sign3A_2748 : i32
    %sign3A_2750 = arith.extui %sign3A_2749 : i1 to i32
    %sign3A_2751 = arith.subi %sign3A_2747, %sign3A_2750 : i32
    %sign3A_2752 = arith.constant 0 : i32
    %sign3A_2753 = arith.cmpi sgt, %jit3A_2743, %sign3A_2752 : i32
    %sign3A_2754 = arith.extui %sign3A_2753 : i1 to i32
    %sign3A_2755 = arith.constant 0 : i32
    %sign3A_2756 = arith.cmpi slt, %jit3A_2743, %sign3A_2755 : i32
    %sign3A_2757 = arith.extui %sign3A_2756 : i1 to i32
    %sign3A_2758 = arith.subi %sign3A_2754, %sign3A_2757 : i32
    %ne3A_2759 = arith.cmpi ne, %sign3A_2751, %sign3A_2758 : i32
    %rem3A_2760 = arith.remsi %reduce_max3A_2742, %jit3A_2743 : i32
    %ne3A_2761 = arith.constant 0 : i32
    %ne3A_2762 = arith.cmpi ne, %rem3A_2760, %ne3A_2761 : i32
    %and3A_2763 = arith.andi %ne3A_2759, %ne3A_2762 : i1
    %sub3A_2764 = arith.constant 1 : i32
    %sub3A_2765 = arith.subi %div3A_2744, %sub3A_2764 : i32
    %select_n3A_2766 = arith.select %and3A_2763, %sub3A_2765, %div3A_2744 : i32
    %mul3A_2767 = arith.constant 128 : i32
    %mul3A_2768 = arith.muli %select_n3A_2766, %mul3A_2767 : i32
    %dma_start3A_2769 = arith.constant 0 : i32
    %dma_start3A_2770 = arith.constant 1 : i32
    %dma_start3A_2771 = arith.constant 0 : i32
    %dma_start3A_2772 = arith.constant 0 : i32
    %dma_start3A_2773 = tpu.memref_slice %arg6[%dma_start3A_2769, %dma_start3A_2770, %dma_start3A_2771, %dma_start3A_2772] : memref<2x4x64x128xf32, #tpu.memory_space<vmem>> -> memref<1x1x64x128xf32, #tpu.memory_space<vmem>>
    %dma_start3A_2774 = tpu.memref_squeeze %dma_start3A_2773 : memref<1x1x64x128xf32, #tpu.memory_space<vmem>> -> memref<64x128xf32, #tpu.memory_space<vmem>>
    %dma_start3A_2775 = arith.constant 0 : i32
    %dma_start3A_2776 = tpu.memref_slice %arg3[%dma_start3A_2775, %mul3A_2768] : memref<64x1000000xf32, #tpu.memory_space<hbm>> -> memref<64x128xf32, #tpu.memory_space<hbm>>
    %dma_start3A_2777 = arith.constant 0 : i32
    %dma_start3A_2778 = arith.constant 0 : i32
    %dma_start3A_2779 = tpu.memref_slice %arg6[%dma_start3A_2769, %dma_start3A_2770, %dma_start3A_2777, %dma_start3A_2778] : memref<2x4x64x128xf32, #tpu.memory_space<vmem>> -> memref<1x1x64x128xf32, #tpu.memory_space<vmem>>
    %dma_start3A_2780 = tpu.memref_squeeze %dma_start3A_2779 : memref<1x1x64x128xf32, #tpu.memory_space<vmem>> -> memref<64x128xf32, #tpu.memory_space<vmem>>
    %dma_start3A_2781 = arith.constant 0 : i32
    %dma_start3A_2782 = tpu.memref_slice %arg3[%dma_start3A_2781, %mul3A_2768] : memref<64x1000000xf32, #tpu.memory_space<hbm>> -> memref<64x128xf32, #tpu.memory_space<hbm>>
    tpu.enqueue_dma source(%dma_start3A_2782 : memref<64x128xf32, #tpu.memory_space<hbm>>) target(%dma_start3A_2780 : memref<64x128xf32, #tpu.memory_space<vmem>>) target_semaphore(%arg8 : memref<!tpu.dma_semaphore, #tpu.memory_space<semaphore_mem>>)
    %get3A_2783 = arith.constant 16 : index
    %get3A_2784 = tpu.vector_load %arg5[%get3A_2783] {strides = array<i32>} : memref<32xi32, #tpu.memory_space<vmem>>, vector<16xi32>,
    %eq3A_2785 = arith.constant 10 : i32
    %eq3A_2786 = vector.broadcast %eq3A_2785 : i32 to vector<16xi32>
    %eq3A_2787 = arith.cmpi eq, %iota3A, %eq3A_2786 : vector<16xi32>
    %jit3A_2788 = arith.constant 0 : i32
    %broadcast_in_dim3A_2789 = vector.broadcast %jit3A_2788 : i32 to vector<16xi32>
    %select_n3A_2790 = arith.select %eq3A_2787, %get3A_2784, %broadcast_in_dim3A_2789 : vector<16xi1>, vector<16xi32>
    %reduce_max3A_2791 = arith.constant true
    %reduce_max3A_2792 = vector.broadcast %reduce_max3A_2791 : i1 to vector<16xi1>
    %reduce_max3A_2793 = arith.constant -2147483648 : i32
    %reduce_max3A_2794 = vector.broadcast %reduce_max3A_2793 : i32 to vector<16xi32>
    %reduce_max3A_2795 = arith.xori %select_n3A_2790, %reduce_max3A_2794 : vector<16xi32>
    %reduce_max3A_2796 = tpu.scan <max>, %reduce_max3A_2795 masked %reduce_max3A_2792 : vector<16xi32>, vector<16xi1> -> vector<16xi32>
    %reduce_max3A_2797 = arith.xori %reduce_max3A_2796, %reduce_max3A_2794 : vector<16xi32>
    %reduce_max3A_2798 = vector.extract %reduce_max3A_2797[15] : i32 from vector<16xi32>
    %jit3A_2799 = arith.constant 128 : i32
    %div3A_2800 = arith.divsi %reduce_max3A_2798, %jit3A_2799 : i32
    %sign3A_2801 = arith.constant 0 : i32
    %sign3A_2802 = arith.cmpi sgt, %reduce_max3A_2798, %sign3A_2801 : i32
    %sign3A_2803 = arith.extui %sign3A_2802 : i1 to i32
    %sign3A_2804 = arith.constant 0 : i32
    %sign3A_2805 = arith.cmpi slt, %reduce_max3A_2798, %sign3A_2804 : i32
    %sign3A_2806 = arith.extui %sign3A_2805 : i1 to i32
    %sign3A_2807 = arith.subi %sign3A_2803, %sign3A_2806 : i32
    %sign3A_2808 = arith.constant 0 : i32
    %sign3A_2809 = arith.cmpi sgt, %jit3A_2799, %sign3A_2808 : i32
    %sign3A_2810 = arith.extui %sign3A_2809 : i1 to i32
    %sign3A_2811 = arith.constant 0 : i32
    %sign3A_2812 = arith.cmpi slt, %jit3A_2799, %sign3A_2811 : i32
    %sign3A_2813 = arith.extui %sign3A_2812 : i1 to i32
    %sign3A_2814 = arith.subi %sign3A_2810, %sign3A_2813 : i32
    %ne3A_2815 = arith.cmpi ne, %sign3A_2807, %sign3A_2814 : i32
    %rem3A_2816 = arith.remsi %reduce_max3A_2798, %jit3A_2799 : i32
    %ne3A_2817 = arith.constant 0 : i32
    %ne3A_2818 = arith.cmpi ne, %rem3A_2816, %ne3A_2817 : i32
    %and3A_2819 = arith.andi %ne3A_2815, %ne3A_2818 : i1
    %sub3A_2820 = arith.constant 1 : i32
    %sub3A_2821 = arith.subi %div3A_2800, %sub3A_2820 : i32
    %select_n3A_2822 = arith.select %and3A_2819, %sub3A_2821, %div3A_2800 : i32
    %mul3A_2823 = arith.constant 128 : i32
    %mul3A_2824 = arith.muli %select_n3A_2822, %mul3A_2823 : i32
    %dma_start3A_2825 = arith.constant 0 : i32
    %dma_start3A_2826 = arith.constant 2 : i32
    %dma_start3A_2827 = arith.constant 0 : i32
    %dma_start3A_2828 = arith.constant 0 : i32
    %dma_start3A_2829 = tpu.memref_slice %arg6[%dma_start3A_2825, %dma_start3A_2826, %dma_start3A_2827, %dma_start3A_2828] : memref<2x4x64x128xf32, #tpu.memory_space<vmem>> -> memref<1x1x64x128xf32, #tpu.memory_space<vmem>>
    %dma_start3A_2830 = tpu.memref_squeeze %dma_start3A_2829 : memref<1x1x64x128xf32, #tpu.memory_space<vmem>> -> memref<64x128xf32, #tpu.memory_space<vmem>>
    %dma_start3A_2831 = arith.constant 0 : i32
    %dma_start3A_2832 = tpu.memref_slice %arg3[%dma_start3A_2831, %mul3A_2824] : memref<64x1000000xf32, #tpu.memory_space<hbm>> -> memref<64x128xf32, #tpu.memory_space<hbm>>
    %dma_start3A_2833 = arith.constant 0 : i32
    %dma_start3A_2834 = arith.constant 0 : i32
    %dma_start3A_2835 = tpu.memref_slice %arg6[%dma_start3A_2825, %dma_start3A_2826, %dma_start3A_2833, %dma_start3A_2834] : memref<2x4x64x128xf32, #tpu.memory_space<vmem>> -> memref<1x1x64x128xf32, #tpu.memory_space<vmem>>
    %dma_start3A_2836 = tpu.memref_squeeze %dma_start3A_2835 : memref<1x1x64x128xf32, #tpu.memory_space<vmem>> -> memref<64x128xf32, #tpu.memory_space<vmem>>
    %dma_start3A_2837 = arith.constant 0 : i32
    %dma_start3A_2838 = tpu.memref_slice %arg3[%dma_start3A_2837, %mul3A_2824] : memref<64x1000000xf32, #tpu.memory_space<hbm>> -> memref<64x128xf32, #tpu.memory_space<hbm>>
    tpu.enqueue_dma source(%dma_start3A_2838 : memref<64x128xf32, #tpu.memory_space<hbm>>) target(%dma_start3A_2836 : memref<64x128xf32, #tpu.memory_space<vmem>>) target_semaphore(%arg8 : memref<!tpu.dma_semaphore, #tpu.memory_space<semaphore_mem>>)
    %get3A_2839 = arith.constant 16 : index
    %get3A_2840 = tpu.vector_load %arg5[%get3A_2839] {strides = array<i32>} : memref<32xi32, #tpu.memory_space<vmem>>, vector<16xi32>,
    %eq3A_2841 = arith.constant 11 : i32
    %eq3A_2842 = vector.broadcast %eq3A_2841 : i32 to vector<16xi32>
    %eq3A_2843 = arith.cmpi eq, %iota3A, %eq3A_2842 : vector<16xi32>
    %jit3A_2844 = arith.constant 0 : i32
    %broadcast_in_dim3A_2845 = vector.broadcast %jit3A_2844 : i32 to vector<16xi32>
    %select_n3A_2846 = arith.select %eq3A_2843, %get3A_2840, %broadcast_in_dim3A_2845 : vector<16xi1>, vector<16xi32>
    %reduce_max3A_2847 = arith.constant true
    %reduce_max3A_2848 = vector.broadcast %reduce_max3A_2847 : i1 to vector<16xi1>
    %reduce_max3A_2849 = arith.constant -2147483648 : i32
    %reduce_max3A_2850 = vector.broadcast %reduce_max3A_2849 : i32 to vector<16xi32>
    %reduce_max3A_2851 = arith.xori %select_n3A_2846, %reduce_max3A_2850 : vector<16xi32>
    %reduce_max3A_2852 = tpu.scan <max>, %reduce_max3A_2851 masked %reduce_max3A_2848 : vector<16xi32>, vector<16xi1> -> vector<16xi32>
    %reduce_max3A_2853 = arith.xori %reduce_max3A_2852, %reduce_max3A_2850 : vector<16xi32>
    %reduce_max3A_2854 = vector.extract %reduce_max3A_2853[15] : i32 from vector<16xi32>
    %jit3A_2855 = arith.constant 128 : i32
    %div3A_2856 = arith.divsi %reduce_max3A_2854, %jit3A_2855 : i32
    %sign3A_2857 = arith.constant 0 : i32
    %sign3A_2858 = arith.cmpi sgt, %reduce_max3A_2854, %sign3A_2857 : i32
    %sign3A_2859 = arith.extui %sign3A_2858 : i1 to i32
    %sign3A_2860 = arith.constant 0 : i32
    %sign3A_2861 = arith.cmpi slt, %reduce_max3A_2854, %sign3A_2860 : i32
    %sign3A_2862 = arith.extui %sign3A_2861 : i1 to i32
    %sign3A_2863 = arith.subi %sign3A_2859, %sign3A_2862 : i32
    %sign3A_2864 = arith.constant 0 : i32
    %sign3A_2865 = arith.cmpi sgt, %jit3A_2855, %sign3A_2864 : i32
    %sign3A_2866 = arith.extui %sign3A_2865 : i1 to i32
    %sign3A_2867 = arith.constant 0 : i32
    %sign3A_2868 = arith.cmpi slt, %jit3A_2855, %sign3A_2867 : i32
    %sign3A_2869 = arith.extui %sign3A_2868 : i1 to i32
    %sign3A_2870 = arith.subi %sign3A_2866, %sign3A_2869 : i32
    %ne3A_2871 = arith.cmpi ne, %sign3A_2863, %sign3A_2870 : i32
    %rem3A_2872 = arith.remsi %reduce_max3A_2854, %jit3A_2855 : i32
    %ne3A_2873 = arith.constant 0 : i32
    %ne3A_2874 = arith.cmpi ne, %rem3A_2872, %ne3A_2873 : i32
    %and3A_2875 = arith.andi %ne3A_2871, %ne3A_2874 : i1
    %sub3A_2876 = arith.constant 1 : i32
    %sub3A_2877 = arith.subi %div3A_2856, %sub3A_2876 : i32
    %select_n3A_2878 = arith.select %and3A_2875, %sub3A_2877, %div3A_2856 : i32
    %mul3A_2879 = arith.constant 128 : i32
    %mul3A_2880 = arith.muli %select_n3A_2878, %mul3A_2879 : i32
    %dma_start3A_2881 = arith.constant 0 : i32
    %dma_start3A_2882 = arith.constant 3 : i32
    %dma_start3A_2883 = arith.constant 0 : i32
    %dma_start3A_2884 = arith.constant 0 : i32
    %dma_start3A_2885 = tpu.memref_slice %arg6[%dma_start3A_2881, %dma_start3A_2882, %dma_start3A_2883, %dma_start3A_2884] : memref<2x4x64x128xf32, #tpu.memory_space<vmem>> -> memref<1x1x64x128xf32, #tpu.memory_space<vmem>>
    %dma_start3A_2886 = tpu.memref_squeeze %dma_start3A_2885 : memref<1x1x64x128xf32, #tpu.memory_space<vmem>> -> memref<64x128xf32, #tpu.memory_space<vmem>>
    %dma_start3A_2887 = arith.constant 0 : i32
    %dma_start3A_2888 = tpu.memref_slice %arg3[%dma_start3A_2887, %mul3A_2880] : memref<64x1000000xf32, #tpu.memory_space<hbm>> -> memref<64x128xf32, #tpu.memory_space<hbm>>
    %dma_start3A_2889 = arith.constant 0 : i32
    %dma_start3A_2890 = arith.constant 0 : i32
    %dma_start3A_2891 = tpu.memref_slice %arg6[%dma_start3A_2881, %dma_start3A_2882, %dma_start3A_2889, %dma_start3A_2890] : memref<2x4x64x128xf32, #tpu.memory_space<vmem>> -> memref<1x1x64x128xf32, #tpu.memory_space<vmem>>
    %dma_start3A_2892 = tpu.memref_squeeze %dma_start3A_2891 : memref<1x1x64x128xf32, #tpu.memory_space<vmem>> -> memref<64x128xf32, #tpu.memory_space<vmem>>
    %dma_start3A_2893 = arith.constant 0 : i32
    %dma_start3A_2894 = tpu.memref_slice %arg3[%dma_start3A_2893, %mul3A_2880] : memref<64x1000000xf32, #tpu.memory_space<hbm>> -> memref<64x128xf32, #tpu.memory_space<hbm>>
    tpu.enqueue_dma source(%dma_start3A_2894 : memref<64x128xf32, #tpu.memory_space<hbm>>) target(%dma_start3A_2892 : memref<64x128xf32, #tpu.memory_space<vmem>>) target_semaphore(%arg8 : memref<!tpu.dma_semaphore, #tpu.memory_space<semaphore_mem>>)
    %dma_wait3A_2895 = arith.constant 1 : i32
    %dma_wait3A_2896 = arith.constant 0 : i32
    %dma_wait3A_2897 = arith.constant 0 : i32
    %dma_wait3A_2898 = arith.constant 0 : i32
    %dma_wait3A_2899 = tpu.memref_slice %arg6[%dma_wait3A_2895, %dma_wait3A_2896, %dma_wait3A_2897, %dma_wait3A_2898] : memref<2x4x64x128xf32, #tpu.memory_space<vmem>> -> memref<1x1x64x128xf32, #tpu.memory_space<vmem>>
    %dma_wait3A_2900 = tpu.memref_squeeze %dma_wait3A_2899 : memref<1x1x64x128xf32, #tpu.memory_space<vmem>> -> memref<64x128xf32, #tpu.memory_space<vmem>>
    %dma_wait3A_2901 = arith.constant 0 : i32
    %dma_wait3A_2902 = tpu.memref_slice %arg3[%dma_wait3A_2901, %mul3A_2220] : memref<64x1000000xf32, #tpu.memory_space<hbm>> -> memref<64x128xf32, #tpu.memory_space<hbm>>
    %dma_wait3A_2903 = arith.constant 0 : i32
    %dma_wait3A_2904 = arith.constant 0 : i32
    %dma_wait3A_2905 = tpu.memref_slice %arg6[%dma_wait3A_2895, %dma_wait3A_2896, %dma_wait3A_2903, %dma_wait3A_2904] : memref<2x4x64x128xf32, #tpu.memory_space<vmem>> -> memref<1x1x64x128xf32, #tpu.memory_space<vmem>>
    %dma_wait3A_2906 = tpu.memref_squeeze %dma_wait3A_2905 : memref<1x1x64x128xf32, #tpu.memory_space<vmem>> -> memref<64x128xf32, #tpu.memory_space<vmem>>
    %dma_wait3A_2907 = arith.constant 0 : i32
    %dma_wait3A_2908 = tpu.memref_slice %arg3[%dma_wait3A_2907, %mul3A_2220] : memref<64x1000000xf32, #tpu.memory_space<hbm>> -> memref<64x128xf32, #tpu.memory_space<hbm>>
    tpu.wait_dma2 semaphore(%arg8 : memref<!tpu.dma_semaphore, #tpu.memory_space<semaphore_mem>>) src(%dma_wait3A_2908 : memref<64x128xf32, #tpu.memory_space<hbm>>) dst(%dma_wait3A_2906 : memref<64x128xf32, #tpu.memory_space<vmem>>)
    %dma_wait3A_2909 = arith.constant 1 : i32
    %dma_wait3A_2910 = arith.constant 1 : i32
    %dma_wait3A_2911 = arith.constant 0 : i32
    %dma_wait3A_2912 = arith.constant 0 : i32
    %dma_wait3A_2913 = tpu.memref_slice %arg6[%dma_wait3A_2909, %dma_wait3A_2910, %dma_wait3A_2911, %dma_wait3A_2912] : memref<2x4x64x128xf32, #tpu.memory_space<vmem>> -> memref<1x1x64x128xf32, #tpu.memory_space<vmem>>
    %dma_wait3A_2914 = tpu.memref_squeeze %dma_wait3A_2913 : memref<1x1x64x128xf32, #tpu.memory_space<vmem>> -> memref<64x128xf32, #tpu.memory_space<vmem>>
    %dma_wait3A_2915 = arith.constant 0 : i32
    %dma_wait3A_2916 = tpu.memref_slice %arg3[%dma_wait3A_2915, %mul3A_2276] : memref<64x1000000xf32, #tpu.memory_space<hbm>> -> memref<64x128xf32, #tpu.memory_space<hbm>>
    %dma_wait3A_2917 = arith.constant 0 : i32
    %dma_wait3A_2918 = arith.constant 0 : i32
    %dma_wait3A_2919 = tpu.memref_slice %arg6[%dma_wait3A_2909, %dma_wait3A_2910, %dma_wait3A_2917, %dma_wait3A_2918] : memref<2x4x64x128xf32, #tpu.memory_space<vmem>> -> memref<1x1x64x128xf32, #tpu.memory_space<vmem>>
    %dma_wait3A_2920 = tpu.memref_squeeze %dma_wait3A_2919 : memref<1x1x64x128xf32, #tpu.memory_space<vmem>> -> memref<64x128xf32, #tpu.memory_space<vmem>>
    %dma_wait3A_2921 = arith.constant 0 : i32
    %dma_wait3A_2922 = tpu.memref_slice %arg3[%dma_wait3A_2921, %mul3A_2276] : memref<64x1000000xf32, #tpu.memory_space<hbm>> -> memref<64x128xf32, #tpu.memory_space<hbm>>
    tpu.wait_dma2 semaphore(%arg8 : memref<!tpu.dma_semaphore, #tpu.memory_space<semaphore_mem>>) src(%dma_wait3A_2922 : memref<64x128xf32, #tpu.memory_space<hbm>>) dst(%dma_wait3A_2920 : memref<64x128xf32, #tpu.memory_space<vmem>>)
    %dma_wait3A_2923 = arith.constant 1 : i32
    %dma_wait3A_2924 = arith.constant 2 : i32
    %dma_wait3A_2925 = arith.constant 0 : i32
    %dma_wait3A_2926 = arith.constant 0 : i32
    %dma_wait3A_2927 = tpu.memref_slice %arg6[%dma_wait3A_2923, %dma_wait3A_2924, %dma_wait3A_2925, %dma_wait3A_2926] : memref<2x4x64x128xf32, #tpu.memory_space<vmem>> -> memref<1x1x64x128xf32, #tpu.memory_space<vmem>>
    %dma_wait3A_2928 = tpu.memref_squeeze %dma_wait3A_2927 : memref<1x1x64x128xf32, #tpu.memory_space<vmem>> -> memref<64x128xf32, #tpu.memory_space<vmem>>
    %dma_wait3A_2929 = arith.constant 0 : i32
    %dma_wait3A_2930 = tpu.memref_slice %arg3[%dma_wait3A_2929, %mul3A_2332] : memref<64x1000000xf32, #tpu.memory_space<hbm>> -> memref<64x128xf32, #tpu.memory_space<hbm>>
    %dma_wait3A_2931 = arith.constant 0 : i32
    %dma_wait3A_2932 = arith.constant 0 : i32
    %dma_wait3A_2933 = tpu.memref_slice %arg6[%dma_wait3A_2923, %dma_wait3A_2924, %dma_wait3A_2931, %dma_wait3A_2932] : memref<2x4x64x128xf32, #tpu.memory_space<vmem>> -> memref<1x1x64x128xf32, #tpu.memory_space<vmem>>
    %dma_wait3A_2934 = tpu.memref_squeeze %dma_wait3A_2933 : memref<1x1x64x128xf32, #tpu.memory_space<vmem>> -> memref<64x128xf32, #tpu.memory_space<vmem>>
    %dma_wait3A_2935 = arith.constant 0 : i32
    %dma_wait3A_2936 = tpu.memref_slice %arg3[%dma_wait3A_2935, %mul3A_2332] : memref<64x1000000xf32, #tpu.memory_space<hbm>> -> memref<64x128xf32, #tpu.memory_space<hbm>>
    tpu.wait_dma2 semaphore(%arg8 : memref<!tpu.dma_semaphore, #tpu.memory_space<semaphore_mem>>) src(%dma_wait3A_2936 : memref<64x128xf32, #tpu.memory_space<hbm>>) dst(%dma_wait3A_2934 : memref<64x128xf32, #tpu.memory_space<vmem>>)
    %dma_wait3A_2937 = arith.constant 1 : i32
    %dma_wait3A_2938 = arith.constant 3 : i32
    %dma_wait3A_2939 = arith.constant 0 : i32
    %dma_wait3A_2940 = arith.constant 0 : i32
    %dma_wait3A_2941 = tpu.memref_slice %arg6[%dma_wait3A_2937, %dma_wait3A_2938, %dma_wait3A_2939, %dma_wait3A_2940] : memref<2x4x64x128xf32, #tpu.memory_space<vmem>> -> memref<1x1x64x128xf32, #tpu.memory_space<vmem>>
    %dma_wait3A_2942 = tpu.memref_squeeze %dma_wait3A_2941 : memref<1x1x64x128xf32, #tpu.memory_space<vmem>> -> memref<64x128xf32, #tpu.memory_space<vmem>>
    %dma_wait3A_2943 = arith.constant 0 : i32
    %dma_wait3A_2944 = tpu.memref_slice %arg3[%dma_wait3A_2943, %mul3A_2388] : memref<64x1000000xf32, #tpu.memory_space<hbm>> -> memref<64x128xf32, #tpu.memory_space<hbm>>
    %dma_wait3A_2945 = arith.constant 0 : i32
    %dma_wait3A_2946 = arith.constant 0 : i32
    %dma_wait3A_2947 = tpu.memref_slice %arg6[%dma_wait3A_2937, %dma_wait3A_2938, %dma_wait3A_2945, %dma_wait3A_2946] : memref<2x4x64x128xf32, #tpu.memory_space<vmem>> -> memref<1x1x64x128xf32, #tpu.memory_space<vmem>>
    %dma_wait3A_2948 = tpu.memref_squeeze %dma_wait3A_2947 : memref<1x1x64x128xf32, #tpu.memory_space<vmem>> -> memref<64x128xf32, #tpu.memory_space<vmem>>
    %dma_wait3A_2949 = arith.constant 0 : i32
    %dma_wait3A_2950 = tpu.memref_slice %arg3[%dma_wait3A_2949, %mul3A_2388] : memref<64x1000000xf32, #tpu.memory_space<hbm>> -> memref<64x128xf32, #tpu.memory_space<hbm>>
    tpu.wait_dma2 semaphore(%arg8 : memref<!tpu.dma_semaphore, #tpu.memory_space<semaphore_mem>>) src(%dma_wait3A_2950 : memref<64x128xf32, #tpu.memory_space<hbm>>) dst(%dma_wait3A_2948 : memref<64x128xf32, #tpu.memory_space<vmem>>)
    %broadcast_in_dim3A_2951 = arith.constant 1 : i32
    %broadcast_in_dim3A_2952 = vector.broadcast %broadcast_in_dim3A_2951 : i32 to vector<16xi32>
    %broadcast_in_dim3A_2953 = arith.constant 0 : i32
    %broadcast_in_dim3A_2954 = vector.broadcast %broadcast_in_dim3A_2953 : i32 to vector<16xi32>
    %jit3A_2955 = arith.constant 128 : i32
    %eq3A_2956 = arith.constant 0 : i32
    %eq3A_2957 = arith.cmpi eq, %jit3A_2955, %eq3A_2956 : i32
    %jit3A_2958 = arith.constant 1 : i32
    %select_n3A_2959 = arith.select %eq3A_2957, %jit3A_2958, %jit3A_2955 : i32
    %rem3A_2960 = arith.remsi %reduce_max3A_2194, %select_n3A_2959 : i32
    %ne3A_2961 = arith.constant 0 : i32
    %ne3A_2962 = arith.cmpi ne, %rem3A_2960, %ne3A_2961 : i32
    %lt3A_2963 = arith.constant 0 : i32
    %lt3A_2964 = arith.cmpi slt, %rem3A_2960, %lt3A_2963 : i32
    %lt3A_2965 = arith.constant 0 : i32
    %lt3A_2966 = arith.cmpi slt, %select_n3A_2959, %lt3A_2965 : i32
    %ne3A_2967 = arith.xori %lt3A_2964, %lt3A_2966 : i1
    %and3A_2968 = arith.andi %ne3A_2967, %ne3A_2962 : i1
    %add3A_2969 = arith.addi %rem3A_2960, %select_n3A_2959 : i32
    %select_n3A_2970 = arith.select %and3A_2968, %add3A_2969, %rem3A_2960 : i32
    %broadcast_in_dim3A_2971 = vector.broadcast %select_n3A_2970 : i32 to vector<16xi32>
    %add3A_2972 = arith.constant 0 : i32
    %add3A_2973 = vector.broadcast %add3A_2972 : i32 to vector<16xi32>
    %add3A_2974 = arith.addi %iota3A_3, %add3A_2973 : vector<16xi32>
    %gather3A_2975 = tpu.vector_load_idx %arg6[%broadcast_in_dim3A_2952, %broadcast_in_dim3A_2954, %add3A_2974, %broadcast_in_dim3A_2971] : memref<2x4x64x128xf32, #tpu.memory_space<vmem>>[vector<16xi32>, vector<16xi32>, vector<16xi32>, vector<16xi32>], vector<16xf32>,
    %swap3A_2976 = arith.constant 20 : i32
    %swap3A_2977 = arith.index_cast %swap3A_2976 : i32 to index
    %swap3A_2978 = arith.constant 0 : index
    %swap3A_2979 = tpu.vector_load %arg7[%swap3A_2977, %swap3A_2978] {strides = array<i32>} : memref<32x64xf32, #tpu.memory_space<vmem>>, vector<16xf32>,
    tpu.vector_store %arg7[%swap3A_2977, %swap3A_2978], %gather3A_2975 {strides = array<i32>} : memref<32x64xf32, #tpu.memory_space<vmem>>, vector<16xf32>,
    %add3A_2980 = arith.constant 16 : i32
    %add3A_2981 = vector.broadcast %add3A_2980 : i32 to vector<16xi32>
    %add3A_2982 = arith.addi %iota3A_3, %add3A_2981 : vector<16xi32>
    %gather3A_2983 = tpu.vector_load_idx %arg6[%broadcast_in_dim3A_2952, %broadcast_in_dim3A_2954, %add3A_2982, %broadcast_in_dim3A_2971] : memref<2x4x64x128xf32, #tpu.memory_space<vmem>>[vector<16xi32>, vector<16xi32>, vector<16xi32>, vector<16xi32>], vector<16xf32>,
    %swap3A_2984 = arith.constant 20 : i32
    %swap3A_2985 = arith.index_cast %swap3A_2984 : i32 to index
    %swap3A_2986 = arith.constant 16 : index
    %swap3A_2987 = tpu.vector_load %arg7[%swap3A_2985, %swap3A_2986] {strides = array<i32>} : memref<32x64xf32, #tpu.memory_space<vmem>>, vector<16xf32>,
    tpu.vector_store %arg7[%swap3A_2985, %swap3A_2986], %gather3A_2983 {strides = array<i32>} : memref<32x64xf32, #tpu.memory_space<vmem>>, vector<16xf32>,
    %add3A_2988 = arith.constant 32 : i32
    %add3A_2989 = vector.broadcast %add3A_2988 : i32 to vector<16xi32>
    %add3A_2990 = arith.addi %iota3A_3, %add3A_2989 : vector<16xi32>
    %gather3A_2991 = tpu.vector_load_idx %arg6[%broadcast_in_dim3A_2952, %broadcast_in_dim3A_2954, %add3A_2990, %broadcast_in_dim3A_2971] : memref<2x4x64x128xf32, #tpu.memory_space<vmem>>[vector<16xi32>, vector<16xi32>, vector<16xi32>, vector<16xi32>], vector<16xf32>,
    %swap3A_2992 = arith.constant 20 : i32
    %swap3A_2993 = arith.index_cast %swap3A_2992 : i32 to index
    %swap3A_2994 = arith.constant 32 : index
    %swap3A_2995 = tpu.vector_load %arg7[%swap3A_2993, %swap3A_2994] {strides = array<i32>} : memref<32x64xf32, #tpu.memory_space<vmem>>, vector<16xf32>,
    tpu.vector_store %arg7[%swap3A_2993, %swap3A_2994], %gather3A_2991 {strides = array<i32>} : memref<32x64xf32, #tpu.memory_space<vmem>>, vector<16xf32>,
    %add3A_2996 = arith.constant 48 : i32
    %add3A_2997 = vector.broadcast %add3A_2996 : i32 to vector<16xi32>
    %add3A_2998 = arith.addi %iota3A_3, %add3A_2997 : vector<16xi32>
    %gather3A_2999 = tpu.vector_load_idx %arg6[%broadcast_in_dim3A_2952, %broadcast_in_dim3A_2954, %add3A_2998, %broadcast_in_dim3A_2971] : memref<2x4x64x128xf32, #tpu.memory_space<vmem>>[vector<16xi32>, vector<16xi32>, vector<16xi32>, vector<16xi32>], vector<16xf32>,
    %swap3A_3000 = arith.constant 20 : i32
    %swap3A_3001 = arith.index_cast %swap3A_3000 : i32 to index
    %swap3A_3002 = arith.constant 48 : index
    %swap3A_3003 = tpu.vector_load %arg7[%swap3A_3001, %swap3A_3002] {strides = array<i32>} : memref<32x64xf32, #tpu.memory_space<vmem>>, vector<16xf32>,
    tpu.vector_store %arg7[%swap3A_3001, %swap3A_3002], %gather3A_2999 {strides = array<i32>} : memref<32x64xf32, #tpu.memory_space<vmem>>, vector<16xf32>,
    %broadcast_in_dim3A_3004 = arith.constant 1 : i32
    %broadcast_in_dim3A_3005 = vector.broadcast %broadcast_in_dim3A_3004 : i32 to vector<16xi32>
    %broadcast_in_dim3A_3006 = arith.constant 1 : i32
    %broadcast_in_dim3A_3007 = vector.broadcast %broadcast_in_dim3A_3006 : i32 to vector<16xi32>
    %jit3A_3008 = arith.constant 128 : i32
    %eq3A_3009 = arith.constant 0 : i32
    %eq3A_3010 = arith.cmpi eq, %jit3A_3008, %eq3A_3009 : i32
    %jit3A_3011 = arith.constant 1 : i32
    %select_n3A_3012 = arith.select %eq3A_3010, %jit3A_3011, %jit3A_3008 : i32
    %rem3A_3013 = arith.remsi %reduce_max3A_2250, %select_n3A_3012 : i32
    %ne3A_3014 = arith.constant 0 : i32
    %ne3A_3015 = arith.cmpi ne, %rem3A_3013, %ne3A_3014 : i32
    %lt3A_3016 = arith.constant 0 : i32
    %lt3A_3017 = arith.cmpi slt, %rem3A_3013, %lt3A_3016 : i32
    %lt3A_3018 = arith.constant 0 : i32
    %lt3A_3019 = arith.cmpi slt, %select_n3A_3012, %lt3A_3018 : i32
    %ne3A_3020 = arith.xori %lt3A_3017, %lt3A_3019 : i1
    %and3A_3021 = arith.andi %ne3A_3020, %ne3A_3015 : i1
    %add3A_3022 = arith.addi %rem3A_3013, %select_n3A_3012 : i32
    %select_n3A_3023 = arith.select %and3A_3021, %add3A_3022, %rem3A_3013 : i32
    %broadcast_in_dim3A_3024 = vector.broadcast %select_n3A_3023 : i32 to vector<16xi32>
    %add3A_3025 = arith.constant 0 : i32
    %add3A_3026 = vector.broadcast %add3A_3025 : i32 to vector<16xi32>
    %add3A_3027 = arith.addi %iota3A_3, %add3A_3026 : vector<16xi32>
    %gather3A_3028 = tpu.vector_load_idx %arg6[%broadcast_in_dim3A_3005, %broadcast_in_dim3A_3007, %add3A_3027, %broadcast_in_dim3A_3024] : memref<2x4x64x128xf32, #tpu.memory_space<vmem>>[vector<16xi32>, vector<16xi32>, vector<16xi32>, vector<16xi32>], vector<16xf32>,
    %swap3A_3029 = arith.constant 21 : i32
    %swap3A_3030 = arith.index_cast %swap3A_3029 : i32 to index
    %swap3A_3031 = arith.constant 0 : index
    %swap3A_3032 = tpu.vector_load %arg7[%swap3A_3030, %swap3A_3031] {strides = array<i32>} : memref<32x64xf32, #tpu.memory_space<vmem>>, vector<16xf32>,
    tpu.vector_store %arg7[%swap3A_3030, %swap3A_3031], %gather3A_3028 {strides = array<i32>} : memref<32x64xf32, #tpu.memory_space<vmem>>, vector<16xf32>,
    %add3A_3033 = arith.constant 16 : i32
    %add3A_3034 = vector.broadcast %add3A_3033 : i32 to vector<16xi32>
    %add3A_3035 = arith.addi %iota3A_3, %add3A_3034 : vector<16xi32>
    %gather3A_3036 = tpu.vector_load_idx %arg6[%broadcast_in_dim3A_3005, %broadcast_in_dim3A_3007, %add3A_3035, %broadcast_in_dim3A_3024] : memref<2x4x64x128xf32, #tpu.memory_space<vmem>>[vector<16xi32>, vector<16xi32>, vector<16xi32>, vector<16xi32>], vector<16xf32>,
    %swap3A_3037 = arith.constant 21 : i32
    %swap3A_3038 = arith.index_cast %swap3A_3037 : i32 to index
    %swap3A_3039 = arith.constant 16 : index
    %swap3A_3040 = tpu.vector_load %arg7[%swap3A_3038, %swap3A_3039] {strides = array<i32>} : memref<32x64xf32, #tpu.memory_space<vmem>>, vector<16xf32>,
    tpu.vector_store %arg7[%swap3A_3038, %swap3A_3039], %gather3A_3036 {strides = array<i32>} : memref<32x64xf32, #tpu.memory_space<vmem>>, vector<16xf32>,
    %add3A_3041 = arith.constant 32 : i32
    %add3A_3042 = vector.broadcast %add3A_3041 : i32 to vector<16xi32>
    %add3A_3043 = arith.addi %iota3A_3, %add3A_3042 : vector<16xi32>
    %gather3A_3044 = tpu.vector_load_idx %arg6[%broadcast_in_dim3A_3005, %broadcast_in_dim3A_3007, %add3A_3043, %broadcast_in_dim3A_3024] : memref<2x4x64x128xf32, #tpu.memory_space<vmem>>[vector<16xi32>, vector<16xi32>, vector<16xi32>, vector<16xi32>], vector<16xf32>,
    %swap3A_3045 = arith.constant 21 : i32
    %swap3A_3046 = arith.index_cast %swap3A_3045 : i32 to index
    %swap3A_3047 = arith.constant 32 : index
    %swap3A_3048 = tpu.vector_load %arg7[%swap3A_3046, %swap3A_3047] {strides = array<i32>} : memref<32x64xf32, #tpu.memory_space<vmem>>, vector<16xf32>,
    tpu.vector_store %arg7[%swap3A_3046, %swap3A_3047], %gather3A_3044 {strides = array<i32>} : memref<32x64xf32, #tpu.memory_space<vmem>>, vector<16xf32>,
    %add3A_3049 = arith.constant 48 : i32
    %add3A_3050 = vector.broadcast %add3A_3049 : i32 to vector<16xi32>
    %add3A_3051 = arith.addi %iota3A_3, %add3A_3050 : vector<16xi32>
    %gather3A_3052 = tpu.vector_load_idx %arg6[%broadcast_in_dim3A_3005, %broadcast_in_dim3A_3007, %add3A_3051, %broadcast_in_dim3A_3024] : memref<2x4x64x128xf32, #tpu.memory_space<vmem>>[vector<16xi32>, vector<16xi32>, vector<16xi32>, vector<16xi32>], vector<16xf32>,
    %swap3A_3053 = arith.constant 21 : i32
    %swap3A_3054 = arith.index_cast %swap3A_3053 : i32 to index
    %swap3A_3055 = arith.constant 48 : index
    %swap3A_3056 = tpu.vector_load %arg7[%swap3A_3054, %swap3A_3055] {strides = array<i32>} : memref<32x64xf32, #tpu.memory_space<vmem>>, vector<16xf32>,
    tpu.vector_store %arg7[%swap3A_3054, %swap3A_3055], %gather3A_3052 {strides = array<i32>} : memref<32x64xf32, #tpu.memory_space<vmem>>, vector<16xf32>,
    %broadcast_in_dim3A_3057 = arith.constant 1 : i32
    %broadcast_in_dim3A_3058 = vector.broadcast %broadcast_in_dim3A_3057 : i32 to vector<16xi32>
    %broadcast_in_dim3A_3059 = arith.constant 2 : i32
    %broadcast_in_dim3A_3060 = vector.broadcast %broadcast_in_dim3A_3059 : i32 to vector<16xi32>
    %jit3A_3061 = arith.constant 128 : i32
    %eq3A_3062 = arith.constant 0 : i32
    %eq3A_3063 = arith.cmpi eq, %jit3A_3061, %eq3A_3062 : i32
    %jit3A_3064 = arith.constant 1 : i32
    %select_n3A_3065 = arith.select %eq3A_3063, %jit3A_3064, %jit3A_3061 : i32
    %rem3A_3066 = arith.remsi %reduce_max3A_2306, %select_n3A_3065 : i32
    %ne3A_3067 = arith.constant 0 : i32
    %ne3A_3068 = arith.cmpi ne, %rem3A_3066, %ne3A_3067 : i32
    %lt3A_3069 = arith.constant 0 : i32
    %lt3A_3070 = arith.cmpi slt, %rem3A_3066, %lt3A_3069 : i32
    %lt3A_3071 = arith.constant 0 : i32
    %lt3A_3072 = arith.cmpi slt, %select_n3A_3065, %lt3A_3071 : i32
    %ne3A_3073 = arith.xori %lt3A_3070, %lt3A_3072 : i1
    %and3A_3074 = arith.andi %ne3A_3073, %ne3A_3068 : i1
    %add3A_3075 = arith.addi %rem3A_3066, %select_n3A_3065 : i32
    %select_n3A_3076 = arith.select %and3A_3074, %add3A_3075, %rem3A_3066 : i32
    %broadcast_in_dim3A_3077 = vector.broadcast %select_n3A_3076 : i32 to vector<16xi32>
    %add3A_3078 = arith.constant 0 : i32
    %add3A_3079 = vector.broadcast %add3A_3078 : i32 to vector<16xi32>
    %add3A_3080 = arith.addi %iota3A_3, %add3A_3079 : vector<16xi32>
    %gather3A_3081 = tpu.vector_load_idx %arg6[%broadcast_in_dim3A_3058, %broadcast_in_dim3A_3060, %add3A_3080, %broadcast_in_dim3A_3077] : memref<2x4x64x128xf32, #tpu.memory_space<vmem>>[vector<16xi32>, vector<16xi32>, vector<16xi32>, vector<16xi32>], vector<16xf32>,
    %swap3A_3082 = arith.constant 22 : i32
    %swap3A_3083 = arith.index_cast %swap3A_3082 : i32 to index
    %swap3A_3084 = arith.constant 0 : index
    %swap3A_3085 = tpu.vector_load %arg7[%swap3A_3083, %swap3A_3084] {strides = array<i32>} : memref<32x64xf32, #tpu.memory_space<vmem>>, vector<16xf32>,
    tpu.vector_store %arg7[%swap3A_3083, %swap3A_3084], %gather3A_3081 {strides = array<i32>} : memref<32x64xf32, #tpu.memory_space<vmem>>, vector<16xf32>,
    %add3A_3086 = arith.constant 16 : i32
    %add3A_3087 = vector.broadcast %add3A_3086 : i32 to vector<16xi32>
    %add3A_3088 = arith.addi %iota3A_3, %add3A_3087 : vector<16xi32>
    %gather3A_3089 = tpu.vector_load_idx %arg6[%broadcast_in_dim3A_3058, %broadcast_in_dim3A_3060, %add3A_3088, %broadcast_in_dim3A_3077] : memref<2x4x64x128xf32, #tpu.memory_space<vmem>>[vector<16xi32>, vector<16xi32>, vector<16xi32>, vector<16xi32>], vector<16xf32>,
    %swap3A_3090 = arith.constant 22 : i32
    %swap3A_3091 = arith.index_cast %swap3A_3090 : i32 to index
    %swap3A_3092 = arith.constant 16 : index
    %swap3A_3093 = tpu.vector_load %arg7[%swap3A_3091, %swap3A_3092] {strides = array<i32>} : memref<32x64xf32, #tpu.memory_space<vmem>>, vector<16xf32>,
    tpu.vector_store %arg7[%swap3A_3091, %swap3A_3092], %gather3A_3089 {strides = array<i32>} : memref<32x64xf32, #tpu.memory_space<vmem>>, vector<16xf32>,
    %add3A_3094 = arith.constant 32 : i32
    %add3A_3095 = vector.broadcast %add3A_3094 : i32 to vector<16xi32>
    %add3A_3096 = arith.addi %iota3A_3, %add3A_3095 : vector<16xi32>
    %gather3A_3097 = tpu.vector_load_idx %arg6[%broadcast_in_dim3A_3058, %broadcast_in_dim3A_3060, %add3A_3096, %broadcast_in_dim3A_3077] : memref<2x4x64x128xf32, #tpu.memory_space<vmem>>[vector<16xi32>, vector<16xi32>, vector<16xi32>, vector<16xi32>], vector<16xf32>,
    %swap3A_3098 = arith.constant 22 : i32
    %swap3A_3099 = arith.index_cast %swap3A_3098 : i32 to index
    %swap3A_3100 = arith.constant 32 : index
    %swap3A_3101 = tpu.vector_load %arg7[%swap3A_3099, %swap3A_3100] {strides = array<i32>} : memref<32x64xf32, #tpu.memory_space<vmem>>, vector<16xf32>,
    tpu.vector_store %arg7[%swap3A_3099, %swap3A_3100], %gather3A_3097 {strides = array<i32>} : memref<32x64xf32, #tpu.memory_space<vmem>>, vector<16xf32>,
    %add3A_3102 = arith.constant 48 : i32
    %add3A_3103 = vector.broadcast %add3A_3102 : i32 to vector<16xi32>
    %add3A_3104 = arith.addi %iota3A_3, %add3A_3103 : vector<16xi32>
    %gather3A_3105 = tpu.vector_load_idx %arg6[%broadcast_in_dim3A_3058, %broadcast_in_dim3A_3060, %add3A_3104, %broadcast_in_dim3A_3077] : memref<2x4x64x128xf32, #tpu.memory_space<vmem>>[vector<16xi32>, vector<16xi32>, vector<16xi32>, vector<16xi32>], vector<16xf32>,
    %swap3A_3106 = arith.constant 22 : i32
    %swap3A_3107 = arith.index_cast %swap3A_3106 : i32 to index
    %swap3A_3108 = arith.constant 48 : index
    %swap3A_3109 = tpu.vector_load %arg7[%swap3A_3107, %swap3A_3108] {strides = array<i32>} : memref<32x64xf32, #tpu.memory_space<vmem>>, vector<16xf32>,
    tpu.vector_store %arg7[%swap3A_3107, %swap3A_3108], %gather3A_3105 {strides = array<i32>} : memref<32x64xf32, #tpu.memory_space<vmem>>, vector<16xf32>,
    %broadcast_in_dim3A_3110 = arith.constant 1 : i32
    %broadcast_in_dim3A_3111 = vector.broadcast %broadcast_in_dim3A_3110 : i32 to vector<16xi32>
    %broadcast_in_dim3A_3112 = arith.constant 3 : i32
    %broadcast_in_dim3A_3113 = vector.broadcast %broadcast_in_dim3A_3112 : i32 to vector<16xi32>
    %jit3A_3114 = arith.constant 128 : i32
    %eq3A_3115 = arith.constant 0 : i32
    %eq3A_3116 = arith.cmpi eq, %jit3A_3114, %eq3A_3115 : i32
    %jit3A_3117 = arith.constant 1 : i32
    %select_n3A_3118 = arith.select %eq3A_3116, %jit3A_3117, %jit3A_3114 : i32
    %rem3A_3119 = arith.remsi %reduce_max3A_2362, %select_n3A_3118 : i32
    %ne3A_3120 = arith.constant 0 : i32
    %ne3A_3121 = arith.cmpi ne, %rem3A_3119, %ne3A_3120 : i32
    %lt3A_3122 = arith.constant 0 : i32
    %lt3A_3123 = arith.cmpi slt, %rem3A_3119, %lt3A_3122 : i32
    %lt3A_3124 = arith.constant 0 : i32
    %lt3A_3125 = arith.cmpi slt, %select_n3A_3118, %lt3A_3124 : i32
    %ne3A_3126 = arith.xori %lt3A_3123, %lt3A_3125 : i1
    %and3A_3127 = arith.andi %ne3A_3126, %ne3A_3121 : i1
    %add3A_3128 = arith.addi %rem3A_3119, %select_n3A_3118 : i32
    %select_n3A_3129 = arith.select %and3A_3127, %add3A_3128, %rem3A_3119 : i32
    %broadcast_in_dim3A_3130 = vector.broadcast %select_n3A_3129 : i32 to vector<16xi32>
    %add3A_3131 = arith.constant 0 : i32
    %add3A_3132 = vector.broadcast %add3A_3131 : i32 to vector<16xi32>
    %add3A_3133 = arith.addi %iota3A_3, %add3A_3132 : vector<16xi32>
    %gather3A_3134 = tpu.vector_load_idx %arg6[%broadcast_in_dim3A_3111, %broadcast_in_dim3A_3113, %add3A_3133, %broadcast_in_dim3A_3130] : memref<2x4x64x128xf32, #tpu.memory_space<vmem>>[vector<16xi32>, vector<16xi32>, vector<16xi32>, vector<16xi32>], vector<16xf32>,
    %swap3A_3135 = arith.constant 23 : i32
    %swap3A_3136 = arith.index_cast %swap3A_3135 : i32 to index
    %swap3A_3137 = arith.constant 0 : index
    %swap3A_3138 = tpu.vector_load %arg7[%swap3A_3136, %swap3A_3137] {strides = array<i32>} : memref<32x64xf32, #tpu.memory_space<vmem>>, vector<16xf32>,
    tpu.vector_store %arg7[%swap3A_3136, %swap3A_3137], %gather3A_3134 {strides = array<i32>} : memref<32x64xf32, #tpu.memory_space<vmem>>, vector<16xf32>,
    %add3A_3139 = arith.constant 16 : i32
    %add3A_3140 = vector.broadcast %add3A_3139 : i32 to vector<16xi32>
    %add3A_3141 = arith.addi %iota3A_3, %add3A_3140 : vector<16xi32>
    %gather3A_3142 = tpu.vector_load_idx %arg6[%broadcast_in_dim3A_3111, %broadcast_in_dim3A_3113, %add3A_3141, %broadcast_in_dim3A_3130] : memref<2x4x64x128xf32, #tpu.memory_space<vmem>>[vector<16xi32>, vector<16xi32>, vector<16xi32>, vector<16xi32>], vector<16xf32>,
    %swap3A_3143 = arith.constant 23 : i32
    %swap3A_3144 = arith.index_cast %swap3A_3143 : i32 to index
    %swap3A_3145 = arith.constant 16 : index
    %swap3A_3146 = tpu.vector_load %arg7[%swap3A_3144, %swap3A_3145] {strides = array<i32>} : memref<32x64xf32, #tpu.memory_space<vmem>>, vector<16xf32>,
    tpu.vector_store %arg7[%swap3A_3144, %swap3A_3145], %gather3A_3142 {strides = array<i32>} : memref<32x64xf32, #tpu.memory_space<vmem>>, vector<16xf32>,
    %add3A_3147 = arith.constant 32 : i32
    %add3A_3148 = vector.broadcast %add3A_3147 : i32 to vector<16xi32>
    %add3A_3149 = arith.addi %iota3A_3, %add3A_3148 : vector<16xi32>
    %gather3A_3150 = tpu.vector_load_idx %arg6[%broadcast_in_dim3A_3111, %broadcast_in_dim3A_3113, %add3A_3149, %broadcast_in_dim3A_3130] : memref<2x4x64x128xf32, #tpu.memory_space<vmem>>[vector<16xi32>, vector<16xi32>, vector<16xi32>, vector<16xi32>], vector<16xf32>,
    %swap3A_3151 = arith.constant 23 : i32
    %swap3A_3152 = arith.index_cast %swap3A_3151 : i32 to index
    %swap3A_3153 = arith.constant 32 : index
    %swap3A_3154 = tpu.vector_load %arg7[%swap3A_3152, %swap3A_3153] {strides = array<i32>} : memref<32x64xf32, #tpu.memory_space<vmem>>, vector<16xf32>,
    tpu.vector_store %arg7[%swap3A_3152, %swap3A_3153], %gather3A_3150 {strides = array<i32>} : memref<32x64xf32, #tpu.memory_space<vmem>>, vector<16xf32>,
    %add3A_3155 = arith.constant 48 : i32
    %add3A_3156 = vector.broadcast %add3A_3155 : i32 to vector<16xi32>
    %add3A_3157 = arith.addi %iota3A_3, %add3A_3156 : vector<16xi32>
    %gather3A_3158 = tpu.vector_load_idx %arg6[%broadcast_in_dim3A_3111, %broadcast_in_dim3A_3113, %add3A_3157, %broadcast_in_dim3A_3130] : memref<2x4x64x128xf32, #tpu.memory_space<vmem>>[vector<16xi32>, vector<16xi32>, vector<16xi32>, vector<16xi32>], vector<16xf32>,
    %swap3A_3159 = arith.constant 23 : i32
    %swap3A_3160 = arith.index_cast %swap3A_3159 : i32 to index
    %swap3A_3161 = arith.constant 48 : index
    %swap3A_3162 = tpu.vector_load %arg7[%swap3A_3160, %swap3A_3161] {strides = array<i32>} : memref<32x64xf32, #tpu.memory_space<vmem>>, vector<16xf32>,
    tpu.vector_store %arg7[%swap3A_3160, %swap3A_3161], %gather3A_3158 {strides = array<i32>} : memref<32x64xf32, #tpu.memory_space<vmem>>, vector<16xf32>,
    %get3A_3163 = arith.constant 16 : index
    %get3A_3164 = tpu.vector_load %arg5[%get3A_3163] {strides = array<i32>} : memref<32xi32, #tpu.memory_space<vmem>>, vector<16xi32>,
    %eq3A_3165 = arith.constant 12 : i32
    %eq3A_3166 = vector.broadcast %eq3A_3165 : i32 to vector<16xi32>
    %eq3A_3167 = arith.cmpi eq, %iota3A, %eq3A_3166 : vector<16xi32>
    %jit3A_3168 = arith.constant 0 : i32
    %broadcast_in_dim3A_3169 = vector.broadcast %jit3A_3168 : i32 to vector<16xi32>
    %select_n3A_3170 = arith.select %eq3A_3167, %get3A_3164, %broadcast_in_dim3A_3169 : vector<16xi1>, vector<16xi32>
    %reduce_max3A_3171 = arith.constant true
    %reduce_max3A_3172 = vector.broadcast %reduce_max3A_3171 : i1 to vector<16xi1>
    %reduce_max3A_3173 = arith.constant -2147483648 : i32
    %reduce_max3A_3174 = vector.broadcast %reduce_max3A_3173 : i32 to vector<16xi32>
    %reduce_max3A_3175 = arith.xori %select_n3A_3170, %reduce_max3A_3174 : vector<16xi32>
    %reduce_max3A_3176 = tpu.scan <max>, %reduce_max3A_3175 masked %reduce_max3A_3172 : vector<16xi32>, vector<16xi1> -> vector<16xi32>
    %reduce_max3A_3177 = arith.xori %reduce_max3A_3176, %reduce_max3A_3174 : vector<16xi32>
    %reduce_max3A_3178 = vector.extract %reduce_max3A_3177[15] : i32 from vector<16xi32>
    %jit3A_3179 = arith.constant 128 : i32
    %div3A_3180 = arith.divsi %reduce_max3A_3178, %jit3A_3179 : i32
    %sign3A_3181 = arith.constant 0 : i32
    %sign3A_3182 = arith.cmpi sgt, %reduce_max3A_3178, %sign3A_3181 : i32
    %sign3A_3183 = arith.extui %sign3A_3182 : i1 to i32
    %sign3A_3184 = arith.constant 0 : i32
    %sign3A_3185 = arith.cmpi slt, %reduce_max3A_3178, %sign3A_3184 : i32
    %sign3A_3186 = arith.extui %sign3A_3185 : i1 to i32
    %sign3A_3187 = arith.subi %sign3A_3183, %sign3A_3186 : i32
    %sign3A_3188 = arith.constant 0 : i32
    %sign3A_3189 = arith.cmpi sgt, %jit3A_3179, %sign3A_3188 : i32
    %sign3A_3190 = arith.extui %sign3A_3189 : i1 to i32
    %sign3A_3191 = arith.constant 0 : i32
    %sign3A_3192 = arith.cmpi slt, %jit3A_3179, %sign3A_3191 : i32
    %sign3A_3193 = arith.extui %sign3A_3192 : i1 to i32
    %sign3A_3194 = arith.subi %sign3A_3190, %sign3A_3193 : i32
    %ne3A_3195 = arith.cmpi ne, %sign3A_3187, %sign3A_3194 : i32
    %rem3A_3196 = arith.remsi %reduce_max3A_3178, %jit3A_3179 : i32
    %ne3A_3197 = arith.constant 0 : i32
    %ne3A_3198 = arith.cmpi ne, %rem3A_3196, %ne3A_3197 : i32
    %and3A_3199 = arith.andi %ne3A_3195, %ne3A_3198 : i1
    %sub3A_3200 = arith.constant 1 : i32
    %sub3A_3201 = arith.subi %div3A_3180, %sub3A_3200 : i32
    %select_n3A_3202 = arith.select %and3A_3199, %sub3A_3201, %div3A_3180 : i32
    %mul3A_3203 = arith.constant 128 : i32
    %mul3A_3204 = arith.muli %select_n3A_3202, %mul3A_3203 : i32
    %dma_start3A_3205 = arith.constant 1 : i32
    %dma_start3A_3206 = arith.constant 0 : i32
    %dma_start3A_3207 = arith.constant 0 : i32
    %dma_start3A_3208 = arith.constant 0 : i32
    %dma_start3A_3209 = tpu.memref_slice %arg6[%dma_start3A_3205, %dma_start3A_3206, %dma_start3A_3207, %dma_start3A_3208] : memref<2x4x64x128xf32, #tpu.memory_space<vmem>> -> memref<1x1x64x128xf32, #tpu.memory_space<vmem>>
    %dma_start3A_3210 = tpu.memref_squeeze %dma_start3A_3209 : memref<1x1x64x128xf32, #tpu.memory_space<vmem>> -> memref<64x128xf32, #tpu.memory_space<vmem>>
    %dma_start3A_3211 = arith.constant 0 : i32
    %dma_start3A_3212 = tpu.memref_slice %arg3[%dma_start3A_3211, %mul3A_3204] : memref<64x1000000xf32, #tpu.memory_space<hbm>> -> memref<64x128xf32, #tpu.memory_space<hbm>>
    %dma_start3A_3213 = arith.constant 0 : i32
    %dma_start3A_3214 = arith.constant 0 : i32
    %dma_start3A_3215 = tpu.memref_slice %arg6[%dma_start3A_3205, %dma_start3A_3206, %dma_start3A_3213, %dma_start3A_3214] : memref<2x4x64x128xf32, #tpu.memory_space<vmem>> -> memref<1x1x64x128xf32, #tpu.memory_space<vmem>>
    %dma_start3A_3216 = tpu.memref_squeeze %dma_start3A_3215 : memref<1x1x64x128xf32, #tpu.memory_space<vmem>> -> memref<64x128xf32, #tpu.memory_space<vmem>>
    %dma_start3A_3217 = arith.constant 0 : i32
    %dma_start3A_3218 = tpu.memref_slice %arg3[%dma_start3A_3217, %mul3A_3204] : memref<64x1000000xf32, #tpu.memory_space<hbm>> -> memref<64x128xf32, #tpu.memory_space<hbm>>
    tpu.enqueue_dma source(%dma_start3A_3218 : memref<64x128xf32, #tpu.memory_space<hbm>>) target(%dma_start3A_3216 : memref<64x128xf32, #tpu.memory_space<vmem>>) target_semaphore(%arg8 : memref<!tpu.dma_semaphore, #tpu.memory_space<semaphore_mem>>)
    %get3A_3219 = arith.constant 16 : index
    %get3A_3220 = tpu.vector_load %arg5[%get3A_3219] {strides = array<i32>} : memref<32xi32, #tpu.memory_space<vmem>>, vector<16xi32>,
    %eq3A_3221 = arith.constant 13 : i32
    %eq3A_3222 = vector.broadcast %eq3A_3221 : i32 to vector<16xi32>
    %eq3A_3223 = arith.cmpi eq, %iota3A, %eq3A_3222 : vector<16xi32>
    %jit3A_3224 = arith.constant 0 : i32
    %broadcast_in_dim3A_3225 = vector.broadcast %jit3A_3224 : i32 to vector<16xi32>
    %select_n3A_3226 = arith.select %eq3A_3223, %get3A_3220, %broadcast_in_dim3A_3225 : vector<16xi1>, vector<16xi32>
    %reduce_max3A_3227 = arith.constant true
    %reduce_max3A_3228 = vector.broadcast %reduce_max3A_3227 : i1 to vector<16xi1>
    %reduce_max3A_3229 = arith.constant -2147483648 : i32
    %reduce_max3A_3230 = vector.broadcast %reduce_max3A_3229 : i32 to vector<16xi32>
    %reduce_max3A_3231 = arith.xori %select_n3A_3226, %reduce_max3A_3230 : vector<16xi32>
    %reduce_max3A_3232 = tpu.scan <max>, %reduce_max3A_3231 masked %reduce_max3A_3228 : vector<16xi32>, vector<16xi1> -> vector<16xi32>
    %reduce_max3A_3233 = arith.xori %reduce_max3A_3232, %reduce_max3A_3230 : vector<16xi32>
    %reduce_max3A_3234 = vector.extract %reduce_max3A_3233[15] : i32 from vector<16xi32>
    %jit3A_3235 = arith.constant 128 : i32
    %div3A_3236 = arith.divsi %reduce_max3A_3234, %jit3A_3235 : i32
    %sign3A_3237 = arith.constant 0 : i32
    %sign3A_3238 = arith.cmpi sgt, %reduce_max3A_3234, %sign3A_3237 : i32
    %sign3A_3239 = arith.extui %sign3A_3238 : i1 to i32
    %sign3A_3240 = arith.constant 0 : i32
    %sign3A_3241 = arith.cmpi slt, %reduce_max3A_3234, %sign3A_3240 : i32
    %sign3A_3242 = arith.extui %sign3A_3241 : i1 to i32
    %sign3A_3243 = arith.subi %sign3A_3239, %sign3A_3242 : i32
    %sign3A_3244 = arith.constant 0 : i32
    %sign3A_3245 = arith.cmpi sgt, %jit3A_3235, %sign3A_3244 : i32
    %sign3A_3246 = arith.extui %sign3A_3245 : i1 to i32
    %sign3A_3247 = arith.constant 0 : i32
    %sign3A_3248 = arith.cmpi slt, %jit3A_3235, %sign3A_3247 : i32
    %sign3A_3249 = arith.extui %sign3A_3248 : i1 to i32
    %sign3A_3250 = arith.subi %sign3A_3246, %sign3A_3249 : i32
    %ne3A_3251 = arith.cmpi ne, %sign3A_3243, %sign3A_3250 : i32
    %rem3A_3252 = arith.remsi %reduce_max3A_3234, %jit3A_3235 : i32
    %ne3A_3253 = arith.constant 0 : i32
    %ne3A_3254 = arith.cmpi ne, %rem3A_3252, %ne3A_3253 : i32
    %and3A_3255 = arith.andi %ne3A_3251, %ne3A_3254 : i1
    %sub3A_3256 = arith.constant 1 : i32
    %sub3A_3257 = arith.subi %div3A_3236, %sub3A_3256 : i32
    %select_n3A_3258 = arith.select %and3A_3255, %sub3A_3257, %div3A_3236 : i32
    %mul3A_3259 = arith.constant 128 : i32
    %mul3A_3260 = arith.muli %select_n3A_3258, %mul3A_3259 : i32
    %dma_start3A_3261 = arith.constant 1 : i32
    %dma_start3A_3262 = arith.constant 1 : i32
    %dma_start3A_3263 = arith.constant 0 : i32
    %dma_start3A_3264 = arith.constant 0 : i32
    %dma_start3A_3265 = tpu.memref_slice %arg6[%dma_start3A_3261, %dma_start3A_3262, %dma_start3A_3263, %dma_start3A_3264] : memref<2x4x64x128xf32, #tpu.memory_space<vmem>> -> memref<1x1x64x128xf32, #tpu.memory_space<vmem>>
    %dma_start3A_3266 = tpu.memref_squeeze %dma_start3A_3265 : memref<1x1x64x128xf32, #tpu.memory_space<vmem>> -> memref<64x128xf32, #tpu.memory_space<vmem>>
    %dma_start3A_3267 = arith.constant 0 : i32
    %dma_start3A_3268 = tpu.memref_slice %arg3[%dma_start3A_3267, %mul3A_3260] : memref<64x1000000xf32, #tpu.memory_space<hbm>> -> memref<64x128xf32, #tpu.memory_space<hbm>>
    %dma_start3A_3269 = arith.constant 0 : i32
    %dma_start3A_3270 = arith.constant 0 : i32
    %dma_start3A_3271 = tpu.memref_slice %arg6[%dma_start3A_3261, %dma_start3A_3262, %dma_start3A_3269, %dma_start3A_3270] : memref<2x4x64x128xf32, #tpu.memory_space<vmem>> -> memref<1x1x64x128xf32, #tpu.memory_space<vmem>>
    %dma_start3A_3272 = tpu.memref_squeeze %dma_start3A_3271 : memref<1x1x64x128xf32, #tpu.memory_space<vmem>> -> memref<64x128xf32, #tpu.memory_space<vmem>>
    %dma_start3A_3273 = arith.constant 0 : i32
    %dma_start3A_3274 = tpu.memref_slice %arg3[%dma_start3A_3273, %mul3A_3260] : memref<64x1000000xf32, #tpu.memory_space<hbm>> -> memref<64x128xf32, #tpu.memory_space<hbm>>
    tpu.enqueue_dma source(%dma_start3A_3274 : memref<64x128xf32, #tpu.memory_space<hbm>>) target(%dma_start3A_3272 : memref<64x128xf32, #tpu.memory_space<vmem>>) target_semaphore(%arg8 : memref<!tpu.dma_semaphore, #tpu.memory_space<semaphore_mem>>)
    %get3A_3275 = arith.constant 16 : index
    %get3A_3276 = tpu.vector_load %arg5[%get3A_3275] {strides = array<i32>} : memref<32xi32, #tpu.memory_space<vmem>>, vector<16xi32>,
    %eq3A_3277 = arith.constant 14 : i32
    %eq3A_3278 = vector.broadcast %eq3A_3277 : i32 to vector<16xi32>
    %eq3A_3279 = arith.cmpi eq, %iota3A, %eq3A_3278 : vector<16xi32>
    %jit3A_3280 = arith.constant 0 : i32
    %broadcast_in_dim3A_3281 = vector.broadcast %jit3A_3280 : i32 to vector<16xi32>
    %select_n3A_3282 = arith.select %eq3A_3279, %get3A_3276, %broadcast_in_dim3A_3281 : vector<16xi1>, vector<16xi32>
    %reduce_max3A_3283 = arith.constant true
    %reduce_max3A_3284 = vector.broadcast %reduce_max3A_3283 : i1 to vector<16xi1>
    %reduce_max3A_3285 = arith.constant -2147483648 : i32
    %reduce_max3A_3286 = vector.broadcast %reduce_max3A_3285 : i32 to vector<16xi32>
    %reduce_max3A_3287 = arith.xori %select_n3A_3282, %reduce_max3A_3286 : vector<16xi32>
    %reduce_max3A_3288 = tpu.scan <max>, %reduce_max3A_3287 masked %reduce_max3A_3284 : vector<16xi32>, vector<16xi1> -> vector<16xi32>
    %reduce_max3A_3289 = arith.xori %reduce_max3A_3288, %reduce_max3A_3286 : vector<16xi32>
    %reduce_max3A_3290 = vector.extract %reduce_max3A_3289[15] : i32 from vector<16xi32>
    %jit3A_3291 = arith.constant 128 : i32
    %div3A_3292 = arith.divsi %reduce_max3A_3290, %jit3A_3291 : i32
    %sign3A_3293 = arith.constant 0 : i32
    %sign3A_3294 = arith.cmpi sgt, %reduce_max3A_3290, %sign3A_3293 : i32
    %sign3A_3295 = arith.extui %sign3A_3294 : i1 to i32
    %sign3A_3296 = arith.constant 0 : i32
    %sign3A_3297 = arith.cmpi slt, %reduce_max3A_3290, %sign3A_3296 : i32
    %sign3A_3298 = arith.extui %sign3A_3297 : i1 to i32
    %sign3A_3299 = arith.subi %sign3A_3295, %sign3A_3298 : i32
    %sign3A_3300 = arith.constant 0 : i32
    %sign3A_3301 = arith.cmpi sgt, %jit3A_3291, %sign3A_3300 : i32
    %sign3A_3302 = arith.extui %sign3A_3301 : i1 to i32
    %sign3A_3303 = arith.constant 0 : i32
    %sign3A_3304 = arith.cmpi slt, %jit3A_3291, %sign3A_3303 : i32
    %sign3A_3305 = arith.extui %sign3A_3304 : i1 to i32
    %sign3A_3306 = arith.subi %sign3A_3302, %sign3A_3305 : i32
    %ne3A_3307 = arith.cmpi ne, %sign3A_3299, %sign3A_3306 : i32
    %rem3A_3308 = arith.remsi %reduce_max3A_3290, %jit3A_3291 : i32
    %ne3A_3309 = arith.constant 0 : i32
    %ne3A_3310 = arith.cmpi ne, %rem3A_3308, %ne3A_3309 : i32
    %and3A_3311 = arith.andi %ne3A_3307, %ne3A_3310 : i1
    %sub3A_3312 = arith.constant 1 : i32
    %sub3A_3313 = arith.subi %div3A_3292, %sub3A_3312 : i32
    %select_n3A_3314 = arith.select %and3A_3311, %sub3A_3313, %div3A_3292 : i32
    %mul3A_3315 = arith.constant 128 : i32
    %mul3A_3316 = arith.muli %select_n3A_3314, %mul3A_3315 : i32
    %dma_start3A_3317 = arith.constant 1 : i32
    %dma_start3A_3318 = arith.constant 2 : i32
    %dma_start3A_3319 = arith.constant 0 : i32
    %dma_start3A_3320 = arith.constant 0 : i32
    %dma_start3A_3321 = tpu.memref_slice %arg6[%dma_start3A_3317, %dma_start3A_3318, %dma_start3A_3319, %dma_start3A_3320] : memref<2x4x64x128xf32, #tpu.memory_space<vmem>> -> memref<1x1x64x128xf32, #tpu.memory_space<vmem>>
    %dma_start3A_3322 = tpu.memref_squeeze %dma_start3A_3321 : memref<1x1x64x128xf32, #tpu.memory_space<vmem>> -> memref<64x128xf32, #tpu.memory_space<vmem>>
    %dma_start3A_3323 = arith.constant 0 : i32
    %dma_start3A_3324 = tpu.memref_slice %arg3[%dma_start3A_3323, %mul3A_3316] : memref<64x1000000xf32, #tpu.memory_space<hbm>> -> memref<64x128xf32, #tpu.memory_space<hbm>>
    %dma_start3A_3325 = arith.constant 0 : i32
    %dma_start3A_3326 = arith.constant 0 : i32
    %dma_start3A_3327 = tpu.memref_slice %arg6[%dma_start3A_3317, %dma_start3A_3318, %dma_start3A_3325, %dma_start3A_3326] : memref<2x4x64x128xf32, #tpu.memory_space<vmem>> -> memref<1x1x64x128xf32, #tpu.memory_space<vmem>>
    %dma_start3A_3328 = tpu.memref_squeeze %dma_start3A_3327 : memref<1x1x64x128xf32, #tpu.memory_space<vmem>> -> memref<64x128xf32, #tpu.memory_space<vmem>>
    %dma_start3A_3329 = arith.constant 0 : i32
    %dma_start3A_3330 = tpu.memref_slice %arg3[%dma_start3A_3329, %mul3A_3316] : memref<64x1000000xf32, #tpu.memory_space<hbm>> -> memref<64x128xf32, #tpu.memory_space<hbm>>
    tpu.enqueue_dma source(%dma_start3A_3330 : memref<64x128xf32, #tpu.memory_space<hbm>>) target(%dma_start3A_3328 : memref<64x128xf32, #tpu.memory_space<vmem>>) target_semaphore(%arg8 : memref<!tpu.dma_semaphore, #tpu.memory_space<semaphore_mem>>)
    %get3A_3331 = arith.constant 16 : index
    %get3A_3332 = tpu.vector_load %arg5[%get3A_3331] {strides = array<i32>} : memref<32xi32, #tpu.memory_space<vmem>>, vector<16xi32>,
    %eq3A_3333 = arith.constant 15 : i32
    %eq3A_3334 = vector.broadcast %eq3A_3333 : i32 to vector<16xi32>
    %eq3A_3335 = arith.cmpi eq, %iota3A, %eq3A_3334 : vector<16xi32>
    %jit3A_3336 = arith.constant 0 : i32
    %broadcast_in_dim3A_3337 = vector.broadcast %jit3A_3336 : i32 to vector<16xi32>
    %select_n3A_3338 = arith.select %eq3A_3335, %get3A_3332, %broadcast_in_dim3A_3337 : vector<16xi1>, vector<16xi32>
    %reduce_max3A_3339 = arith.constant true
    %reduce_max3A_3340 = vector.broadcast %reduce_max3A_3339 : i1 to vector<16xi1>
    %reduce_max3A_3341 = arith.constant -2147483648 : i32
    %reduce_max3A_3342 = vector.broadcast %reduce_max3A_3341 : i32 to vector<16xi32>
    %reduce_max3A_3343 = arith.xori %select_n3A_3338, %reduce_max3A_3342 : vector<16xi32>
    %reduce_max3A_3344 = tpu.scan <max>, %reduce_max3A_3343 masked %reduce_max3A_3340 : vector<16xi32>, vector<16xi1> -> vector<16xi32>
    %reduce_max3A_3345 = arith.xori %reduce_max3A_3344, %reduce_max3A_3342 : vector<16xi32>
    %reduce_max3A_3346 = vector.extract %reduce_max3A_3345[15] : i32 from vector<16xi32>
    %jit3A_3347 = arith.constant 128 : i32
    %div3A_3348 = arith.divsi %reduce_max3A_3346, %jit3A_3347 : i32
    %sign3A_3349 = arith.constant 0 : i32
    %sign3A_3350 = arith.cmpi sgt, %reduce_max3A_3346, %sign3A_3349 : i32
    %sign3A_3351 = arith.extui %sign3A_3350 : i1 to i32
    %sign3A_3352 = arith.constant 0 : i32
    %sign3A_3353 = arith.cmpi slt, %reduce_max3A_3346, %sign3A_3352 : i32
    %sign3A_3354 = arith.extui %sign3A_3353 : i1 to i32
    %sign3A_3355 = arith.subi %sign3A_3351, %sign3A_3354 : i32
    %sign3A_3356 = arith.constant 0 : i32
    %sign3A_3357 = arith.cmpi sgt, %jit3A_3347, %sign3A_3356 : i32
    %sign3A_3358 = arith.extui %sign3A_3357 : i1 to i32
    %sign3A_3359 = arith.constant 0 : i32
    %sign3A_3360 = arith.cmpi slt, %jit3A_3347, %sign3A_3359 : i32
    %sign3A_3361 = arith.extui %sign3A_3360 : i1 to i32
    %sign3A_3362 = arith.subi %sign3A_3358, %sign3A_3361 : i32
    %ne3A_3363 = arith.cmpi ne, %sign3A_3355, %sign3A_3362 : i32
    %rem3A_3364 = arith.remsi %reduce_max3A_3346, %jit3A_3347 : i32
    %ne3A_3365 = arith.constant 0 : i32
    %ne3A_3366 = arith.cmpi ne, %rem3A_3364, %ne3A_3365 : i32
    %and3A_3367 = arith.andi %ne3A_3363, %ne3A_3366 : i1
    %sub3A_3368 = arith.constant 1 : i32
    %sub3A_3369 = arith.subi %div3A_3348, %sub3A_3368 : i32
    %select_n3A_3370 = arith.select %and3A_3367, %sub3A_3369, %div3A_3348 : i32
    %mul3A_3371 = arith.constant 128 : i32
    %mul3A_3372 = arith.muli %select_n3A_3370, %mul3A_3371 : i32
    %dma_start3A_3373 = arith.constant 1 : i32
    %dma_start3A_3374 = arith.constant 3 : i32
    %dma_start3A_3375 = arith.constant 0 : i32
    %dma_start3A_3376 = arith.constant 0 : i32
    %dma_start3A_3377 = tpu.memref_slice %arg6[%dma_start3A_3373, %dma_start3A_3374, %dma_start3A_3375, %dma_start3A_3376] : memref<2x4x64x128xf32, #tpu.memory_space<vmem>> -> memref<1x1x64x128xf32, #tpu.memory_space<vmem>>
    %dma_start3A_3378 = tpu.memref_squeeze %dma_start3A_3377 : memref<1x1x64x128xf32, #tpu.memory_space<vmem>> -> memref<64x128xf32, #tpu.memory_space<vmem>>
    %dma_start3A_3379 = arith.constant 0 : i32
    %dma_start3A_3380 = tpu.memref_slice %arg3[%dma_start3A_3379, %mul3A_3372] : memref<64x1000000xf32, #tpu.memory_space<hbm>> -> memref<64x128xf32, #tpu.memory_space<hbm>>
    %dma_start3A_3381 = arith.constant 0 : i32
    %dma_start3A_3382 = arith.constant 0 : i32
    %dma_start3A_3383 = tpu.memref_slice %arg6[%dma_start3A_3373, %dma_start3A_3374, %dma_start3A_3381, %dma_start3A_3382] : memref<2x4x64x128xf32, #tpu.memory_space<vmem>> -> memref<1x1x64x128xf32, #tpu.memory_space<vmem>>
    %dma_start3A_3384 = tpu.memref_squeeze %dma_start3A_3383 : memref<1x1x64x128xf32, #tpu.memory_space<vmem>> -> memref<64x128xf32, #tpu.memory_space<vmem>>
    %dma_start3A_3385 = arith.constant 0 : i32
    %dma_start3A_3386 = tpu.memref_slice %arg3[%dma_start3A_3385, %mul3A_3372] : memref<64x1000000xf32, #tpu.memory_space<hbm>> -> memref<64x128xf32, #tpu.memory_space<hbm>>
    tpu.enqueue_dma source(%dma_start3A_3386 : memref<64x128xf32, #tpu.memory_space<hbm>>) target(%dma_start3A_3384 : memref<64x128xf32, #tpu.memory_space<vmem>>) target_semaphore(%arg8 : memref<!tpu.dma_semaphore, #tpu.memory_space<semaphore_mem>>)
    %dma_wait3A_3387 = arith.constant 0 : i32
    %dma_wait3A_3388 = arith.constant 0 : i32
    %dma_wait3A_3389 = arith.constant 0 : i32
    %dma_wait3A_3390 = arith.constant 0 : i32
    %dma_wait3A_3391 = tpu.memref_slice %arg6[%dma_wait3A_3387, %dma_wait3A_3388, %dma_wait3A_3389, %dma_wait3A_3390] : memref<2x4x64x128xf32, #tpu.memory_space<vmem>> -> memref<1x1x64x128xf32, #tpu.memory_space<vmem>>
    %dma_wait3A_3392 = tpu.memref_squeeze %dma_wait3A_3391 : memref<1x1x64x128xf32, #tpu.memory_space<vmem>> -> memref<64x128xf32, #tpu.memory_space<vmem>>
    %dma_wait3A_3393 = arith.constant 0 : i32
    %dma_wait3A_3394 = tpu.memref_slice %arg3[%dma_wait3A_3393, %mul3A_2712] : memref<64x1000000xf32, #tpu.memory_space<hbm>> -> memref<64x128xf32, #tpu.memory_space<hbm>>
    %dma_wait3A_3395 = arith.constant 0 : i32
    %dma_wait3A_3396 = arith.constant 0 : i32
    %dma_wait3A_3397 = tpu.memref_slice %arg6[%dma_wait3A_3387, %dma_wait3A_3388, %dma_wait3A_3395, %dma_wait3A_3396] : memref<2x4x64x128xf32, #tpu.memory_space<vmem>> -> memref<1x1x64x128xf32, #tpu.memory_space<vmem>>
    %dma_wait3A_3398 = tpu.memref_squeeze %dma_wait3A_3397 : memref<1x1x64x128xf32, #tpu.memory_space<vmem>> -> memref<64x128xf32, #tpu.memory_space<vmem>>
    %dma_wait3A_3399 = arith.constant 0 : i32
    %dma_wait3A_3400 = tpu.memref_slice %arg3[%dma_wait3A_3399, %mul3A_2712] : memref<64x1000000xf32, #tpu.memory_space<hbm>> -> memref<64x128xf32, #tpu.memory_space<hbm>>
    tpu.wait_dma2 semaphore(%arg8 : memref<!tpu.dma_semaphore, #tpu.memory_space<semaphore_mem>>) src(%dma_wait3A_3400 : memref<64x128xf32, #tpu.memory_space<hbm>>) dst(%dma_wait3A_3398 : memref<64x128xf32, #tpu.memory_space<vmem>>)
    %dma_wait3A_3401 = arith.constant 0 : i32
    %dma_wait3A_3402 = arith.constant 1 : i32
    %dma_wait3A_3403 = arith.constant 0 : i32
    %dma_wait3A_3404 = arith.constant 0 : i32
    %dma_wait3A_3405 = tpu.memref_slice %arg6[%dma_wait3A_3401, %dma_wait3A_3402, %dma_wait3A_3403, %dma_wait3A_3404] : memref<2x4x64x128xf32, #tpu.memory_space<vmem>> -> memref<1x1x64x128xf32, #tpu.memory_space<vmem>>
    %dma_wait3A_3406 = tpu.memref_squeeze %dma_wait3A_3405 : memref<1x1x64x128xf32, #tpu.memory_space<vmem>> -> memref<64x128xf32, #tpu.memory_space<vmem>>
    %dma_wait3A_3407 = arith.constant 0 : i32
    %dma_wait3A_3408 = tpu.memref_slice %arg3[%dma_wait3A_3407, %mul3A_2768] : memref<64x1000000xf32, #tpu.memory_space<hbm>> -> memref<64x128xf32, #tpu.memory_space<hbm>>
    %dma_wait3A_3409 = arith.constant 0 : i32
    %dma_wait3A_3410 = arith.constant 0 : i32
    %dma_wait3A_3411 = tpu.memref_slice %arg6[%dma_wait3A_3401, %dma_wait3A_3402, %dma_wait3A_3409, %dma_wait3A_3410] : memref<2x4x64x128xf32, #tpu.memory_space<vmem>> -> memref<1x1x64x128xf32, #tpu.memory_space<vmem>>
    %dma_wait3A_3412 = tpu.memref_squeeze %dma_wait3A_3411 : memref<1x1x64x128xf32, #tpu.memory_space<vmem>> -> memref<64x128xf32, #tpu.memory_space<vmem>>
    %dma_wait3A_3413 = arith.constant 0 : i32
    %dma_wait3A_3414 = tpu.memref_slice %arg3[%dma_wait3A_3413, %mul3A_2768] : memref<64x1000000xf32, #tpu.memory_space<hbm>> -> memref<64x128xf32, #tpu.memory_space<hbm>>
    tpu.wait_dma2 semaphore(%arg8 : memref<!tpu.dma_semaphore, #tpu.memory_space<semaphore_mem>>) src(%dma_wait3A_3414 : memref<64x128xf32, #tpu.memory_space<hbm>>) dst(%dma_wait3A_3412 : memref<64x128xf32, #tpu.memory_space<vmem>>)
    %dma_wait3A_3415 = arith.constant 0 : i32
    %dma_wait3A_3416 = arith.constant 2 : i32
    %dma_wait3A_3417 = arith.constant 0 : i32
    %dma_wait3A_3418 = arith.constant 0 : i32
    %dma_wait3A_3419 = tpu.memref_slice %arg6[%dma_wait3A_3415, %dma_wait3A_3416, %dma_wait3A_3417, %dma_wait3A_3418] : memref<2x4x64x128xf32, #tpu.memory_space<vmem>> -> memref<1x1x64x128xf32, #tpu.memory_space<vmem>>
    %dma_wait3A_3420 = tpu.memref_squeeze %dma_wait3A_3419 : memref<1x1x64x128xf32, #tpu.memory_space<vmem>> -> memref<64x128xf32, #tpu.memory_space<vmem>>
    %dma_wait3A_3421 = arith.constant 0 : i32
    %dma_wait3A_3422 = tpu.memref_slice %arg3[%dma_wait3A_3421, %mul3A_2824] : memref<64x1000000xf32, #tpu.memory_space<hbm>> -> memref<64x128xf32, #tpu.memory_space<hbm>>
    %dma_wait3A_3423 = arith.constant 0 : i32
    %dma_wait3A_3424 = arith.constant 0 : i32
    %dma_wait3A_3425 = tpu.memref_slice %arg6[%dma_wait3A_3415, %dma_wait3A_3416, %dma_wait3A_3423, %dma_wait3A_3424] : memref<2x4x64x128xf32, #tpu.memory_space<vmem>> -> memref<1x1x64x128xf32, #tpu.memory_space<vmem>>
    %dma_wait3A_3426 = tpu.memref_squeeze %dma_wait3A_3425 : memref<1x1x64x128xf32, #tpu.memory_space<vmem>> -> memref<64x128xf32, #tpu.memory_space<vmem>>
    %dma_wait3A_3427 = arith.constant 0 : i32
    %dma_wait3A_3428 = tpu.memref_slice %arg3[%dma_wait3A_3427, %mul3A_2824] : memref<64x1000000xf32, #tpu.memory_space<hbm>> -> memref<64x128xf32, #tpu.memory_space<hbm>>
    tpu.wait_dma2 semaphore(%arg8 : memref<!tpu.dma_semaphore, #tpu.memory_space<semaphore_mem>>) src(%dma_wait3A_3428 : memref<64x128xf32, #tpu.memory_space<hbm>>) dst(%dma_wait3A_3426 : memref<64x128xf32, #tpu.memory_space<vmem>>)
    %dma_wait3A_3429 = arith.constant 0 : i32
    %dma_wait3A_3430 = arith.constant 3 : i32
    %dma_wait3A_3431 = arith.constant 0 : i32
    %dma_wait3A_3432 = arith.constant 0 : i32
    %dma_wait3A_3433 = tpu.memref_slice %arg6[%dma_wait3A_3429, %dma_wait3A_3430, %dma_wait3A_3431, %dma_wait3A_3432] : memref<2x4x64x128xf32, #tpu.memory_space<vmem>> -> memref<1x1x64x128xf32, #tpu.memory_space<vmem>>
    %dma_wait3A_3434 = tpu.memref_squeeze %dma_wait3A_3433 : memref<1x1x64x128xf32, #tpu.memory_space<vmem>> -> memref<64x128xf32, #tpu.memory_space<vmem>>
    %dma_wait3A_3435 = arith.constant 0 : i32
    %dma_wait3A_3436 = tpu.memref_slice %arg3[%dma_wait3A_3435, %mul3A_2880] : memref<64x1000000xf32, #tpu.memory_space<hbm>> -> memref<64x128xf32, #tpu.memory_space<hbm>>
    %dma_wait3A_3437 = arith.constant 0 : i32
    %dma_wait3A_3438 = arith.constant 0 : i32
    %dma_wait3A_3439 = tpu.memref_slice %arg6[%dma_wait3A_3429, %dma_wait3A_3430, %dma_wait3A_3437, %dma_wait3A_3438] : memref<2x4x64x128xf32, #tpu.memory_space<vmem>> -> memref<1x1x64x128xf32, #tpu.memory_space<vmem>>
    %dma_wait3A_3440 = tpu.memref_squeeze %dma_wait3A_3439 : memref<1x1x64x128xf32, #tpu.memory_space<vmem>> -> memref<64x128xf32, #tpu.memory_space<vmem>>
    %dma_wait3A_3441 = arith.constant 0 : i32
    %dma_wait3A_3442 = tpu.memref_slice %arg3[%dma_wait3A_3441, %mul3A_2880] : memref<64x1000000xf32, #tpu.memory_space<hbm>> -> memref<64x128xf32, #tpu.memory_space<hbm>>
    tpu.wait_dma2 semaphore(%arg8 : memref<!tpu.dma_semaphore, #tpu.memory_space<semaphore_mem>>) src(%dma_wait3A_3442 : memref<64x128xf32, #tpu.memory_space<hbm>>) dst(%dma_wait3A_3440 : memref<64x128xf32, #tpu.memory_space<vmem>>)
    %broadcast_in_dim3A_3443 = arith.constant 0 : i32
    %broadcast_in_dim3A_3444 = vector.broadcast %broadcast_in_dim3A_3443 : i32 to vector<16xi32>
    %broadcast_in_dim3A_3445 = arith.constant 0 : i32
    %broadcast_in_dim3A_3446 = vector.broadcast %broadcast_in_dim3A_3445 : i32 to vector<16xi32>
    %jit3A_3447 = arith.constant 128 : i32
    %eq3A_3448 = arith.constant 0 : i32
    %eq3A_3449 = arith.cmpi eq, %jit3A_3447, %eq3A_3448 : i32
    %jit3A_3450 = arith.constant 1 : i32
    %select_n3A_3451 = arith.select %eq3A_3449, %jit3A_3450, %jit3A_3447 : i32
    %rem3A_3452 = arith.remsi %reduce_max3A_2686, %select_n3A_3451 : i32
    %ne3A_3453 = arith.constant 0 : i32
    %ne3A_3454 = arith.cmpi ne, %rem3A_3452, %ne3A_3453 : i32
    %lt3A_3455 = arith.constant 0 : i32
    %lt3A_3456 = arith.cmpi slt, %rem3A_3452, %lt3A_3455 : i32
    %lt3A_3457 = arith.constant 0 : i32
    %lt3A_3458 = arith.cmpi slt, %select_n3A_3451, %lt3A_3457 : i32
    %ne3A_3459 = arith.xori %lt3A_3456, %lt3A_3458 : i1
    %and3A_3460 = arith.andi %ne3A_3459, %ne3A_3454 : i1
    %add3A_3461 = arith.addi %rem3A_3452, %select_n3A_3451 : i32
    %select_n3A_3462 = arith.select %and3A_3460, %add3A_3461, %rem3A_3452 : i32
    %broadcast_in_dim3A_3463 = vector.broadcast %select_n3A_3462 : i32 to vector<16xi32>
    %add3A_3464 = arith.constant 0 : i32
    %add3A_3465 = vector.broadcast %add3A_3464 : i32 to vector<16xi32>
    %add3A_3466 = arith.addi %iota3A_3, %add3A_3465 : vector<16xi32>
    %gather3A_3467 = tpu.vector_load_idx %arg6[%broadcast_in_dim3A_3444, %broadcast_in_dim3A_3446, %add3A_3466, %broadcast_in_dim3A_3463] : memref<2x4x64x128xf32, #tpu.memory_space<vmem>>[vector<16xi32>, vector<16xi32>, vector<16xi32>, vector<16xi32>], vector<16xf32>,
    %swap3A_3468 = arith.constant 24 : i32
    %swap3A_3469 = arith.index_cast %swap3A_3468 : i32 to index
    %swap3A_3470 = arith.constant 0 : index
    %swap3A_3471 = tpu.vector_load %arg7[%swap3A_3469, %swap3A_3470] {strides = array<i32>} : memref<32x64xf32, #tpu.memory_space<vmem>>, vector<16xf32>,
    tpu.vector_store %arg7[%swap3A_3469, %swap3A_3470], %gather3A_3467 {strides = array<i32>} : memref<32x64xf32, #tpu.memory_space<vmem>>, vector<16xf32>,
    %add3A_3472 = arith.constant 16 : i32
    %add3A_3473 = vector.broadcast %add3A_3472 : i32 to vector<16xi32>
    %add3A_3474 = arith.addi %iota3A_3, %add3A_3473 : vector<16xi32>
    %gather3A_3475 = tpu.vector_load_idx %arg6[%broadcast_in_dim3A_3444, %broadcast_in_dim3A_3446, %add3A_3474, %broadcast_in_dim3A_3463] : memref<2x4x64x128xf32, #tpu.memory_space<vmem>>[vector<16xi32>, vector<16xi32>, vector<16xi32>, vector<16xi32>], vector<16xf32>,
    %swap3A_3476 = arith.constant 24 : i32
    %swap3A_3477 = arith.index_cast %swap3A_3476 : i32 to index
    %swap3A_3478 = arith.constant 16 : index
    %swap3A_3479 = tpu.vector_load %arg7[%swap3A_3477, %swap3A_3478] {strides = array<i32>} : memref<32x64xf32, #tpu.memory_space<vmem>>, vector<16xf32>,
    tpu.vector_store %arg7[%swap3A_3477, %swap3A_3478], %gather3A_3475 {strides = array<i32>} : memref<32x64xf32, #tpu.memory_space<vmem>>, vector<16xf32>,
    %add3A_3480 = arith.constant 32 : i32
    %add3A_3481 = vector.broadcast %add3A_3480 : i32 to vector<16xi32>
    %add3A_3482 = arith.addi %iota3A_3, %add3A_3481 : vector<16xi32>
    %gather3A_3483 = tpu.vector_load_idx %arg6[%broadcast_in_dim3A_3444, %broadcast_in_dim3A_3446, %add3A_3482, %broadcast_in_dim3A_3463] : memref<2x4x64x128xf32, #tpu.memory_space<vmem>>[vector<16xi32>, vector<16xi32>, vector<16xi32>, vector<16xi32>], vector<16xf32>,
    %swap3A_3484 = arith.constant 24 : i32
    %swap3A_3485 = arith.index_cast %swap3A_3484 : i32 to index
    %swap3A_3486 = arith.constant 32 : index
    %swap3A_3487 = tpu.vector_load %arg7[%swap3A_3485, %swap3A_3486] {strides = array<i32>} : memref<32x64xf32, #tpu.memory_space<vmem>>, vector<16xf32>,
    tpu.vector_store %arg7[%swap3A_3485, %swap3A_3486], %gather3A_3483 {strides = array<i32>} : memref<32x64xf32, #tpu.memory_space<vmem>>, vector<16xf32>,
    %add3A_3488 = arith.constant 48 : i32
    %add3A_3489 = vector.broadcast %add3A_3488 : i32 to vector<16xi32>
    %add3A_3490 = arith.addi %iota3A_3, %add3A_3489 : vector<16xi32>
    %gather3A_3491 = tpu.vector_load_idx %arg6[%broadcast_in_dim3A_3444, %broadcast_in_dim3A_3446, %add3A_3490, %broadcast_in_dim3A_3463] : memref<2x4x64x128xf32, #tpu.memory_space<vmem>>[vector<16xi32>, vector<16xi32>, vector<16xi32>, vector<16xi32>], vector<16xf32>,
    %swap3A_3492 = arith.constant 24 : i32
    %swap3A_3493 = arith.index_cast %swap3A_3492 : i32 to index
    %swap3A_3494 = arith.constant 48 : index
    %swap3A_3495 = tpu.vector_load %arg7[%swap3A_3493, %swap3A_3494] {strides = array<i32>} : memref<32x64xf32, #tpu.memory_space<vmem>>, vector<16xf32>,
    tpu.vector_store %arg7[%swap3A_3493, %swap3A_3494], %gather3A_3491 {strides = array<i32>} : memref<32x64xf32, #tpu.memory_space<vmem>>, vector<16xf32>,
    %broadcast_in_dim3A_3496 = arith.constant 0 : i32
    %broadcast_in_dim3A_3497 = vector.broadcast %broadcast_in_dim3A_3496 : i32 to vector<16xi32>
    %broadcast_in_dim3A_3498 = arith.constant 1 : i32
    %broadcast_in_dim3A_3499 = vector.broadcast %broadcast_in_dim3A_3498 : i32 to vector<16xi32>
    %jit3A_3500 = arith.constant 128 : i32
    %eq3A_3501 = arith.constant 0 : i32
    %eq3A_3502 = arith.cmpi eq, %jit3A_3500, %eq3A_3501 : i32
    %jit3A_3503 = arith.constant 1 : i32
    %select_n3A_3504 = arith.select %eq3A_3502, %jit3A_3503, %jit3A_3500 : i32
    %rem3A_3505 = arith.remsi %reduce_max3A_2742, %select_n3A_3504 : i32
    %ne3A_3506 = arith.constant 0 : i32
    %ne3A_3507 = arith.cmpi ne, %rem3A_3505, %ne3A_3506 : i32
    %lt3A_3508 = arith.constant 0 : i32
    %lt3A_3509 = arith.cmpi slt, %rem3A_3505, %lt3A_3508 : i32
    %lt3A_3510 = arith.constant 0 : i32
    %lt3A_3511 = arith.cmpi slt, %select_n3A_3504, %lt3A_3510 : i32
    %ne3A_3512 = arith.xori %lt3A_3509, %lt3A_3511 : i1
    %and3A_3513 = arith.andi %ne3A_3512, %ne3A_3507 : i1
    %add3A_3514 = arith.addi %rem3A_3505, %select_n3A_3504 : i32
    %select_n3A_3515 = arith.select %and3A_3513, %add3A_3514, %rem3A_3505 : i32
    %broadcast_in_dim3A_3516 = vector.broadcast %select_n3A_3515 : i32 to vector<16xi32>
    %add3A_3517 = arith.constant 0 : i32
    %add3A_3518 = vector.broadcast %add3A_3517 : i32 to vector<16xi32>
    %add3A_3519 = arith.addi %iota3A_3, %add3A_3518 : vector<16xi32>
    %gather3A_3520 = tpu.vector_load_idx %arg6[%broadcast_in_dim3A_3497, %broadcast_in_dim3A_3499, %add3A_3519, %broadcast_in_dim3A_3516] : memref<2x4x64x128xf32, #tpu.memory_space<vmem>>[vector<16xi32>, vector<16xi32>, vector<16xi32>, vector<16xi32>], vector<16xf32>,
    %swap3A_3521 = arith.constant 25 : i32
    %swap3A_3522 = arith.index_cast %swap3A_3521 : i32 to index
    %swap3A_3523 = arith.constant 0 : index
    %swap3A_3524 = tpu.vector_load %arg7[%swap3A_3522, %swap3A_3523] {strides = array<i32>} : memref<32x64xf32, #tpu.memory_space<vmem>>, vector<16xf32>,
    tpu.vector_store %arg7[%swap3A_3522, %swap3A_3523], %gather3A_3520 {strides = array<i32>} : memref<32x64xf32, #tpu.memory_space<vmem>>, vector<16xf32>,
    %add3A_3525 = arith.constant 16 : i32
    %add3A_3526 = vector.broadcast %add3A_3525 : i32 to vector<16xi32>
    %add3A_3527 = arith.addi %iota3A_3, %add3A_3526 : vector<16xi32>
    %gather3A_3528 = tpu.vector_load_idx %arg6[%broadcast_in_dim3A_3497, %broadcast_in_dim3A_3499, %add3A_3527, %broadcast_in_dim3A_3516] : memref<2x4x64x128xf32, #tpu.memory_space<vmem>>[vector<16xi32>, vector<16xi32>, vector<16xi32>, vector<16xi32>], vector<16xf32>,
    %swap3A_3529 = arith.constant 25 : i32
    %swap3A_3530 = arith.index_cast %swap3A_3529 : i32 to index
    %swap3A_3531 = arith.constant 16 : index
    %swap3A_3532 = tpu.vector_load %arg7[%swap3A_3530, %swap3A_3531] {strides = array<i32>} : memref<32x64xf32, #tpu.memory_space<vmem>>, vector<16xf32>,
    tpu.vector_store %arg7[%swap3A_3530, %swap3A_3531], %gather3A_3528 {strides = array<i32>} : memref<32x64xf32, #tpu.memory_space<vmem>>, vector<16xf32>,
    %add3A_3533 = arith.constant 32 : i32
    %add3A_3534 = vector.broadcast %add3A_3533 : i32 to vector<16xi32>
    %add3A_3535 = arith.addi %iota3A_3, %add3A_3534 : vector<16xi32>
    %gather3A_3536 = tpu.vector_load_idx %arg6[%broadcast_in_dim3A_3497, %broadcast_in_dim3A_3499, %add3A_3535, %broadcast_in_dim3A_3516] : memref<2x4x64x128xf32, #tpu.memory_space<vmem>>[vector<16xi32>, vector<16xi32>, vector<16xi32>, vector<16xi32>], vector<16xf32>,
    %swap3A_3537 = arith.constant 25 : i32
    %swap3A_3538 = arith.index_cast %swap3A_3537 : i32 to index
    %swap3A_3539 = arith.constant 32 : index
    %swap3A_3540 = tpu.vector_load %arg7[%swap3A_3538, %swap3A_3539] {strides = array<i32>} : memref<32x64xf32, #tpu.memory_space<vmem>>, vector<16xf32>,
    tpu.vector_store %arg7[%swap3A_3538, %swap3A_3539], %gather3A_3536 {strides = array<i32>} : memref<32x64xf32, #tpu.memory_space<vmem>>, vector<16xf32>,
    %add3A_3541 = arith.constant 48 : i32
    %add3A_3542 = vector.broadcast %add3A_3541 : i32 to vector<16xi32>
    %add3A_3543 = arith.addi %iota3A_3, %add3A_3542 : vector<16xi32>
    %gather3A_3544 = tpu.vector_load_idx %arg6[%broadcast_in_dim3A_3497, %broadcast_in_dim3A_3499, %add3A_3543, %broadcast_in_dim3A_3516] : memref<2x4x64x128xf32, #tpu.memory_space<vmem>>[vector<16xi32>, vector<16xi32>, vector<16xi32>, vector<16xi32>], vector<16xf32>,
    %swap3A_3545 = arith.constant 25 : i32
    %swap3A_3546 = arith.index_cast %swap3A_3545 : i32 to index
    %swap3A_3547 = arith.constant 48 : index
    %swap3A_3548 = tpu.vector_load %arg7[%swap3A_3546, %swap3A_3547] {strides = array<i32>} : memref<32x64xf32, #tpu.memory_space<vmem>>, vector<16xf32>,
    tpu.vector_store %arg7[%swap3A_3546, %swap3A_3547], %gather3A_3544 {strides = array<i32>} : memref<32x64xf32, #tpu.memory_space<vmem>>, vector<16xf32>,
    %broadcast_in_dim3A_3549 = arith.constant 0 : i32
    %broadcast_in_dim3A_3550 = vector.broadcast %broadcast_in_dim3A_3549 : i32 to vector<16xi32>
    %broadcast_in_dim3A_3551 = arith.constant 2 : i32
    %broadcast_in_dim3A_3552 = vector.broadcast %broadcast_in_dim3A_3551 : i32 to vector<16xi32>
    %jit3A_3553 = arith.constant 128 : i32
    %eq3A_3554 = arith.constant 0 : i32
    %eq3A_3555 = arith.cmpi eq, %jit3A_3553, %eq3A_3554 : i32
    %jit3A_3556 = arith.constant 1 : i32
    %select_n3A_3557 = arith.select %eq3A_3555, %jit3A_3556, %jit3A_3553 : i32
    %rem3A_3558 = arith.remsi %reduce_max3A_2798, %select_n3A_3557 : i32
    %ne3A_3559 = arith.constant 0 : i32
    %ne3A_3560 = arith.cmpi ne, %rem3A_3558, %ne3A_3559 : i32
    %lt3A_3561 = arith.constant 0 : i32
    %lt3A_3562 = arith.cmpi slt, %rem3A_3558, %lt3A_3561 : i32
    %lt3A_3563 = arith.constant 0 : i32
    %lt3A_3564 = arith.cmpi slt, %select_n3A_3557, %lt3A_3563 : i32
    %ne3A_3565 = arith.xori %lt3A_3562, %lt3A_3564 : i1
    %and3A_3566 = arith.andi %ne3A_3565, %ne3A_3560 : i1
    %add3A_3567 = arith.addi %rem3A_3558, %select_n3A_3557 : i32
    %select_n3A_3568 = arith.select %and3A_3566, %add3A_3567, %rem3A_3558 : i32
    %broadcast_in_dim3A_3569 = vector.broadcast %select_n3A_3568 : i32 to vector<16xi32>
    %add3A_3570 = arith.constant 0 : i32
    %add3A_3571 = vector.broadcast %add3A_3570 : i32 to vector<16xi32>
    %add3A_3572 = arith.addi %iota3A_3, %add3A_3571 : vector<16xi32>
    %gather3A_3573 = tpu.vector_load_idx %arg6[%broadcast_in_dim3A_3550, %broadcast_in_dim3A_3552, %add3A_3572, %broadcast_in_dim3A_3569] : memref<2x4x64x128xf32, #tpu.memory_space<vmem>>[vector<16xi32>, vector<16xi32>, vector<16xi32>, vector<16xi32>], vector<16xf32>,
    %swap3A_3574 = arith.constant 26 : i32
    %swap3A_3575 = arith.index_cast %swap3A_3574 : i32 to index
    %swap3A_3576 = arith.constant 0 : index
    %swap3A_3577 = tpu.vector_load %arg7[%swap3A_3575, %swap3A_3576] {strides = array<i32>} : memref<32x64xf32, #tpu.memory_space<vmem>>, vector<16xf32>,
    tpu.vector_store %arg7[%swap3A_3575, %swap3A_3576], %gather3A_3573 {strides = array<i32>} : memref<32x64xf32, #tpu.memory_space<vmem>>, vector<16xf32>,
    %add3A_3578 = arith.constant 16 : i32
    %add3A_3579 = vector.broadcast %add3A_3578 : i32 to vector<16xi32>
    %add3A_3580 = arith.addi %iota3A_3, %add3A_3579 : vector<16xi32>
    %gather3A_3581 = tpu.vector_load_idx %arg6[%broadcast_in_dim3A_3550, %broadcast_in_dim3A_3552, %add3A_3580, %broadcast_in_dim3A_3569] : memref<2x4x64x128xf32, #tpu.memory_space<vmem>>[vector<16xi32>, vector<16xi32>, vector<16xi32>, vector<16xi32>], vector<16xf32>,
    %swap3A_3582 = arith.constant 26 : i32
    %swap3A_3583 = arith.index_cast %swap3A_3582 : i32 to index
    %swap3A_3584 = arith.constant 16 : index
    %swap3A_3585 = tpu.vector_load %arg7[%swap3A_3583, %swap3A_3584] {strides = array<i32>} : memref<32x64xf32, #tpu.memory_space<vmem>>, vector<16xf32>,
    tpu.vector_store %arg7[%swap3A_3583, %swap3A_3584], %gather3A_3581 {strides = array<i32>} : memref<32x64xf32, #tpu.memory_space<vmem>>, vector<16xf32>,
    %add3A_3586 = arith.constant 32 : i32
    %add3A_3587 = vector.broadcast %add3A_3586 : i32 to vector<16xi32>
    %add3A_3588 = arith.addi %iota3A_3, %add3A_3587 : vector<16xi32>
    %gather3A_3589 = tpu.vector_load_idx %arg6[%broadcast_in_dim3A_3550, %broadcast_in_dim3A_3552, %add3A_3588, %broadcast_in_dim3A_3569] : memref<2x4x64x128xf32, #tpu.memory_space<vmem>>[vector<16xi32>, vector<16xi32>, vector<16xi32>, vector<16xi32>], vector<16xf32>,
    %swap3A_3590 = arith.constant 26 : i32
    %swap3A_3591 = arith.index_cast %swap3A_3590 : i32 to index
    %swap3A_3592 = arith.constant 32 : index
    %swap3A_3593 = tpu.vector_load %arg7[%swap3A_3591, %swap3A_3592] {strides = array<i32>} : memref<32x64xf32, #tpu.memory_space<vmem>>, vector<16xf32>,
    tpu.vector_store %arg7[%swap3A_3591, %swap3A_3592], %gather3A_3589 {strides = array<i32>} : memref<32x64xf32, #tpu.memory_space<vmem>>, vector<16xf32>,
    %add3A_3594 = arith.constant 48 : i32
    %add3A_3595 = vector.broadcast %add3A_3594 : i32 to vector<16xi32>
    %add3A_3596 = arith.addi %iota3A_3, %add3A_3595 : vector<16xi32>
    %gather3A_3597 = tpu.vector_load_idx %arg6[%broadcast_in_dim3A_3550, %broadcast_in_dim3A_3552, %add3A_3596, %broadcast_in_dim3A_3569] : memref<2x4x64x128xf32, #tpu.memory_space<vmem>>[vector<16xi32>, vector<16xi32>, vector<16xi32>, vector<16xi32>], vector<16xf32>,
    %swap3A_3598 = arith.constant 26 : i32
    %swap3A_3599 = arith.index_cast %swap3A_3598 : i32 to index
    %swap3A_3600 = arith.constant 48 : index
    %swap3A_3601 = tpu.vector_load %arg7[%swap3A_3599, %swap3A_3600] {strides = array<i32>} : memref<32x64xf32, #tpu.memory_space<vmem>>, vector<16xf32>,
    tpu.vector_store %arg7[%swap3A_3599, %swap3A_3600], %gather3A_3597 {strides = array<i32>} : memref<32x64xf32, #tpu.memory_space<vmem>>, vector<16xf32>,
    %broadcast_in_dim3A_3602 = arith.constant 0 : i32
    %broadcast_in_dim3A_3603 = vector.broadcast %broadcast_in_dim3A_3602 : i32 to vector<16xi32>
    %broadcast_in_dim3A_3604 = arith.constant 3 : i32
    %broadcast_in_dim3A_3605 = vector.broadcast %broadcast_in_dim3A_3604 : i32 to vector<16xi32>
    %jit3A_3606 = arith.constant 128 : i32
    %eq3A_3607 = arith.constant 0 : i32
    %eq3A_3608 = arith.cmpi eq, %jit3A_3606, %eq3A_3607 : i32
    %jit3A_3609 = arith.constant 1 : i32
    %select_n3A_3610 = arith.select %eq3A_3608, %jit3A_3609, %jit3A_3606 : i32
    %rem3A_3611 = arith.remsi %reduce_max3A_2854, %select_n3A_3610 : i32
    %ne3A_3612 = arith.constant 0 : i32
    %ne3A_3613 = arith.cmpi ne, %rem3A_3611, %ne3A_3612 : i32
    %lt3A_3614 = arith.constant 0 : i32
    %lt3A_3615 = arith.cmpi slt, %rem3A_3611, %lt3A_3614 : i32
    %lt3A_3616 = arith.constant 0 : i32
    %lt3A_3617 = arith.cmpi slt, %select_n3A_3610, %lt3A_3616 : i32
    %ne3A_3618 = arith.xori %lt3A_3615, %lt3A_3617 : i1
    %and3A_3619 = arith.andi %ne3A_3618, %ne3A_3613 : i1
    %add3A_3620 = arith.addi %rem3A_3611, %select_n3A_3610 : i32
    %select_n3A_3621 = arith.select %and3A_3619, %add3A_3620, %rem3A_3611 : i32
    %broadcast_in_dim3A_3622 = vector.broadcast %select_n3A_3621 : i32 to vector<16xi32>
    %add3A_3623 = arith.constant 0 : i32
    %add3A_3624 = vector.broadcast %add3A_3623 : i32 to vector<16xi32>
    %add3A_3625 = arith.addi %iota3A_3, %add3A_3624 : vector<16xi32>
    %gather3A_3626 = tpu.vector_load_idx %arg6[%broadcast_in_dim3A_3603, %broadcast_in_dim3A_3605, %add3A_3625, %broadcast_in_dim3A_3622] : memref<2x4x64x128xf32, #tpu.memory_space<vmem>>[vector<16xi32>, vector<16xi32>, vector<16xi32>, vector<16xi32>], vector<16xf32>,
    %swap3A_3627 = arith.constant 27 : i32
    %swap3A_3628 = arith.index_cast %swap3A_3627 : i32 to index
    %swap3A_3629 = arith.constant 0 : index
    %swap3A_3630 = tpu.vector_load %arg7[%swap3A_3628, %swap3A_3629] {strides = array<i32>} : memref<32x64xf32, #tpu.memory_space<vmem>>, vector<16xf32>,
    tpu.vector_store %arg7[%swap3A_3628, %swap3A_3629], %gather3A_3626 {strides = array<i32>} : memref<32x64xf32, #tpu.memory_space<vmem>>, vector<16xf32>,
    %add3A_3631 = arith.constant 16 : i32
    %add3A_3632 = vector.broadcast %add3A_3631 : i32 to vector<16xi32>
    %add3A_3633 = arith.addi %iota3A_3, %add3A_3632 : vector<16xi32>
    %gather3A_3634 = tpu.vector_load_idx %arg6[%broadcast_in_dim3A_3603, %broadcast_in_dim3A_3605, %add3A_3633, %broadcast_in_dim3A_3622] : memref<2x4x64x128xf32, #tpu.memory_space<vmem>>[vector<16xi32>, vector<16xi32>, vector<16xi32>, vector<16xi32>], vector<16xf32>,
    %swap3A_3635 = arith.constant 27 : i32
    %swap3A_3636 = arith.index_cast %swap3A_3635 : i32 to index
    %swap3A_3637 = arith.constant 16 : index
    %swap3A_3638 = tpu.vector_load %arg7[%swap3A_3636, %swap3A_3637] {strides = array<i32>} : memref<32x64xf32, #tpu.memory_space<vmem>>, vector<16xf32>,
    tpu.vector_store %arg7[%swap3A_3636, %swap3A_3637], %gather3A_3634 {strides = array<i32>} : memref<32x64xf32, #tpu.memory_space<vmem>>, vector<16xf32>,
    %add3A_3639 = arith.constant 32 : i32
    %add3A_3640 = vector.broadcast %add3A_3639 : i32 to vector<16xi32>
    %add3A_3641 = arith.addi %iota3A_3, %add3A_3640 : vector<16xi32>
    %gather3A_3642 = tpu.vector_load_idx %arg6[%broadcast_in_dim3A_3603, %broadcast_in_dim3A_3605, %add3A_3641, %broadcast_in_dim3A_3622] : memref<2x4x64x128xf32, #tpu.memory_space<vmem>>[vector<16xi32>, vector<16xi32>, vector<16xi32>, vector<16xi32>], vector<16xf32>,
    %swap3A_3643 = arith.constant 27 : i32
    %swap3A_3644 = arith.index_cast %swap3A_3643 : i32 to index
    %swap3A_3645 = arith.constant 32 : index
    %swap3A_3646 = tpu.vector_load %arg7[%swap3A_3644, %swap3A_3645] {strides = array<i32>} : memref<32x64xf32, #tpu.memory_space<vmem>>, vector<16xf32>,
    tpu.vector_store %arg7[%swap3A_3644, %swap3A_3645], %gather3A_3642 {strides = array<i32>} : memref<32x64xf32, #tpu.memory_space<vmem>>, vector<16xf32>,
    %add3A_3647 = arith.constant 48 : i32
    %add3A_3648 = vector.broadcast %add3A_3647 : i32 to vector<16xi32>
    %add3A_3649 = arith.addi %iota3A_3, %add3A_3648 : vector<16xi32>
    %gather3A_3650 = tpu.vector_load_idx %arg6[%broadcast_in_dim3A_3603, %broadcast_in_dim3A_3605, %add3A_3649, %broadcast_in_dim3A_3622] : memref<2x4x64x128xf32, #tpu.memory_space<vmem>>[vector<16xi32>, vector<16xi32>, vector<16xi32>, vector<16xi32>], vector<16xf32>,
    %swap3A_3651 = arith.constant 27 : i32
    %swap3A_3652 = arith.index_cast %swap3A_3651 : i32 to index
    %swap3A_3653 = arith.constant 48 : index
    %swap3A_3654 = tpu.vector_load %arg7[%swap3A_3652, %swap3A_3653] {strides = array<i32>} : memref<32x64xf32, #tpu.memory_space<vmem>>, vector<16xf32>,
    tpu.vector_store %arg7[%swap3A_3652, %swap3A_3653], %gather3A_3650 {strides = array<i32>} : memref<32x64xf32, #tpu.memory_space<vmem>>, vector<16xf32>,
    %dma_wait3A_3655 = arith.constant 1 : i32
    %dma_wait3A_3656 = arith.constant 0 : i32
    %dma_wait3A_3657 = arith.constant 0 : i32
    %dma_wait3A_3658 = arith.constant 0 : i32
    %dma_wait3A_3659 = tpu.memref_slice %arg6[%dma_wait3A_3655, %dma_wait3A_3656, %dma_wait3A_3657, %dma_wait3A_3658] : memref<2x4x64x128xf32, #tpu.memory_space<vmem>> -> memref<1x1x64x128xf32, #tpu.memory_space<vmem>>
    %dma_wait3A_3660 = tpu.memref_squeeze %dma_wait3A_3659 : memref<1x1x64x128xf32, #tpu.memory_space<vmem>> -> memref<64x128xf32, #tpu.memory_space<vmem>>
    %dma_wait3A_3661 = arith.constant 0 : i32
    %dma_wait3A_3662 = tpu.memref_slice %arg3[%dma_wait3A_3661, %mul3A_3204] : memref<64x1000000xf32, #tpu.memory_space<hbm>> -> memref<64x128xf32, #tpu.memory_space<hbm>>
    %dma_wait3A_3663 = arith.constant 0 : i32
    %dma_wait3A_3664 = arith.constant 0 : i32
    %dma_wait3A_3665 = tpu.memref_slice %arg6[%dma_wait3A_3655, %dma_wait3A_3656, %dma_wait3A_3663, %dma_wait3A_3664] : memref<2x4x64x128xf32, #tpu.memory_space<vmem>> -> memref<1x1x64x128xf32, #tpu.memory_space<vmem>>
    %dma_wait3A_3666 = tpu.memref_squeeze %dma_wait3A_3665 : memref<1x1x64x128xf32, #tpu.memory_space<vmem>> -> memref<64x128xf32, #tpu.memory_space<vmem>>
    %dma_wait3A_3667 = arith.constant 0 : i32
    %dma_wait3A_3668 = tpu.memref_slice %arg3[%dma_wait3A_3667, %mul3A_3204] : memref<64x1000000xf32, #tpu.memory_space<hbm>> -> memref<64x128xf32, #tpu.memory_space<hbm>>
    tpu.wait_dma2 semaphore(%arg8 : memref<!tpu.dma_semaphore, #tpu.memory_space<semaphore_mem>>) src(%dma_wait3A_3668 : memref<64x128xf32, #tpu.memory_space<hbm>>) dst(%dma_wait3A_3666 : memref<64x128xf32, #tpu.memory_space<vmem>>)
    %dma_wait3A_3669 = arith.constant 1 : i32
    %dma_wait3A_3670 = arith.constant 1 : i32
    %dma_wait3A_3671 = arith.constant 0 : i32
    %dma_wait3A_3672 = arith.constant 0 : i32
    %dma_wait3A_3673 = tpu.memref_slice %arg6[%dma_wait3A_3669, %dma_wait3A_3670, %dma_wait3A_3671, %dma_wait3A_3672] : memref<2x4x64x128xf32, #tpu.memory_space<vmem>> -> memref<1x1x64x128xf32, #tpu.memory_space<vmem>>
    %dma_wait3A_3674 = tpu.memref_squeeze %dma_wait3A_3673 : memref<1x1x64x128xf32, #tpu.memory_space<vmem>> -> memref<64x128xf32, #tpu.memory_space<vmem>>
    %dma_wait3A_3675 = arith.constant 0 : i32
    %dma_wait3A_3676 = tpu.memref_slice %arg3[%dma_wait3A_3675, %mul3A_3260] : memref<64x1000000xf32, #tpu.memory_space<hbm>> -> memref<64x128xf32, #tpu.memory_space<hbm>>
    %dma_wait3A_3677 = arith.constant 0 : i32
    %dma_wait3A_3678 = arith.constant 0 : i32
    %dma_wait3A_3679 = tpu.memref_slice %arg6[%dma_wait3A_3669, %dma_wait3A_3670, %dma_wait3A_3677, %dma_wait3A_3678] : memref<2x4x64x128xf32, #tpu.memory_space<vmem>> -> memref<1x1x64x128xf32, #tpu.memory_space<vmem>>
    %dma_wait3A_3680 = tpu.memref_squeeze %dma_wait3A_3679 : memref<1x1x64x128xf32, #tpu.memory_space<vmem>> -> memref<64x128xf32, #tpu.memory_space<vmem>>
    %dma_wait3A_3681 = arith.constant 0 : i32
    %dma_wait3A_3682 = tpu.memref_slice %arg3[%dma_wait3A_3681, %mul3A_3260] : memref<64x1000000xf32, #tpu.memory_space<hbm>> -> memref<64x128xf32, #tpu.memory_space<hbm>>
    tpu.wait_dma2 semaphore(%arg8 : memref<!tpu.dma_semaphore, #tpu.memory_space<semaphore_mem>>) src(%dma_wait3A_3682 : memref<64x128xf32, #tpu.memory_space<hbm>>) dst(%dma_wait3A_3680 : memref<64x128xf32, #tpu.memory_space<vmem>>)
    %dma_wait3A_3683 = arith.constant 1 : i32
    %dma_wait3A_3684 = arith.constant 2 : i32
    %dma_wait3A_3685 = arith.constant 0 : i32
    %dma_wait3A_3686 = arith.constant 0 : i32
    %dma_wait3A_3687 = tpu.memref_slice %arg6[%dma_wait3A_3683, %dma_wait3A_3684, %dma_wait3A_3685, %dma_wait3A_3686] : memref<2x4x64x128xf32, #tpu.memory_space<vmem>> -> memref<1x1x64x128xf32, #tpu.memory_space<vmem>>
    %dma_wait3A_3688 = tpu.memref_squeeze %dma_wait3A_3687 : memref<1x1x64x128xf32, #tpu.memory_space<vmem>> -> memref<64x128xf32, #tpu.memory_space<vmem>>
    %dma_wait3A_3689 = arith.constant 0 : i32
    %dma_wait3A_3690 = tpu.memref_slice %arg3[%dma_wait3A_3689, %mul3A_3316] : memref<64x1000000xf32, #tpu.memory_space<hbm>> -> memref<64x128xf32, #tpu.memory_space<hbm>>
    %dma_wait3A_3691 = arith.constant 0 : i32
    %dma_wait3A_3692 = arith.constant 0 : i32
    %dma_wait3A_3693 = tpu.memref_slice %arg6[%dma_wait3A_3683, %dma_wait3A_3684, %dma_wait3A_3691, %dma_wait3A_3692] : memref<2x4x64x128xf32, #tpu.memory_space<vmem>> -> memref<1x1x64x128xf32, #tpu.memory_space<vmem>>
    %dma_wait3A_3694 = tpu.memref_squeeze %dma_wait3A_3693 : memref<1x1x64x128xf32, #tpu.memory_space<vmem>> -> memref<64x128xf32, #tpu.memory_space<vmem>>
    %dma_wait3A_3695 = arith.constant 0 : i32
    %dma_wait3A_3696 = tpu.memref_slice %arg3[%dma_wait3A_3695, %mul3A_3316] : memref<64x1000000xf32, #tpu.memory_space<hbm>> -> memref<64x128xf32, #tpu.memory_space<hbm>>
    tpu.wait_dma2 semaphore(%arg8 : memref<!tpu.dma_semaphore, #tpu.memory_space<semaphore_mem>>) src(%dma_wait3A_3696 : memref<64x128xf32, #tpu.memory_space<hbm>>) dst(%dma_wait3A_3694 : memref<64x128xf32, #tpu.memory_space<vmem>>)
    %dma_wait3A_3697 = arith.constant 1 : i32
    %dma_wait3A_3698 = arith.constant 3 : i32
    %dma_wait3A_3699 = arith.constant 0 : i32
    %dma_wait3A_3700 = arith.constant 0 : i32
    %dma_wait3A_3701 = tpu.memref_slice %arg6[%dma_wait3A_3697, %dma_wait3A_3698, %dma_wait3A_3699, %dma_wait3A_3700] : memref<2x4x64x128xf32, #tpu.memory_space<vmem>> -> memref<1x1x64x128xf32, #tpu.memory_space<vmem>>
    %dma_wait3A_3702 = tpu.memref_squeeze %dma_wait3A_3701 : memref<1x1x64x128xf32, #tpu.memory_space<vmem>> -> memref<64x128xf32, #tpu.memory_space<vmem>>
    %dma_wait3A_3703 = arith.constant 0 : i32
    %dma_wait3A_3704 = tpu.memref_slice %arg3[%dma_wait3A_3703, %mul3A_3372] : memref<64x1000000xf32, #tpu.memory_space<hbm>> -> memref<64x128xf32, #tpu.memory_space<hbm>>
    %dma_wait3A_3705 = arith.constant 0 : i32
    %dma_wait3A_3706 = arith.constant 0 : i32
    %dma_wait3A_3707 = tpu.memref_slice %arg6[%dma_wait3A_3697, %dma_wait3A_3698, %dma_wait3A_3705, %dma_wait3A_3706] : memref<2x4x64x128xf32, #tpu.memory_space<vmem>> -> memref<1x1x64x128xf32, #tpu.memory_space<vmem>>
    %dma_wait3A_3708 = tpu.memref_squeeze %dma_wait3A_3707 : memref<1x1x64x128xf32, #tpu.memory_space<vmem>> -> memref<64x128xf32, #tpu.memory_space<vmem>>
    %dma_wait3A_3709 = arith.constant 0 : i32
    %dma_wait3A_3710 = tpu.memref_slice %arg3[%dma_wait3A_3709, %mul3A_3372] : memref<64x1000000xf32, #tpu.memory_space<hbm>> -> memref<64x128xf32, #tpu.memory_space<hbm>>
    tpu.wait_dma2 semaphore(%arg8 : memref<!tpu.dma_semaphore, #tpu.memory_space<semaphore_mem>>) src(%dma_wait3A_3710 : memref<64x128xf32, #tpu.memory_space<hbm>>) dst(%dma_wait3A_3708 : memref<64x128xf32, #tpu.memory_space<vmem>>)
    %broadcast_in_dim3A_3711 = arith.constant 1 : i32
    %broadcast_in_dim3A_3712 = vector.broadcast %broadcast_in_dim3A_3711 : i32 to vector<16xi32>
    %broadcast_in_dim3A_3713 = arith.constant 0 : i32
    %broadcast_in_dim3A_3714 = vector.broadcast %broadcast_in_dim3A_3713 : i32 to vector<16xi32>
    %jit3A_3715 = arith.constant 128 : i32
    %eq3A_3716 = arith.constant 0 : i32
    %eq3A_3717 = arith.cmpi eq, %jit3A_3715, %eq3A_3716 : i32
    %jit3A_3718 = arith.constant 1 : i32
    %select_n3A_3719 = arith.select %eq3A_3717, %jit3A_3718, %jit3A_3715 : i32
    %rem3A_3720 = arith.remsi %reduce_max3A_3178, %select_n3A_3719 : i32
    %ne3A_3721 = arith.constant 0 : i32
    %ne3A_3722 = arith.cmpi ne, %rem3A_3720, %ne3A_3721 : i32
    %lt3A_3723 = arith.constant 0 : i32
    %lt3A_3724 = arith.cmpi slt, %rem3A_3720, %lt3A_3723 : i32
    %lt3A_3725 = arith.constant 0 : i32
    %lt3A_3726 = arith.cmpi slt, %select_n3A_3719, %lt3A_3725 : i32
    %ne3A_3727 = arith.xori %lt3A_3724, %lt3A_3726 : i1
    %and3A_3728 = arith.andi %ne3A_3727, %ne3A_3722 : i1
    %add3A_3729 = arith.addi %rem3A_3720, %select_n3A_3719 : i32
    %select_n3A_3730 = arith.select %and3A_3728, %add3A_3729, %rem3A_3720 : i32
    %broadcast_in_dim3A_3731 = vector.broadcast %select_n3A_3730 : i32 to vector<16xi32>
    %add3A_3732 = arith.constant 0 : i32
    %add3A_3733 = vector.broadcast %add3A_3732 : i32 to vector<16xi32>
    %add3A_3734 = arith.addi %iota3A_3, %add3A_3733 : vector<16xi32>
    %gather3A_3735 = tpu.vector_load_idx %arg6[%broadcast_in_dim3A_3712, %broadcast_in_dim3A_3714, %add3A_3734, %broadcast_in_dim3A_3731] : memref<2x4x64x128xf32, #tpu.memory_space<vmem>>[vector<16xi32>, vector<16xi32>, vector<16xi32>, vector<16xi32>], vector<16xf32>,
    %swap3A_3736 = arith.constant 28 : i32
    %swap3A_3737 = arith.index_cast %swap3A_3736 : i32 to index
    %swap3A_3738 = arith.constant 0 : index
    %swap3A_3739 = tpu.vector_load %arg7[%swap3A_3737, %swap3A_3738] {strides = array<i32>} : memref<32x64xf32, #tpu.memory_space<vmem>>, vector<16xf32>,
    tpu.vector_store %arg7[%swap3A_3737, %swap3A_3738], %gather3A_3735 {strides = array<i32>} : memref<32x64xf32, #tpu.memory_space<vmem>>, vector<16xf32>,
    %add3A_3740 = arith.constant 16 : i32
    %add3A_3741 = vector.broadcast %add3A_3740 : i32 to vector<16xi32>
    %add3A_3742 = arith.addi %iota3A_3, %add3A_3741 : vector<16xi32>
    %gather3A_3743 = tpu.vector_load_idx %arg6[%broadcast_in_dim3A_3712, %broadcast_in_dim3A_3714, %add3A_3742, %broadcast_in_dim3A_3731] : memref<2x4x64x128xf32, #tpu.memory_space<vmem>>[vector<16xi32>, vector<16xi32>, vector<16xi32>, vector<16xi32>], vector<16xf32>,
    %swap3A_3744 = arith.constant 28 : i32
    %swap3A_3745 = arith.index_cast %swap3A_3744 : i32 to index
    %swap3A_3746 = arith.constant 16 : index
    %swap3A_3747 = tpu.vector_load %arg7[%swap3A_3745, %swap3A_3746] {strides = array<i32>} : memref<32x64xf32, #tpu.memory_space<vmem>>, vector<16xf32>,
    tpu.vector_store %arg7[%swap3A_3745, %swap3A_3746], %gather3A_3743 {strides = array<i32>} : memref<32x64xf32, #tpu.memory_space<vmem>>, vector<16xf32>,
    %add3A_3748 = arith.constant 32 : i32
    %add3A_3749 = vector.broadcast %add3A_3748 : i32 to vector<16xi32>
    %add3A_3750 = arith.addi %iota3A_3, %add3A_3749 : vector<16xi32>
    %gather3A_3751 = tpu.vector_load_idx %arg6[%broadcast_in_dim3A_3712, %broadcast_in_dim3A_3714, %add3A_3750, %broadcast_in_dim3A_3731] : memref<2x4x64x128xf32, #tpu.memory_space<vmem>>[vector<16xi32>, vector<16xi32>, vector<16xi32>, vector<16xi32>], vector<16xf32>,
    %swap3A_3752 = arith.constant 28 : i32
    %swap3A_3753 = arith.index_cast %swap3A_3752 : i32 to index
    %swap3A_3754 = arith.constant 32 : index
    %swap3A_3755 = tpu.vector_load %arg7[%swap3A_3753, %swap3A_3754] {strides = array<i32>} : memref<32x64xf32, #tpu.memory_space<vmem>>, vector<16xf32>,
    tpu.vector_store %arg7[%swap3A_3753, %swap3A_3754], %gather3A_3751 {strides = array<i32>} : memref<32x64xf32, #tpu.memory_space<vmem>>, vector<16xf32>,
    %add3A_3756 = arith.constant 48 : i32
    %add3A_3757 = vector.broadcast %add3A_3756 : i32 to vector<16xi32>
    %add3A_3758 = arith.addi %iota3A_3, %add3A_3757 : vector<16xi32>
    %gather3A_3759 = tpu.vector_load_idx %arg6[%broadcast_in_dim3A_3712, %broadcast_in_dim3A_3714, %add3A_3758, %broadcast_in_dim3A_3731] : memref<2x4x64x128xf32, #tpu.memory_space<vmem>>[vector<16xi32>, vector<16xi32>, vector<16xi32>, vector<16xi32>], vector<16xf32>,
    %swap3A_3760 = arith.constant 28 : i32
    %swap3A_3761 = arith.index_cast %swap3A_3760 : i32 to index
    %swap3A_3762 = arith.constant 48 : index
    %swap3A_3763 = tpu.vector_load %arg7[%swap3A_3761, %swap3A_3762] {strides = array<i32>} : memref<32x64xf32, #tpu.memory_space<vmem>>, vector<16xf32>,
    tpu.vector_store %arg7[%swap3A_3761, %swap3A_3762], %gather3A_3759 {strides = array<i32>} : memref<32x64xf32, #tpu.memory_space<vmem>>, vector<16xf32>,
    %broadcast_in_dim3A_3764 = arith.constant 1 : i32
    %broadcast_in_dim3A_3765 = vector.broadcast %broadcast_in_dim3A_3764 : i32 to vector<16xi32>
    %broadcast_in_dim3A_3766 = arith.constant 1 : i32
    %broadcast_in_dim3A_3767 = vector.broadcast %broadcast_in_dim3A_3766 : i32 to vector<16xi32>
    %jit3A_3768 = arith.constant 128 : i32
    %eq3A_3769 = arith.constant 0 : i32
    %eq3A_3770 = arith.cmpi eq, %jit3A_3768, %eq3A_3769 : i32
    %jit3A_3771 = arith.constant 1 : i32
    %select_n3A_3772 = arith.select %eq3A_3770, %jit3A_3771, %jit3A_3768 : i32
    %rem3A_3773 = arith.remsi %reduce_max3A_3234, %select_n3A_3772 : i32
    %ne3A_3774 = arith.constant 0 : i32
    %ne3A_3775 = arith.cmpi ne, %rem3A_3773, %ne3A_3774 : i32
    %lt3A_3776 = arith.constant 0 : i32
    %lt3A_3777 = arith.cmpi slt, %rem3A_3773, %lt3A_3776 : i32
    %lt3A_3778 = arith.constant 0 : i32
    %lt3A_3779 = arith.cmpi slt, %select_n3A_3772, %lt3A_3778 : i32
    %ne3A_3780 = arith.xori %lt3A_3777, %lt3A_3779 : i1
    %and3A_3781 = arith.andi %ne3A_3780, %ne3A_3775 : i1
    %add3A_3782 = arith.addi %rem3A_3773, %select_n3A_3772 : i32
    %select_n3A_3783 = arith.select %and3A_3781, %add3A_3782, %rem3A_3773 : i32
    %broadcast_in_dim3A_3784 = vector.broadcast %select_n3A_3783 : i32 to vector<16xi32>
    %add3A_3785 = arith.constant 0 : i32
    %add3A_3786 = vector.broadcast %add3A_3785 : i32 to vector<16xi32>
    %add3A_3787 = arith.addi %iota3A_3, %add3A_3786 : vector<16xi32>
    %gather3A_3788 = tpu.vector_load_idx %arg6[%broadcast_in_dim3A_3765, %broadcast_in_dim3A_3767, %add3A_3787, %broadcast_in_dim3A_3784] : memref<2x4x64x128xf32, #tpu.memory_space<vmem>>[vector<16xi32>, vector<16xi32>, vector<16xi32>, vector<16xi32>], vector<16xf32>,
    %swap3A_3789 = arith.constant 29 : i32
    %swap3A_3790 = arith.index_cast %swap3A_3789 : i32 to index
    %swap3A_3791 = arith.constant 0 : index
    %swap3A_3792 = tpu.vector_load %arg7[%swap3A_3790, %swap3A_3791] {strides = array<i32>} : memref<32x64xf32, #tpu.memory_space<vmem>>, vector<16xf32>,
    tpu.vector_store %arg7[%swap3A_3790, %swap3A_3791], %gather3A_3788 {strides = array<i32>} : memref<32x64xf32, #tpu.memory_space<vmem>>, vector<16xf32>,
    %add3A_3793 = arith.constant 16 : i32
    %add3A_3794 = vector.broadcast %add3A_3793 : i32 to vector<16xi32>
    %add3A_3795 = arith.addi %iota3A_3, %add3A_3794 : vector<16xi32>
    %gather3A_3796 = tpu.vector_load_idx %arg6[%broadcast_in_dim3A_3765, %broadcast_in_dim3A_3767, %add3A_3795, %broadcast_in_dim3A_3784] : memref<2x4x64x128xf32, #tpu.memory_space<vmem>>[vector<16xi32>, vector<16xi32>, vector<16xi32>, vector<16xi32>], vector<16xf32>,
    %swap3A_3797 = arith.constant 29 : i32
    %swap3A_3798 = arith.index_cast %swap3A_3797 : i32 to index
    %swap3A_3799 = arith.constant 16 : index
    %swap3A_3800 = tpu.vector_load %arg7[%swap3A_3798, %swap3A_3799] {strides = array<i32>} : memref<32x64xf32, #tpu.memory_space<vmem>>, vector<16xf32>,
    tpu.vector_store %arg7[%swap3A_3798, %swap3A_3799], %gather3A_3796 {strides = array<i32>} : memref<32x64xf32, #tpu.memory_space<vmem>>, vector<16xf32>,
    %add3A_3801 = arith.constant 32 : i32
    %add3A_3802 = vector.broadcast %add3A_3801 : i32 to vector<16xi32>
    %add3A_3803 = arith.addi %iota3A_3, %add3A_3802 : vector<16xi32>
    %gather3A_3804 = tpu.vector_load_idx %arg6[%broadcast_in_dim3A_3765, %broadcast_in_dim3A_3767, %add3A_3803, %broadcast_in_dim3A_3784] : memref<2x4x64x128xf32, #tpu.memory_space<vmem>>[vector<16xi32>, vector<16xi32>, vector<16xi32>, vector<16xi32>], vector<16xf32>,
    %swap3A_3805 = arith.constant 29 : i32
    %swap3A_3806 = arith.index_cast %swap3A_3805 : i32 to index
    %swap3A_3807 = arith.constant 32 : index
    %swap3A_3808 = tpu.vector_load %arg7[%swap3A_3806, %swap3A_3807] {strides = array<i32>} : memref<32x64xf32, #tpu.memory_space<vmem>>, vector<16xf32>,
    tpu.vector_store %arg7[%swap3A_3806, %swap3A_3807], %gather3A_3804 {strides = array<i32>} : memref<32x64xf32, #tpu.memory_space<vmem>>, vector<16xf32>,
    %add3A_3809 = arith.constant 48 : i32
    %add3A_3810 = vector.broadcast %add3A_3809 : i32 to vector<16xi32>
    %add3A_3811 = arith.addi %iota3A_3, %add3A_3810 : vector<16xi32>
    %gather3A_3812 = tpu.vector_load_idx %arg6[%broadcast_in_dim3A_3765, %broadcast_in_dim3A_3767, %add3A_3811, %broadcast_in_dim3A_3784] : memref<2x4x64x128xf32, #tpu.memory_space<vmem>>[vector<16xi32>, vector<16xi32>, vector<16xi32>, vector<16xi32>], vector<16xf32>,
    %swap3A_3813 = arith.constant 29 : i32
    %swap3A_3814 = arith.index_cast %swap3A_3813 : i32 to index
    %swap3A_3815 = arith.constant 48 : index
    %swap3A_3816 = tpu.vector_load %arg7[%swap3A_3814, %swap3A_3815] {strides = array<i32>} : memref<32x64xf32, #tpu.memory_space<vmem>>, vector<16xf32>,
    tpu.vector_store %arg7[%swap3A_3814, %swap3A_3815], %gather3A_3812 {strides = array<i32>} : memref<32x64xf32, #tpu.memory_space<vmem>>, vector<16xf32>,
    %broadcast_in_dim3A_3817 = arith.constant 1 : i32
    %broadcast_in_dim3A_3818 = vector.broadcast %broadcast_in_dim3A_3817 : i32 to vector<16xi32>
    %broadcast_in_dim3A_3819 = arith.constant 2 : i32
    %broadcast_in_dim3A_3820 = vector.broadcast %broadcast_in_dim3A_3819 : i32 to vector<16xi32>
    %jit3A_3821 = arith.constant 128 : i32
    %eq3A_3822 = arith.constant 0 : i32
    %eq3A_3823 = arith.cmpi eq, %jit3A_3821, %eq3A_3822 : i32
    %jit3A_3824 = arith.constant 1 : i32
    %select_n3A_3825 = arith.select %eq3A_3823, %jit3A_3824, %jit3A_3821 : i32
    %rem3A_3826 = arith.remsi %reduce_max3A_3290, %select_n3A_3825 : i32
    %ne3A_3827 = arith.constant 0 : i32
    %ne3A_3828 = arith.cmpi ne, %rem3A_3826, %ne3A_3827 : i32
    %lt3A_3829 = arith.constant 0 : i32
    %lt3A_3830 = arith.cmpi slt, %rem3A_3826, %lt3A_3829 : i32
    %lt3A_3831 = arith.constant 0 : i32
    %lt3A_3832 = arith.cmpi slt, %select_n3A_3825, %lt3A_3831 : i32
    %ne3A_3833 = arith.xori %lt3A_3830, %lt3A_3832 : i1
    %and3A_3834 = arith.andi %ne3A_3833, %ne3A_3828 : i1
    %add3A_3835 = arith.addi %rem3A_3826, %select_n3A_3825 : i32
    %select_n3A_3836 = arith.select %and3A_3834, %add3A_3835, %rem3A_3826 : i32
    %broadcast_in_dim3A_3837 = vector.broadcast %select_n3A_3836 : i32 to vector<16xi32>
    %add3A_3838 = arith.constant 0 : i32
    %add3A_3839 = vector.broadcast %add3A_3838 : i32 to vector<16xi32>
    %add3A_3840 = arith.addi %iota3A_3, %add3A_3839 : vector<16xi32>
    %gather3A_3841 = tpu.vector_load_idx %arg6[%broadcast_in_dim3A_3818, %broadcast_in_dim3A_3820, %add3A_3840, %broadcast_in_dim3A_3837] : memref<2x4x64x128xf32, #tpu.memory_space<vmem>>[vector<16xi32>, vector<16xi32>, vector<16xi32>, vector<16xi32>], vector<16xf32>,
    %swap3A_3842 = arith.constant 30 : i32
    %swap3A_3843 = arith.index_cast %swap3A_3842 : i32 to index
    %swap3A_3844 = arith.constant 0 : index
    %swap3A_3845 = tpu.vector_load %arg7[%swap3A_3843, %swap3A_3844] {strides = array<i32>} : memref<32x64xf32, #tpu.memory_space<vmem>>, vector<16xf32>,
    tpu.vector_store %arg7[%swap3A_3843, %swap3A_3844], %gather3A_3841 {strides = array<i32>} : memref<32x64xf32, #tpu.memory_space<vmem>>, vector<16xf32>,
    %add3A_3846 = arith.constant 16 : i32
    %add3A_3847 = vector.broadcast %add3A_3846 : i32 to vector<16xi32>
    %add3A_3848 = arith.addi %iota3A_3, %add3A_3847 : vector<16xi32>
    %gather3A_3849 = tpu.vector_load_idx %arg6[%broadcast_in_dim3A_3818, %broadcast_in_dim3A_3820, %add3A_3848, %broadcast_in_dim3A_3837] : memref<2x4x64x128xf32, #tpu.memory_space<vmem>>[vector<16xi32>, vector<16xi32>, vector<16xi32>, vector<16xi32>], vector<16xf32>,
    %swap3A_3850 = arith.constant 30 : i32
    %swap3A_3851 = arith.index_cast %swap3A_3850 : i32 to index
    %swap3A_3852 = arith.constant 16 : index
    %swap3A_3853 = tpu.vector_load %arg7[%swap3A_3851, %swap3A_3852] {strides = array<i32>} : memref<32x64xf32, #tpu.memory_space<vmem>>, vector<16xf32>,
    tpu.vector_store %arg7[%swap3A_3851, %swap3A_3852], %gather3A_3849 {strides = array<i32>} : memref<32x64xf32, #tpu.memory_space<vmem>>, vector<16xf32>,
    %add3A_3854 = arith.constant 32 : i32
    %add3A_3855 = vector.broadcast %add3A_3854 : i32 to vector<16xi32>
    %add3A_3856 = arith.addi %iota3A_3, %add3A_3855 : vector<16xi32>
    %gather3A_3857 = tpu.vector_load_idx %arg6[%broadcast_in_dim3A_3818, %broadcast_in_dim3A_3820, %add3A_3856, %broadcast_in_dim3A_3837] : memref<2x4x64x128xf32, #tpu.memory_space<vmem>>[vector<16xi32>, vector<16xi32>, vector<16xi32>, vector<16xi32>], vector<16xf32>,
    %swap3A_3858 = arith.constant 30 : i32
    %swap3A_3859 = arith.index_cast %swap3A_3858 : i32 to index
    %swap3A_3860 = arith.constant 32 : index
    %swap3A_3861 = tpu.vector_load %arg7[%swap3A_3859, %swap3A_3860] {strides = array<i32>} : memref<32x64xf32, #tpu.memory_space<vmem>>, vector<16xf32>,
    tpu.vector_store %arg7[%swap3A_3859, %swap3A_3860], %gather3A_3857 {strides = array<i32>} : memref<32x64xf32, #tpu.memory_space<vmem>>, vector<16xf32>,
    %add3A_3862 = arith.constant 48 : i32
    %add3A_3863 = vector.broadcast %add3A_3862 : i32 to vector<16xi32>
    %add3A_3864 = arith.addi %iota3A_3, %add3A_3863 : vector<16xi32>
    %gather3A_3865 = tpu.vector_load_idx %arg6[%broadcast_in_dim3A_3818, %broadcast_in_dim3A_3820, %add3A_3864, %broadcast_in_dim3A_3837] : memref<2x4x64x128xf32, #tpu.memory_space<vmem>>[vector<16xi32>, vector<16xi32>, vector<16xi32>, vector<16xi32>], vector<16xf32>,
    %swap3A_3866 = arith.constant 30 : i32
    %swap3A_3867 = arith.index_cast %swap3A_3866 : i32 to index
    %swap3A_3868 = arith.constant 48 : index
    %swap3A_3869 = tpu.vector_load %arg7[%swap3A_3867, %swap3A_3868] {strides = array<i32>} : memref<32x64xf32, #tpu.memory_space<vmem>>, vector<16xf32>,
    tpu.vector_store %arg7[%swap3A_3867, %swap3A_3868], %gather3A_3865 {strides = array<i32>} : memref<32x64xf32, #tpu.memory_space<vmem>>, vector<16xf32>,
    %broadcast_in_dim3A_3870 = arith.constant 1 : i32
    %broadcast_in_dim3A_3871 = vector.broadcast %broadcast_in_dim3A_3870 : i32 to vector<16xi32>
    %broadcast_in_dim3A_3872 = arith.constant 3 : i32
    %broadcast_in_dim3A_3873 = vector.broadcast %broadcast_in_dim3A_3872 : i32 to vector<16xi32>
    %jit3A_3874 = arith.constant 128 : i32
    %eq3A_3875 = arith.constant 0 : i32
    %eq3A_3876 = arith.cmpi eq, %jit3A_3874, %eq3A_3875 : i32
    %jit3A_3877 = arith.constant 1 : i32
    %select_n3A_3878 = arith.select %eq3A_3876, %jit3A_3877, %jit3A_3874 : i32
    %rem3A_3879 = arith.remsi %reduce_max3A_3346, %select_n3A_3878 : i32
    %ne3A_3880 = arith.constant 0 : i32
    %ne3A_3881 = arith.cmpi ne, %rem3A_3879, %ne3A_3880 : i32
    %lt3A_3882 = arith.constant 0 : i32
    %lt3A_3883 = arith.cmpi slt, %rem3A_3879, %lt3A_3882 : i32
    %lt3A_3884 = arith.constant 0 : i32
    %lt3A_3885 = arith.cmpi slt, %select_n3A_3878, %lt3A_3884 : i32
    %ne3A_3886 = arith.xori %lt3A_3883, %lt3A_3885 : i1
    %and3A_3887 = arith.andi %ne3A_3886, %ne3A_3881 : i1
    %add3A_3888 = arith.addi %rem3A_3879, %select_n3A_3878 : i32
    %select_n3A_3889 = arith.select %and3A_3887, %add3A_3888, %rem3A_3879 : i32
    %broadcast_in_dim3A_3890 = vector.broadcast %select_n3A_3889 : i32 to vector<16xi32>
    %add3A_3891 = arith.constant 0 : i32
    %add3A_3892 = vector.broadcast %add3A_3891 : i32 to vector<16xi32>
    %add3A_3893 = arith.addi %iota3A_3, %add3A_3892 : vector<16xi32>
    %gather3A_3894 = tpu.vector_load_idx %arg6[%broadcast_in_dim3A_3871, %broadcast_in_dim3A_3873, %add3A_3893, %broadcast_in_dim3A_3890] : memref<2x4x64x128xf32, #tpu.memory_space<vmem>>[vector<16xi32>, vector<16xi32>, vector<16xi32>, vector<16xi32>], vector<16xf32>,
    %swap3A_3895 = arith.constant 31 : i32
    %swap3A_3896 = arith.index_cast %swap3A_3895 : i32 to index
    %swap3A_3897 = arith.constant 0 : index
    %swap3A_3898 = tpu.vector_load %arg7[%swap3A_3896, %swap3A_3897] {strides = array<i32>} : memref<32x64xf32, #tpu.memory_space<vmem>>, vector<16xf32>,
    tpu.vector_store %arg7[%swap3A_3896, %swap3A_3897], %gather3A_3894 {strides = array<i32>} : memref<32x64xf32, #tpu.memory_space<vmem>>, vector<16xf32>,
    %add3A_3899 = arith.constant 16 : i32
    %add3A_3900 = vector.broadcast %add3A_3899 : i32 to vector<16xi32>
    %add3A_3901 = arith.addi %iota3A_3, %add3A_3900 : vector<16xi32>
    %gather3A_3902 = tpu.vector_load_idx %arg6[%broadcast_in_dim3A_3871, %broadcast_in_dim3A_3873, %add3A_3901, %broadcast_in_dim3A_3890] : memref<2x4x64x128xf32, #tpu.memory_space<vmem>>[vector<16xi32>, vector<16xi32>, vector<16xi32>, vector<16xi32>], vector<16xf32>,
    %swap3A_3903 = arith.constant 31 : i32
    %swap3A_3904 = arith.index_cast %swap3A_3903 : i32 to index
    %swap3A_3905 = arith.constant 16 : index
    %swap3A_3906 = tpu.vector_load %arg7[%swap3A_3904, %swap3A_3905] {strides = array<i32>} : memref<32x64xf32, #tpu.memory_space<vmem>>, vector<16xf32>,
    tpu.vector_store %arg7[%swap3A_3904, %swap3A_3905], %gather3A_3902 {strides = array<i32>} : memref<32x64xf32, #tpu.memory_space<vmem>>, vector<16xf32>,
    %add3A_3907 = arith.constant 32 : i32
    %add3A_3908 = vector.broadcast %add3A_3907 : i32 to vector<16xi32>
    %add3A_3909 = arith.addi %iota3A_3, %add3A_3908 : vector<16xi32>
    %gather3A_3910 = tpu.vector_load_idx %arg6[%broadcast_in_dim3A_3871, %broadcast_in_dim3A_3873, %add3A_3909, %broadcast_in_dim3A_3890] : memref<2x4x64x128xf32, #tpu.memory_space<vmem>>[vector<16xi32>, vector<16xi32>, vector<16xi32>, vector<16xi32>], vector<16xf32>,
    %swap3A_3911 = arith.constant 31 : i32
    %swap3A_3912 = arith.index_cast %swap3A_3911 : i32 to index
    %swap3A_3913 = arith.constant 32 : index
    %swap3A_3914 = tpu.vector_load %arg7[%swap3A_3912, %swap3A_3913] {strides = array<i32>} : memref<32x64xf32, #tpu.memory_space<vmem>>, vector<16xf32>,
    tpu.vector_store %arg7[%swap3A_3912, %swap3A_3913], %gather3A_3910 {strides = array<i32>} : memref<32x64xf32, #tpu.memory_space<vmem>>, vector<16xf32>,
    %add3A_3915 = arith.constant 48 : i32
    %add3A_3916 = vector.broadcast %add3A_3915 : i32 to vector<16xi32>
    %add3A_3917 = arith.addi %iota3A_3, %add3A_3916 : vector<16xi32>
    %gather3A_3918 = tpu.vector_load_idx %arg6[%broadcast_in_dim3A_3871, %broadcast_in_dim3A_3873, %add3A_3917, %broadcast_in_dim3A_3890] : memref<2x4x64x128xf32, #tpu.memory_space<vmem>>[vector<16xi32>, vector<16xi32>, vector<16xi32>, vector<16xi32>], vector<16xf32>,
    %swap3A_3919 = arith.constant 31 : i32
    %swap3A_3920 = arith.index_cast %swap3A_3919 : i32 to index
    %swap3A_3921 = arith.constant 48 : index
    %swap3A_3922 = tpu.vector_load %arg7[%swap3A_3920, %swap3A_3921] {strides = array<i32>} : memref<32x64xf32, #tpu.memory_space<vmem>>, vector<16xf32>,
    tpu.vector_store %arg7[%swap3A_3920, %swap3A_3921], %gather3A_3918 {strides = array<i32>} : memref<32x64xf32, #tpu.memory_space<vmem>>, vector<16xf32>,
    "tpu.region"() ({
      %run_scoped3A = tpu.sem_alloc : memref<!tpu.dma_semaphore, #tpu.memory_space<semaphore_mem>>
      %dma_start3A_3923 = arith.constant 0 : i32
      %dma_start3A_3924 = tpu.memref_slice %arg4[%mul3A_2, %dma_start3A_3923] : memref<1024x64xf32, #tpu.memory_space<hbm>> -> memref<32x64xf32, #tpu.memory_space<hbm>>
      %dma_start3A_3925 = arith.constant 0 : i32
      %dma_start3A_3926 = tpu.memref_slice %arg4[%mul3A_2, %dma_start3A_3925] : memref<1024x64xf32, #tpu.memory_space<hbm>> -> memref<32x64xf32, #tpu.memory_space<hbm>>
      tpu.enqueue_dma source(%arg7 : memref<32x64xf32, #tpu.memory_space<vmem>>) target(%dma_start3A_3926 : memref<32x64xf32, #tpu.memory_space<hbm>>) target_semaphore(%run_scoped3A : memref<!tpu.dma_semaphore, #tpu.memory_space<semaphore_mem>>)
      %dma_wait3A_3927 = arith.constant 0 : i32
      %dma_wait3A_3928 = tpu.memref_slice %arg4[%mul3A_2, %dma_wait3A_3927] : memref<1024x64xf32, #tpu.memory_space<hbm>> -> memref<32x64xf32, #tpu.memory_space<hbm>>
      %dma_wait3A_3929 = arith.constant 0 : i32
      %dma_wait3A_3930 = tpu.memref_slice %arg4[%mul3A_2, %dma_wait3A_3929] : memref<1024x64xf32, #tpu.memory_space<hbm>> -> memref<32x64xf32, #tpu.memory_space<hbm>>
      tpu.wait_dma2 semaphore(%run_scoped3A : memref<!tpu.dma_semaphore, #tpu.memory_space<semaphore_mem>>) src(%arg7 : memref<32x64xf32, #tpu.memory_space<vmem>>) dst(%dma_wait3A_3930 : memref<32x64xf32, #tpu.memory_space<hbm>>)
      tpu.yield
    }) : () -> ()
    return
  }
}

module attributes {stable_mosaic.version = 14 : i64} {
  func.func @_dense_body(%arg0: i32, %arg1: memref<2x512x1024xf32, #tpu.memory_space<vmem>>, %arg2: memref<1024x64xf32, #tpu.memory_space<vmem>>, %arg3: memref<3x66xf32, #tpu.memory_space<vmem>>, %arg4: memref<3x66xf32, #tpu.memory_space<smem>>, %arg5: memref<3xf32, #tpu.memory_space<smem>>, %arg6: memref<3x512x1024xf32, #tpu.memory_space<vmem>>) attributes {dimension_semantics = [#tpu.dimension_semantics<arbitrary>], iteration_bounds = array<i64: 2>, scalar_prefetch = 0 : i64, scratch_operands = 0 : i64, tpu.core_type = #tpu.core_type<tc>, window_params = [{transform_indices = @transform_0, window_bounds = array<i64: 2, 512, 1024>}, {pipeline_mode = #tpu.pipeline_mode<synchronous>, transform_indices = @transform_1, window_bounds = array<i64: 1024, 64>}, {pipeline_mode = #tpu.pipeline_mode<synchronous>, transform_indices = @transform_2, window_bounds = array<i64: 3, 66>}, {transform_indices = @transform_3, window_bounds = array<i64: 3, 66>}, {transform_indices = @transform_4, window_bounds = array<i64: 3>}, {transform_indices = @transform_5, window_bounds = array<i64: 3, 512, 1024>}]} {
    %get3A = arith.constant 0 : index
    %get3A_0 = arith.constant 2 : index
    %get3A_1 = vector.load %arg3[%get3A, %get3A_0] : memref<3x66xf32, #tpu.memory_space<vmem>>, vector<3x64xf32>
    %get3A_2 = arith.constant 0 : index
    %get3A_3 = arith.constant 0 : index
    %get3A_4 = vector.load %arg2[%get3A_2, %get3A_3] : memref<1024x64xf32, #tpu.memory_space<vmem>>, vector<1024x64xf32>
    %dot_general3A = arith.constant dense<0.000000e+00> : vector<3x1024xf32>
    %dot_general3A_5 = tpu.matmul %get3A_1, %get3A_4, %dot_general3A {dimension_numbers = #tpu.dot_dimension_numbers<[1], [1], [0], [0], [0, 0, 1, 0], [], []>, transpose_lhs_hint = false} : vector<3x64xf32>, vector<1024x64xf32>, vector<3x1024xf32> -> vector<3x1024xf32>
    %get3A_6 = arith.constant 0 : index
    %get3A_7 = arith.constant 0 : index
    %get3A_8 = arith.constant 0 : index
    %get3A_9 = vector.load %arg1[%get3A_6, %get3A_7, %get3A_8] : memref<2x512x1024xf32, #tpu.memory_space<vmem>>, vector<1x512x1024xf32>
    %get3A_10 = vector.shape_cast %get3A_9 : vector<1x512x1024xf32> to vector<512x1024xf32>
    %get3A_11 = arith.constant 1 : index
    %get3A_12 = arith.constant 0 : index
    %get3A_13 = arith.constant 0 : index
    %get3A_14 = vector.load %arg1[%get3A_11, %get3A_12, %get3A_13] : memref<2x512x1024xf32, #tpu.memory_space<vmem>>, vector<1x512x1024xf32>
    %get3A_15 = vector.shape_cast %get3A_14 : vector<1x512x1024xf32> to vector<512x1024xf32>
    %get3A_16 = arith.constant 0 : index
    %get3A_17 = arith.constant 0 : index
    %get3A_18 = memref.load %arg4[%get3A_16, %get3A_17] : memref<3x66xf32, #tpu.memory_space<smem>>
    %mul3A = vector.broadcast %get3A_18 : f32 to vector<512x1024xf32>
    %mul3A_19 = arith.mulf %get3A_10, %mul3A : vector<512x1024xf32>
    %get3A_20 = arith.constant 0 : index
    %get3A_21 = arith.constant 1 : index
    %get3A_22 = memref.load %arg4[%get3A_20, %get3A_21] : memref<3x66xf32, #tpu.memory_space<smem>>
    %mul3A_23 = vector.broadcast %get3A_22 : f32 to vector<512x1024xf32>
    %mul3A_24 = arith.mulf %get3A_15, %mul3A_23 : vector<512x1024xf32>
    %add3A = arith.addf %mul3A_19, %mul3A_24 : vector<512x1024xf32>
    %slice3A = vector.extract_strided_slice %dot_general3A_5 {offsets = [0, 0], sizes = [1, 1024], strides = [1, 1]} : vector<3x1024xf32> to vector<1x1024xf32>
    %squeeze3A = vector.shape_cast %slice3A : vector<1x1024xf32> to vector<1024xf32>
    %get3A_25 = arith.constant 0 : index
    %get3A_26 = memref.load %arg5[%get3A_25] : memref<3xf32, #tpu.memory_space<smem>>
    %add3A_27 = vector.broadcast %get3A_26 : f32 to vector<1024xf32>
    %add3A_28 = arith.addf %squeeze3A, %add3A_27 : vector<1024xf32>
    %broadcast_in_dim3A = vector.shape_cast %add3A_28 : vector<1024xf32> to vector<1x1024xf32>
    %add3A_29 = vector.broadcast %broadcast_in_dim3A : vector<1x1024xf32> to vector<512x1024xf32>
    %add3A_30 = arith.addf %add3A, %add3A_29 : vector<512x1024xf32>
    %swap3A = arith.constant 0 : index
    %swap3A_31 = arith.constant 0 : index
    %swap3A_32 = arith.constant 0 : index
    %swap3A_33 = vector.load %arg6[%swap3A, %swap3A_31, %swap3A_32] : memref<3x512x1024xf32, #tpu.memory_space<vmem>>, vector<1x512x1024xf32>
    %swap3A_34 = vector.shape_cast %swap3A_33 : vector<1x512x1024xf32> to vector<512x1024xf32>
    %swap3A_35 = vector.shape_cast %add3A_30 : vector<512x1024xf32> to vector<1x512x1024xf32>
    tpu.vector_store %arg6[%swap3A, %swap3A_31, %swap3A_32], %swap3A_35 {strides = array<i32>} : memref<3x512x1024xf32, #tpu.memory_space<vmem>>, vector<1x512x1024xf32>,
    %get3A_36 = arith.constant 1 : index
    %get3A_37 = arith.constant 0 : index
    %get3A_38 = memref.load %arg4[%get3A_36, %get3A_37] : memref<3x66xf32, #tpu.memory_space<smem>>
    %mul3A_39 = vector.broadcast %get3A_38 : f32 to vector<512x1024xf32>
    %mul3A_40 = arith.mulf %get3A_10, %mul3A_39 : vector<512x1024xf32>
    %get3A_41 = arith.constant 1 : index
    %get3A_42 = arith.constant 1 : index
    %get3A_43 = memref.load %arg4[%get3A_41, %get3A_42] : memref<3x66xf32, #tpu.memory_space<smem>>
    %mul3A_44 = vector.broadcast %get3A_43 : f32 to vector<512x1024xf32>
    %mul3A_45 = arith.mulf %get3A_15, %mul3A_44 : vector<512x1024xf32>
    %add3A_46 = arith.addf %mul3A_40, %mul3A_45 : vector<512x1024xf32>
    %slice3A_47 = vector.extract_strided_slice %dot_general3A_5 {offsets = [1, 0], sizes = [1, 1024], strides = [1, 1]} : vector<3x1024xf32> to vector<1x1024xf32>
    %squeeze3A_48 = vector.shape_cast %slice3A_47 : vector<1x1024xf32> to vector<1024xf32>
    %get3A_49 = arith.constant 1 : index
    %get3A_50 = memref.load %arg5[%get3A_49] : memref<3xf32, #tpu.memory_space<smem>>
    %add3A_51 = vector.broadcast %get3A_50 : f32 to vector<1024xf32>
    %add3A_52 = arith.addf %squeeze3A_48, %add3A_51 : vector<1024xf32>
    %broadcast_in_dim3A_53 = vector.shape_cast %add3A_52 : vector<1024xf32> to vector<1x1024xf32>
    %add3A_54 = vector.broadcast %broadcast_in_dim3A_53 : vector<1x1024xf32> to vector<512x1024xf32>
    %add3A_55 = arith.addf %add3A_46, %add3A_54 : vector<512x1024xf32>
    %swap3A_56 = arith.constant 1 : index
    %swap3A_57 = arith.constant 0 : index
    %swap3A_58 = arith.constant 0 : index
    %swap3A_59 = vector.load %arg6[%swap3A_56, %swap3A_57, %swap3A_58] : memref<3x512x1024xf32, #tpu.memory_space<vmem>>, vector<1x512x1024xf32>
    %swap3A_60 = vector.shape_cast %swap3A_59 : vector<1x512x1024xf32> to vector<512x1024xf32>
    %swap3A_61 = vector.shape_cast %add3A_55 : vector<512x1024xf32> to vector<1x512x1024xf32>
    tpu.vector_store %arg6[%swap3A_56, %swap3A_57, %swap3A_58], %swap3A_61 {strides = array<i32>} : memref<3x512x1024xf32, #tpu.memory_space<vmem>>, vector<1x512x1024xf32>,
    %get3A_62 = arith.constant 2 : index
    %get3A_63 = arith.constant 0 : index
    %get3A_64 = memref.load %arg4[%get3A_62, %get3A_63] : memref<3x66xf32, #tpu.memory_space<smem>>
    %mul3A_65 = vector.broadcast %get3A_64 : f32 to vector<512x1024xf32>
    %mul3A_66 = arith.mulf %get3A_10, %mul3A_65 : vector<512x1024xf32>
    %get3A_67 = arith.constant 2 : index
    %get3A_68 = arith.constant 1 : index
    %get3A_69 = memref.load %arg4[%get3A_67, %get3A_68] : memref<3x66xf32, #tpu.memory_space<smem>>
    %mul3A_70 = vector.broadcast %get3A_69 : f32 to vector<512x1024xf32>
    %mul3A_71 = arith.mulf %get3A_15, %mul3A_70 : vector<512x1024xf32>
    %add3A_72 = arith.addf %mul3A_66, %mul3A_71 : vector<512x1024xf32>
    %slice3A_73 = vector.extract_strided_slice %dot_general3A_5 {offsets = [2, 0], sizes = [1, 1024], strides = [1, 1]} : vector<3x1024xf32> to vector<1x1024xf32>
    %squeeze3A_74 = vector.shape_cast %slice3A_73 : vector<1x1024xf32> to vector<1024xf32>
    %get3A_75 = arith.constant 2 : index
    %get3A_76 = memref.load %arg5[%get3A_75] : memref<3xf32, #tpu.memory_space<smem>>
    %add3A_77 = vector.broadcast %get3A_76 : f32 to vector<1024xf32>
    %add3A_78 = arith.addf %squeeze3A_74, %add3A_77 : vector<1024xf32>
    %broadcast_in_dim3A_79 = vector.shape_cast %add3A_78 : vector<1024xf32> to vector<1x1024xf32>
    %add3A_80 = vector.broadcast %broadcast_in_dim3A_79 : vector<1x1024xf32> to vector<512x1024xf32>
    %add3A_81 = arith.addf %add3A_72, %add3A_80 : vector<512x1024xf32>
    %swap3A_82 = arith.constant 2 : index
    %swap3A_83 = arith.constant 0 : index
    %swap3A_84 = arith.constant 0 : index
    %swap3A_85 = vector.load %arg6[%swap3A_82, %swap3A_83, %swap3A_84] : memref<3x512x1024xf32, #tpu.memory_space<vmem>>, vector<1x512x1024xf32>
    %swap3A_86 = vector.shape_cast %swap3A_85 : vector<1x512x1024xf32> to vector<512x1024xf32>
    %swap3A_87 = vector.shape_cast %add3A_81 : vector<512x1024xf32> to vector<1x512x1024xf32>
    tpu.vector_store %arg6[%swap3A_82, %swap3A_83, %swap3A_84], %swap3A_87 {strides = array<i32>} : memref<3x512x1024xf32, #tpu.memory_space<vmem>>, vector<1x512x1024xf32>,
    return
  }
  func.func @transform_0(%arg0: i32) -> (i32, i32, i32) {
    %c0_i32 = arith.constant 0 : i32
    %c0_i32_0 = arith.constant 0 : i32
    %c0_i32_1 = arith.constant 0 : i32
    return %c0_i32, %arg0, %c0_i32_0 : i32, i32, i32
  }
  func.func @transform_1(%arg0: i32) -> (i32, i32) {
    %c0_i32 = arith.constant 0 : i32
    %c0_i32_0 = arith.constant 0 : i32
    %c0_i32_1 = arith.constant 0 : i32
    return %c0_i32, %c0_i32_0 : i32, i32
  }
  func.func @transform_2(%arg0: i32) -> (i32, i32) {
    %c0_i32 = arith.constant 0 : i32
    %c0_i32_0 = arith.constant 0 : i32
    %c0_i32_1 = arith.constant 0 : i32
    return %c0_i32, %c0_i32_0 : i32, i32
  }
  func.func @transform_3(%arg0: i32) -> (i32, i32) {
    %c0_i32 = arith.constant 0 : i32
    %c0_i32_0 = arith.constant 0 : i32
    %c0_i32_1 = arith.constant 0 : i32
    return %c0_i32, %c0_i32_0 : i32, i32
  }
  func.func @transform_4(%arg0: i32) -> i32 {
    %c0_i32 = arith.constant 0 : i32
    %c0_i32_0 = arith.constant 0 : i32
    return %c0_i32 : i32
  }
  func.func @transform_5(%arg0: i32) -> (i32, i32, i32) {
    %c0_i32 = arith.constant 0 : i32
    %c0_i32_0 = arith.constant 0 : i32
    %c0_i32_1 = arith.constant 0 : i32
    return %c0_i32, %arg0, %c0_i32_0 : i32, i32, i32
  }
}

</mosaic_0001>

<sc_bundles>
// kernel: kernel.4.cloned.1.call-start
scs
__scs_entry_jumppad:
0x0: {  	(pc) =	sbr.rel $0x88, $3  }
0x1: {  	(tag) =	ssettag $0x0;
	lr =	simm.s32 $0x1  }
0x2: {  	[smem:$0x3F9C] =	sst lr;
	_ =	strace $0xD0000000  }
0x3: {  	_ = 	snop  }
0x4: {  	_ = 	snop  }
0x5: {  	_ = 	snop  }
0x6: {  	_ = 	snop  }
0x7: {  	_ = 	snop  }
__scs_overlays_trampoline_lowered:
0x8: {  	[smem:$0x3FAB] =	sst s0  }
0x9: {  	[smem:$0x3FAC] =	sst s1  }
0xa: {  	[smem:$0x3FAD] =	sst s2  }
0xb: {  	[smem:$0x3FAE] =	sst s3  }
0xc: {  	[smem:$0x3FAF] =	sst s4  }
0xd: {  	[smem:$0x3FB0] =	sst s5  }
0xe: {  	[smem:$0x3FB1] =	sst s6  }
0xf: {  	[smem:$0x3FB2] =	sst s7  }
0x10: {  	[smem:$0x3FB3] =	sst s8  }
0x11: {  	[smem:$0x3FB4] =	sst s9;
	s0 =	simm.s32 @!p0 $0x0  }
0x12: {  	s1 =	sld [smem:$0x3F9A];
	s0 =	simm.s32 @p0 $0x1  }
0x13: {  	[smem:$0x3FB5] =	sst s0;
	s0 =	simm.s32 @!p1 $0x0  }
0x14: {  	s2 =	sld [smem:$0x3F99];
	s0 =	simm.s32 @p1 $0x1  }
0x15: {  	[smem:$0x3FB6] =	sst s0;
	s0 =	simm.s32 @!p2 $0x0  }
0x16: {  	s3 =	sld [smem:$0x3FDB];
	s0 =	simm.s32 @p2 $0x1  }
0x17: {  	s4 =	simm.s32 $0x1BF5;
	[smem:$0x3FB8] =	sst s0  }
0x18: {  	s0 =	sld [smem:$0x3F9B];
	_ =	swait.ge [sflag:s4], $0x0  }
0x19: {  	s7 =	sld [smem:$0x3F9C]  }
0x1a: {  	s8 =	sadd.s32 $0xFFFFE003, lr  }
0x1b: {  	s9 =	sadd.s32 $0xFFFFFEF7, lr;
	s5 =	simm.s32 $0xFFFFFFFF;
	p2 =	slt.u32 s8, $0xFFFFF086  }
0x1c: {  	p1 =	slt.u32 s9, $0xF7A;
	s5 =	simm.s32 @!p2 $0x0  }
0x1d: {  	s5 =	simm.s32 @p1 $0x1;
	p0 =	seq.s32 s7, s2  }
0x1e: {  	s7 =	smul.u32 @!p0 $0xF7A, s2;
	p2 =	seq.s32 @!p0 s5, $0x0  }
0x1f: {  	s9 =	smul.u32 $0xF7A, s1;
	s8 =	simm.s32 @!p0 $0x1BF5;
	p2 =	por !p2, p0  }
0x20: {  	[sflag:s8] =	ssyncset.s32 @!p0 $0xFFFFF086;
	s6 =	sadd.s32 @!p0 s3, s7;
	s7 =	simm.s32 @!p0 $0x108  }
0x21: {  	s3 =	sadd.s32 s3, s9;
	s6 =	sadd.s32 @!p0 $0x88, s6;
	s7 =	simm.s32 @p2 $0x1082  }
0x22: {  	[simem:s7], [sflag:s8] =	dma.local @!p0 [hbm:s6], $0xF7A  }
0x23: {  	s9 =	sor.u32 $0xD0000000, s2;
	s6 =	simm.s32 $0x108;
	_ =	swait.ge @!p0 [sflag:s8], $0x0  }
0x24: {  	s3 =	sadd.s32 $0x88, s3;
	s6 =	simm.s32 @!p1 $0x1082;
	[sflag:s4] =	ssyncset.s32 $0xFFFFF086  }
0x25: {  	[simem:s6], [sflag:s4] =	dma.local [hbm:s3], $0xF7A  }
0x26: {  	[smem:$0x3F9C] =	sst s1;
	(tag) =	ssettag s2;
	_ =	strace s9  }
0x27: {  	s1 =	sld [smem:$0x3FAC]  }
0x28: {  	s2 =	sld [smem:$0x3FAD]  }
0x29: {  	s4 =	sld [smem:$0x3FAF]  }
0x2a: {  	p0 =	seq.s32 s5, $0x0;
	s5 =	sld [smem:$0x3FB0]  }
0x2b: {  	s6 =	sld [smem:$0x3FB1]  }
0x2c: {  	s7 =	sld [smem:$0x3FB2]  }
0x2d: {  	s3 =	simm.s32 $0x108;
	s8 =	sld [smem:$0x3FB3]  }
0x2e: {  	s3 =	simm.s32 @!p0 $0x1082;
	s9 =	sld [smem:$0x3FB4]  }
0x2f: {  	lr =	sadd.s32 s0, s3;
	s0 =	sld [smem:$0x3FAB]  }
0x30: {  	s3 =	sld [smem:$0x3FAE]  }
0x31: {  	[smem:$0x3FB7] =	sst s10  }
0x32: {  	s10 =	sld [smem:$0x3FB5];
	_ =	sdelay $0x3  }
0x33: {  	p0 =	seq.s32 s10, $0x1;
	s10 =	sld [smem:$0x3FB7];
	_ =	sdelay $0x3  }
0x34: {  	[smem:$0x3FB7] =	sst s10  }
0x35: {  	s10 =	sld [smem:$0x3FB6];
	_ =	sdelay $0x3  }
0x36: {  	p1 =	seq.s32 s10, $0x1;
	s10 =	sld [smem:$0x3FB7];
	_ =	sdelay $0x3  }
0x37: {  	[smem:$0x3FB7] =	sst s10  }
0x38: {  	s10 =	sld [smem:$0x3FB8]  }
0x39: {  	_ = 	snop;
	(pc) =	sbr.ind lr, $3  }
0x3a: {  	_ = 	snop  }
0x3b: {  	_ = 	snop  }
0x3c: {  	p2 =	seq.s32 s10, $0x1;
	s10 =	sld [smem:$0x3FB7]  }
0x3d: {  	_ =	shalt  }
0x3e: {  	_ =	shalt  }
0x3f: {  	_ =	shalt  }
0x40: {  	_ =	shalt  }
0x41: {  	_ =	shalt  }
0x42: {  	_ =	shalt  }
0x43: {  	_ =	shalt  }
0x44: {  	_ =	shalt  }
0x45: {  	_ =	shalt  }
0x46: {  	_ =	shalt  }
0x47: {  	_ =	shalt  }
0x48: {  	_ =	shalt  }
0x49: {  	_ =	shalt  }
0x4a: {  	_ =	shalt  }
0x4b: {  	_ =	shalt  }
0x4c: {  	_ =	shalt  }
0x4d: {  	_ =	shalt  }
0x4e: {  	_ =	shalt  }
0x4f: {  	_ =	shalt  }
0x50: {  	_ =	shalt  }
0x51: {  	_ =	shalt  }
0x52: {  	_ =	shalt  }
0x53: {  	_ =	shalt  }
0x54: {  	_ =	shalt  }
0x55: {  	_ =	shalt  }
0x56: {  	_ =	shalt  }
0x57: {  	_ =	shalt  }
0x58: {  	_ =	shalt  }
0x59: {  	_ =	shalt  }
0x5a: {  	_ =	shalt  }
0x5b: {  	_ =	shalt  }
0x5c: {  	_ =	shalt  }
0x5d: {  	_ =	shalt  }
0x5e: {  	_ =	shalt  }
0x5f: {  	_ =	shalt  }
0x60: {  	_ =	shalt  }
0x61: {  	_ =	shalt  }
0x62: {  	_ =	shalt  }
0x63: {  	_ =	shalt  }
0x64: {  	_ =	shalt  }
0x65: {  	_ =	shalt  }
0x66: {  	_ =	shalt  }
0x67: {  	_ =	shalt  }
0x68: {  	_ =	shalt  }
0x69: {  	_ =	shalt  }
0x6a: {  	_ =	shalt  }
0x6b: {  	_ =	shalt  }
0x6c: {  	_ =	shalt  }
0x6d: {  	_ =	shalt  }
0x6e: {  	_ =	shalt  }
0x6f: {  	_ =	shalt  }
0x70: {  	_ =	shalt  }
0x71: {  	_ =	shalt  }
0x72: {  	_ =	shalt  }
0x73: {  	_ =	shalt  }
0x74: {  	_ =	shalt  }
0x75: {  	_ =	shalt  }
0x76: {  	_ =	shalt  }
0x77: {  	_ =	shalt  }
0x78: {  	_ =	shalt  }
0x79: {  	_ =	shalt  }
0x7a: {  	_ =	shalt  }
0x7b: {  	_ =	shalt  }
0x7c: {  	_ =	shalt  }
0x7d: {  	_ =	shalt  }
0x7e: {  	_ =	shalt  }
0x7f: {  	_ =	shalt  }
0x80: {  	_ =	shalt  }
0x81: {  	_ =	shalt  }
0x82: {  	_ =	shalt  }
0x83: {  	_ =	shalt  }
0x84: {  	_ =	shalt  }
0x85: {  	_ =	shalt  }
0x86: {  	_ =	shalt  }
0x87: {  	_ =	shalt  }
.Lfunc_end0:
.L_simem_size_0:
called_computation_lowered:
.L_overlay_start_0:
0x88: {  	s2 =	sld [smem:$0x3FD9]  }
0x89: {  	s3 =	sld [smem:$0x3FFE];
	_ =	sdelay $0x1  }
0x8a: {  	s1 =	srdreg.scid  }
0x8b: {  	s0 =	sand.u32 $0x1, s1  }
0x8c: {  	s18 =	sshll.u32 s0, $0xA;
	s2 =	sadd.s32 s3, s2  }
0x8d: {  	s2 =	sadd.s32 s2, s18  }
0x8e: {  	[smem:$0x3FC3] =	sst s2  }
0x8f: {  	_ = 	snop  }
0x90: {  	s2 =	sld [smem:$0x3FC8]  }
0x91: {  	s19 =	sld [smem:$0x3FC7]  }
0x92: {  	s4 =	sld [smem:$0x3FD0];
	(tm) =	ssettm $0x1  }
0x93: {  	s5 =	sld [smem:$0x3FFB];
	_ =	sdelay $0x3  }
0x94: {  	_ =	strace s5  }
0x95: {  	s5 =	sld [smem:$0x3FFC];
	_ =	sdelay $0x3  }
0x96: {  	_ =	strace s5  }
0x97: {  	s5 =	sld [smem:$0x3FFD];
	_ =	sdelay $0x3  }
0x98: {  	_ =	strace s5  }
0x99: {  	_ =	strace $0x8FFFFFFF  }
0x9a: {  	s20 =	sld [smem:$0x3FDB];
	_ =	sdelay $0x1  }
0x9b: {  	s6 =	simm.s32 $_scs_section_size  }
0x9c: {  	s7 =	simm.s32 $_size__tile_overlayer_lowered;
	s8 =	simm.s32 $_tile_overlayer_lowered  }
0x9d: {  	s23 =	simm.s32 $0x1BFF;
	s22 =	sshll.u32 s8, $0x1;
	s5 =	sadd.s32 s6, s20  }
0x9e: {  	s9 =	simm.s32 $0x0;
	s21 =	sshll.u32 s7, $0x1;
	s7 =	sadd.s32 s22, s5  }
0x9f: {  	[timem:s9], [sflag:s23] =	dma.local [hbm:s7], s21  }
0xa0: {  	_ =	swait.ge [sflag:s23], s21  }
0xa1: {  	s6 =	ssub.s32 $0x0, s21;
	[sflag:s23] =	ssyncset.done $0x0  }
0xa2: {  	[sflag:s23] =	ssyncadd.s32 s6;
	_ =	sdelay $0x1  }
0xa3: {  	s24 =	simm.s32 $0x1B8B  }
0xa4: {  	_ =	swait.ge [sflag:s24], $0x1  }
0xa5: {  	[sflag:s24] =	ssyncset.done $0x0  }
0xa6: {  	s25 =	simm.s32 $0x1B8E;
	[sflag:s24] =	ssyncadd.s32 $0xFFFFFFFF  }
0xa7: {  	s26 =	simm.s32 $execute0_lowered;
	[smem:$0x3FD2] =	sst s25  }
0xa8: {  	s6 =	sshll.u32 s26, $0x1;
	_ =	strace $0x80000046;
	[dreg:$0x1] =	wrdreg $0xFFFFFFFF  }
0xa9: {  	s28 =	simm.s32 $_size_execute0_lowered;
	s5 =	sadd.s32 s5, s6;
	[dreg:$0x0] =	wrdreg $0x0  }
0xaa: {  	s6 =	sshll.u32 s28, $0x1;
	[dreg:$0x2] =	wrdreg s5  }
0xab: {  	[dreg:$0x3] =	wrdreg s6  }
0xac: {  	[dreg:$0x4] =	wrdreg $0xC0  }
0xad: {  	_ =	task [dreg:s9], $0x5FFFF  }
0xae: {  	[dreg:$0x1] =	wrdreg $0xFFFFFFFF  }
0xaf: {  	[dreg:$0x0] =	wrdreg $0x60  }
0xb0: {  	[dreg:$0x2] =	wrdreg s2  }
0xb1: {  	[dreg:$0x3] =	wrdreg s19  }
0xb2: {  	[dreg:$0x4] =	wrdreg s4  }
0xb3: {  	[dreg:$0x5] =	wrdreg $0x9  }
0xb4: {  	_ =	task.clear_ibuf [dreg:s9], $0x6FFFF;
	_ =	strace $0x90000046  }
0xb5: {  	s29 =	simm.s32 $0x9;
	_ =	strace $0x80000048  }
0xb6: {  	_ =	swait.ge [sflag:s29], $0x1  }
0xb7: {  	[sflag:s29] =	ssyncadd.s32 $0xFFFFFFFF  }
0xb8: {  	_ =	strace $0x90000048  }
0xb9: {  	_ =	sfence  }
0xba: {  	s30 =	sld [smem:$0x0];
	_ =	sdelay $0x2  }
0xbb: {  	s31 =	sshll.u32 s1, $0xD;
	s1 =	sshrl.u32 s1, $0x2  }
0xbc: {  	s3 =	sand.u32 $0x4000, s31;
	s1 =	sadd.s32 s1, s30  }
0xbd: {  	s0 =	sor.u32 s3, s0;
	s1 =	sshll.u32 s1, $0x11  }
0xbe: {  	s0 =	sor.u32 s1, s0  }
0xbf: {  	s0 =	sadd.s32 $0x8F2B, s0  }
0xc0: {  	[sflag:s0] =	ssyncadd.remote.s32 $0x1  }
0xc1: {  	_ =	sfence.sel $0xFFFF  }
0xc2: {  	[dreg:$0x0] =	wrdreg $0xFFFFFFFF;
	(pc) =	sbr.abs _section_cstart, $3  }
0xc3: {  	[dreg:$0x1] =	wrdreg $0xFFFFFFFF  }
0xc4: {  	_ =	task.clear_ibuf [dreg:s9], $0x2FFFF;
	_ =	strace $0x9FFFFFFF  }
0xc5: {  	(tm) =	ssettm $0x7FFFFFFF  }
tec
execute0_lowered:
.L_overlay_start_1:
0x0: {  	(tag) =	ssettag $0x1  }
0x1: {  	vm0 =	vmmov $0x1  }
0x2: {  	vm1 =	vcmask $0x308;
	vm2 =	vcmask $0x70C;
	v0 =	vlaneseq.u32  }
0x3: {  	vm3 =	vcmask $0xB10;
	vm4 =	vcmask $0xF14;
	vm5 =	vcmask $0x1318  }
0x4: {  	s4 =	rddreg [dreg:$0x0];
	vm6 =	vcmask $0x171C;
	vm7 =	vcmask $0x1B20;
	vm8 =	vcmask $0x1F24  }
0x5: {  	s0 =	rddreg [dreg:$0x1];
	vm9 =	vcmask $0x2328;
	vm10 =	vcmask $0x272C;
	v0 =	vmul.u32 $0x80, v0  }
0x6: {  	s5 =	rddreg [dreg:$0x2];
	s3 =	srdreg.scid;
	vm11 =	vcmask $0x2B30;
	vm12 =	vcmask $0x2F34;
	vm13 =	vcmask $0x3338  }
0x7: {  	s1 =	rddreg [dreg:$0x3];
	s2 =	stileid.u32;
	s9 =	simm.s32 $0x80;
	vm14 =	vcmask $0x373C;
	vm15 =	vmmov $0x7fff;
	v1 =	vor.u32 $0x800, v0  }
0x8: {  	s10 =	simm.s32 $0x2080;
	s11 =	simm.s32 $0x4080;
	s12 =	simm.s32 $0x6080;
	v2 =	vor.u32 $0x1000, v0;
	v3 =	vor.u32 $0x1800, v0;
	v4 =	vor.u32 $0x2000, v0  }
0x9: {  	s13 =	simm.s32 $0x8080;
	s14 =	simm.s32 $0xA080;
	s17 =	simm.s32 $0x10080;
	v5 =	vor.u32 $0x2800, v0;
	v6 =	vor.u32 $0x3000, v0;
	v7 =	vor.u32 $0x3800, v0  }
0xa: {  	s15 =	simm.s32 $0xC080;
	s16 =	simm.s32 $0xE080;
	s6 =	sand.u32 $0x1, s3;
	v8 =	vor.u32 $0x4000, v0;
	v9 =	vor.u32 $0x4800, v0;
	v10 =	vor.u32 $0x5000, v0  }
0xb: {  	s3 =	simm.s32 $0x0;
	s7 =	sshll.u32 s2, $0x6;
	s8 =	sshll.u32 s6, $0x5;
	v11 =	vor.u32 $0x5800, v0;
	v12 =	vor.u32 $0x6000, v0;
	v13 =	vor.u32 $0x6800, v0  }
0xc: {  	[smem:$0x7FF] =	sst s3;
	s6 =	ssub.s32 $0x2, s6;
	s7 =	sor.u32 s8, s7;
	v14 =	vor.u32 $0x7000, v0;
	v15 =	vor.u32 $0x7800, v0;
	v16 =	vor.u32 $0x8000, v0  }
0xd: {  	_ =	strace $0x80000047;
	s29 =	sshrl.u32 s6, $0x1;
	v17 =	vor.u32 $0x8800, v0;
	v18 =	vor.u32 $0x9000, v0;
	v19 =	vor.u32 $0x9800, v0;
	[dreg:$0x6] =	wrdreg s17  }
0xe: {  	v20 =	vor.u32 $0xA000, v0;
	v21 =	vor.u32 $0xA800, v0;
	v22 =	vor.u32 $0xB000, v0;
	s8 =	sshrl.u32 s7, $0x3;
	s7 =	sshll.u32 s7, $0x4;
	s31 =	ssub.s32 s6, s29  }
0xf: {  	v23 =	vor.u32 $0xB800, v0;
	v24 =	vor.u32 $0xC000, v0;
	v25 =	vor.u32 $0xC800, v0;
	s6 =	simm.s32 $0x1;
	s4 =	sadd.s32 s4, s8;
	s30 =	sadd.s32 s5, s7  }
0x10: {  	v26 =	vor.u32 $0xD000, v0;
	v27 =	vor.u32 $0xD800, v0;
	v28 =	vor.u32 $0xE000, v0;
	s5 =	simm.s32 $0x2;
	s7 =	simm.s32 $0x400;
	[dreg:$0x4] =	wrdreg s4  }
0x11: {  	v29 =	vor.u32 $0xE800, v0;
	v30 =	vor.u32 $0xF000, v0;
	v31 =	vor.u32 $0xF800, v0;
	s8 =	simm.s32 $0x7A1400;
	[dreg:$0x5] =	wrdreg s30;
	s4 =	smax.u32 s31, $0x1  }
.LBB2_1:
0x12: {  	s17 =	rddreg [dreg:$0x4]  }
0x13: {  	[tilespmem:s3], [sflag:$0x2] =	stream.linear.gather [hbm4b:s17+s3], $0x20, $0x38;
	[tilespmem:$0x11080] =	vst v63  }
0x14: {  	_ =	swait.ge [sflag:s5], $0x20  }
0x15: {  	[sflag:s5] =	ssyncset.done $0x0  }
0x16: {  	[sflag:s5] =	ssyncadd.s32 $0xFFFFFFE0  }
0x17: {  	v32 =	vld [tilespmem:$0x0];
	_ =	sdelay $0x4  }
0x18: {  	v32 =	vnsel vm0, $0x0, v32  }
0x19: {  	v32 =	vxor.u32 $0x80000000, v32  }
0x1a: {  	(xrf0) =	vmax.scan.msk.u32 $0xffff, v32;
	_ =	sdelay $0x5  }
0x1b: {  	v32, _, _ =	vpop (xrf0)  }
0x1c: {  	(v2sf) =	vpush v32, $0xF;
	_ =	sdelay $0xe  }
0x1d: {  	s17 =	spop (v2sf)  }
0x1e: {  	s18 =	sxor.u32 $0x80000000, s17  }
0x1f: {  	s19 =	sshra.s32 s18, $0x1F  }
0x20: {  	s19 =	sshrl.u32 s19, $0x19  }
0x21: {  	s19 =	sadd.s32 s19, s18  }
0x22: {  	p0 =	sgt.s32 s17, $0xFFFFFFFF;
	p1 =	slt.s32 s18, $0x1;
	s20 =	sand.u32 $0xFFFFFF80, s19  }
0x23: {  	p0 =	por p0, p1;
	p3 =	sne.s32 s18, s20  }
0x24: {  	p0 =	por !p0, !p3  }
0x25: {  	s18 =	simm.s32 $0x1;
	p0 =	por !p0, !p0  }
0x26: {  	s19 =	sshrl.u32 s19, $0x7;
	s18 =	simm.s32 @!p0 $0x0  }
0x27: {  	s18 =	ssub.s32 s19, s18  }
0x28: {  	s18 =	sshll.u32 s18, $0x7  }
0x29: {  	s18 =	sand.u32 $0x1FFFFF80, s18  }
0x2a: {  	s18 =	sadd.s32 s0, s18  }
0x2b: {  	[tilespmem:s9], [sflag:$0x1] =	stream.strided.gather [hbm4b:s18+s7], $0x2000, s8, s7, $0x38;
	[tilespmem:$0x11080] =	vst v63  }
0x2c: {  	v41 =	vld [tilespmem:$0x0];
	_ =	sdelay $0x4  }
0x2d: {  	v32 =	vsel vm1, $0x0, v41  }
0x2e: {  	v32 =	vxor.u32 $0x80000000, v32  }
0x2f: {  	(xrf0) =	vmax.scan.msk.u32 $0xffff, v32;
	_ =	sdelay $0x5  }
0x30: {  	v32, _, _ =	vpop (xrf0)  }
0x31: {  	(v2sf) =	vpush v32, $0xF;
	_ =	sdelay $0xe  }
0x32: {  	s20 =	spop (v2sf)  }
0x33: {  	s30 =	sxor.u32 $0x80000000, s20  }
0x34: {  	s31 =	sshra.s32 s30, $0x1F  }
0x35: {  	s19 =	sshrl.u32 s31, $0x19  }
0x36: {  	s19 =	sadd.s32 s19, s30  }
0x37: {  	p4 =	sgt.s32 s20, $0xFFFFFFFF;
	p5 =	slt.s32 s30, $0x1;
	s21 =	sand.u32 $0xFFFFFF80, s19  }
0x38: {  	p0 =	por p4, p5;
	p6 =	sne.s32 s30, s21  }
0x39: {  	p0 =	por !p0, !p6  }
0x3a: {  	s18 =	simm.s32 $0x1;
	p0 =	por !p0, !p0  }
0x3b: {  	s19 =	sshrl.u32 s19, $0x7;
	s18 =	simm.s32 @!p0 $0x0  }
0x3c: {  	s18 =	ssub.s32 s19, s18  }
0x3d: {  	s18 =	sshll.u32 s18, $0x7  }
0x3e: {  	s18 =	sand.u32 $0x1FFFFF80, s18  }
0x3f: {  	s18 =	sadd.s32 s0, s18  }
0x40: {  	[tilespmem:s10], [sflag:$0x1] =	stream.strided.gather [hbm4b:s18+s7], $0x2000, s8, s7, $0x38;
	[tilespmem:$0x11080] =	vst v63  }
0x41: {  	v42 =	vld [tilespmem:$0x0];
	_ =	sdelay $0x4  }
0x42: {  	v32 =	vsel vm2, $0x0, v42  }
0x43: {  	v32 =	vxor.u32 $0x80000000, v32  }
0x44: {  	(xrf0) =	vmax.scan.msk.u32 $0xffff, v32;
	_ =	sdelay $0x5  }
0x45: {  	v32, _, _ =	vpop (xrf0)  }
0x46: {  	(v2sf) =	vpush v32, $0xF;
	_ =	sdelay $0xe  }
0x47: {  	s22 =	spop (v2sf)  }
0x48: {  	s21 =	sxor.u32 $0x80000000, s22  }
0x49: {  	s23 =	sshra.s32 s21, $0x1F  }
0x4a: {  	s19 =	sshrl.u32 s23, $0x19  }
0x4b: {  	s19 =	sadd.s32 s19, s21  }
0x4c: {  	p1 =	sgt.s32 s22, $0xFFFFFFFF;
	p2 =	slt.s32 s21, $0x1;
	s24 =	sand.u32 $0xFFFFFF80, s19  }
0x4d: {  	p0 =	por p1, p2;
	p3 =	sne.s32 s21, s24  }
0x4e: {  	p0 =	por !p0, !p3  }
0x4f: {  	s18 =	simm.s32 $0x1;
	p0 =	por !p0, !p0  }
0x50: {  	s19 =	sshrl.u32 s19, $0x7;
	s18 =	simm.s32 @!p0 $0x0  }
0x51: {  	s18 =	ssub.s32 s19, s18  }
0x52: {  	s18 =	sshll.u32 s18, $0x7  }
0x53: {  	s18 =	sand.u32 $0x1FFFFF80, s18  }
0x54: {  	s18 =	sadd.s32 s0, s18  }
0x55: {  	[tilespmem:s11], [sflag:$0x1] =	stream.strided.gather [hbm4b:s18+s7], $0x2000, s8, s7, $0x38;
	[tilespmem:$0x11080] =	vst v63  }
0x56: {  	v43 =	vld [tilespmem:$0x0];
	_ =	sdelay $0x4  }
0x57: {  	v32 =	vsel vm3, $0x0, v43  }
0x58: {  	v32 =	vxor.u32 $0x80000000, v32  }
0x59: {  	(xrf0) =	vmax.scan.msk.u32 $0xffff, v32;
	_ =	sdelay $0x5  }
0x5a: {  	v32, _, _ =	vpop (xrf0)  }
0x5b: {  	(v2sf) =	vpush v32, $0xF;
	_ =	sdelay $0xe  }
0x5c: {  	s24 =	spop (v2sf)  }
0x5d: {  	s25 =	sxor.u32 $0x80000000, s24  }
0x5e: {  	s26 =	sshra.s32 s25, $0x1F  }
0x5f: {  	s19 =	sshrl.u32 s26, $0x19  }
0x60: {  	s19 =	sadd.s32 s19, s25  }
0x61: {  	p4 =	sgt.s32 s24, $0xFFFFFFFF;
	p5 =	slt.s32 s25, $0x1;
	s28 =	sand.u32 $0xFFFFFF80, s19  }
0x62: {  	p0 =	por p4, p5;
	p6 =	sne.s32 s25, s28  }
0x63: {  	p0 =	por !p0, !p6  }
0x64: {  	s18 =	simm.s32 $0x1;
	p0 =	por !p0, !p0  }
0x65: {  	s19 =	sshrl.u32 s19, $0x7;
	s18 =	simm.s32 @!p0 $0x0  }
0x66: {  	s18 =	ssub.s32 s19, s18  }
0x67: {  	s18 =	sshll.u32 s18, $0x7  }
0x68: {  	s18 =	sand.u32 $0x1FFFFF80, s18  }
0x69: {  	s18 =	sadd.s32 s0, s18  }
0x6a: {  	[tilespmem:s12], [sflag:$0x1] =	stream.strided.gather [hbm4b:s18+s7], $0x2000, s8, s7, $0x38;
	[tilespmem:$0x11080] =	vst v63  }
0x6b: {  	v44 =	vld [tilespmem:$0x0];
	_ =	sdelay $0x4  }
0x6c: {  	v32 =	vsel vm4, $0x0, v44  }
0x6d: {  	v32 =	vxor.u32 $0x80000000, v32  }
0x6e: {  	(xrf0) =	vmax.scan.msk.u32 $0xffff, v32;
	_ =	sdelay $0x5  }
0x6f: {  	v32, _, _ =	vpop (xrf0)  }
0x70: {  	(v2sf) =	vpush v32, $0xF;
	_ =	sdelay $0xe  }
0x71: {  	s18 =	spop (v2sf)  }
0x72: {  	s29 =	sxor.u32 $0x80000000, s18  }
0x73: {  	s30 =	sshra.s32 s29, $0x1F  }
0x74: {  	s21 =	sshrl.u32 s30, $0x19  }
0x75: {  	s21 =	sadd.s32 s21, s29  }
0x76: {  	p1 =	sgt.s32 s18, $0xFFFFFFFF;
	p2 =	slt.s32 s29, $0x1;
	s23 =	sand.u32 $0xFFFFFF80, s21  }
0x77: {  	p0 =	por p1, p2;
	p3 =	sne.s32 s29, s23  }
0x78: {  	p0 =	por !p0, !p3  }
0x79: {  	s19 =	simm.s32 $0x1;
	p0 =	por !p0, !p0  }
0x7a: {  	s21 =	sshrl.u32 s21, $0x7;
	s19 =	simm.s32 @!p0 $0x0  }
0x7b: {  	s19 =	ssub.s32 s21, s19  }
0x7c: {  	s19 =	sshll.u32 s19, $0x7  }
0x7d: {  	s19 =	sand.u32 $0x1FFFFF80, s19  }
0x7e: {  	s19 =	sadd.s32 s0, s19  }
0x7f: {  	[tilespmem:s13], [sflag:$0x1] =	stream.strided.gather [hbm4b:s19+s7], $0x2000, s8, s7, $0x38;
	[tilespmem:$0x11080] =	vst v63  }
0x80: {  	v45 =	vld [tilespmem:$0x0];
	_ =	sdelay $0x4  }
0x81: {  	v32 =	vsel vm5, $0x0, v45  }
0x82: {  	v32 =	vxor.u32 $0x80000000, v32  }
0x83: {  	(xrf0) =	vmax.scan.msk.u32 $0xffff, v32;
	_ =	sdelay $0x5  }
0x84: {  	v32, _, _ =	vpop (xrf0)  }
0x85: {  	(v2sf) =	vpush v32, $0xF;
	_ =	sdelay $0xe  }
0x86: {  	s19 =	spop (v2sf)  }
0x87: {  	s31 =	sxor.u32 $0x80000000, s19  }
0x88: {  	s26 =	sshra.s32 s31, $0x1F  }
0x89: {  	s23 =	sshrl.u32 s26, $0x19  }
0x8a: {  	s23 =	sadd.s32 s23, s31  }
0x8b: {  	p4 =	sgt.s32 s19, $0xFFFFFFFF;
	p5 =	slt.s32 s31, $0x1;
	s25 =	sand.u32 $0xFFFFFF80, s23  }
0x8c: {  	p0 =	por p4, p5;
	p6 =	sne.s32 s31, s25  }
0x8d: {  	p0 =	por !p0, !p6  }
0x8e: {  	s21 =	simm.s32 $0x1;
	p0 =	por !p0, !p0  }
0x8f: {  	s23 =	sshrl.u32 s23, $0x7;
	s21 =	simm.s32 @!p0 $0x0  }
0x90: {  	s21 =	ssub.s32 s23, s21  }
0x91: {  	s21 =	sshll.u32 s21, $0x7  }
0x92: {  	s21 =	sand.u32 $0x1FFFFF80, s21  }
0x93: {  	s21 =	sadd.s32 s0, s21  }
0x94: {  	[tilespmem:s14], [sflag:$0x1] =	stream.strided.gather [hbm4b:s21+s7], $0x2000, s8, s7, $0x38;
	[tilespmem:$0x11080] =	vst v63  }
0x95: {  	v46 =	vld [tilespmem:$0x0];
	_ =	sdelay $0x4  }
0x96: {  	v32 =	vsel vm6, $0x0, v46  }
0x97: {  	v32 =	vxor.u32 $0x80000000, v32  }
0x98: {  	(xrf0) =	vmax.scan.msk.u32 $0xffff, v32;
	_ =	sdelay $0x5  }
0x99: {  	v32, _, _ =	vpop (xrf0)  }
0x9a: {  	(v2sf) =	vpush v32, $0xF;
	_ =	sdelay $0xe  }
0x9b: {  	s21 =	spop (v2sf)  }
0x9c: {  	s28 =	sxor.u32 $0x80000000, s21  }
0x9d: {  	s29 =	sshra.s32 s28, $0x1F  }
0x9e: {  	s25 =	sshrl.u32 s29, $0x19  }
0x9f: {  	s25 =	sadd.s32 s25, s28  }
0xa0: {  	p1 =	sgt.s32 s21, $0xFFFFFFFF;
	p2 =	slt.s32 s28, $0x1;
	s26 =	sand.u32 $0xFFFFFF80, s25  }
0xa1: {  	p0 =	por p1, p2;
	p3 =	sne.s32 s28, s26  }
0xa2: {  	p0 =	por !p0, !p3  }
0xa3: {  	s23 =	simm.s32 $0x1;
	p0 =	por !p0, !p0  }
0xa4: {  	s25 =	sshrl.u32 s25, $0x7;
	s23 =	simm.s32 @!p0 $0x0  }
0xa5: {  	s23 =	ssub.s32 s25, s23  }
0xa6: {  	s23 =	sshll.u32 s23, $0x7  }
0xa7: {  	s23 =	sand.u32 $0x1FFFFF80, s23  }
0xa8: {  	s23 =	sadd.s32 s0, s23  }
0xa9: {  	[tilespmem:s15], [sflag:$0x1] =	stream.strided.gather [hbm4b:s23+s7], $0x2000, s8, s7, $0x38;
	[tilespmem:$0x11080] =	vst v63  }
0xaa: {  	v47 =	vld [tilespmem:$0x0];
	_ =	sdelay $0x4  }
0xab: {  	v32 =	vsel vm7, $0x0, v47  }
0xac: {  	v32 =	vxor.u32 $0x80000000, v32  }
0xad: {  	(xrf0) =	vmax.scan.msk.u32 $0xffff, v32;
	_ =	sdelay $0x5  }
0xae: {  	v32, _, _ =	vpop (xrf0)  }
0xaf: {  	(v2sf) =	vpush v32, $0xF;
	_ =	sdelay $0xe  }
0xb0: {  	s23 =	spop (v2sf)  }
0xb1: {  	s30 =	sxor.u32 $0x80000000, s23  }
0xb2: {  	s31 =	sshra.s32 s30, $0x1F  }
0xb3: {  	s26 =	sshrl.u32 s31, $0x19  }
0xb4: {  	s26 =	sadd.s32 s26, s30  }
0xb5: {  	p4 =	sgt.s32 s23, $0xFFFFFFFF;
	p5 =	slt.s32 s30, $0x1;
	s28 =	sand.u32 $0xFFFFFF80, s26  }
0xb6: {  	p0 =	por p4, p5;
	p6 =	sne.s32 s30, s28  }
0xb7: {  	p0 =	por !p0, !p6  }
0xb8: {  	s25 =	simm.s32 $0x1;
	p0 =	por !p0, !p0  }
0xb9: {  	s26 =	sshrl.u32 s26, $0x7;
	s25 =	simm.s32 @!p0 $0x0  }
0xba: {  	s25 =	ssub.s32 s26, s25  }
0xbb: {  	s25 =	sshll.u32 s25, $0x7  }
0xbc: {  	s25 =	sand.u32 $0x1FFFFF80, s25  }
0xbd: {  	s25 =	sadd.s32 s0, s25  }
0xbe: {  	[tilespmem:s16], [sflag:$0x1] =	stream.strided.gather [hbm4b:s25+s7], $0x2000, s8, s7, $0x38;
	[tilespmem:$0x11080] =	vst v63  }
0xbf: {  	_ =	swait.ge [sflag:s6], $0x2000  }
0xc0: {  	[sflag:s6] =	ssyncset.done $0x0  }
0xc1: {  	[sflag:s6] =	ssyncadd.s32 $0xFFFFE000  }
0xc2: {  	_ =	swait.ge [sflag:s6], $0x2000  }
0xc3: {  	[sflag:s6] =	ssyncset.done $0x0  }
0xc4: {  	[sflag:s6] =	ssyncadd.s32 $0xFFFFE000  }
0xc5: {  	s17 =	sand.u32 $0x7F, s17;
	_ =	swait.ge [sflag:s6], $0x2000  }
0xc6: {  	v48 =	vor.u32 s17, v0;
	[sflag:s6] =	ssyncset.done $0x0  }
0xc7: {  	[sflag:s6] =	ssyncadd.s32 $0xFFFFE000  }
0xc8: {  	_ =	swait.ge [sflag:s6], $0x2000  }
0xc9: {  	[sflag:s6] =	ssyncset.done $0x0  }
0xca: {  	[sflag:s6] =	ssyncadd.s32 $0xFFFFE000  }
0xcb: {  	v32 =	vld.idx.msk [tilespmem:v48+s9+$0x0], $0xffff  }
0xcc: {  	v33 =	vor.u32 s17, v1;
	_ =	sdelay $0x3  }
0xcd: {  	[tilespmem:$0x10080] =	vst v32  }
0xce: {  	v32 =	vld.idx.msk [tilespmem:v33+s9+$0x0], $0xffff  }
0xcf: {  	v49 =	vor.u32 s17, v2;
	_ =	sdelay $0x3  }
0xd0: {  	[tilespmem:$0x10090] =	vst v32  }
0xd1: {  	v32 =	vld.idx.msk [tilespmem:v49+s9+$0x0], $0xffff  }
0xd2: {  	v50 =	vor.u32 s17, v3;
	_ =	sdelay $0x3  }
0xd3: {  	[tilespmem:$0x100A0] =	vst v32  }
0xd4: {  	s26 =	sand.u32 $0x7F, s20;
	v32 =	vld.idx.msk [tilespmem:v50+s9+$0x0], $0xffff  }
0xd5: {  	v51 =	vor.u32 s26, v4;
	_ =	sdelay $0x3  }
0xd6: {  	[tilespmem:$0x100B0] =	vst v32  }
0xd7: {  	v32 =	vld.idx.msk [tilespmem:v51+s9+$0x0], $0xffff  }
0xd8: {  	v52 =	vor.u32 s26, v5;
	_ =	sdelay $0x3  }
0xd9: {  	[tilespmem:$0x10100] =	vst v32  }
0xda: {  	v32 =	vld.idx.msk [tilespmem:v52+s9+$0x0], $0xffff  }
0xdb: {  	v53 =	vor.u32 s26, v6;
	_ =	sdelay $0x3  }
0xdc: {  	[tilespmem:$0x10110] =	vst v32  }
0xdd: {  	v32 =	vld.idx.msk [tilespmem:v53+s9+$0x0], $0xffff  }
0xde: {  	v54 =	vor.u32 s26, v7;
	_ =	sdelay $0x3  }
0xdf: {  	[tilespmem:$0x10120] =	vst v32  }
0xe0: {  	s28 =	sand.u32 $0x7F, s22;
	v32 =	vld.idx.msk [tilespmem:v54+s9+$0x0], $0xffff  }
0xe1: {  	v55 =	vor.u32 s28, v8;
	_ =	sdelay $0x3  }
0xe2: {  	[tilespmem:$0x10130] =	vst v32  }
0xe3: {  	v32 =	vld.idx.msk [tilespmem:v55+s9+$0x0], $0xffff  }
0xe4: {  	v56 =	vor.u32 s28, v9;
	_ =	sdelay $0x3  }
0xe5: {  	v57 =	vld [tilespmem:$0x0];
	[tilespmem:$0x10180] =	vst v32  }
0xe6: {  	v33 =	vld.idx.msk [tilespmem:v56+s9+$0x0], $0xffff  }
0xe7: {  	v34 =	vor.u32 s28, v10;
	_ =	sdelay $0x2  }
0xe8: {  	v32 =	vsel vm8, $0x0, v57  }
0xe9: {  	v32 =	vxor.u32 $0x80000000, v32;
	[tilespmem:$0x10190] =	vst v33  }
0xea: {  	(xrf0) =	vmax.scan.msk.u32 $0xffff, v32;
	v33 =	vld.idx.msk [tilespmem:v34+s9+$0x0], $0xffff  }
0xeb: {  	v58 =	vor.u32 s28, v11;
	_ =	sdelay $0x3  }
0xec: {  	[tilespmem:$0x101A0] =	vst v33  }
0xed: {  	s29 =	sand.u32 $0x7F, s24;
	v59, _, _ =	vpop (xrf0);
	v32 =	vld.idx.msk [tilespmem:v58+s9+$0x0], $0xffff  }
0xee: {  	v60 =	vor.u32 s29, v12;
	(v2sf) =	vpush v59, $0xF;
	_ =	sdelay $0x3  }
0xef: {  	[tilespmem:$0x101B0] =	vst v32  }
0xf0: {  	v32 =	vld.idx.msk [tilespmem:v60+s9+$0x0], $0xffff  }
0xf1: {  	v61 =	vor.u32 s29, v13;
	_ =	sdelay $0x3  }
0xf2: {  	[tilespmem:$0x10200] =	vst v32  }
0xf3: {  	v32 =	vld.idx.msk [tilespmem:v61+s9+$0x0], $0xffff  }
0xf4: {  	v62 =	vor.u32 s29, v14;
	_ =	sdelay $0x2  }
0xf5: {  	s17 =	spop (v2sf)  }
0xf6: {  	s30 =	sxor.u32 $0x80000000, s17;
	[tilespmem:$0x10210] =	vst v32  }
0xf7: {  	s31 =	sshra.s32 s30, $0x1F;
	v32 =	vld.idx.msk [tilespmem:v62+s9+$0x0], $0xffff  }
0xf8: {  	v63 =	vor.u32 s29, v15;
	s25 =	sshrl.u32 s31, $0x19  }
0xf9: {  	s20 =	sadd.s32 s25, s30  }
0xfa: {  	p1 =	sgt.s32 s17, $0xFFFFFFFF;
	p2 =	slt.s32 s30, $0x1;
	s26 =	sand.u32 $0xFFFFFF80, s20  }
0xfb: {  	p0 =	por p1, p2;
	p3 =	sne.s32 s30, s26  }
0xfc: {  	p0 =	por !p0, !p3;
	[tilespmem:$0x10220] =	vst v32  }
0xfd: {  	s22 =	simm.s32 $0x1;
	p0 =	por !p0, !p0;
	v32 =	vld.idx.msk [tilespmem:v63+s9+$0x0], $0xffff  }
0xfe: {  	s20 =	sshrl.u32 s20, $0x7;
	s22 =	simm.s32 @!p0 $0x0  }
0xff: {  	s20 =	ssub.s32 s20, s22  }
0x100: {  	s20 =	sshll.u32 s20, $0x7  }
0x101: {  	s20 =	sand.u32 $0x1FFFFF80, s20  }
0x102: {  	s20 =	sadd.s32 s0, s20;
	[tilespmem:$0x10230] =	vst v32  }
0x103: {  	[tilespmem:s9], [sflag:$0x1] =	stream.strided.gather [hbm4b:s20+s7], $0x2000, s8, s7, $0x38;
	[tilespmem:$0x11080] =	vst v63  }
0x104: {  	v36 =	vld [tilespmem:$0x0];
	_ =	sdelay $0x4  }
0x105: {  	v32 =	vsel vm9, $0x0, v36  }
0x106: {  	v32 =	vxor.u32 $0x80000000, v32  }
0x107: {  	(xrf0) =	vmax.scan.msk.u32 $0xffff, v32;
	_ =	sdelay $0x5  }
0x108: {  	v32, _, _ =	vpop (xrf0)  }
0x109: {  	(v2sf) =	vpush v32, $0xF;
	_ =	sdelay $0xe  }
0x10a: {  	s20 =	spop (v2sf)  }
0x10b: {  	s28 =	sxor.u32 $0x80000000, s20  }
0x10c: {  	s29 =	sshra.s32 s28, $0x1F  }
0x10d: {  	s24 =	sshrl.u32 s29, $0x19  }
0x10e: {  	s24 =	sadd.s32 s24, s28  }
0x10f: {  	p4 =	sgt.s32 s20, $0xFFFFFFFF;
	p5 =	slt.s32 s28, $0x1;
	s30 =	sand.u32 $0xFFFFFF80, s24  }
0x110: {  	p0 =	por p4, p5;
	p6 =	sne.s32 s28, s30  }
0x111: {  	p0 =	por !p0, !p6  }
0x112: {  	s22 =	simm.s32 $0x1;
	p0 =	por !p0, !p0  }
0x113: {  	s24 =	sshrl.u32 s24, $0x7;
	s22 =	simm.s32 @!p0 $0x0  }
0x114: {  	s22 =	ssub.s32 s24, s22  }
0x115: {  	s22 =	sshll.u32 s22, $0x7  }
0x116: {  	s22 =	sand.u32 $0x1FFFFF80, s22  }
0x117: {  	s22 =	sadd.s32 s0, s22  }
0x118: {  	[tilespmem:s10], [sflag:$0x1] =	stream.strided.gather [hbm4b:s22+s7], $0x2000, s8, s7, $0x38;
	[tilespmem:$0x11080] =	vst v63  }
0x119: {  	v37 =	vld [tilespmem:$0x0];
	_ =	sdelay $0x4  }
0x11a: {  	v32 =	vsel vm10, $0x0, v37  }
0x11b: {  	v32 =	vxor.u32 $0x80000000, v32  }
0x11c: {  	(xrf0) =	vmax.scan.msk.u32 $0xffff, v32;
	_ =	sdelay $0x5  }
0x11d: {  	v32, _, _ =	vpop (xrf0)  }
0x11e: {  	(v2sf) =	vpush v32, $0xF;
	_ =	sdelay $0xe  }
0x11f: {  	s22 =	spop (v2sf)  }
0x120: {  	s31 =	sxor.u32 $0x80000000, s22  }
0x121: {  	s26 =	sshra.s32 s31, $0x1F  }
0x122: {  	s25 =	sshrl.u32 s26, $0x19  }
0x123: {  	s25 =	sadd.s32 s25, s31  }
0x124: {  	p1 =	sgt.s32 s22, $0xFFFFFFFF;
	p2 =	slt.s32 s31, $0x1;
	s28 =	sand.u32 $0xFFFFFF80, s25  }
0x125: {  	p0 =	por p1, p2;
	p3 =	sne.s32 s31, s28  }
0x126: {  	p0 =	por !p0, !p3  }
0x127: {  	s24 =	simm.s32 $0x1;
	p0 =	por !p0, !p0  }
0x128: {  	s25 =	sshrl.u32 s25, $0x7;
	s24 =	simm.s32 @!p0 $0x0  }
0x129: {  	s24 =	ssub.s32 s25, s24  }
0x12a: {  	s24 =	sshll.u32 s24, $0x7  }
0x12b: {  	s24 =	sand.u32 $0x1FFFFF80, s24  }
0x12c: {  	s24 =	sadd.s32 s0, s24  }
0x12d: {  	[tilespmem:s11], [sflag:$0x1] =	stream.strided.gather [hbm4b:s24+s7], $0x2000, s8, s7, $0x38;
	[tilespmem:$0x11080] =	vst v63  }
0x12e: {  	v38 =	vld [tilespmem:$0x0];
	_ =	sdelay $0x4  }
0x12f: {  	v32 =	vsel vm11, $0x0, v38  }
0x130: {  	v32 =	vxor.u32 $0x80000000, v32  }
0x131: {  	(xrf0) =	vmax.scan.msk.u32 $0xffff, v32;
	_ =	sdelay $0x5  }
0x132: {  	v32, _, _ =	vpop (xrf0)  }
0x133: {  	(v2sf) =	vpush v32, $0xF;
	_ =	sdelay $0xe  }
0x134: {  	s24 =	spop (v2sf)  }
0x135: {  	s29 =	sxor.u32 $0x80000000, s24  }
0x136: {  	s30 =	sshra.s32 s29, $0x1F  }
0x137: {  	s26 =	sshrl.u32 s30, $0x19  }
0x138: {  	s26 =	sadd.s32 s26, s29  }
0x139: {  	p4 =	sgt.s32 s24, $0xFFFFFFFF;
	p5 =	slt.s32 s29, $0x1;
	s31 =	sand.u32 $0xFFFFFF80, s26  }
0x13a: {  	p0 =	por p4, p5;
	p6 =	sne.s32 s29, s31  }
0x13b: {  	p0 =	por !p0, !p6  }
0x13c: {  	s25 =	simm.s32 $0x1;
	p0 =	por !p0, !p0  }
0x13d: {  	s26 =	sshrl.u32 s26, $0x7;
	s25 =	simm.s32 @!p0 $0x0  }
0x13e: {  	s25 =	ssub.s32 s26, s25  }
0x13f: {  	s25 =	sshll.u32 s25, $0x7  }
0x140: {  	s25 =	sand.u32 $0x1FFFFF80, s25  }
0x141: {  	s25 =	sadd.s32 s0, s25  }
0x142: {  	[tilespmem:s12], [sflag:$0x1] =	stream.strided.gather [hbm4b:s25+s7], $0x2000, s8, s7, $0x38;
	[tilespmem:$0x11080] =	vst v63  }
0x143: {  	_ =	swait.ge [sflag:s6], $0x2000  }
0x144: {  	[sflag:s6] =	ssyncset.done $0x0  }
0x145: {  	[sflag:s6] =	ssyncadd.s32 $0xFFFFE000  }
0x146: {  	_ =	swait.ge [sflag:s6], $0x2000  }
0x147: {  	[sflag:s6] =	ssyncset.done $0x0  }
0x148: {  	[sflag:s6] =	ssyncadd.s32 $0xFFFFE000  }
0x149: {  	s18 =	sand.u32 $0x7F, s18;
	_ =	swait.ge [sflag:s6], $0x2000  }
0x14a: {  	v39 =	vor.u32 s18, v16;
	[sflag:s6] =	ssyncset.done $0x0  }
0x14b: {  	[sflag:s6] =	ssyncadd.s32 $0xFFFFE000  }
0x14c: {  	_ =	swait.ge [sflag:s6], $0x2000  }
0x14d: {  	[sflag:s6] =	ssyncset.done $0x0  }
0x14e: {  	[sflag:s6] =	ssyncadd.s32 $0xFFFFE000  }
0x14f: {  	v32 =	vld.idx.msk [tilespmem:v39+s9+$0x0], $0xffff  }
0x150: {  	v40 =	vor.u32 s18, v17;
	_ =	sdelay $0x3  }
0x151: {  	[tilespmem:$0x10280] =	vst v32  }
0x152: {  	v32 =	vld.idx.msk [tilespmem:v40+s9+$0x0], $0xffff  }
0x153: {  	v41 =	vor.u32 s18, v18;
	_ =	sdelay $0x3  }
0x154: {  	[tilespmem:$0x10290] =	vst v32  }
0x155: {  	v32 =	vld.idx.msk [tilespmem:v41+s9+$0x0], $0xffff  }
0x156: {  	v42 =	vor.u32 s18, v19;
	_ =	sdelay $0x3  }
0x157: {  	[tilespmem:$0x102A0] =	vst v32  }
0x158: {  	s26 =	sand.u32 $0x7F, s19;
	v32 =	vld.idx.msk [tilespmem:v42+s9+$0x0], $0xffff  }
0x159: {  	v43 =	vor.u32 s26, v20;
	_ =	sdelay $0x3  }
0x15a: {  	[tilespmem:$0x102B0] =	vst v32  }
0x15b: {  	v32 =	vld.idx.msk [tilespmem:v43+s9+$0x0], $0xffff  }
0x15c: {  	v44 =	vor.u32 s26, v21;
	_ =	sdelay $0x3  }
0x15d: {  	[tilespmem:$0x10300] =	vst v32  }
0x15e: {  	v32 =	vld.idx.msk [tilespmem:v44+s9+$0x0], $0xffff  }
0x15f: {  	v45 =	vor.u32 s26, v22;
	_ =	sdelay $0x3  }
0x160: {  	[tilespmem:$0x10310] =	vst v32  }
0x161: {  	v32 =	vld.idx.msk [tilespmem:v45+s9+$0x0], $0xffff  }
0x162: {  	v46 =	vor.u32 s26, v23;
	_ =	sdelay $0x3  }
0x163: {  	[tilespmem:$0x10320] =	vst v32  }
0x164: {  	s28 =	sand.u32 $0x7F, s21;
	v32 =	vld.idx.msk [tilespmem:v46+s9+$0x0], $0xffff  }
0x165: {  	v47 =	vor.u32 s28, v24;
	_ =	sdelay $0x3  }
0x166: {  	[tilespmem:$0x10330] =	vst v32  }
0x167: {  	v32 =	vld.idx.msk [tilespmem:v47+s9+$0x0], $0xffff  }
0x168: {  	v48 =	vor.u32 s28, v25;
	_ =	sdelay $0x3  }
0x169: {  	v49 =	vld [tilespmem:$0x0];
	[tilespmem:$0x10380] =	vst v32  }
0x16a: {  	v33 =	vld.idx.msk [tilespmem:v48+s9+$0x0], $0xffff  }
0x16b: {  	v50 =	vor.u32 s28, v26;
	_ =	sdelay $0x2  }
0x16c: {  	v32 =	vsel vm12, $0x0, v49  }
0x16d: {  	v32 =	vxor.u32 $0x80000000, v32;
	[tilespmem:$0x10390] =	vst v33  }
0x16e: {  	(xrf0) =	vmax.scan.msk.u32 $0xffff, v32;
	v33 =	vld.idx.msk [tilespmem:v50+s9+$0x0], $0xffff  }
0x16f: {  	v51 =	vor.u32 s28, v27;
	_ =	sdelay $0x3  }
0x170: {  	[tilespmem:$0x103A0] =	vst v33  }
0x171: {  	s29 =	sand.u32 $0x7F, s23;
	v52, _, _ =	vpop (xrf0);
	v32 =	vld.idx.msk [tilespmem:v51+s9+$0x0], $0xffff  }
0x172: {  	v53 =	vor.u32 s29, v28;
	(v2sf) =	vpush v52, $0xF;
	_ =	sdelay $0x3  }
0x173: {  	[tilespmem:$0x103B0] =	vst v32  }
0x174: {  	v32 =	vld.idx.msk [tilespmem:v53+s9+$0x0], $0xffff  }
0x175: {  	v54 =	vor.u32 s29, v29;
	_ =	sdelay $0x3  }
0x176: {  	[tilespmem:$0x10400] =	vst v32  }
0x177: {  	v32 =	vld.idx.msk [tilespmem:v54+s9+$0x0], $0xffff  }
0x178: {  	v55 =	vor.u32 s29, v30;
	_ =	sdelay $0x2  }
0x179: {  	s18 =	spop (v2sf)  }
0x17a: {  	s30 =	sxor.u32 $0x80000000, s18;
	[tilespmem:$0x10410] =	vst v32  }
0x17b: {  	s31 =	sshra.s32 s30, $0x1F;
	v32 =	vld.idx.msk [tilespmem:v55+s9+$0x0], $0xffff  }
0x17c: {  	v56 =	vor.u32 s29, v31;
	s25 =	sshrl.u32 s31, $0x19  }
0x17d: {  	s19 =	sadd.s32 s25, s30  }
0x17e: {  	p1 =	sgt.s32 s18, $0xFFFFFFFF;
	p2 =	slt.s32 s30, $0x1;
	s26 =	sand.u32 $0xFFFFFF80, s19  }
0x17f: {  	p0 =	por p1, p2;
	p3 =	sne.s32 s30, s26  }
0x180: {  	p0 =	por !p0, !p3;
	[tilespmem:$0x10420] =	vst v32  }
0x181: {  	s21 =	simm.s32 $0x1;
	p0 =	por !p0, !p0;
	v32 =	vld.idx.msk [tilespmem:v56+s9+$0x0], $0xffff  }
0x182: {  	s19 =	sshrl.u32 s19, $0x7;
	s21 =	simm.s32 @!p0 $0x0  }
0x183: {  	s19 =	ssub.s32 s19, s21  }
0x184: {  	s19 =	sshll.u32 s19, $0x7  }
0x185: {  	s19 =	sand.u32 $0x1FFFFF80, s19  }
0x186: {  	s19 =	sadd.s32 s0, s19;
	[tilespmem:$0x10430] =	vst v32  }
0x187: {  	[tilespmem:s13], [sflag:$0x1] =	stream.strided.gather [hbm4b:s19+s7], $0x2000, s8, s7, $0x38;
	[tilespmem:$0x11080] =	vst v63  }
0x188: {  	v57 =	vld [tilespmem:$0x0];
	_ =	sdelay $0x4  }
0x189: {  	v32 =	vsel vm13, $0x0, v57  }
0x18a: {  	v32 =	vxor.u32 $0x80000000, v32  }
0x18b: {  	(xrf0) =	vmax.scan.msk.u32 $0xffff, v32;
	_ =	sdelay $0x5  }
0x18c: {  	v32, _, _ =	vpop (xrf0)  }
0x18d: {  	(v2sf) =	vpush v32, $0xF;
	_ =	sdelay $0xe  }
0x18e: {  	s19 =	spop (v2sf)  }
0x18f: {  	s28 =	sxor.u32 $0x80000000, s19  }
0x190: {  	s29 =	sshra.s32 s28, $0x1F  }
0x191: {  	s23 =	sshrl.u32 s29, $0x19  }
0x192: {  	s23 =	sadd.s32 s23, s28  }
0x193: {  	p4 =	sgt.s32 s19, $0xFFFFFFFF;
	p5 =	slt.s32 s28, $0x1;
	s30 =	sand.u32 $0xFFFFFF80, s23  }
0x194: {  	p0 =	por p4, p5;
	p6 =	sne.s32 s28, s30  }
0x195: {  	p0 =	por !p0, !p6  }
0x196: {  	s21 =	simm.s32 $0x1;
	p0 =	por !p0, !p0  }
0x197: {  	s23 =	sshrl.u32 s23, $0x7;
	s21 =	simm.s32 @!p0 $0x0  }
0x198: {  	s21 =	ssub.s32 s23, s21  }
0x199: {  	s21 =	sshll.u32 s21, $0x7  }
0x19a: {  	s21 =	sand.u32 $0x1FFFFF80, s21  }
0x19b: {  	s21 =	sadd.s32 s0, s21  }
0x19c: {  	[tilespmem:s14], [sflag:$0x1] =	stream.strided.gather [hbm4b:s21+s7], $0x2000, s8, s7, $0x38;
	[tilespmem:$0x11080] =	vst v63  }
0x19d: {  	v58 =	vld [tilespmem:$0x0];
	_ =	sdelay $0x4  }
0x19e: {  	v32 =	vsel vm14, $0x0, v58  }
0x19f: {  	v32 =	vxor.u32 $0x80000000, v32  }
0x1a0: {  	(xrf0) =	vmax.scan.msk.u32 $0xffff, v32;
	_ =	sdelay $0x5  }
0x1a1: {  	v32, _, _ =	vpop (xrf0)  }
0x1a2: {  	(v2sf) =	vpush v32, $0xF;
	_ =	sdelay $0xe  }
0x1a3: {  	s21 =	spop (v2sf)  }
0x1a4: {  	s31 =	sxor.u32 $0x80000000, s21  }
0x1a5: {  	s26 =	sshra.s32 s31, $0x1F  }
0x1a6: {  	s25 =	sshrl.u32 s26, $0x19  }
0x1a7: {  	s25 =	sadd.s32 s25, s31  }
0x1a8: {  	p1 =	sgt.s32 s21, $0xFFFFFFFF;
	p2 =	slt.s32 s31, $0x1;
	s28 =	sand.u32 $0xFFFFFF80, s25  }
0x1a9: {  	p0 =	por p1, p2;
	p3 =	sne.s32 s31, s28  }
0x1aa: {  	p0 =	por !p0, !p3  }
0x1ab: {  	s23 =	simm.s32 $0x1;
	p0 =	por !p0, !p0  }
0x1ac: {  	s25 =	sshrl.u32 s25, $0x7;
	s23 =	simm.s32 @!p0 $0x0  }
0x1ad: {  	s23 =	ssub.s32 s25, s23  }
0x1ae: {  	s23 =	sshll.u32 s23, $0x7  }
0x1af: {  	s23 =	sand.u32 $0x1FFFFF80, s23  }
0x1b0: {  	s23 =	sadd.s32 s0, s23  }
0x1b1: {  	[tilespmem:s15], [sflag:$0x1] =	stream.strided.gather [hbm4b:s23+s7], $0x2000, s8, s7, $0x38;
	[tilespmem:$0x11080] =	vst v63  }
0x1b2: {  	v59 =	vld [tilespmem:$0x0];
	_ =	sdelay $0x4  }
0x1b3: {  	v32 =	vsel vm15, $0x0, v59  }
0x1b4: {  	v32 =	vxor.u32 $0x80000000, v32  }
0x1b5: {  	(xrf0) =	vmax.scan.msk.u32 $0xffff, v32;
	_ =	sdelay $0x5  }
0x1b6: {  	v32, _, _ =	vpop (xrf0)  }
0x1b7: {  	(v2sf) =	vpush v32, $0xF;
	_ =	sdelay $0xe  }
0x1b8: {  	s23 =	spop (v2sf)  }
0x1b9: {  	s29 =	sxor.u32 $0x80000000, s23  }
0x1ba: {  	s30 =	sshra.s32 s29, $0x1F  }
0x1bb: {  	s26 =	sshrl.u32 s30, $0x19  }
0x1bc: {  	s26 =	sadd.s32 s26, s29  }
0x1bd: {  	p4 =	sgt.s32 s23, $0xFFFFFFFF;
	p5 =	slt.s32 s29, $0x1;
	s31 =	sand.u32 $0xFFFFFF80, s26  }
0x1be: {  	p0 =	por p4, p5;
	p6 =	sne.s32 s29, s31  }
0x1bf: {  	p0 =	por !p0, !p6  }
0x1c0: {  	s25 =	simm.s32 $0x1;
	p0 =	por !p0, !p0  }
0x1c1: {  	s26 =	sshrl.u32 s26, $0x7;
	s25 =	simm.s32 @!p0 $0x0  }
0x1c2: {  	s25 =	ssub.s32 s26, s25  }
0x1c3: {  	s25 =	sshll.u32 s25, $0x7  }
0x1c4: {  	s25 =	sand.u32 $0x1FFFFF80, s25  }
0x1c5: {  	s25 =	sadd.s32 s0, s25  }
0x1c6: {  	[tilespmem:s16], [sflag:$0x1] =	stream.strided.gather [hbm4b:s25+s7], $0x2000, s8, s7, $0x38;
	[tilespmem:$0x11080] =	vst v63  }
0x1c7: {  	_ =	swait.ge [sflag:s6], $0x2000  }
0x1c8: {  	[sflag:s6] =	ssyncset.done $0x0  }
0x1c9: {  	[sflag:s6] =	ssyncadd.s32 $0xFFFFE000  }
0x1ca: {  	_ =	swait.ge [sflag:s6], $0x2000  }
0x1cb: {  	[sflag:s6] =	ssyncset.done $0x0  }
0x1cc: {  	[sflag:s6] =	ssyncadd.s32 $0xFFFFE000  }
0x1cd: {  	s17 =	sand.u32 $0x7F, s17;
	_ =	swait.ge [sflag:s6], $0x2000  }
0x1ce: {  	v60 =	vor.u32 s17, v0;
	[sflag:s6] =	ssyncset.done $0x0  }
0x1cf: {  	[sflag:s6] =	ssyncadd.s32 $0xFFFFE000  }
0x1d0: {  	_ =	swait.ge [sflag:s6], $0x2000  }
0x1d1: {  	[sflag:s6] =	ssyncset.done $0x0  }
0x1d2: {  	[sflag:s6] =	ssyncadd.s32 $0xFFFFE000  }
0x1d3: {  	v32 =	vld.idx.msk [tilespmem:v60+s9+$0x0], $0xffff  }
0x1d4: {  	v61 =	vor.u32 s17, v1;
	_ =	sdelay $0x3  }
0x1d5: {  	[tilespmem:$0x10480] =	vst v32  }
0x1d6: {  	v32 =	vld.idx.msk [tilespmem:v61+s9+$0x0], $0xffff  }
0x1d7: {  	v62 =	vor.u32 s17, v2;
	_ =	sdelay $0x3  }
0x1d8: {  	[tilespmem:$0x10490] =	vst v32  }
0x1d9: {  	v32 =	vld.idx.msk [tilespmem:v62+s9+$0x0], $0xffff  }
0x1da: {  	v63 =	vor.u32 s17, v3;
	_ =	sdelay $0x3  }
0x1db: {  	[tilespmem:$0x104A0] =	vst v32  }
0x1dc: {  	s26 =	sand.u32 $0x7F, s20;
	v32 =	vld.idx.msk [tilespmem:v63+s9+$0x0], $0xffff  }
0x1dd: {  	v36 =	vor.u32 s26, v4;
	_ =	sdelay $0x3  }
0x1de: {  	[tilespmem:$0x104B0] =	vst v32  }
0x1df: {  	v32 =	vld.idx.msk [tilespmem:v36+s9+$0x0], $0xffff  }
0x1e0: {  	v37 =	vor.u32 s26, v5;
	_ =	sdelay $0x3  }
0x1e1: {  	[tilespmem:$0x10500] =	vst v32  }
0x1e2: {  	v32 =	vld.idx.msk [tilespmem:v37+s9+$0x0], $0xffff  }
0x1e3: {  	v38 =	vor.u32 s26, v6;
	_ =	sdelay $0x3  }
0x1e4: {  	[tilespmem:$0x10510] =	vst v32  }
0x1e5: {  	v32 =	vld.idx.msk [tilespmem:v38+s9+$0x0], $0xffff  }
0x1e6: {  	v39 =	vor.u32 s26, v7;
	_ =	sdelay $0x3  }
0x1e7: {  	[tilespmem:$0x10520] =	vst v32  }
0x1e8: {  	s28 =	sand.u32 $0x7F, s22;
	v32 =	vld.idx.msk [tilespmem:v39+s9+$0x0], $0xffff  }
0x1e9: {  	v40 =	vor.u32 s28, v8;
	_ =	sdelay $0x3  }
0x1ea: {  	[tilespmem:$0x10530] =	vst v32  }
0x1eb: {  	v32 =	vld.idx.msk [tilespmem:v40+s9+$0x0], $0xffff  }
0x1ec: {  	v41 =	vor.u32 s28, v9;
	_ =	sdelay $0x3  }
0x1ed: {  	v42 =	vld [tilespmem:$0x10];
	[tilespmem:$0x10580] =	vst v32  }
0x1ee: {  	v33 =	vld.idx.msk [tilespmem:v41+s9+$0x0], $0xffff  }
0x1ef: {  	v43 =	vor.u32 s28, v10;
	_ =	sdelay $0x2  }
0x1f0: {  	v32 =	vnsel vm0, $0x0, v42  }
0x1f1: {  	v32 =	vxor.u32 $0x80000000, v32;
	[tilespmem:$0x10590] =	vst v33  }
0x1f2: {  	(xrf0) =	vmax.scan.msk.u32 $0xffff, v32;
	v33 =	vld.idx.msk [tilespmem:v43+s9+$0x0], $0xffff  }
0x1f3: {  	v44 =	vor.u32 s28, v11;
	_ =	sdelay $0x3  }
0x1f4: {  	[tilespmem:$0x105A0] =	vst v33  }
0x1f5: {  	s29 =	sand.u32 $0x7F, s24;
	v45, _, _ =	vpop (xrf0);
	v32 =	vld.idx.msk [tilespmem:v44+s9+$0x0], $0xffff  }
0x1f6: {  	v46 =	vor.u32 s29, v12;
	(v2sf) =	vpush v45, $0xF;
	_ =	sdelay $0x3  }
0x1f7: {  	[tilespmem:$0x105B0] =	vst v32  }
0x1f8: {  	v32 =	vld.idx.msk [tilespmem:v46+s9+$0x0], $0xffff  }
0x1f9: {  	v47 =	vor.u32 s29, v13;
	_ =	sdelay $0x3  }
0x1fa: {  	[tilespmem:$0x10600] =	vst v32  }
0x1fb: {  	v32 =	vld.idx.msk [tilespmem:v47+s9+$0x0], $0xffff  }
0x1fc: {  	v48 =	vor.u32 s29, v14;
	_ =	sdelay $0x2  }
0x1fd: {  	s17 =	spop (v2sf)  }
0x1fe: {  	s30 =	sxor.u32 $0x80000000, s17;
	[tilespmem:$0x10610] =	vst v32  }
0x1ff: {  	s31 =	sshra.s32 s30, $0x1F;
	v32 =	vld.idx.msk [tilespmem:v48+s9+$0x0], $0xffff  }
0x200: {  	v49 =	vor.u32 s29, v15;
	s25 =	sshrl.u32 s31, $0x19  }
0x201: {  	s20 =	sadd.s32 s25, s30  }
0x202: {  	p1 =	sgt.s32 s17, $0xFFFFFFFF;
	p2 =	slt.s32 s30, $0x1;
	s26 =	sand.u32 $0xFFFFFF80, s20  }
0x203: {  	p0 =	por p1, p2;
	p3 =	sne.s32 s30, s26  }
0x204: {  	p0 =	por !p0, !p3;
	[tilespmem:$0x10620] =	vst v32  }
0x205: {  	s22 =	simm.s32 $0x1;
	p0 =	por !p0, !p0;
	v32 =	vld.idx.msk [tilespmem:v49+s9+$0x0], $0xffff  }
0x206: {  	s20 =	sshrl.u32 s20, $0x7;
	s22 =	simm.s32 @!p0 $0x0  }
0x207: {  	s20 =	ssub.s32 s20, s22  }
0x208: {  	s20 =	sshll.u32 s20, $0x7  }
0x209: {  	s20 =	sand.u32 $0x1FFFFF80, s20  }
0x20a: {  	s20 =	sadd.s32 s0, s20;
	[tilespmem:$0x10630] =	vst v32  }
0x20b: {  	[tilespmem:s9], [sflag:$0x1] =	stream.strided.gather [hbm4b:s20+s7], $0x2000, s8, s7, $0x38;
	[tilespmem:$0x11080] =	vst v63  }
0x20c: {  	v50 =	vld [tilespmem:$0x10];
	_ =	sdelay $0x4  }
0x20d: {  	v32 =	vsel vm1, $0x0, v50  }
0x20e: {  	v32 =	vxor.u32 $0x80000000, v32  }
0x20f: {  	(xrf0) =	vmax.scan.msk.u32 $0xffff, v32;
	_ =	sdelay $0x5  }
0x210: {  	v32, _, _ =	vpop (xrf0)  }
0x211: {  	(v2sf) =	vpush v32, $0xF;
	_ =	sdelay $0xe  }
0x212: {  	s20 =	spop (v2sf)  }
0x213: {  	s28 =	sxor.u32 $0x80000000, s20  }
0x214: {  	s29 =	sshra.s32 s28, $0x1F  }
0x215: {  	s24 =	sshrl.u32 s29, $0x19  }
0x216: {  	s24 =	sadd.s32 s24, s28  }
0x217: {  	p4 =	sgt.s32 s20, $0xFFFFFFFF;
	p5 =	slt.s32 s28, $0x1;
	s30 =	sand.u32 $0xFFFFFF80, s24  }
0x218: {  	p0 =	por p4, p5;
	p6 =	sne.s32 s28, s30  }
0x219: {  	p0 =	por !p0, !p6  }
0x21a: {  	s22 =	simm.s32 $0x1;
	p0 =	por !p0, !p0  }
0x21b: {  	s24 =	sshrl.u32 s24, $0x7;
	s22 =	simm.s32 @!p0 $0x0  }
0x21c: {  	s22 =	ssub.s32 s24, s22  }
0x21d: {  	s22 =	sshll.u32 s22, $0x7  }
0x21e: {  	s22 =	sand.u32 $0x1FFFFF80, s22  }
0x21f: {  	s22 =	sadd.s32 s0, s22  }
0x220: {  	[tilespmem:s10], [sflag:$0x1] =	stream.strided.gather [hbm4b:s22+s7], $0x2000, s8, s7, $0x38;
	[tilespmem:$0x11080] =	vst v63  }
0x221: {  	v51 =	vld [tilespmem:$0x10];
	_ =	sdelay $0x4  }
0x222: {  	v32 =	vsel vm2, $0x0, v51  }
0x223: {  	v32 =	vxor.u32 $0x80000000, v32  }
0x224: {  	(xrf0) =	vmax.scan.msk.u32 $0xffff, v32;
	_ =	sdelay $0x5  }
0x225: {  	v32, _, _ =	vpop (xrf0)  }
0x226: {  	(v2sf) =	vpush v32, $0xF;
	_ =	sdelay $0xe  }
0x227: {  	s22 =	spop (v2sf)  }
0x228: {  	s31 =	sxor.u32 $0x80000000, s22  }
0x229: {  	s26 =	sshra.s32 s31, $0x1F  }
0x22a: {  	s25 =	sshrl.u32 s26, $0x19  }
0x22b: {  	s25 =	sadd.s32 s25, s31  }
0x22c: {  	p1 =	sgt.s32 s22, $0xFFFFFFFF;
	p2 =	slt.s32 s31, $0x1;
	s28 =	sand.u32 $0xFFFFFF80, s25  }
0x22d: {  	p0 =	por p1, p2;
	p3 =	sne.s32 s31, s28  }
0x22e: {  	p0 =	por !p0, !p3  }
0x22f: {  	s24 =	simm.s32 $0x1;
	p0 =	por !p0, !p0  }
0x230: {  	s25 =	sshrl.u32 s25, $0x7;
	s24 =	simm.s32 @!p0 $0x0  }
0x231: {  	s24 =	ssub.s32 s25, s24  }
0x232: {  	s24 =	sshll.u32 s24, $0x7  }
0x233: {  	s24 =	sand.u32 $0x1FFFFF80, s24  }
0x234: {  	s24 =	sadd.s32 s0, s24  }
0x235: {  	[tilespmem:s11], [sflag:$0x1] =	stream.strided.gather [hbm4b:s24+s7], $0x2000, s8, s7, $0x38;
	[tilespmem:$0x11080] =	vst v63  }
0x236: {  	v52 =	vld [tilespmem:$0x10];
	_ =	sdelay $0x4  }
0x237: {  	v32 =	vsel vm3, $0x0, v52  }
0x238: {  	v32 =	vxor.u32 $0x80000000, v32  }
0x239: {  	(xrf0) =	vmax.scan.msk.u32 $0xffff, v32;
	_ =	sdelay $0x5  }
0x23a: {  	v32, _, _ =	vpop (xrf0)  }
0x23b: {  	(v2sf) =	vpush v32, $0xF;
	_ =	sdelay $0xe  }
0x23c: {  	s24 =	spop (v2sf)  }
0x23d: {  	s29 =	sxor.u32 $0x80000000, s24  }
0x23e: {  	s30 =	sshra.s32 s29, $0x1F  }
0x23f: {  	s26 =	sshrl.u32 s30, $0x19  }
0x240: {  	s26 =	sadd.s32 s26, s29  }
0x241: {  	p4 =	sgt.s32 s24, $0xFFFFFFFF;
	p5 =	slt.s32 s29, $0x1;
	s31 =	sand.u32 $0xFFFFFF80, s26  }
0x242: {  	p0 =	por p4, p5;
	p6 =	sne.s32 s29, s31  }
0x243: {  	p0 =	por !p0, !p6  }
0x244: {  	s25 =	simm.s32 $0x1;
	p0 =	por !p0, !p0  }
0x245: {  	s26 =	sshrl.u32 s26, $0x7;
	s25 =	simm.s32 @!p0 $0x0  }
0x246: {  	s25 =	ssub.s32 s26, s25  }
0x247: {  	s25 =	sshll.u32 s25, $0x7  }
0x248: {  	s25 =	sand.u32 $0x1FFFFF80, s25  }
0x249: {  	s25 =	sadd.s32 s0, s25  }
0x24a: {  	[tilespmem:s12], [sflag:$0x1] =	stream.strided.gather [hbm4b:s25+s7], $0x2000, s8, s7, $0x38;
	[tilespmem:$0x11080] =	vst v63  }
0x24b: {  	_ =	swait.ge [sflag:s6], $0x2000  }
0x24c: {  	[sflag:s6] =	ssyncset.done $0x0  }
0x24d: {  	[sflag:s6] =	ssyncadd.s32 $0xFFFFE000  }
0x24e: {  	_ =	swait.ge [sflag:s6], $0x2000  }
0x24f: {  	[sflag:s6] =	ssyncset.done $0x0  }
0x250: {  	[sflag:s6] =	ssyncadd.s32 $0xFFFFE000  }
0x251: {  	s18 =	sand.u32 $0x7F, s18;
	_ =	swait.ge [sflag:s6], $0x2000  }
0x252: {  	v53 =	vor.u32 s18, v16;
	[sflag:s6] =	ssyncset.done $0x0  }
0x253: {  	[sflag:s6] =	ssyncadd.s32 $0xFFFFE000  }
0x254: {  	_ =	swait.ge [sflag:s6], $0x2000  }
0x255: {  	[sflag:s6] =	ssyncset.done $0x0  }
0x256: {  	[sflag:s6] =	ssyncadd.s32 $0xFFFFE000  }
0x257: {  	v32 =	vld.idx.msk [tilespmem:v53+s9+$0x0], $0xffff  }
0x258: {  	v54 =	vor.u32 s18, v17;
	_ =	sdelay $0x3  }
0x259: {  	[tilespmem:$0x10680] =	vst v32  }
0x25a: {  	v32 =	vld.idx.msk [tilespmem:v54+s9+$0x0], $0xffff  }
0x25b: {  	v55 =	vor.u32 s18, v18;
	_ =	sdelay $0x3  }
0x25c: {  	[tilespmem:$0x10690] =	vst v32  }
0x25d: {  	v32 =	vld.idx.msk [tilespmem:v55+s9+$0x0], $0xffff  }
0x25e: {  	v56 =	vor.u32 s18, v19;
	_ =	sdelay $0x3  }
0x25f: {  	[tilespmem:$0x106A0] =	vst v32  }
0x260: {  	s26 =	sand.u32 $0x7F, s19;
	v32 =	vld.idx.msk [tilespmem:v56+s9+$0x0], $0xffff  }
0x261: {  	v57 =	vor.u32 s26, v20;
	_ =	sdelay $0x3  }
0x262: {  	[tilespmem:$0x106B0] =	vst v32  }
0x263: {  	v32 =	vld.idx.msk [tilespmem:v57+s9+$0x0], $0xffff  }
0x264: {  	v58 =	vor.u32 s26, v21;
	_ =	sdelay $0x3  }
0x265: {  	[tilespmem:$0x10700] =	vst v32  }
0x266: {  	v32 =	vld.idx.msk [tilespmem:v58+s9+$0x0], $0xffff  }
0x267: {  	v59 =	vor.u32 s26, v22;
	_ =	sdelay $0x3  }
0x268: {  	[tilespmem:$0x10710] =	vst v32  }
0x269: {  	v32 =	vld.idx.msk [tilespmem:v59+s9+$0x0], $0xffff  }
0x26a: {  	v60 =	vor.u32 s26, v23;
	_ =	sdelay $0x3  }
0x26b: {  	[tilespmem:$0x10720] =	vst v32  }
0x26c: {  	s28 =	sand.u32 $0x7F, s21;
	v32 =	vld.idx.msk [tilespmem:v60+s9+$0x0], $0xffff  }
0x26d: {  	v61 =	vor.u32 s28, v24;
	_ =	sdelay $0x3  }
0x26e: {  	[tilespmem:$0x10730] =	vst v32  }
0x26f: {  	v32 =	vld.idx.msk [tilespmem:v61+s9+$0x0], $0xffff  }
0x270: {  	v62 =	vor.u32 s28, v25;
	_ =	sdelay $0x3  }
0x271: {  	v63 =	vld [tilespmem:$0x10];
	[tilespmem:$0x10780] =	vst v32  }
0x272: {  	v33 =	vld.idx.msk [tilespmem:v62+s9+$0x0], $0xffff  }
0x273: {  	v36 =	vor.u32 s28, v26;
	_ =	sdelay $0x2  }
0x274: {  	v32 =	vsel vm4, $0x0, v63  }
0x275: {  	v32 =	vxor.u32 $0x80000000, v32;
	[tilespmem:$0x10790] =	vst v33  }
0x276: {  	(xrf0) =	vmax.scan.msk.u32 $0xffff, v32;
	v33 =	vld.idx.msk [tilespmem:v36+s9+$0x0], $0xffff  }
0x277: {  	v37 =	vor.u32 s28, v27;
	_ =	sdelay $0x3  }
0x278: {  	[tilespmem:$0x107A0] =	vst v33  }
0x279: {  	s29 =	sand.u32 $0x7F, s23;
	v38, _, _ =	vpop (xrf0);
	v32 =	vld.idx.msk [tilespmem:v37+s9+$0x0], $0xffff  }
0x27a: {  	v39 =	vor.u32 s29, v28;
	(v2sf) =	vpush v38, $0xF;
	_ =	sdelay $0x3  }
0x27b: {  	[tilespmem:$0x107B0] =	vst v32  }
0x27c: {  	v32 =	vld.idx.msk [tilespmem:v39+s9+$0x0], $0xffff  }
0x27d: {  	v40 =	vor.u32 s29, v29;
	_ =	sdelay $0x3  }
0x27e: {  	[tilespmem:$0x10800] =	vst v32  }
0x27f: {  	v32 =	vld.idx.msk [tilespmem:v40+s9+$0x0], $0xffff  }
0x280: {  	v41 =	vor.u32 s29, v30;
	_ =	sdelay $0x2  }
0x281: {  	s18 =	spop (v2sf)  }
0x282: {  	s30 =	sxor.u32 $0x80000000, s18;
	[tilespmem:$0x10810] =	vst v32  }
0x283: {  	s31 =	sshra.s32 s30, $0x1F;
	v32 =	vld.idx.msk [tilespmem:v41+s9+$0x0], $0xffff  }
0x284: {  	v42 =	vor.u32 s29, v31;
	s25 =	sshrl.u32 s31, $0x19  }
0x285: {  	s19 =	sadd.s32 s25, s30  }
0x286: {  	p1 =	sgt.s32 s18, $0xFFFFFFFF;
	p2 =	slt.s32 s30, $0x1;
	s26 =	sand.u32 $0xFFFFFF80, s19  }
0x287: {  	p0 =	por p1, p2;
	p3 =	sne.s32 s30, s26  }
0x288: {  	p0 =	por !p0, !p3;
	[tilespmem:$0x10820] =	vst v32  }
0x289: {  	s21 =	simm.s32 $0x1;
	p0 =	por !p0, !p0;
	v32 =	vld.idx.msk [tilespmem:v42+s9+$0x0], $0xffff  }
0x28a: {  	s19 =	sshrl.u32 s19, $0x7;
	s21 =	simm.s32 @!p0 $0x0  }
0x28b: {  	s19 =	ssub.s32 s19, s21  }
0x28c: {  	s19 =	sshll.u32 s19, $0x7  }
0x28d: {  	s19 =	sand.u32 $0x1FFFFF80, s19  }
0x28e: {  	s19 =	sadd.s32 s0, s19;
	[tilespmem:$0x10830] =	vst v32  }
0x28f: {  	[tilespmem:s13], [sflag:$0x1] =	stream.strided.gather [hbm4b:s19+s7], $0x2000, s8, s7, $0x38;
	[tilespmem:$0x11080] =	vst v63  }
0x290: {  	v43 =	vld [tilespmem:$0x10];
	_ =	sdelay $0x4  }
0x291: {  	v32 =	vsel vm5, $0x0, v43  }
0x292: {  	v32 =	vxor.u32 $0x80000000, v32  }
0x293: {  	(xrf0) =	vmax.scan.msk.u32 $0xffff, v32;
	_ =	sdelay $0x5  }
0x294: {  	v32, _, _ =	vpop (xrf0)  }
0x295: {  	(v2sf) =	vpush v32, $0xF;
	_ =	sdelay $0xe  }
0x296: {  	s19 =	spop (v2sf)  }
0x297: {  	s28 =	sxor.u32 $0x80000000, s19  }
0x298: {  	s29 =	sshra.s32 s28, $0x1F  }
0x299: {  	s23 =	sshrl.u32 s29, $0x19  }
0x29a: {  	s23 =	sadd.s32 s23, s28  }
0x29b: {  	p4 =	sgt.s32 s19, $0xFFFFFFFF;
	p5 =	slt.s32 s28, $0x1;
	s30 =	sand.u32 $0xFFFFFF80, s23  }
0x29c: {  	p0 =	por p4, p5;
	p6 =	sne.s32 s28, s30  }
0x29d: {  	p0 =	por !p0, !p6  }
0x29e: {  	s21 =	simm.s32 $0x1;
	p0 =	por !p0, !p0  }
0x29f: {  	s23 =	sshrl.u32 s23, $0x7;
	s21 =	simm.s32 @!p0 $0x0  }
0x2a0: {  	s21 =	ssub.s32 s23, s21  }
0x2a1: {  	s21 =	sshll.u32 s21, $0x7  }
0x2a2: {  	s21 =	sand.u32 $0x1FFFFF80, s21  }
0x2a3: {  	s21 =	sadd.s32 s0, s21  }
0x2a4: {  	[tilespmem:s14], [sflag:$0x1] =	stream.strided.gather [hbm4b:s21+s7], $0x2000, s8, s7, $0x38;
	[tilespmem:$0x11080] =	vst v63  }
0x2a5: {  	v44 =	vld [tilespmem:$0x10];
	_ =	sdelay $0x4  }
0x2a6: {  	v32 =	vsel vm6, $0x0, v44  }
0x2a7: {  	v32 =	vxor.u32 $0x80000000, v32  }
0x2a8: {  	(xrf0) =	vmax.scan.msk.u32 $0xffff, v32;
	_ =	sdelay $0x5  }
0x2a9: {  	v32, _, _ =	vpop (xrf0)  }
0x2aa: {  	(v2sf) =	vpush v32, $0xF;
	_ =	sdelay $0xe  }
0x2ab: {  	s21 =	spop (v2sf)  }
0x2ac: {  	s31 =	sxor.u32 $0x80000000, s21  }
0x2ad: {  	s26 =	sshra.s32 s31, $0x1F  }
0x2ae: {  	s25 =	sshrl.u32 s26, $0x19  }
0x2af: {  	s25 =	sadd.s32 s25, s31  }
0x2b0: {  	p1 =	sgt.s32 s21, $0xFFFFFFFF;
	p2 =	slt.s32 s31, $0x1;
	s28 =	sand.u32 $0xFFFFFF80, s25  }
0x2b1: {  	p0 =	por p1, p2;
	p3 =	sne.s32 s31, s28  }
0x2b2: {  	p0 =	por !p0, !p3  }
0x2b3: {  	s23 =	simm.s32 $0x1;
	p0 =	por !p0, !p0  }
0x2b4: {  	s25 =	sshrl.u32 s25, $0x7;
	s23 =	simm.s32 @!p0 $0x0  }
0x2b5: {  	s23 =	ssub.s32 s25, s23  }
0x2b6: {  	s23 =	sshll.u32 s23, $0x7  }
0x2b7: {  	s23 =	sand.u32 $0x1FFFFF80, s23  }
0x2b8: {  	s23 =	sadd.s32 s0, s23  }
0x2b9: {  	[tilespmem:s15], [sflag:$0x1] =	stream.strided.gather [hbm4b:s23+s7], $0x2000, s8, s7, $0x38;
	[tilespmem:$0x11080] =	vst v63  }
0x2ba: {  	v45 =	vld [tilespmem:$0x10];
	_ =	sdelay $0x4  }
0x2bb: {  	v32 =	vsel vm7, $0x0, v45  }
0x2bc: {  	v32 =	vxor.u32 $0x80000000, v32  }
0x2bd: {  	(xrf0) =	vmax.scan.msk.u32 $0xffff, v32;
	_ =	sdelay $0x5  }
0x2be: {  	v32, _, _ =	vpop (xrf0)  }
0x2bf: {  	(v2sf) =	vpush v32, $0xF;
	_ =	sdelay $0xe  }
0x2c0: {  	s23 =	spop (v2sf)  }
0x2c1: {  	s29 =	sxor.u32 $0x80000000, s23  }
0x2c2: {  	s30 =	sshra.s32 s29, $0x1F  }
0x2c3: {  	s26 =	sshrl.u32 s30, $0x19  }
0x2c4: {  	s26 =	sadd.s32 s26, s29  }
0x2c5: {  	p4 =	sgt.s32 s23, $0xFFFFFFFF;
	p5 =	slt.s32 s29, $0x1;
	s31 =	sand.u32 $0xFFFFFF80, s26  }
0x2c6: {  	p0 =	por p4, p5;
	p6 =	sne.s32 s29, s31  }
0x2c7: {  	p0 =	por !p0, !p6  }
0x2c8: {  	s25 =	simm.s32 $0x1;
	p0 =	por !p0, !p0  }
0x2c9: {  	s26 =	sshrl.u32 s26, $0x7;
	s25 =	simm.s32 @!p0 $0x0  }
0x2ca: {  	s25 =	ssub.s32 s26, s25  }
0x2cb: {  	s25 =	sshll.u32 s25, $0x7  }
0x2cc: {  	s25 =	sand.u32 $0x1FFFFF80, s25  }
0x2cd: {  	s25 =	sadd.s32 s0, s25  }
0x2ce: {  	[tilespmem:s16], [sflag:$0x1] =	stream.strided.gather [hbm4b:s25+s7], $0x2000, s8, s7, $0x38;
	[tilespmem:$0x11080] =	vst v63  }
0x2cf: {  	_ =	swait.ge [sflag:s6], $0x2000  }
0x2d0: {  	[sflag:s6] =	ssyncset.done $0x0  }
0x2d1: {  	[sflag:s6] =	ssyncadd.s32 $0xFFFFE000  }
0x2d2: {  	_ =	swait.ge [sflag:s6], $0x2000  }
0x2d3: {  	[sflag:s6] =	ssyncset.done $0x0  }
0x2d4: {  	[sflag:s6] =	ssyncadd.s32 $0xFFFFE000  }
0x2d5: {  	s17 =	sand.u32 $0x7F, s17;
	_ =	swait.ge [sflag:s6], $0x2000  }
0x2d6: {  	v46 =	vor.u32 s17, v0;
	[sflag:s6] =	ssyncset.done $0x0  }
0x2d7: {  	[sflag:s6] =	ssyncadd.s32 $0xFFFFE000  }
0x2d8: {  	_ =	swait.ge [sflag:s6], $0x2000  }
0x2d9: {  	[sflag:s6] =	ssyncset.done $0x0  }
0x2da: {  	[sflag:s6] =	ssyncadd.s32 $0xFFFFE000  }
0x2db: {  	v32 =	vld.idx.msk [tilespmem:v46+s9+$0x0], $0xffff  }
0x2dc: {  	v47 =	vor.u32 s17, v1;
	_ =	sdelay $0x3  }
0x2dd: {  	[tilespmem:$0x10880] =	vst v32  }
0x2de: {  	v32 =	vld.idx.msk [tilespmem:v47+s9+$0x0], $0xffff  }
0x2df: {  	v48 =	vor.u32 s17, v2;
	_ =	sdelay $0x3  }
0x2e0: {  	[tilespmem:$0x10890] =	vst v32  }
0x2e1: {  	v32 =	vld.idx.msk [tilespmem:v48+s9+$0x0], $0xffff  }
0x2e2: {  	v49 =	vor.u32 s17, v3;
	_ =	sdelay $0x3  }
0x2e3: {  	[tilespmem:$0x108A0] =	vst v32  }
0x2e4: {  	s26 =	sand.u32 $0x7F, s20;
	v32 =	vld.idx.msk [tilespmem:v49+s9+$0x0], $0xffff  }
0x2e5: {  	v50 =	vor.u32 s26, v4;
	_ =	sdelay $0x3  }
0x2e6: {  	[tilespmem:$0x108B0] =	vst v32  }
0x2e7: {  	v32 =	vld.idx.msk [tilespmem:v50+s9+$0x0], $0xffff  }
0x2e8: {  	v51 =	vor.u32 s26, v5;
	_ =	sdelay $0x3  }
0x2e9: {  	[tilespmem:$0x10900] =	vst v32  }
0x2ea: {  	v32 =	vld.idx.msk [tilespmem:v51+s9+$0x0], $0xffff  }
0x2eb: {  	v52 =	vor.u32 s26, v6;
	_ =	sdelay $0x3  }
0x2ec: {  	[tilespmem:$0x10910] =	vst v32  }
0x2ed: {  	v32 =	vld.idx.msk [tilespmem:v52+s9+$0x0], $0xffff  }
0x2ee: {  	v53 =	vor.u32 s26, v7;
	_ =	sdelay $0x3  }
0x2ef: {  	[tilespmem:$0x10920] =	vst v32  }
0x2f0: {  	s28 =	sand.u32 $0x7F, s22;
	v32 =	vld.idx.msk [tilespmem:v53+s9+$0x0], $0xffff  }
0x2f1: {  	v54 =	vor.u32 s28, v8;
	_ =	sdelay $0x3  }
0x2f2: {  	[tilespmem:$0x10930] =	vst v32  }
0x2f3: {  	v32 =	vld.idx.msk [tilespmem:v54+s9+$0x0], $0xffff  }
0x2f4: {  	v55 =	vor.u32 s28, v9;
	_ =	sdelay $0x3  }
0x2f5: {  	v56 =	vld [tilespmem:$0x10];
	[tilespmem:$0x10980] =	vst v32  }
0x2f6: {  	v33 =	vld.idx.msk [tilespmem:v55+s9+$0x0], $0xffff  }
0x2f7: {  	v57 =	vor.u32 s28, v10;
	_ =	sdelay $0x2  }
0x2f8: {  	v32 =	vsel vm8, $0x0, v56  }
0x2f9: {  	v32 =	vxor.u32 $0x80000000, v32;
	[tilespmem:$0x10990] =	vst v33  }
0x2fa: {  	(xrf0) =	vmax.scan.msk.u32 $0xffff, v32;
	v33 =	vld.idx.msk [tilespmem:v57+s9+$0x0], $0xffff  }
0x2fb: {  	v58 =	vor.u32 s28, v11;
	_ =	sdelay $0x3  }
0x2fc: {  	[tilespmem:$0x109A0] =	vst v33  }
0x2fd: {  	s29 =	sand.u32 $0x7F, s24;
	v59, _, _ =	vpop (xrf0);
	v32 =	vld.idx.msk [tilespmem:v58+s9+$0x0], $0xffff  }
0x2fe: {  	v60 =	vor.u32 s29, v12;
	(v2sf) =	vpush v59, $0xF;
	_ =	sdelay $0x3  }
0x2ff: {  	[tilespmem:$0x109B0] =	vst v32  }
0x300: {  	v32 =	vld.idx.msk [tilespmem:v60+s9+$0x0], $0xffff  }
0x301: {  	v61 =	vor.u32 s29, v13;
	_ =	sdelay $0x3  }
0x302: {  	[tilespmem:$0x10A00] =	vst v32  }
0x303: {  	v32 =	vld.idx.msk [tilespmem:v61+s9+$0x0], $0xffff  }
0x304: {  	v62 =	vor.u32 s29, v14;
	_ =	sdelay $0x2  }
0x305: {  	s17 =	spop (v2sf)  }
0x306: {  	s30 =	sxor.u32 $0x80000000, s17;
	[tilespmem:$0x10A10] =	vst v32  }
0x307: {  	s31 =	sshra.s32 s30, $0x1F;
	v32 =	vld.idx.msk [tilespmem:v62+s9+$0x0], $0xffff  }
0x308: {  	v63 =	vor.u32 s29, v15;
	s25 =	sshrl.u32 s31, $0x19  }
0x309: {  	s20 =	sadd.s32 s25, s30  }
0x30a: {  	p1 =	sgt.s32 s17, $0xFFFFFFFF;
	p2 =	slt.s32 s30, $0x1;
	s26 =	sand.u32 $0xFFFFFF80, s20  }
0x30b: {  	p0 =	por p1, p2;
	p3 =	sne.s32 s30, s26  }
0x30c: {  	p0 =	por !p0, !p3;
	[tilespmem:$0x10A20] =	vst v32  }
0x30d: {  	s22 =	simm.s32 $0x1;
	p0 =	por !p0, !p0;
	v32 =	vld.idx.msk [tilespmem:v63+s9+$0x0], $0xffff  }
0x30e: {  	s20 =	sshrl.u32 s20, $0x7;
	s22 =	simm.s32 @!p0 $0x0  }
0x30f: {  	s20 =	ssub.s32 s20, s22  }
0x310: {  	s20 =	sshll.u32 s20, $0x7  }
0x311: {  	s20 =	sand.u32 $0x1FFFFF80, s20  }
0x312: {  	s20 =	sadd.s32 s0, s20;
	[tilespmem:$0x10A30] =	vst v32  }
0x313: {  	[tilespmem:s9], [sflag:$0x1] =	stream.strided.gather [hbm4b:s20+s7], $0x2000, s8, s7, $0x38;
	[tilespmem:$0x11080] =	vst v63  }
0x314: {  	v36 =	vld [tilespmem:$0x10];
	_ =	sdelay $0x4  }
0x315: {  	v32 =	vsel vm9, $0x0, v36  }
0x316: {  	v32 =	vxor.u32 $0x80000000, v32  }
0x317: {  	(xrf0) =	vmax.scan.msk.u32 $0xffff, v32;
	_ =	sdelay $0x5  }
0x318: {  	v32, _, _ =	vpop (xrf0)  }
0x319: {  	(v2sf) =	vpush v32, $0xF;
	_ =	sdelay $0xe  }
0x31a: {  	s20 =	spop (v2sf)  }
0x31b: {  	s28 =	sxor.u32 $0x80000000, s20  }
0x31c: {  	s29 =	sshra.s32 s28, $0x1F  }
0x31d: {  	s24 =	sshrl.u32 s29, $0x19  }
0x31e: {  	s24 =	sadd.s32 s24, s28  }
0x31f: {  	p4 =	sgt.s32 s20, $0xFFFFFFFF;
	p5 =	slt.s32 s28, $0x1;
	s30 =	sand.u32 $0xFFFFFF80, s24  }
0x320: {  	p0 =	por p4, p5;
	p6 =	sne.s32 s28, s30  }
0x321: {  	p0 =	por !p0, !p6  }
0x322: {  	s22 =	simm.s32 $0x1;
	p0 =	por !p0, !p0  }
0x323: {  	s24 =	sshrl.u32 s24, $0x7;
	s22 =	simm.s32 @!p0 $0x0  }
0x324: {  	s22 =	ssub.s32 s24, s22  }
0x325: {  	s22 =	sshll.u32 s22, $0x7  }
0x326: {  	s22 =	sand.u32 $0x1FFFFF80, s22  }
0x327: {  	s22 =	sadd.s32 s0, s22  }
0x328: {  	[tilespmem:s10], [sflag:$0x1] =	stream.strided.gather [hbm4b:s22+s7], $0x2000, s8, s7, $0x38;
	[tilespmem:$0x11080] =	vst v63  }
0x329: {  	v37 =	vld [tilespmem:$0x10];
	_ =	sdelay $0x4  }
0x32a: {  	v32 =	vsel vm10, $0x0, v37  }
0x32b: {  	v32 =	vxor.u32 $0x80000000, v32  }
0x32c: {  	(xrf0) =	vmax.scan.msk.u32 $0xffff, v32;
	_ =	sdelay $0x5  }
0x32d: {  	v32, _, _ =	vpop (xrf0)  }
0x32e: {  	(v2sf) =	vpush v32, $0xF;
	_ =	sdelay $0xe  }
0x32f: {  	s22 =	spop (v2sf)  }
0x330: {  	s31 =	sxor.u32 $0x80000000, s22  }
0x331: {  	s26 =	sshra.s32 s31, $0x1F  }
0x332: {  	s25 =	sshrl.u32 s26, $0x19  }
0x333: {  	s25 =	sadd.s32 s25, s31  }
0x334: {  	p1 =	sgt.s32 s22, $0xFFFFFFFF;
	p2 =	slt.s32 s31, $0x1;
	s28 =	sand.u32 $0xFFFFFF80, s25  }
0x335: {  	p0 =	por p1, p2;
	p3 =	sne.s32 s31, s28  }
0x336: {  	p0 =	por !p0, !p3  }
0x337: {  	s24 =	simm.s32 $0x1;
	p0 =	por !p0, !p0  }
0x338: {  	s25 =	sshrl.u32 s25, $0x7;
	s24 =	simm.s32 @!p0 $0x0  }
0x339: {  	s24 =	ssub.s32 s25, s24  }
0x33a: {  	s24 =	sshll.u32 s24, $0x7  }
0x33b: {  	s24 =	sand.u32 $0x1FFFFF80, s24  }
0x33c: {  	s24 =	sadd.s32 s0, s24  }
0x33d: {  	[tilespmem:s11], [sflag:$0x1] =	stream.strided.gather [hbm4b:s24+s7], $0x2000, s8, s7, $0x38;
	[tilespmem:$0x11080] =	vst v63  }
0x33e: {  	v38 =	vld [tilespmem:$0x10];
	_ =	sdelay $0x4  }
0x33f: {  	v32 =	vsel vm11, $0x0, v38  }
0x340: {  	v32 =	vxor.u32 $0x80000000, v32  }
0x341: {  	(xrf0) =	vmax.scan.msk.u32 $0xffff, v32;
	_ =	sdelay $0x5  }
0x342: {  	v32, _, _ =	vpop (xrf0)  }
0x343: {  	(v2sf) =	vpush v32, $0xF;
	_ =	sdelay $0xe  }
0x344: {  	s24 =	spop (v2sf)  }
0x345: {  	s29 =	sxor.u32 $0x80000000, s24  }
0x346: {  	s30 =	sshra.s32 s29, $0x1F  }
0x347: {  	s26 =	sshrl.u32 s30, $0x19  }
0x348: {  	s26 =	sadd.s32 s26, s29  }
0x349: {  	p4 =	sgt.s32 s24, $0xFFFFFFFF;
	p5 =	slt.s32 s29, $0x1;
	s31 =	sand.u32 $0xFFFFFF80, s26  }
0x34a: {  	p0 =	por p4, p5;
	p6 =	sne.s32 s29, s31  }
0x34b: {  	p0 =	por !p0, !p6  }
0x34c: {  	s25 =	simm.s32 $0x1;
	p0 =	por !p0, !p0  }
0x34d: {  	s26 =	sshrl.u32 s26, $0x7;
	s25 =	simm.s32 @!p0 $0x0  }
0x34e: {  	s25 =	ssub.s32 s26, s25  }
0x34f: {  	s25 =	sshll.u32 s25, $0x7  }
0x350: {  	s25 =	sand.u32 $0x1FFFFF80, s25  }
0x351: {  	s25 =	sadd.s32 s0, s25  }
0x352: {  	[tilespmem:s12], [sflag:$0x1] =	stream.strided.gather [hbm4b:s25+s7], $0x2000, s8, s7, $0x38;
	[tilespmem:$0x11080] =	vst v63  }
0x353: {  	_ =	swait.ge [sflag:s6], $0x2000  }
0x354: {  	[sflag:s6] =	ssyncset.done $0x0  }
0x355: {  	[sflag:s6] =	ssyncadd.s32 $0xFFFFE000  }
0x356: {  	_ =	swait.ge [sflag:s6], $0x2000  }
0x357: {  	[sflag:s6] =	ssyncset.done $0x0  }
0x358: {  	[sflag:s6] =	ssyncadd.s32 $0xFFFFE000  }
0x359: {  	s18 =	sand.u32 $0x7F, s18;
	_ =	swait.ge [sflag:s6], $0x2000  }
0x35a: {  	v39 =	vor.u32 s18, v16;
	[sflag:s6] =	ssyncset.done $0x0  }
0x35b: {  	[sflag:s6] =	ssyncadd.s32 $0xFFFFE000  }
0x35c: {  	_ =	swait.ge [sflag:s6], $0x2000  }
0x35d: {  	[sflag:s6] =	ssyncset.done $0x0  }
0x35e: {  	[sflag:s6] =	ssyncadd.s32 $0xFFFFE000  }
0x35f: {  	v32 =	vld.idx.msk [tilespmem:v39+s9+$0x0], $0xffff  }
0x360: {  	v40 =	vor.u32 s18, v17;
	_ =	sdelay $0x3  }
0x361: {  	[tilespmem:$0x10A80] =	vst v32  }
0x362: {  	v32 =	vld.idx.msk [tilespmem:v40+s9+$0x0], $0xffff  }
0x363: {  	v41 =	vor.u32 s18, v18;
	_ =	sdelay $0x3  }
0x364: {  	[tilespmem:$0x10A90] =	vst v32  }
0x365: {  	v32 =	vld.idx.msk [tilespmem:v41+s9+$0x0], $0xffff  }
0x366: {  	v42 =	vor.u32 s18, v19;
	_ =	sdelay $0x3  }
0x367: {  	[tilespmem:$0x10AA0] =	vst v32  }
0x368: {  	s26 =	sand.u32 $0x7F, s19;
	v32 =	vld.idx.msk [tilespmem:v42+s9+$0x0], $0xffff  }
0x369: {  	v43 =	vor.u32 s26, v20;
	_ =	sdelay $0x3  }
0x36a: {  	[tilespmem:$0x10AB0] =	vst v32  }
0x36b: {  	v32 =	vld.idx.msk [tilespmem:v43+s9+$0x0], $0xffff  }
0x36c: {  	v44 =	vor.u32 s26, v21;
	_ =	sdelay $0x3  }
0x36d: {  	[tilespmem:$0x10B00] =	vst v32  }
0x36e: {  	v32 =	vld.idx.msk [tilespmem:v44+s9+$0x0], $0xffff  }
0x36f: {  	v45 =	vor.u32 s26, v22;
	_ =	sdelay $0x3  }
0x370: {  	[tilespmem:$0x10B10] =	vst v32  }
0x371: {  	v32 =	vld.idx.msk [tilespmem:v45+s9+$0x0], $0xffff  }
0x372: {  	v46 =	vor.u32 s26, v23;
	_ =	sdelay $0x3  }
0x373: {  	[tilespmem:$0x10B20] =	vst v32  }
0x374: {  	s28 =	sand.u32 $0x7F, s21;
	v32 =	vld.idx.msk [tilespmem:v46+s9+$0x0], $0xffff  }
0x375: {  	v47 =	vor.u32 s28, v24;
	_ =	sdelay $0x3  }
0x376: {  	[tilespmem:$0x10B30] =	vst v32  }
0x377: {  	v32 =	vld.idx.msk [tilespmem:v47+s9+$0x0], $0xffff  }
0x378: {  	v48 =	vor.u32 s28, v25;
	_ =	sdelay $0x3  }
0x379: {  	v49 =	vld [tilespmem:$0x10];
	[tilespmem:$0x10B80] =	vst v32  }
0x37a: {  	v33 =	vld.idx.msk [tilespmem:v48+s9+$0x0], $0xffff  }
0x37b: {  	v50 =	vor.u32 s28, v26;
	_ =	sdelay $0x2  }
0x37c: {  	v32 =	vsel vm12, $0x0, v49  }
0x37d: {  	v32 =	vxor.u32 $0x80000000, v32;
	[tilespmem:$0x10B90] =	vst v33  }
0x37e: {  	(xrf0) =	vmax.scan.msk.u32 $0xffff, v32;
	v33 =	vld.idx.msk [tilespmem:v50+s9+$0x0], $0xffff  }
0x37f: {  	v51 =	vor.u32 s28, v27;
	_ =	sdelay $0x3  }
0x380: {  	[tilespmem:$0x10BA0] =	vst v33  }
0x381: {  	s29 =	sand.u32 $0x7F, s23;
	v52, _, _ =	vpop (xrf0);
	v32 =	vld.idx.msk [tilespmem:v51+s9+$0x0], $0xffff  }
0x382: {  	v53 =	vor.u32 s29, v28;
	(v2sf) =	vpush v52, $0xF;
	_ =	sdelay $0x3  }
0x383: {  	[tilespmem:$0x10BB0] =	vst v32  }
0x384: {  	v32 =	vld.idx.msk [tilespmem:v53+s9+$0x0], $0xffff  }
0x385: {  	v54 =	vor.u32 s29, v29;
	_ =	sdelay $0x3  }
0x386: {  	[tilespmem:$0x10C00] =	vst v32  }
0x387: {  	v32 =	vld.idx.msk [tilespmem:v54+s9+$0x0], $0xffff  }
0x388: {  	v55 =	vor.u32 s29, v30;
	_ =	sdelay $0x2  }
0x389: {  	s18 =	spop (v2sf)  }
0x38a: {  	s30 =	sxor.u32 $0x80000000, s18;
	[tilespmem:$0x10C10] =	vst v32  }
0x38b: {  	s31 =	sshra.s32 s30, $0x1F;
	v32 =	vld.idx.msk [tilespmem:v55+s9+$0x0], $0xffff  }
0x38c: {  	v56 =	vor.u32 s29, v31;
	s25 =	sshrl.u32 s31, $0x19  }
0x38d: {  	s19 =	sadd.s32 s25, s30  }
0x38e: {  	p1 =	sgt.s32 s18, $0xFFFFFFFF;
	p2 =	slt.s32 s30, $0x1;
	s26 =	sand.u32 $0xFFFFFF80, s19  }
0x38f: {  	p0 =	por p1, p2;
	p3 =	sne.s32 s30, s26  }
0x390: {  	p0 =	por !p0, !p3;
	[tilespmem:$0x10C20] =	vst v32  }
0x391: {  	s21 =	simm.s32 $0x1;
	p0 =	por !p0, !p0;
	v32 =	vld.idx.msk [tilespmem:v56+s9+$0x0], $0xffff  }
0x392: {  	s19 =	sshrl.u32 s19, $0x7;
	s21 =	simm.s32 @!p0 $0x0  }
0x393: {  	s19 =	ssub.s32 s19, s21  }
0x394: {  	s19 =	sshll.u32 s19, $0x7  }
0x395: {  	s19 =	sand.u32 $0x1FFFFF80, s19  }
0x396: {  	s19 =	sadd.s32 s0, s19;
	[tilespmem:$0x10C30] =	vst v32  }
0x397: {  	[tilespmem:s13], [sflag:$0x1] =	stream.strided.gather [hbm4b:s19+s7], $0x2000, s8, s7, $0x38;
	[tilespmem:$0x11080] =	vst v63  }
0x398: {  	v57 =	vld [tilespmem:$0x10];
	_ =	sdelay $0x4  }
0x399: {  	v32 =	vsel vm13, $0x0, v57  }
0x39a: {  	v32 =	vxor.u32 $0x80000000, v32  }
0x39b: {  	(xrf0) =	vmax.scan.msk.u32 $0xffff, v32;
	_ =	sdelay $0x5  }
0x39c: {  	v32, _, _ =	vpop (xrf0)  }
0x39d: {  	(v2sf) =	vpush v32, $0xF;
	_ =	sdelay $0xe  }
0x39e: {  	s19 =	spop (v2sf)  }
0x39f: {  	s28 =	sxor.u32 $0x80000000, s19  }
0x3a0: {  	s29 =	sshra.s32 s28, $0x1F  }
0x3a1: {  	s23 =	sshrl.u32 s29, $0x19  }
0x3a2: {  	s23 =	sadd.s32 s23, s28  }
0x3a3: {  	p4 =	sgt.s32 s19, $0xFFFFFFFF;
	p5 =	slt.s32 s28, $0x1;
	s30 =	sand.u32 $0xFFFFFF80, s23  }
0x3a4: {  	p0 =	por p4, p5;
	p6 =	sne.s32 s28, s30  }
0x3a5: {  	p0 =	por !p0, !p6  }
0x3a6: {  	s21 =	simm.s32 $0x1;
	p0 =	por !p0, !p0  }
0x3a7: {  	s23 =	sshrl.u32 s23, $0x7;
	s21 =	simm.s32 @!p0 $0x0  }
0x3a8: {  	s21 =	ssub.s32 s23, s21  }
0x3a9: {  	s21 =	sshll.u32 s21, $0x7  }
0x3aa: {  	s21 =	sand.u32 $0x1FFFFF80, s21  }
0x3ab: {  	s21 =	sadd.s32 s0, s21  }
0x3ac: {  	[tilespmem:s14], [sflag:$0x1] =	stream.strided.gather [hbm4b:s21+s7], $0x2000, s8, s7, $0x38;
	[tilespmem:$0x11080] =	vst v63  }
0x3ad: {  	v58 =	vld [tilespmem:$0x10];
	_ =	sdelay $0x4  }
0x3ae: {  	v32 =	vsel vm14, $0x0, v58  }
0x3af: {  	v32 =	vxor.u32 $0x80000000, v32  }
0x3b0: {  	(xrf0) =	vmax.scan.msk.u32 $0xffff, v32;
	_ =	sdelay $0x5  }
0x3b1: {  	v32, _, _ =	vpop (xrf0)  }
0x3b2: {  	(v2sf) =	vpush v32, $0xF;
	_ =	sdelay $0xe  }
0x3b3: {  	s21 =	spop (v2sf)  }
0x3b4: {  	s31 =	sxor.u32 $0x80000000, s21  }
0x3b5: {  	s26 =	sshra.s32 s31, $0x1F  }
0x3b6: {  	s25 =	sshrl.u32 s26, $0x19  }
0x3b7: {  	s25 =	sadd.s32 s25, s31  }
0x3b8: {  	p1 =	sgt.s32 s21, $0xFFFFFFFF;
	p2 =	slt.s32 s31, $0x1;
	s28 =	sand.u32 $0xFFFFFF80, s25  }
0x3b9: {  	p0 =	por p1, p2;
	p3 =	sne.s32 s31, s28  }
0x3ba: {  	p0 =	por !p0, !p3  }
0x3bb: {  	s23 =	simm.s32 $0x1;
	p0 =	por !p0, !p0  }
0x3bc: {  	s25 =	sshrl.u32 s25, $0x7;
	s23 =	simm.s32 @!p0 $0x0  }
0x3bd: {  	s23 =	ssub.s32 s25, s23  }
0x3be: {  	s23 =	sshll.u32 s23, $0x7  }
0x3bf: {  	s23 =	sand.u32 $0x1FFFFF80, s23  }
0x3c0: {  	s23 =	sadd.s32 s0, s23  }
0x3c1: {  	[tilespmem:s15], [sflag:$0x1] =	stream.strided.gather [hbm4b:s23+s7], $0x2000, s8, s7, $0x38;
	[tilespmem:$0x11080] =	vst v63  }
0x3c2: {  	v59 =	vld [tilespmem:$0x10];
	_ =	sdelay $0x4  }
0x3c3: {  	v32 =	vsel vm15, $0x0, v59  }
0x3c4: {  	v32 =	vxor.u32 $0x80000000, v32  }
0x3c5: {  	(xrf0) =	vmax.scan.msk.u32 $0xffff, v32;
	_ =	sdelay $0x5  }
0x3c6: {  	v32, _, _ =	vpop (xrf0)  }
0x3c7: {  	(v2sf) =	vpush v32, $0xF;
	_ =	sdelay $0xe  }
0x3c8: {  	s23 =	spop (v2sf)  }
0x3c9: {  	s29 =	sxor.u32 $0x80000000, s23  }
0x3ca: {  	s30 =	sshra.s32 s29, $0x1F  }
0x3cb: {  	s26 =	sshrl.u32 s30, $0x19  }
0x3cc: {  	s26 =	sadd.s32 s26, s29  }
0x3cd: {  	p4 =	sgt.s32 s23, $0xFFFFFFFF;
	p5 =	slt.s32 s29, $0x1;
	s31 =	sand.u32 $0xFFFFFF80, s26  }
0x3ce: {  	p0 =	por p4, p5;
	p6 =	sne.s32 s29, s31  }
0x3cf: {  	p0 =	por !p0, !p6  }
0x3d0: {  	s25 =	simm.s32 $0x1;
	p0 =	por !p0, !p0  }
0x3d1: {  	s26 =	sshrl.u32 s26, $0x7;
	s25 =	simm.s32 @!p0 $0x0  }
0x3d2: {  	s25 =	ssub.s32 s26, s25  }
0x3d3: {  	s25 =	sshll.u32 s25, $0x7  }
0x3d4: {  	s25 =	sand.u32 $0x1FFFFF80, s25  }
0x3d5: {  	s25 =	sadd.s32 s0, s25  }
0x3d6: {  	[tilespmem:s16], [sflag:$0x1] =	stream.strided.gather [hbm4b:s25+s7], $0x2000, s8, s7, $0x38;
	[tilespmem:$0x11080] =	vst v63  }
0x3d7: {  	_ =	swait.ge [sflag:s6], $0x2000  }
0x3d8: {  	[sflag:s6] =	ssyncset.done $0x0  }
0x3d9: {  	[sflag:s6] =	ssyncadd.s32 $0xFFFFE000  }
0x3da: {  	_ =	swait.ge [sflag:s6], $0x2000  }
0x3db: {  	[sflag:s6] =	ssyncset.done $0x0  }
0x3dc: {  	[sflag:s6] =	ssyncadd.s32 $0xFFFFE000  }
0x3dd: {  	s17 =	sand.u32 $0x7F, s17;
	_ =	swait.ge [sflag:s6], $0x2000  }
0x3de: {  	v60 =	vor.u32 s17, v0;
	[sflag:s6] =	ssyncset.done $0x0  }
0x3df: {  	[sflag:s6] =	ssyncadd.s32 $0xFFFFE000  }
0x3e0: {  	_ =	swait.ge [sflag:s6], $0x2000  }
0x3e1: {  	[sflag:s6] =	ssyncset.done $0x0  }
0x3e2: {  	[sflag:s6] =	ssyncadd.s32 $0xFFFFE000  }
0x3e3: {  	v32 =	vld.idx.msk [tilespmem:v60+s9+$0x0], $0xffff  }
0x3e4: {  	v61 =	vor.u32 s17, v1;
	_ =	sdelay $0x3  }
0x3e5: {  	[tilespmem:$0x10C80] =	vst v32  }
0x3e6: {  	v32 =	vld.idx.msk [tilespmem:v61+s9+$0x0], $0xffff  }
0x3e7: {  	v62 =	vor.u32 s17, v2;
	_ =	sdelay $0x3  }
0x3e8: {  	[tilespmem:$0x10C90] =	vst v32  }
0x3e9: {  	v32 =	vld.idx.msk [tilespmem:v62+s9+$0x0], $0xffff  }
0x3ea: {  	v63 =	vor.u32 s17, v3;
	_ =	sdelay $0x3  }
0x3eb: {  	[tilespmem:$0x10CA0] =	vst v32  }
0x3ec: {  	s20 =	sand.u32 $0x7F, s20;
	v32 =	vld.idx.msk [tilespmem:v63+s9+$0x0], $0xffff  }
0x3ed: {  	v36 =	vor.u32 s20, v4;
	_ =	sdelay $0x3  }
0x3ee: {  	[tilespmem:$0x10CB0] =	vst v32  }
0x3ef: {  	v32 =	vld.idx.msk [tilespmem:v36+s9+$0x0], $0xffff  }
0x3f0: {  	v37 =	vor.u32 s20, v5;
	_ =	sdelay $0x3  }
0x3f1: {  	[tilespmem:$0x10D00] =	vst v32  }
0x3f2: {  	v32 =	vld.idx.msk [tilespmem:v37+s9+$0x0], $0xffff  }
0x3f3: {  	v38 =	vor.u32 s20, v6;
	_ =	sdelay $0x3  }
0x3f4: {  	[tilespmem:$0x10D10] =	vst v32  }
0x3f5: {  	v32 =	vld.idx.msk [tilespmem:v38+s9+$0x0], $0xffff  }
0x3f6: {  	v39 =	vor.u32 s20, v7;
	_ =	sdelay $0x3  }
0x3f7: {  	[tilespmem:$0x10D20] =	vst v32  }
0x3f8: {  	s22 =	sand.u32 $0x7F, s22;
	v32 =	vld.idx.msk [tilespmem:v39+s9+$0x0], $0xffff  }
0x3f9: {  	v40 =	vor.u32 s22, v8;
	_ =	sdelay $0x3  }
0x3fa: {  	[tilespmem:$0x10D30] =	vst v32  }
0x3fb: {  	v32 =	vld.idx.msk [tilespmem:v40+s9+$0x0], $0xffff  }
0x3fc: {  	v41 =	vor.u32 s22, v9;
	_ =	sdelay $0x3  }
0x3fd: {  	[tilespmem:$0x10D80] =	vst v32  }
0x3fe: {  	v32 =	vld.idx.msk [tilespmem:v41+s9+$0x0], $0xffff  }
0x3ff: {  	v42 =	vor.u32 s22, v10;
	_ =	sdelay $0x3  }
0x400: {  	[tilespmem:$0x10D90] =	vst v32  }
0x401: {  	v32 =	vld.idx.msk [tilespmem:v42+s9+$0x0], $0xffff  }
0x402: {  	v43 =	vor.u32 s22, v11;
	_ =	sdelay $0x3  }
0x403: {  	[tilespmem:$0x10DA0] =	vst v32  }
0x404: {  	s24 =	sand.u32 $0x7F, s24;
	v32 =	vld.idx.msk [tilespmem:v43+s9+$0x0], $0xffff  }
0x405: {  	v44 =	vor.u32 s24, v12;
	_ =	sdelay $0x3  }
0x406: {  	[tilespmem:$0x10DB0] =	vst v32  }
0x407: {  	v32 =	vld.idx.msk [tilespmem:v44+s9+$0x0], $0xffff  }
0x408: {  	v45 =	vor.u32 s24, v13;
	_ =	sdelay $0x3  }
0x409: {  	[tilespmem:$0x10E00] =	vst v32  }
0x40a: {  	v32 =	vld.idx.msk [tilespmem:v45+s9+$0x0], $0xffff  }
0x40b: {  	v46 =	vor.u32 s24, v14;
	_ =	sdelay $0x3  }
0x40c: {  	[tilespmem:$0x10E10] =	vst v32  }
0x40d: {  	v32 =	vld.idx.msk [tilespmem:v46+s9+$0x0], $0xffff  }
0x40e: {  	v47 =	vor.u32 s24, v15;
	_ =	sdelay $0x3  }
0x40f: {  	[tilespmem:$0x10E20] =	vst v32  }
0x410: {  	v32 =	vld.idx.msk [tilespmem:v47+s9+$0x0], $0xffff;
	_ =	sdelay $0x4  }
0x411: {  	[tilespmem:$0x10E30] =	vst v32  }
0x412: {  	_ =	swait.ge [sflag:s6], $0x2000  }
0x413: {  	[sflag:s6] =	ssyncset.done $0x0  }
0x414: {  	[sflag:s6] =	ssyncadd.s32 $0xFFFFE000  }
0x415: {  	_ =	swait.ge [sflag:s6], $0x2000  }
0x416: {  	[sflag:s6] =	ssyncset.done $0x0  }
0x417: {  	[sflag:s6] =	ssyncadd.s32 $0xFFFFE000  }
0x418: {  	s25 =	sand.u32 $0x7F, s18;
	_ =	swait.ge [sflag:s6], $0x2000  }
0x419: {  	v48 =	vor.u32 s25, v16;
	[sflag:s6] =	ssyncset.done $0x0  }
0x41a: {  	[sflag:s6] =	ssyncadd.s32 $0xFFFFE000  }
0x41b: {  	_ =	swait.ge [sflag:s6], $0x2000  }
0x41c: {  	[sflag:s6] =	ssyncset.done $0x0  }
0x41d: {  	[sflag:s6] =	ssyncadd.s32 $0xFFFFE000  }
0x41e: {  	v32 =	vld.idx.msk [tilespmem:v48+s9+$0x0], $0xffff  }
0x41f: {  	v49 =	vor.u32 s25, v17;
	_ =	sdelay $0x3  }
0x420: {  	[tilespmem:$0x10E80] =	vst v32  }
0x421: {  	v32 =	vld.idx.msk [tilespmem:v49+s9+$0x0], $0xffff  }
0x422: {  	v50 =	vor.u32 s25, v18;
	_ =	sdelay $0x3  }
0x423: {  	[tilespmem:$0x10E90] =	vst v32  }
0x424: {  	v32 =	vld.idx.msk [tilespmem:v50+s9+$0x0], $0xffff  }
0x425: {  	v51 =	vor.u32 s25, v19;
	_ =	sdelay $0x3  }
0x426: {  	[tilespmem:$0x10EA0] =	vst v32  }
0x427: {  	s26 =	sand.u32 $0x7F, s19;
	v32 =	vld.idx.msk [tilespmem:v51+s9+$0x0], $0xffff  }
0x428: {  	v52 =	vor.u32 s26, v20;
	_ =	sdelay $0x3  }
0x429: {  	[tilespmem:$0x10EB0] =	vst v32  }
0x42a: {  	v32 =	vld.idx.msk [tilespmem:v52+s9+$0x0], $0xffff  }
0x42b: {  	v53 =	vor.u32 s26, v21;
	_ =	sdelay $0x3  }
0x42c: {  	[tilespmem:$0x10F00] =	vst v32  }
0x42d: {  	v32 =	vld.idx.msk [tilespmem:v53+s9+$0x0], $0xffff  }
0x42e: {  	v54 =	vor.u32 s26, v22;
	_ =	sdelay $0x3  }
0x42f: {  	[tilespmem:$0x10F10] =	vst v32  }
0x430: {  	v32 =	vld.idx.msk [tilespmem:v54+s9+$0x0], $0xffff  }
0x431: {  	v55 =	vor.u32 s26, v23;
	_ =	sdelay $0x3  }
0x432: {  	[tilespmem:$0x10F20] =	vst v32  }
0x433: {  	s28 =	sand.u32 $0x7F, s21;
	v32 =	vld.idx.msk [tilespmem:v55+s9+$0x0], $0xffff  }
0x434: {  	v56 =	vor.u32 s28, v24;
	_ =	sdelay $0x3  }
0x435: {  	[tilespmem:$0x10F30] =	vst v32  }
0x436: {  	v32 =	vld.idx.msk [tilespmem:v56+s9+$0x0], $0xffff  }
0x437: {  	v57 =	vor.u32 s28, v25;
	_ =	sdelay $0x3  }
0x438: {  	[tilespmem:$0x10F80] =	vst v32  }
0x439: {  	v32 =	vld.idx.msk [tilespmem:v57+s9+$0x0], $0xffff  }
0x43a: {  	v58 =	vor.u32 s28, v26;
	_ =	sdelay $0x3  }
0x43b: {  	[tilespmem:$0x10F90] =	vst v32  }
0x43c: {  	v32 =	vld.idx.msk [tilespmem:v58+s9+$0x0], $0xffff  }
0x43d: {  	v59 =	vor.u32 s28, v27;
	_ =	sdelay $0x3  }
0x43e: {  	[tilespmem:$0x10FA0] =	vst v32  }
0x43f: {  	s29 =	sand.u32 $0x7F, s23;
	v32 =	vld.idx.msk [tilespmem:v59+s9+$0x0], $0xffff  }
0x440: {  	v60 =	vor.u32 s29, v28;
	_ =	sdelay $0x3  }
0x441: {  	[tilespmem:$0x10FB0] =	vst v32  }
0x442: {  	v32 =	vld.idx.msk [tilespmem:v60+s9+$0x0], $0xffff  }
0x443: {  	v61 =	vor.u32 s29, v29;
	_ =	sdelay $0x3  }
0x444: {  	[tilespmem:$0x11000] =	vst v32  }
0x445: {  	v32 =	vld.idx.msk [tilespmem:v61+s9+$0x0], $0xffff  }
0x446: {  	v62 =	vor.u32 s29, v30;
	_ =	sdelay $0x3  }
0x447: {  	[tilespmem:$0x11010] =	vst v32  }
0x448: {  	v32 =	vld.idx.msk [tilespmem:v62+s9+$0x0], $0xffff  }
0x449: {  	v63 =	vor.u32 s29, v31;
	_ =	sdelay $0x3  }
0x44a: {  	[tilespmem:$0x11020] =	vst v32  }
0x44b: {  	v32 =	vld.idx.msk [tilespmem:v63+s9+$0x0], $0xffff;
	_ =	sdelay $0x3  }
0x44c: {  	p0 =	sne.s32 s4, $0x1;
	s30 =	rddreg [dreg:$0x5]  }
.Ltmp0:
0x44d: {  	s31 =	rddreg [dreg:$0x6];
	[tilespmem:$0x11030] =	vst v32;
	(pc) =	sbr.rel @p0 .LBB2_1-.Ltmp0, $4  }
0x44e: {  	[hbm4b:s30+s3] =	stream.linear.scatter [tilespmem:s31], [sflag:$0x2], $0x1000, $0x38;
	[tilespmem:$0x11080] =	vst v63  }
0x44f: {  	_ =	swait.ge [sflag:s5], $0x1000  }
0x450: {  	[sflag:s5] =	ssyncset.done $0x0  }
0x451: {  	s4 =	sadd.s32 $0xFFFFFFFF, s4;
	[sflag:s5] =	ssyncadd.s32 $0xFFFFF000  }
0x452: {  	_ =	sfence.sel $0x180000  }
0x453: {  	[bflag:$0x0] =	sbarrier.arrive $0xFFFF  }
0x454: {  	p0 =	sne.s32 s2, $0x0;
	_ =	strace $0x90000047  }
0x455: {  	s0 =	sadd.s32 @!p0 $0x100000, s1;
	[bflag:$0x2] =	sbarrier.arrive $0xFFFF  }
0x456: {  	[sflag:s0] =	ssyncadd.tile.s32 @!p0 $0x1;
	_ =	shalt  }
.Lfunc_end2:
_tile_overlayer_lowered:
.L_overlay_start_2:
0x457: {  	(tag) =	ssettag $0x2  }
0x458: {  	s0 =	rddreg [dreg:$0x0];
	s2 =	stileid.u32  }
0x459: {  	s1 =	rddreg [dreg:$0x1];
	p0 =	sne.s32 s2, $0x0  }
0x45a: {  	s3 =	rddreg [dreg:$0x2];
	[bflag:$0x3] =	sbarrier.arrive $0xFFFF;
	s2 =	simm.s32 @!p0 $0x1C02  }
0x45b: {  	[timem:s3], [sflag:s2] =	dma.local @!p0 [hbm:s0], s1  }
0x45c: {  	s0 =	simm.s32 @!p0 $0x2  }
0x45d: {  	_ =	swait.ge @!p0 [sflag:s0], s1  }
0x45e: {  	s1 =	ssub.s32 @!p0 $0x0, s1;
	[sflag:s0] =	ssyncset.done @!p0 $0x0  }
0x45f: {  	[sflag:s0] =	ssyncadd.s32 @!p0 s1  }
0x460: {  	[bflag:$0x3] =	sbarrier.arrive $0xFFFF  }
0x461: {  	_ =	shalt  }

</sc_bundles>
